<compile_context>
chip_gen: v7x
topology: tpu7x:2x2x1
jax: 0.10.2.dev20260603
libtpu: 0.0.44.dev20260713+nightly
codegen_flags: <defaults>
</compile_context>

<pallas_src>
import functools

import jax
import jax.numpy as jnp
from jax import lax
from jax.experimental import pallas as pl
from jax.experimental.pallas import tpu as pltpu
from jax.experimental.pallas import tpu_sc as plsc

NUM_FIELDS = 10
VOCAB = 100000
EMB_DIM = 25
BATCH = 4096
N_CONT = 13
N_EMB = NUM_FIELDS * EMB_DIM
HIDDEN = 64
N_ROWS = NUM_FIELDS * VOCAB

NC, NS = 2, 16
NW = NC * NS
B_PER_W = BATCH // NW
SUB = 16
SUBS_PER_ROW = B_PER_W // SUB
NBUF = 3
FIELD_W = 32
PAD_D = 128


def _pad_body(t_ref, o_ref):
    o_ref[...] = jnp.pad(t_ref[...], ((0, 0), (0, PAD_D - EMB_DIM)))


def _pad_table(table):
    rows_blk = 8000
    return pl.pallas_call(
        _pad_body,
        out_shape=jax.ShapeDtypeStruct((N_ROWS, PAD_D), jnp.float32),
        grid=(N_ROWS // rows_blk,),
        in_specs=[pl.BlockSpec((rows_blk, EMB_DIM), lambda i: (i, 0))],
        out_specs=pl.BlockSpec((rows_blk, PAD_D), lambda i: (i, 0)),
    )(table)


@functools.partial(
    pl.kernel,
    mesh=plsc.VectorSubcoreMesh(core_axis_name="c", subcore_axis_name="s"),
    out_type=jax.ShapeDtypeStruct((BATCH, NUM_FIELDS * FIELD_W), jnp.float32),
    scratch_types=[
        pltpu.VMEM((NUM_FIELDS, B_PER_W), jnp.int32),
        pltpu.VMEM((NBUF, SUB, PAD_D), jnp.float32),
        pltpu.VMEM((B_PER_W, NUM_FIELDS * FIELD_W), jnp.float32),
        [pltpu.SemaphoreType.DMA] * NBUF,
    ],
)
def _gather_sc(table_hbm, idx_hbm, out_hbm, idx_v, rows_v, out_v, sems):
    wid = lax.axis_index("s") * NC + lax.axis_index("c")
    pltpu.sync_copy(idx_hbm.at[wid], idx_v)

    def do_subwave(i, s, buf):
        col0 = i * FIELD_W
        for k in range(SUB):
            out_v[SUB * s + k, pl.ds(col0, 16)] = rows_v[buf, k, pl.ds(0, 16)]
            out_v[SUB * s + k, pl.ds(col0 + 16, 16)] = rows_v[buf, k, pl.ds(16, 16)]

    def start_gather(i, s, buf):
        tvec = idx_v[i, pl.ds(SUB * s, SUB)]
        return pltpu.async_copy(table_hbm.at[tvec], rows_v.at[buf], sems[buf])

    def field_row(i, _):
        copies = []
        for s in range(SUBS_PER_ROW):
            copies.append(start_gather(i, s, s % NBUF))
            if s >= NBUF - 1:
                copies[s - (NBUF - 1)].wait()
                do_subwave(i, s - (NBUF - 1), (s - (NBUF - 1)) % NBUF)
        for s in range(SUBS_PER_ROW - (NBUF - 1), SUBS_PER_ROW):
            copies[s].wait()
            do_subwave(i, s, s % NBUF)
        return 0

    lax.fori_loop(0, NUM_FIELDS, field_row, 0)
    pltpu.sync_copy(out_v, out_hbm.at[pl.ds(wid * B_PER_W, B_PER_W)])


def _mlp_body(xe_ref, xc_ref, w1_ref, w2_ref, b_ref, o_ref):
    acc = jnp.dot(xe_ref[...], w1_ref[...], preferred_element_type=jnp.float32)
    acc = acc + jnp.dot(xc_ref[...], w2_ref[...], preferred_element_type=jnp.float32)
    o_ref[...] = jnp.maximum(acc + b_ref[...], 0.0)


def kernel(x_server_categorical, x_server_continuous, emb_tables, W, b):
    idx32 = x_server_categorical.astype(jnp.int32)
    flat_idx = idx32 + jnp.arange(NUM_FIELDS, dtype=jnp.int32) * VOCAB
    idx_wfb = flat_idx.reshape(NW, B_PER_W, NUM_FIELDS).transpose(0, 2, 1)
    table_pad = _pad_table(emb_tables.reshape(N_ROWS, EMB_DIM))

    x_emb = _gather_sc(table_pad, idx_wfb)

    W1 = jnp.pad(W[:N_EMB].reshape(NUM_FIELDS, EMB_DIM, HIDDEN),
                 ((0, 0), (0, FIELD_W - EMB_DIM), (0, 0))
                 ).reshape(NUM_FIELDS * FIELD_W, HIDDEN)
    W2 = W[N_EMB:]
    b2d = b.reshape(1, HIDDEN)

    blk = 1024
    grid = BATCH // blk
    out = pl.pallas_call(
        _mlp_body,
        out_shape=jax.ShapeDtypeStruct((BATCH, HIDDEN), jnp.float32),
        grid=(grid,),
        in_specs=[
            pl.BlockSpec((blk, NUM_FIELDS * FIELD_W), lambda i: (i, 0)),
            pl.BlockSpec((blk, N_CONT), lambda i: (i, 0)),
            pl.BlockSpec((NUM_FIELDS * FIELD_W, HIDDEN), lambda i: (0, 0)),
            pl.BlockSpec((N_CONT, HIDDEN), lambda i: (0, 0)),
            pl.BlockSpec((1, HIDDEN), lambda i: (0, 0)),
        ],
        out_specs=pl.BlockSpec((blk, HIDDEN), lambda i: (i, 0)),
    )(x_emb, x_server_continuous, W1, W2, b2d)
    return out

# --- scband reference (transcript-rebuilt; emitter-appended) ---
"""Pipeline reference for scband-server-arch-31533649887866 (READ-ONLY COPY).

The authoritative reference and input builder live on the scoring server;
editing this copy changes nothing except your own understanding.
"""

import jax, jax.numpy as jnp
import numpy as np

NUM_FIELDS = 10
VOCAB = 100000
EMB_DIM = 25
BATCH = 4096
N_CONT = 13
N_EMB = 250  # hardcoded in original module
HIDDEN = 64


def setup_inputs(seed: int = 0) -> dict:
    key = jax.random.key(seed)
    k_cat, k_cont, k_tab, k_w, k_b = jax.random.split(key, 5)
    x_server_categorical = jax.random.randint(k_cat, (BATCH, NUM_FIELDS), 0, VOCAB, dtype=jnp.int64)
    x_server_continuous = jax.random.normal(k_cont, (BATCH, N_CONT), dtype=jnp.float32)
    # 10 embedding tables, all [VOCAB, EMB_DIM], stacked into one array
    emb_tables = jax.random.normal(k_tab, (NUM_FIELDS, VOCAB, EMB_DIM), dtype=jnp.float32) * 0.02
    # lin1: Linear(250 + 13 -> 64)
    W = jax.random.normal(k_w, (N_EMB + N_CONT, HIDDEN), dtype=jnp.float32) * (1.0 / np.sqrt(N_EMB + N_CONT))
    b = jnp.zeros((HIDDEN,), dtype=jnp.float32)
    return {
        "x_server_categorical": x_server_categorical,
        "x_server_continuous": x_server_continuous,
        "emb_tables": emb_tables,
        "W": W,
        "b": b,
    }


def reference(x_server_categorical, x_server_continuous, emb_tables, W, b):
    # per-field embedding lookups (gather), then concat along feature dim
    embs = [jnp.take(emb_tables[i], x_server_categorical[:, i], axis=0) for i in range(NUM_FIELDS)]
    x = jnp.concatenate(embs, axis=1)  # [B, 250]
    x = jnp.concatenate([x, x_server_continuous], axis=1)  # [B, 263]
    # emb_drop: Dropout(0.6) is identity in eval mode
    x = jax.nn.relu(x @ W + b)  # [B, 64]
    return x

if __name__ == "__main__":
    import jax
    _d = setup_inputs()
    print(jax.jit(kernel)(*tuple(_d.values())))

</pallas_src>

<mosaic_0001>
#map = affine_map<(d0, d1) -> (0, 0)>
#map1 = affine_map<(d0, d1) -> (0, 0, 0)>
module attributes {stable_mosaic.version = 14 : i64} {
  func.func @_gather_sc(%arg0: i32, %arg1: i32, %arg2: memref<1000000x128xf32, #tpu.memory_space<hbm>>, %arg3: memref<32x10x128xi32, #tpu.memory_space<hbm>>, %arg4: memref<4096x320xf32, #tpu.memory_space<hbm>>, %arg5: memref<10x128xi32, #tpu.memory_space<vmem>>, %arg6: memref<3x16x128xf32, #tpu.memory_space<vmem>>, %arg7: memref<128x320xf32, #tpu.memory_space<vmem>>, %arg8: memref<!tpu.dma_semaphore, #tpu.memory_space<semaphore_mem>>, %arg9: memref<!tpu.dma_semaphore, #tpu.memory_space<semaphore_mem>>, %arg10: memref<!tpu.dma_semaphore, #tpu.memory_space<semaphore_mem>>) attributes {dimension_semantics = [#tpu.dimension_semantics<core_parallel>, #tpu.dimension_semantics<subcore_parallel>], iteration_bounds = array<i64: 2, 16>, scalar_prefetch = 0 : i64, scratch_operands = 6 : i64, tpu.core_type = #tpu.core_type<sc_vector_subcore>, window_params = [{transform_indices = #map}, {transform_indices = #map1}, {transform_indices = #map}]} {
    %mul3A = arith.constant 2 : i32
    %mul3A_0 = arith.muli %arg1, %mul3A : i32
    %add3A = arith.addi %mul3A_0, %arg0 : i32
    "tpu.region"() ({
      %run_scoped3A = tpu.sem_alloc : memref<!tpu.dma_semaphore, #tpu.memory_space<semaphore_mem>>
      %dma_start3A = arith.constant 0 : i32
      %dma_start3A_9 = arith.constant 0 : i32
      %dma_start3A_10 = tpu.memref_slice %arg3[%add3A, %dma_start3A, %dma_start3A_9] : memref<32x10x128xi32, #tpu.memory_space<hbm>> -> memref<1x10x128xi32, #tpu.memory_space<hbm>>
      %dma_start3A_11 = tpu.memref_squeeze %dma_start3A_10 : memref<1x10x128xi32, #tpu.memory_space<hbm>> -> memref<10x128xi32, #tpu.memory_space<hbm>>
      %dma_start3A_12 = arith.constant 0 : i32
      %dma_start3A_13 = arith.constant 0 : i32
      %dma_start3A_14 = tpu.memref_slice %arg3[%add3A, %dma_start3A_12, %dma_start3A_13] : memref<32x10x128xi32, #tpu.memory_space<hbm>> -> memref<1x10x128xi32, #tpu.memory_space<hbm>>
      %dma_start3A_15 = tpu.memref_squeeze %dma_start3A_14 : memref<1x10x128xi32, #tpu.memory_space<hbm>> -> memref<10x128xi32, #tpu.memory_space<hbm>>
      tpu.enqueue_dma source(%dma_start3A_15 : memref<10x128xi32, #tpu.memory_space<hbm>>) target(%arg5 : memref<10x128xi32, #tpu.memory_space<vmem>>) target_semaphore(%run_scoped3A : memref<!tpu.dma_semaphore, #tpu.memory_space<semaphore_mem>>)
      %dma_wait3A = arith.constant 0 : i32
      %dma_wait3A_16 = arith.constant 0 : i32
      %dma_wait3A_17 = tpu.memref_slice %arg3[%add3A, %dma_wait3A, %dma_wait3A_16] : memref<32x10x128xi32, #tpu.memory_space<hbm>> -> memref<1x10x128xi32, #tpu.memory_space<hbm>>
      %dma_wait3A_18 = tpu.memref_squeeze %dma_wait3A_17 : memref<1x10x128xi32, #tpu.memory_space<hbm>> -> memref<10x128xi32, #tpu.memory_space<hbm>>
      %dma_wait3A_19 = arith.constant 0 : i32
      %dma_wait3A_20 = arith.constant 0 : i32
      %dma_wait3A_21 = tpu.memref_slice %arg3[%add3A, %dma_wait3A_19, %dma_wait3A_20] : memref<32x10x128xi32, #tpu.memory_space<hbm>> -> memref<1x10x128xi32, #tpu.memory_space<hbm>>
      %dma_wait3A_22 = tpu.memref_squeeze %dma_wait3A_21 : memref<1x10x128xi32, #tpu.memory_space<hbm>> -> memref<10x128xi32, #tpu.memory_space<hbm>>
      tpu.wait_dma2 semaphore(%run_scoped3A : memref<!tpu.dma_semaphore, #tpu.memory_space<semaphore_mem>>) src(%dma_wait3A_22 : memref<10x128xi32, #tpu.memory_space<hbm>>) dst(%arg5 : memref<10x128xi32, #tpu.memory_space<vmem>>)
      tpu.yield
    }) : () -> ()
    %scan3A = arith.constant 0 : i32
    %scan3A_1 = arith.constant 0 : i32
    %scan3A_2 = arith.constant 10 : i32
    %scan3A_3 = arith.addi %scan3A_1, %scan3A_2 : i32
    %scan3A_4 = arith.constant 1 : i32
    %scan3A_5 = scf.for %scan3A_9 = %scan3A_1 to %scan3A_3 step %scan3A_4 iter_args(%scan3A_10 = %scan3A) -> (i32)  : i32 {
      %get3A = arith.index_cast %scan3A_9 : i32 to index
      %get3A_11 = arith.constant 0 : index
      %get3A_12 = tpu.vector_load %arg5[%get3A, %get3A_11] {strides = array<i32>} : memref<10x128xi32, #tpu.memory_space<vmem>>, vector<1x16xi32>,
      %get3A_13 = vector.shape_cast %get3A_12 : vector<1x16xi32> to vector<16xi32>
      %dma_start3A = arith.constant 0 : i32
      %dma_start3A_14 = arith.constant 0 : i32
      %dma_start3A_15 = arith.constant 0 : i32
      %dma_start3A_16 = tpu.memref_slice %arg6[%dma_start3A, %dma_start3A_14, %dma_start3A_15] : memref<3x16x128xf32, #tpu.memory_space<vmem>> -> memref<1x16x128xf32, #tpu.memory_space<vmem>>
      %dma_start3A_17 = tpu.memref_squeeze %dma_start3A_16 : memref<1x16x128xf32, #tpu.memory_space<vmem>> -> memref<16x128xf32, #tpu.memory_space<vmem>>
      %dma_start3A_18 = arith.constant 0 : i32
      %dma_start3A_19 = arith.constant 0 : i32
      %dma_start3A_20 = tpu.memref_slice %arg2[%dma_start3A_18, %dma_start3A_19] : memref<1000000x128xf32, #tpu.memory_space<hbm>> -> memref<1000000x128xf32, #tpu.memory_space<hbm>>
      tpu.enqueue_indirect_dma source(%dma_start3A_20 : memref<1000000x128xf32, #tpu.memory_space<hbm>>) target(%dma_start3A_17 : memref<16x128xf32, #tpu.memory_space<vmem>>) offsets(%get3A_13 : vector<16xi32>) semaphore(%arg8 : memref<!tpu.dma_semaphore, #tpu.memory_space<semaphore_mem>>)
      %get3A_21 = arith.index_cast %scan3A_9 : i32 to index
      %get3A_22 = arith.constant 16 : index
      %get3A_23 = tpu.vector_load %arg5[%get3A_21, %get3A_22] {strides = array<i32>} : memref<10x128xi32, #tpu.memory_space<vmem>>, vector<1x16xi32>,
      %get3A_24 = vector.shape_cast %get3A_23 : vector<1x16xi32> to vector<16xi32>
      %dma_start3A_25 = arith.constant 1 : i32
      %dma_start3A_26 = arith.constant 0 : i32
      %dma_start3A_27 = arith.constant 0 : i32
      %dma_start3A_28 = tpu.memref_slice %arg6[%dma_start3A_25, %dma_start3A_26, %dma_start3A_27] : memref<3x16x128xf32, #tpu.memory_space<vmem>> -> memref<1x16x128xf32, #tpu.memory_space<vmem>>
      %dma_start3A_29 = tpu.memref_squeeze %dma_start3A_28 : memref<1x16x128xf32, #tpu.memory_space<vmem>> -> memref<16x128xf32, #tpu.memory_space<vmem>>
      %dma_start3A_30 = arith.constant 0 : i32
      %dma_start3A_31 = arith.constant 0 : i32
      %dma_start3A_32 = tpu.memref_slice %arg2[%dma_start3A_30, %dma_start3A_31] : memref<1000000x128xf32, #tpu.memory_space<hbm>> -> memref<1000000x128xf32, #tpu.memory_space<hbm>>
      tpu.enqueue_indirect_dma source(%dma_start3A_32 : memref<1000000x128xf32, #tpu.memory_space<hbm>>) target(%dma_start3A_29 : memref<16x128xf32, #tpu.memory_space<vmem>>) offsets(%get3A_24 : vector<16xi32>) semaphore(%arg9 : memref<!tpu.dma_semaphore, #tpu.memory_space<semaphore_mem>>)
      %get3A_33 = arith.index_cast %scan3A_9 : i32 to index
      %get3A_34 = arith.constant 32 : index
      %get3A_35 = tpu.vector_load %arg5[%get3A_33, %get3A_34] {strides = array<i32>} : memref<10x128xi32, #tpu.memory_space<vmem>>, vector<1x16xi32>,
      %get3A_36 = vector.shape_cast %get3A_35 : vector<1x16xi32> to vector<16xi32>
      %dma_start3A_37 = arith.constant 2 : i32
      %dma_start3A_38 = arith.constant 0 : i32
      %dma_start3A_39 = arith.constant 0 : i32
      %dma_start3A_40 = tpu.memref_slice %arg6[%dma_start3A_37, %dma_start3A_38, %dma_start3A_39] : memref<3x16x128xf32, #tpu.memory_space<vmem>> -> memref<1x16x128xf32, #tpu.memory_space<vmem>>
      %dma_start3A_41 = tpu.memref_squeeze %dma_start3A_40 : memref<1x16x128xf32, #tpu.memory_space<vmem>> -> memref<16x128xf32, #tpu.memory_space<vmem>>
      %dma_start3A_42 = arith.constant 0 : i32
      %dma_start3A_43 = arith.constant 0 : i32
      %dma_start3A_44 = tpu.memref_slice %arg2[%dma_start3A_42, %dma_start3A_43] : memref<1000000x128xf32, #tpu.memory_space<hbm>> -> memref<1000000x128xf32, #tpu.memory_space<hbm>>
      tpu.enqueue_indirect_dma source(%dma_start3A_44 : memref<1000000x128xf32, #tpu.memory_space<hbm>>) target(%dma_start3A_41 : memref<16x128xf32, #tpu.memory_space<vmem>>) offsets(%get3A_36 : vector<16xi32>) semaphore(%arg10 : memref<!tpu.dma_semaphore, #tpu.memory_space<semaphore_mem>>)
      %dma_wait3A = arith.constant 0 : i32
      %dma_wait3A_45 = arith.constant 0 : i32
      %dma_wait3A_46 = arith.constant 0 : i32
      %dma_wait3A_47 = tpu.memref_slice %arg6[%dma_wait3A, %dma_wait3A_45, %dma_wait3A_46] : memref<3x16x128xf32, #tpu.memory_space<vmem>> -> memref<1x16x128xf32, #tpu.memory_space<vmem>>
      %dma_wait3A_48 = tpu.memref_squeeze %dma_wait3A_47 : memref<1x16x128xf32, #tpu.memory_space<vmem>> -> memref<16x128xf32, #tpu.memory_space<vmem>>
      %dma_wait3A_49 = arith.constant 0 : i32
      %dma_wait3A_50 = arith.constant 0 : i32
      %dma_wait3A_51 = tpu.memref_slice %arg2[%dma_wait3A_49, %dma_wait3A_50] : memref<1000000x128xf32, #tpu.memory_space<hbm>> -> memref<1000000x128xf32, #tpu.memory_space<hbm>>
      tpu.wait_indirect_dma semaphore(%arg8 : memref<!tpu.dma_semaphore, #tpu.memory_space<semaphore_mem>>) src(%dma_wait3A_51 : memref<1000000x128xf32, #tpu.memory_space<hbm>>) dst(%dma_wait3A_48 : memref<16x128xf32, #tpu.memory_space<vmem>>)
      %mul3A_52 = arith.constant 32 : i32
      %mul3A_53 = arith.muli %scan3A_9, %mul3A_52 : i32
      %get3A_54 = arith.constant 0 : i32
      %get3A_55 = arith.constant 0 : i32
      %get3A_56 = arith.index_cast %get3A_54 : i32 to index
      %get3A_57 = arith.index_cast %get3A_55 : i32 to index
      %get3A_58 = arith.constant 0 : index
      %get3A_59 = tpu.vector_load %arg6[%get3A_56, %get3A_57, %get3A_58] {strides = array<i32>} : memref<3x16x128xf32, #tpu.memory_space<vmem>>, vector<1x1x16xf32>,
      %get3A_60 = vector.shape_cast %get3A_59 : vector<1x1x16xf32> to vector<16xf32>
      %swap3A = arith.constant 0 : i32
      %swap3A_61 = arith.index_cast %swap3A : i32 to index
      %swap3A_62 = arith.index_cast %mul3A_53 : i32 to index
      %swap3A_63 = tpu.vector_load %arg7[%swap3A_61, %swap3A_62] {strides = array<i32>} : memref<128x320xf32, #tpu.memory_space<vmem>>, vector<1x16xf32>,
      %swap3A_64 = vector.shape_cast %swap3A_63 : vector<1x16xf32> to vector<16xf32>
      %swap3A_65 = vector.shape_cast %get3A_60 : vector<16xf32> to vector<1x16xf32>
      tpu.vector_store %arg7[%swap3A_61, %swap3A_62], %swap3A_65 {strides = array<i32>} : memref<128x320xf32, #tpu.memory_space<vmem>>, vector<1x16xf32>,
      %get3A_66 = arith.constant 0 : i32
      %get3A_67 = arith.constant 0 : i32
      %get3A_68 = arith.index_cast %get3A_66 : i32 to index
      %get3A_69 = arith.index_cast %get3A_67 : i32 to index
      %get3A_70 = arith.constant 16 : index
      %get3A_71 = tpu.vector_load %arg6[%get3A_68, %get3A_69, %get3A_70] {strides = array<i32>} : memref<3x16x128xf32, #tpu.memory_space<vmem>>, vector<1x1x16xf32>,
      %get3A_72 = vector.shape_cast %get3A_71 : vector<1x1x16xf32> to vector<16xf32>
      %add3A_73 = arith.constant 16 : i32
      %add3A_74 = arith.addi %mul3A_53, %add3A_73 : i32
      %swap3A_75 = arith.constant 0 : i32
      %swap3A_76 = arith.index_cast %swap3A_75 : i32 to index
      %swap3A_77 = arith.index_cast %add3A_74 : i32 to index
      %swap3A_78 = tpu.vector_load %arg7[%swap3A_76, %swap3A_77] {strides = array<i32>} : memref<128x320xf32, #tpu.memory_space<vmem>>, vector<1x16xf32>,
      %swap3A_79 = vector.shape_cast %swap3A_78 : vector<1x16xf32> to vector<16xf32>
      %swap3A_80 = vector.shape_cast %get3A_72 : vector<16xf32> to vector<1x16xf32>
      tpu.vector_store %arg7[%swap3A_76, %swap3A_77], %swap3A_80 {strides = array<i32>} : memref<128x320xf32, #tpu.memory_space<vmem>>, vector<1x16xf32>,
      %get3A_81 = arith.constant 0 : i32
      %get3A_82 = arith.constant 1 : i32
      %get3A_83 = arith.index_cast %get3A_81 : i32 to index
      %get3A_84 = arith.index_cast %get3A_82 : i32 to index
      %get3A_85 = arith.constant 0 : index
      %get3A_86 = tpu.vector_load %arg6[%get3A_83, %get3A_84, %get3A_85] {strides = array<i32>} : memref<3x16x128xf32, #tpu.memory_space<vmem>>, vector<1x1x16xf32>,
      %get3A_87 = vector.shape_cast %get3A_86 : vector<1x1x16xf32> to vector<16xf32>
      %swap3A_88 = arith.constant 1 : i32
      %swap3A_89 = arith.index_cast %swap3A_88 : i32 to index
      %swap3A_90 = arith.index_cast %mul3A_53 : i32 to index
      %swap3A_91 = tpu.vector_load %arg7[%swap3A_89, %swap3A_90] {strides = array<i32>} : memref<128x320xf32, #tpu.memory_space<vmem>>, vector<1x16xf32>,
      %swap3A_92 = vector.shape_cast %swap3A_91 : vector<1x16xf32> to vector<16xf32>
      %swap3A_93 = vector.shape_cast %get3A_87 : vector<16xf32> to vector<1x16xf32>
      tpu.vector_store %arg7[%swap3A_89, %swap3A_90], %swap3A_93 {strides = array<i32>} : memref<128x320xf32, #tpu.memory_space<vmem>>, vector<1x16xf32>,
      %get3A_94 = arith.constant 0 : i32
      %get3A_95 = arith.constant 1 : i32
      %get3A_96 = arith.index_cast %get3A_94 : i32 to index
      %get3A_97 = arith.index_cast %get3A_95 : i32 to index
      %get3A_98 = arith.constant 16 : index
      %get3A_99 = tpu.vector_load %arg6[%get3A_96, %get3A_97, %get3A_98] {strides = array<i32>} : memref<3x16x128xf32, #tpu.memory_space<vmem>>, vector<1x1x16xf32>,
      %get3A_100 = vector.shape_cast %get3A_99 : vector<1x1x16xf32> to vector<16xf32>
      %add3A_101 = arith.constant 16 : i32
      %add3A_102 = arith.addi %mul3A_53, %add3A_101 : i32
      %swap3A_103 = arith.constant 1 : i32
      %swap3A_104 = arith.index_cast %swap3A_103 : i32 to index
      %swap3A_105 = arith.index_cast %add3A_102 : i32 to index
      %swap3A_106 = tpu.vector_load %arg7[%swap3A_104, %swap3A_105] {strides = array<i32>} : memref<128x320xf32, #tpu.memory_space<vmem>>, vector<1x16xf32>,
      %swap3A_107 = vector.shape_cast %swap3A_106 : vector<1x16xf32> to vector<16xf32>
      %swap3A_108 = vector.shape_cast %get3A_100 : vector<16xf32> to vector<1x16xf32>
      tpu.vector_store %arg7[%swap3A_104, %swap3A_105], %swap3A_108 {strides = array<i32>} : memref<128x320xf32, #tpu.memory_space<vmem>>, vector<1x16xf32>,
      %get3A_109 = arith.constant 0 : i32
      %get3A_110 = arith.constant 2 : i32
      %get3A_111 = arith.index_cast %get3A_109 : i32 to index
      %get3A_112 = arith.index_cast %get3A_110 : i32 to index
      %get3A_113 = arith.constant 0 : index
      %get3A_114 = tpu.vector_load %arg6[%get3A_111, %get3A_112, %get3A_113] {strides = array<i32>} : memref<3x16x128xf32, #tpu.memory_space<vmem>>, vector<1x1x16xf32>,
      %get3A_115 = vector.shape_cast %get3A_114 : vector<1x1x16xf32> to vector<16xf32>
      %swap3A_116 = arith.constant 2 : i32
      %swap3A_117 = arith.index_cast %swap3A_116 : i32 to index
      %swap3A_118 = arith.index_cast %mul3A_53 : i32 to index
      %swap3A_119 = tpu.vector_load %arg7[%swap3A_117, %swap3A_118] {strides = array<i32>} : memref<128x320xf32, #tpu.memory_space<vmem>>, vector<1x16xf32>,
      %swap3A_120 = vector.shape_cast %swap3A_119 : vector<1x16xf32> to vector<16xf32>
      %swap3A_121 = vector.shape_cast %get3A_115 : vector<16xf32> to vector<1x16xf32>
      tpu.vector_store %arg7[%swap3A_117, %swap3A_118], %swap3A_121 {strides = array<i32>} : memref<128x320xf32, #tpu.memory_space<vmem>>, vector<1x16xf32>,
      %get3A_122 = arith.constant 0 : i32
      %get3A_123 = arith.constant 2 : i32
      %get3A_124 = arith.index_cast %get3A_122 : i32 to index
      %get3A_125 = arith.index_cast %get3A_123 : i32 to index
      %get3A_126 = arith.constant 16 : index
      %get3A_127 = tpu.vector_load %arg6[%get3A_124, %get3A_125, %get3A_126] {strides = array<i32>} : memref<3x16x128xf32, #tpu.memory_space<vmem>>, vector<1x1x16xf32>,
      %get3A_128 = vector.shape_cast %get3A_127 : vector<1x1x16xf32> to vector<16xf32>
      %add3A_129 = arith.constant 16 : i32
      %add3A_130 = arith.addi %mul3A_53, %add3A_129 : i32
      %swap3A_131 = arith.constant 2 : i32
      %swap3A_132 = arith.index_cast %swap3A_131 : i32 to index
      %swap3A_133 = arith.index_cast %add3A_130 : i32 to index
      %swap3A_134 = tpu.vector_load %arg7[%swap3A_132, %swap3A_133] {strides = array<i32>} : memref<128x320xf32, #tpu.memory_space<vmem>>, vector<1x16xf32>,
      %swap3A_135 = vector.shape_cast %swap3A_134 : vector<1x16xf32> to vector<16xf32>
      %swap3A_136 = vector.shape_cast %get3A_128 : vector<16xf32> to vector<1x16xf32>
      tpu.vector_store %arg7[%swap3A_132, %swap3A_133], %swap3A_136 {strides = array<i32>} : memref<128x320xf32, #tpu.memory_space<vmem>>, vector<1x16xf32>,
      %get3A_137 = arith.constant 0 : i32
      %get3A_138 = arith.constant 3 : i32
      %get3A_139 = arith.index_cast %get3A_137 : i32 to index
      %get3A_140 = arith.index_cast %get3A_138 : i32 to index
      %get3A_141 = arith.constant 0 : index
      %get3A_142 = tpu.vector_load %arg6[%get3A_139, %get3A_140, %get3A_141] {strides = array<i32>} : memref<3x16x128xf32, #tpu.memory_space<vmem>>, vector<1x1x16xf32>,
      %get3A_143 = vector.shape_cast %get3A_142 : vector<1x1x16xf32> to vector<16xf32>
      %swap3A_144 = arith.constant 3 : i32
      %swap3A_145 = arith.index_cast %swap3A_144 : i32 to index
      %swap3A_146 = arith.index_cast %mul3A_53 : i32 to index
      %swap3A_147 = tpu.vector_load %arg7[%swap3A_145, %swap3A_146] {strides = array<i32>} : memref<128x320xf32, #tpu.memory_space<vmem>>, vector<1x16xf32>,
      %swap3A_148 = vector.shape_cast %swap3A_147 : vector<1x16xf32> to vector<16xf32>
      %swap3A_149 = vector.shape_cast %get3A_143 : vector<16xf32> to vector<1x16xf32>
      tpu.vector_store %arg7[%swap3A_145, %swap3A_146], %swap3A_149 {strides = array<i32>} : memref<128x320xf32, #tpu.memory_space<vmem>>, vector<1x16xf32>,
      %get3A_150 = arith.constant 0 : i32
      %get3A_151 = arith.constant 3 : i32
      %get3A_152 = arith.index_cast %get3A_150 : i32 to index
      %get3A_153 = arith.index_cast %get3A_151 : i32 to index
      %get3A_154 = arith.constant 16 : index
      %get3A_155 = tpu.vector_load %arg6[%get3A_152, %get3A_153, %get3A_154] {strides = array<i32>} : memref<3x16x128xf32, #tpu.memory_space<vmem>>, vector<1x1x16xf32>,
      %get3A_156 = vector.shape_cast %get3A_155 : vector<1x1x16xf32> to vector<16xf32>
      %add3A_157 = arith.constant 16 : i32
      %add3A_158 = arith.addi %mul3A_53, %add3A_157 : i32
      %swap3A_159 = arith.constant 3 : i32
      %swap3A_160 = arith.index_cast %swap3A_159 : i32 to index
      %swap3A_161 = arith.index_cast %add3A_158 : i32 to index
      %swap3A_162 = tpu.vector_load %arg7[%swap3A_160, %swap3A_161] {strides = array<i32>} : memref<128x320xf32, #tpu.memory_space<vmem>>, vector<1x16xf32>,
      %swap3A_163 = vector.shape_cast %swap3A_162 : vector<1x16xf32> to vector<16xf32>
      %swap3A_164 = vector.shape_cast %get3A_156 : vector<16xf32> to vector<1x16xf32>
      tpu.vector_store %arg7[%swap3A_160, %swap3A_161], %swap3A_164 {strides = array<i32>} : memref<128x320xf32, #tpu.memory_space<vmem>>, vector<1x16xf32>,
      %get3A_165 = arith.constant 0 : i32
      %get3A_166 = arith.constant 4 : i32
      %get3A_167 = arith.index_cast %get3A_165 : i32 to index
      %get3A_168 = arith.index_cast %get3A_166 : i32 to index
      %get3A_169 = arith.constant 0 : index
      %get3A_170 = tpu.vector_load %arg6[%get3A_167, %get3A_168, %get3A_169] {strides = array<i32>} : memref<3x16x128xf32, #tpu.memory_space<vmem>>, vector<1x1x16xf32>,
      %get3A_171 = vector.shape_cast %get3A_170 : vector<1x1x16xf32> to vector<16xf32>
      %swap3A_172 = arith.constant 4 : i32
      %swap3A_173 = arith.index_cast %swap3A_172 : i32 to index
      %swap3A_174 = arith.index_cast %mul3A_53 : i32 to index
      %swap3A_175 = tpu.vector_load %arg7[%swap3A_173, %swap3A_174] {strides = array<i32>} : memref<128x320xf32, #tpu.memory_space<vmem>>, vector<1x16xf32>,
      %swap3A_176 = vector.shape_cast %swap3A_175 : vector<1x16xf32> to vector<16xf32>
      %swap3A_177 = vector.shape_cast %get3A_171 : vector<16xf32> to vector<1x16xf32>
      tpu.vector_store %arg7[%swap3A_173, %swap3A_174], %swap3A_177 {strides = array<i32>} : memref<128x320xf32, #tpu.memory_space<vmem>>, vector<1x16xf32>,
      %get3A_178 = arith.constant 0 : i32
      %get3A_179 = arith.constant 4 : i32
      %get3A_180 = arith.index_cast %get3A_178 : i32 to index
      %get3A_181 = arith.index_cast %get3A_179 : i32 to index
      %get3A_182 = arith.constant 16 : index
      %get3A_183 = tpu.vector_load %arg6[%get3A_180, %get3A_181, %get3A_182] {strides = array<i32>} : memref<3x16x128xf32, #tpu.memory_space<vmem>>, vector<1x1x16xf32>,
      %get3A_184 = vector.shape_cast %get3A_183 : vector<1x1x16xf32> to vector<16xf32>
      %add3A_185 = arith.constant 16 : i32
      %add3A_186 = arith.addi %mul3A_53, %add3A_185 : i32
      %swap3A_187 = arith.constant 4 : i32
      %swap3A_188 = arith.index_cast %swap3A_187 : i32 to index
      %swap3A_189 = arith.index_cast %add3A_186 : i32 to index
      %swap3A_190 = tpu.vector_load %arg7[%swap3A_188, %swap3A_189] {strides = array<i32>} : memref<128x320xf32, #tpu.memory_space<vmem>>, vector<1x16xf32>,
      %swap3A_191 = vector.shape_cast %swap3A_190 : vector<1x16xf32> to vector<16xf32>
      %swap3A_192 = vector.shape_cast %get3A_184 : vector<16xf32> to vector<1x16xf32>
      tpu.vector_store %arg7[%swap3A_188, %swap3A_189], %swap3A_192 {strides = array<i32>} : memref<128x320xf32, #tpu.memory_space<vmem>>, vector<1x16xf32>,
      %get3A_193 = arith.constant 0 : i32
      %get3A_194 = arith.constant 5 : i32
      %get3A_195 = arith.index_cast %get3A_193 : i32 to index
      %get3A_196 = arith.index_cast %get3A_194 : i32 to index
      %get3A_197 = arith.constant 0 : index
      %get3A_198 = tpu.vector_load %arg6[%get3A_195, %get3A_196, %get3A_197] {strides = array<i32>} : memref<3x16x128xf32, #tpu.memory_space<vmem>>, vector<1x1x16xf32>,
      %get3A_199 = vector.shape_cast %get3A_198 : vector<1x1x16xf32> to vector<16xf32>
      %swap3A_200 = arith.constant 5 : i32
      %swap3A_201 = arith.index_cast %swap3A_200 : i32 to index
      %swap3A_202 = arith.index_cast %mul3A_53 : i32 to index
      %swap3A_203 = tpu.vector_load %arg7[%swap3A_201, %swap3A_202] {strides = array<i32>} : memref<128x320xf32, #tpu.memory_space<vmem>>, vector<1x16xf32>,
      %swap3A_204 = vector.shape_cast %swap3A_203 : vector<1x16xf32> to vector<16xf32>
      %swap3A_205 = vector.shape_cast %get3A_199 : vector<16xf32> to vector<1x16xf32>
      tpu.vector_store %arg7[%swap3A_201, %swap3A_202], %swap3A_205 {strides = array<i32>} : memref<128x320xf32, #tpu.memory_space<vmem>>, vector<1x16xf32>,
      %get3A_206 = arith.constant 0 : i32
      %get3A_207 = arith.constant 5 : i32
      %get3A_208 = arith.index_cast %get3A_206 : i32 to index
      %get3A_209 = arith.index_cast %get3A_207 : i32 to index
      %get3A_210 = arith.constant 16 : index
      %get3A_211 = tpu.vector_load %arg6[%get3A_208, %get3A_209, %get3A_210] {strides = array<i32>} : memref<3x16x128xf32, #tpu.memory_space<vmem>>, vector<1x1x16xf32>,
      %get3A_212 = vector.shape_cast %get3A_211 : vector<1x1x16xf32> to vector<16xf32>
      %add3A_213 = arith.constant 16 : i32
      %add3A_214 = arith.addi %mul3A_53, %add3A_213 : i32
      %swap3A_215 = arith.constant 5 : i32
      %swap3A_216 = arith.index_cast %swap3A_215 : i32 to index
      %swap3A_217 = arith.index_cast %add3A_214 : i32 to index
      %swap3A_218 = tpu.vector_load %arg7[%swap3A_216, %swap3A_217] {strides = array<i32>} : memref<128x320xf32, #tpu.memory_space<vmem>>, vector<1x16xf32>,
      %swap3A_219 = vector.shape_cast %swap3A_218 : vector<1x16xf32> to vector<16xf32>
      %swap3A_220 = vector.shape_cast %get3A_212 : vector<16xf32> to vector<1x16xf32>
      tpu.vector_store %arg7[%swap3A_216, %swap3A_217], %swap3A_220 {strides = array<i32>} : memref<128x320xf32, #tpu.memory_space<vmem>>, vector<1x16xf32>,
      %get3A_221 = arith.constant 0 : i32
      %get3A_222 = arith.constant 6 : i32
      %get3A_223 = arith.index_cast %get3A_221 : i32 to index
      %get3A_224 = arith.index_cast %get3A_222 : i32 to index
      %get3A_225 = arith.constant 0 : index
      %get3A_226 = tpu.vector_load %arg6[%get3A_223, %get3A_224, %get3A_225] {strides = array<i32>} : memref<3x16x128xf32, #tpu.memory_space<vmem>>, vector<1x1x16xf32>,
      %get3A_227 = vector.shape_cast %get3A_226 : vector<1x1x16xf32> to vector<16xf32>
      %swap3A_228 = arith.constant 6 : i32
      %swap3A_229 = arith.index_cast %swap3A_228 : i32 to index
      %swap3A_230 = arith.index_cast %mul3A_53 : i32 to index
      %swap3A_231 = tpu.vector_load %arg7[%swap3A_229, %swap3A_230] {strides = array<i32>} : memref<128x320xf32, #tpu.memory_space<vmem>>, vector<1x16xf32>,
      %swap3A_232 = vector.shape_cast %swap3A_231 : vector<1x16xf32> to vector<16xf32>
      %swap3A_233 = vector.shape_cast %get3A_227 : vector<16xf32> to vector<1x16xf32>
      tpu.vector_store %arg7[%swap3A_229, %swap3A_230], %swap3A_233 {strides = array<i32>} : memref<128x320xf32, #tpu.memory_space<vmem>>, vector<1x16xf32>,
      %get3A_234 = arith.constant 0 : i32
      %get3A_235 = arith.constant 6 : i32
      %get3A_236 = arith.index_cast %get3A_234 : i32 to index
      %get3A_237 = arith.index_cast %get3A_235 : i32 to index
      %get3A_238 = arith.constant 16 : index
      %get3A_239 = tpu.vector_load %arg6[%get3A_236, %get3A_237, %get3A_238] {strides = array<i32>} : memref<3x16x128xf32, #tpu.memory_space<vmem>>, vector<1x1x16xf32>,
      %get3A_240 = vector.shape_cast %get3A_239 : vector<1x1x16xf32> to vector<16xf32>
      %add3A_241 = arith.constant 16 : i32
      %add3A_242 = arith.addi %mul3A_53, %add3A_241 : i32
      %swap3A_243 = arith.constant 6 : i32
      %swap3A_244 = arith.index_cast %swap3A_243 : i32 to index
      %swap3A_245 = arith.index_cast %add3A_242 : i32 to index
      %swap3A_246 = tpu.vector_load %arg7[%swap3A_244, %swap3A_245] {strides = array<i32>} : memref<128x320xf32, #tpu.memory_space<vmem>>, vector<1x16xf32>,
      %swap3A_247 = vector.shape_cast %swap3A_246 : vector<1x16xf32> to vector<16xf32>
      %swap3A_248 = vector.shape_cast %get3A_240 : vector<16xf32> to vector<1x16xf32>
      tpu.vector_store %arg7[%swap3A_244, %swap3A_245], %swap3A_248 {strides = array<i32>} : memref<128x320xf32, #tpu.memory_space<vmem>>, vector<1x16xf32>,
      %get3A_249 = arith.constant 0 : i32
      %get3A_250 = arith.constant 7 : i32
      %get3A_251 = arith.index_cast %get3A_249 : i32 to index
      %get3A_252 = arith.index_cast %get3A_250 : i32 to index
      %get3A_253 = arith.constant 0 : index
      %get3A_254 = tpu.vector_load %arg6[%get3A_251, %get3A_252, %get3A_253] {strides = array<i32>} : memref<3x16x128xf32, #tpu.memory_space<vmem>>, vector<1x1x16xf32>,
      %get3A_255 = vector.shape_cast %get3A_254 : vector<1x1x16xf32> to vector<16xf32>
      %swap3A_256 = arith.constant 7 : i32
      %swap3A_257 = arith.index_cast %swap3A_256 : i32 to index
      %swap3A_258 = arith.index_cast %mul3A_53 : i32 to index
      %swap3A_259 = tpu.vector_load %arg7[%swap3A_257, %swap3A_258] {strides = array<i32>} : memref<128x320xf32, #tpu.memory_space<vmem>>, vector<1x16xf32>,
      %swap3A_260 = vector.shape_cast %swap3A_259 : vector<1x16xf32> to vector<16xf32>
      %swap3A_261 = vector.shape_cast %get3A_255 : vector<16xf32> to vector<1x16xf32>
      tpu.vector_store %arg7[%swap3A_257, %swap3A_258], %swap3A_261 {strides = array<i32>} : memref<128x320xf32, #tpu.memory_space<vmem>>, vector<1x16xf32>,
      %get3A_262 = arith.constant 0 : i32
      %get3A_263 = arith.constant 7 : i32
      %get3A_264 = arith.index_cast %get3A_262 : i32 to index
      %get3A_265 = arith.index_cast %get3A_263 : i32 to index
      %get3A_266 = arith.constant 16 : index
      %get3A_267 = tpu.vector_load %arg6[%get3A_264, %get3A_265, %get3A_266] {strides = array<i32>} : memref<3x16x128xf32, #tpu.memory_space<vmem>>, vector<1x1x16xf32>,
      %get3A_268 = vector.shape_cast %get3A_267 : vector<1x1x16xf32> to vector<16xf32>
      %add3A_269 = arith.constant 16 : i32
      %add3A_270 = arith.addi %mul3A_53, %add3A_269 : i32
      %swap3A_271 = arith.constant 7 : i32
      %swap3A_272 = arith.index_cast %swap3A_271 : i32 to index
      %swap3A_273 = arith.index_cast %add3A_270 : i32 to index
      %swap3A_274 = tpu.vector_load %arg7[%swap3A_272, %swap3A_273] {strides = array<i32>} : memref<128x320xf32, #tpu.memory_space<vmem>>, vector<1x16xf32>,
      %swap3A_275 = vector.shape_cast %swap3A_274 : vector<1x16xf32> to vector<16xf32>
      %swap3A_276 = vector.shape_cast %get3A_268 : vector<16xf32> to vector<1x16xf32>
      tpu.vector_store %arg7[%swap3A_272, %swap3A_273], %swap3A_276 {strides = array<i32>} : memref<128x320xf32, #tpu.memory_space<vmem>>, vector<1x16xf32>,
      %get3A_277 = arith.constant 0 : i32
      %get3A_278 = arith.constant 8 : i32
      %get3A_279 = arith.index_cast %get3A_277 : i32 to index
      %get3A_280 = arith.index_cast %get3A_278 : i32 to index
      %get3A_281 = arith.constant 0 : index
      %get3A_282 = tpu.vector_load %arg6[%get3A_279, %get3A_280, %get3A_281] {strides = array<i32>} : memref<3x16x128xf32, #tpu.memory_space<vmem>>, vector<1x1x16xf32>,
      %get3A_283 = vector.shape_cast %get3A_282 : vector<1x1x16xf32> to vector<16xf32>
      %swap3A_284 = arith.constant 8 : i32
      %swap3A_285 = arith.index_cast %swap3A_284 : i32 to index
      %swap3A_286 = arith.index_cast %mul3A_53 : i32 to index
      %swap3A_287 = tpu.vector_load %arg7[%swap3A_285, %swap3A_286] {strides = array<i32>} : memref<128x320xf32, #tpu.memory_space<vmem>>, vector<1x16xf32>,
      %swap3A_288 = vector.shape_cast %swap3A_287 : vector<1x16xf32> to vector<16xf32>
      %swap3A_289 = vector.shape_cast %get3A_283 : vector<16xf32> to vector<1x16xf32>
      tpu.vector_store %arg7[%swap3A_285, %swap3A_286], %swap3A_289 {strides = array<i32>} : memref<128x320xf32, #tpu.memory_space<vmem>>, vector<1x16xf32>,
      %get3A_290 = arith.constant 0 : i32
      %get3A_291 = arith.constant 8 : i32
      %get3A_292 = arith.index_cast %get3A_290 : i32 to index
      %get3A_293 = arith.index_cast %get3A_291 : i32 to index
      %get3A_294 = arith.constant 16 : index
      %get3A_295 = tpu.vector_load %arg6[%get3A_292, %get3A_293, %get3A_294] {strides = array<i32>} : memref<3x16x128xf32, #tpu.memory_space<vmem>>, vector<1x1x16xf32>,
      %get3A_296 = vector.shape_cast %get3A_295 : vector<1x1x16xf32> to vector<16xf32>
      %add3A_297 = arith.constant 16 : i32
      %add3A_298 = arith.addi %mul3A_53, %add3A_297 : i32
      %swap3A_299 = arith.constant 8 : i32
      %swap3A_300 = arith.index_cast %swap3A_299 : i32 to index
      %swap3A_301 = arith.index_cast %add3A_298 : i32 to index
      %swap3A_302 = tpu.vector_load %arg7[%swap3A_300, %swap3A_301] {strides = array<i32>} : memref<128x320xf32, #tpu.memory_space<vmem>>, vector<1x16xf32>,
      %swap3A_303 = vector.shape_cast %swap3A_302 : vector<1x16xf32> to vector<16xf32>
      %swap3A_304 = vector.shape_cast %get3A_296 : vector<16xf32> to vector<1x16xf32>
      tpu.vector_store %arg7[%swap3A_300, %swap3A_301], %swap3A_304 {strides = array<i32>} : memref<128x320xf32, #tpu.memory_space<vmem>>, vector<1x16xf32>,
      %get3A_305 = arith.constant 0 : i32
      %get3A_306 = arith.constant 9 : i32
      %get3A_307 = arith.index_cast %get3A_305 : i32 to index
      %get3A_308 = arith.index_cast %get3A_306 : i32 to index
      %get3A_309 = arith.constant 0 : index
      %get3A_310 = tpu.vector_load %arg6[%get3A_307, %get3A_308, %get3A_309] {strides = array<i32>} : memref<3x16x128xf32, #tpu.memory_space<vmem>>, vector<1x1x16xf32>,
      %get3A_311 = vector.shape_cast %get3A_310 : vector<1x1x16xf32> to vector<16xf32>
      %swap3A_312 = arith.constant 9 : i32
      %swap3A_313 = arith.index_cast %swap3A_312 : i32 to index
      %swap3A_314 = arith.index_cast %mul3A_53 : i32 to index
      %swap3A_315 = tpu.vector_load %arg7[%swap3A_313, %swap3A_314] {strides = array<i32>} : memref<128x320xf32, #tpu.memory_space<vmem>>, vector<1x16xf32>,
      %swap3A_316 = vector.shape_cast %swap3A_315 : vector<1x16xf32> to vector<16xf32>
      %swap3A_317 = vector.shape_cast %get3A_311 : vector<16xf32> to vector<1x16xf32>
      tpu.vector_store %arg7[%swap3A_313, %swap3A_314], %swap3A_317 {strides = array<i32>} : memref<128x320xf32, #tpu.memory_space<vmem>>, vector<1x16xf32>,
      %get3A_318 = arith.constant 0 : i32
      %get3A_319 = arith.constant 9 : i32
      %get3A_320 = arith.index_cast %get3A_318 : i32 to index
      %get3A_321 = arith.index_cast %get3A_319 : i32 to index
      %get3A_322 = arith.constant 16 : index
      %get3A_323 = tpu.vector_load %arg6[%get3A_320, %get3A_321, %get3A_322] {strides = array<i32>} : memref<3x16x128xf32, #tpu.memory_space<vmem>>, vector<1x1x16xf32>,
      %get3A_324 = vector.shape_cast %get3A_323 : vector<1x1x16xf32> to vector<16xf32>
      %add3A_325 = arith.constant 16 : i32
      %add3A_326 = arith.addi %mul3A_53, %add3A_325 : i32
      %swap3A_327 = arith.constant 9 : i32
      %swap3A_328 = arith.index_cast %swap3A_327 : i32 to index
      %swap3A_329 = arith.index_cast %add3A_326 : i32 to index
      %swap3A_330 = tpu.vector_load %arg7[%swap3A_328, %swap3A_329] {strides = array<i32>} : memref<128x320xf32, #tpu.memory_space<vmem>>, vector<1x16xf32>,
      %swap3A_331 = vector.shape_cast %swap3A_330 : vector<1x16xf32> to vector<16xf32>
      %swap3A_332 = vector.shape_cast %get3A_324 : vector<16xf32> to vector<1x16xf32>
      tpu.vector_store %arg7[%swap3A_328, %swap3A_329], %swap3A_332 {strides = array<i32>} : memref<128x320xf32, #tpu.memory_space<vmem>>, vector<1x16xf32>,
      %get3A_333 = arith.constant 0 : i32
      %get3A_334 = arith.constant 10 : i32
      %get3A_335 = arith.index_cast %get3A_333 : i32 to index
      %get3A_336 = arith.index_cast %get3A_334 : i32 to index
      %get3A_337 = arith.constant 0 : index
      %get3A_338 = tpu.vector_load %arg6[%get3A_335, %get3A_336, %get3A_337] {strides = array<i32>} : memref<3x16x128xf32, #tpu.memory_space<vmem>>, vector<1x1x16xf32>,
      %get3A_339 = vector.shape_cast %get3A_338 : vector<1x1x16xf32> to vector<16xf32>
      %swap3A_340 = arith.constant 10 : i32
      %swap3A_341 = arith.index_cast %swap3A_340 : i32 to index
      %swap3A_342 = arith.index_cast %mul3A_53 : i32 to index
      %swap3A_343 = tpu.vector_load %arg7[%swap3A_341, %swap3A_342] {strides = array<i32>} : memref<128x320xf32, #tpu.memory_space<vmem>>, vector<1x16xf32>,
      %swap3A_344 = vector.shape_cast %swap3A_343 : vector<1x16xf32> to vector<16xf32>
      %swap3A_345 = vector.shape_cast %get3A_339 : vector<16xf32> to vector<1x16xf32>
      tpu.vector_store %arg7[%swap3A_341, %swap3A_342], %swap3A_345 {strides = array<i32>} : memref<128x320xf32, #tpu.memory_space<vmem>>, vector<1x16xf32>,
      %get3A_346 = arith.constant 0 : i32
      %get3A_347 = arith.constant 10 : i32
      %get3A_348 = arith.index_cast %get3A_346 : i32 to index
      %get3A_349 = arith.index_cast %get3A_347 : i32 to index
      %get3A_350 = arith.constant 16 : index
      %get3A_351 = tpu.vector_load %arg6[%get3A_348, %get3A_349, %get3A_350] {strides = array<i32>} : memref<3x16x128xf32, #tpu.memory_space<vmem>>, vector<1x1x16xf32>,
      %get3A_352 = vector.shape_cast %get3A_351 : vector<1x1x16xf32> to vector<16xf32>
      %add3A_353 = arith.constant 16 : i32
      %add3A_354 = arith.addi %mul3A_53, %add3A_353 : i32
      %swap3A_355 = arith.constant 10 : i32
      %swap3A_356 = arith.index_cast %swap3A_355 : i32 to index
      %swap3A_357 = arith.index_cast %add3A_354 : i32 to index
      %swap3A_358 = tpu.vector_load %arg7[%swap3A_356, %swap3A_357] {strides = array<i32>} : memref<128x320xf32, #tpu.memory_space<vmem>>, vector<1x16xf32>,
      %swap3A_359 = vector.shape_cast %swap3A_358 : vector<1x16xf32> to vector<16xf32>
      %swap3A_360 = vector.shape_cast %get3A_352 : vector<16xf32> to vector<1x16xf32>
      tpu.vector_store %arg7[%swap3A_356, %swap3A_357], %swap3A_360 {strides = array<i32>} : memref<128x320xf32, #tpu.memory_space<vmem>>, vector<1x16xf32>,
      %get3A_361 = arith.constant 0 : i32
      %get3A_362 = arith.constant 11 : i32
      %get3A_363 = arith.index_cast %get3A_361 : i32 to index
      %get3A_364 = arith.index_cast %get3A_362 : i32 to index
      %get3A_365 = arith.constant 0 : index
      %get3A_366 = tpu.vector_load %arg6[%get3A_363, %get3A_364, %get3A_365] {strides = array<i32>} : memref<3x16x128xf32, #tpu.memory_space<vmem>>, vector<1x1x16xf32>,
      %get3A_367 = vector.shape_cast %get3A_366 : vector<1x1x16xf32> to vector<16xf32>
      %swap3A_368 = arith.constant 11 : i32
      %swap3A_369 = arith.index_cast %swap3A_368 : i32 to index
      %swap3A_370 = arith.index_cast %mul3A_53 : i32 to index
      %swap3A_371 = tpu.vector_load %arg7[%swap3A_369, %swap3A_370] {strides = array<i32>} : memref<128x320xf32, #tpu.memory_space<vmem>>, vector<1x16xf32>,
      %swap3A_372 = vector.shape_cast %swap3A_371 : vector<1x16xf32> to vector<16xf32>
      %swap3A_373 = vector.shape_cast %get3A_367 : vector<16xf32> to vector<1x16xf32>
      tpu.vector_store %arg7[%swap3A_369, %swap3A_370], %swap3A_373 {strides = array<i32>} : memref<128x320xf32, #tpu.memory_space<vmem>>, vector<1x16xf32>,
      %get3A_374 = arith.constant 0 : i32
      %get3A_375 = arith.constant 11 : i32
      %get3A_376 = arith.index_cast %get3A_374 : i32 to index
      %get3A_377 = arith.index_cast %get3A_375 : i32 to index
      %get3A_378 = arith.constant 16 : index
      %get3A_379 = tpu.vector_load %arg6[%get3A_376, %get3A_377, %get3A_378] {strides = array<i32>} : memref<3x16x128xf32, #tpu.memory_space<vmem>>, vector<1x1x16xf32>,
      %get3A_380 = vector.shape_cast %get3A_379 : vector<1x1x16xf32> to vector<16xf32>
      %add3A_381 = arith.constant 16 : i32
      %add3A_382 = arith.addi %mul3A_53, %add3A_381 : i32
      %swap3A_383 = arith.constant 11 : i32
      %swap3A_384 = arith.index_cast %swap3A_383 : i32 to index
      %swap3A_385 = arith.index_cast %add3A_382 : i32 to index
      %swap3A_386 = tpu.vector_load %arg7[%swap3A_384, %swap3A_385] {strides = array<i32>} : memref<128x320xf32, #tpu.memory_space<vmem>>, vector<1x16xf32>,
      %swap3A_387 = vector.shape_cast %swap3A_386 : vector<1x16xf32> to vector<16xf32>
      %swap3A_388 = vector.shape_cast %get3A_380 : vector<16xf32> to vector<1x16xf32>
      tpu.vector_store %arg7[%swap3A_384, %swap3A_385], %swap3A_388 {strides = array<i32>} : memref<128x320xf32, #tpu.memory_space<vmem>>, vector<1x16xf32>,
      %get3A_389 = arith.constant 0 : i32
      %get3A_390 = arith.constant 12 : i32
      %get3A_391 = arith.index_cast %get3A_389 : i32 to index
      %get3A_392 = arith.index_cast %get3A_390 : i32 to index
      %get3A_393 = arith.constant 0 : index
      %get3A_394 = tpu.vector_load %arg6[%get3A_391, %get3A_392, %get3A_393] {strides = array<i32>} : memref<3x16x128xf32, #tpu.memory_space<vmem>>, vector<1x1x16xf32>,
      %get3A_395 = vector.shape_cast %get3A_394 : vector<1x1x16xf32> to vector<16xf32>
      %swap3A_396 = arith.constant 12 : i32
      %swap3A_397 = arith.index_cast %swap3A_396 : i32 to index
      %swap3A_398 = arith.index_cast %mul3A_53 : i32 to index
      %swap3A_399 = tpu.vector_load %arg7[%swap3A_397, %swap3A_398] {strides = array<i32>} : memref<128x320xf32, #tpu.memory_space<vmem>>, vector<1x16xf32>,
      %swap3A_400 = vector.shape_cast %swap3A_399 : vector<1x16xf32> to vector<16xf32>
      %swap3A_401 = vector.shape_cast %get3A_395 : vector<16xf32> to vector<1x16xf32>
      tpu.vector_store %arg7[%swap3A_397, %swap3A_398], %swap3A_401 {strides = array<i32>} : memref<128x320xf32, #tpu.memory_space<vmem>>, vector<1x16xf32>,
      %get3A_402 = arith.constant 0 : i32
      %get3A_403 = arith.constant 12 : i32
      %get3A_404 = arith.index_cast %get3A_402 : i32 to index
      %get3A_405 = arith.index_cast %get3A_403 : i32 to index
      %get3A_406 = arith.constant 16 : index
      %get3A_407 = tpu.vector_load %arg6[%get3A_404, %get3A_405, %get3A_406] {strides = array<i32>} : memref<3x16x128xf32, #tpu.memory_space<vmem>>, vector<1x1x16xf32>,
      %get3A_408 = vector.shape_cast %get3A_407 : vector<1x1x16xf32> to vector<16xf32>
      %add3A_409 = arith.constant 16 : i32
      %add3A_410 = arith.addi %mul3A_53, %add3A_409 : i32
      %swap3A_411 = arith.constant 12 : i32
      %swap3A_412 = arith.index_cast %swap3A_411 : i32 to index
      %swap3A_413 = arith.index_cast %add3A_410 : i32 to index
      %swap3A_414 = tpu.vector_load %arg7[%swap3A_412, %swap3A_413] {strides = array<i32>} : memref<128x320xf32, #tpu.memory_space<vmem>>, vector<1x16xf32>,
      %swap3A_415 = vector.shape_cast %swap3A_414 : vector<1x16xf32> to vector<16xf32>
      %swap3A_416 = vector.shape_cast %get3A_408 : vector<16xf32> to vector<1x16xf32>
      tpu.vector_store %arg7[%swap3A_412, %swap3A_413], %swap3A_416 {strides = array<i32>} : memref<128x320xf32, #tpu.memory_space<vmem>>, vector<1x16xf32>,
      %get3A_417 = arith.constant 0 : i32
      %get3A_418 = arith.constant 13 : i32
      %get3A_419 = arith.index_cast %get3A_417 : i32 to index
      %get3A_420 = arith.index_cast %get3A_418 : i32 to index
      %get3A_421 = arith.constant 0 : index
      %get3A_422 = tpu.vector_load %arg6[%get3A_419, %get3A_420, %get3A_421] {strides = array<i32>} : memref<3x16x128xf32, #tpu.memory_space<vmem>>, vector<1x1x16xf32>,
      %get3A_423 = vector.shape_cast %get3A_422 : vector<1x1x16xf32> to vector<16xf32>
      %swap3A_424 = arith.constant 13 : i32
      %swap3A_425 = arith.index_cast %swap3A_424 : i32 to index
      %swap3A_426 = arith.index_cast %mul3A_53 : i32 to index
      %swap3A_427 = tpu.vector_load %arg7[%swap3A_425, %swap3A_426] {strides = array<i32>} : memref<128x320xf32, #tpu.memory_space<vmem>>, vector<1x16xf32>,
      %swap3A_428 = vector.shape_cast %swap3A_427 : vector<1x16xf32> to vector<16xf32>
      %swap3A_429 = vector.shape_cast %get3A_423 : vector<16xf32> to vector<1x16xf32>
      tpu.vector_store %arg7[%swap3A_425, %swap3A_426], %swap3A_429 {strides = array<i32>} : memref<128x320xf32, #tpu.memory_space<vmem>>, vector<1x16xf32>,
      %get3A_430 = arith.constant 0 : i32
      %get3A_431 = arith.constant 13 : i32
      %get3A_432 = arith.index_cast %get3A_430 : i32 to index
      %get3A_433 = arith.index_cast %get3A_431 : i32 to index
      %get3A_434 = arith.constant 16 : index
      %get3A_435 = tpu.vector_load %arg6[%get3A_432, %get3A_433, %get3A_434] {strides = array<i32>} : memref<3x16x128xf32, #tpu.memory_space<vmem>>, vector<1x1x16xf32>,
      %get3A_436 = vector.shape_cast %get3A_435 : vector<1x1x16xf32> to vector<16xf32>
      %add3A_437 = arith.constant 16 : i32
      %add3A_438 = arith.addi %mul3A_53, %add3A_437 : i32
      %swap3A_439 = arith.constant 13 : i32
      %swap3A_440 = arith.index_cast %swap3A_439 : i32 to index
      %swap3A_441 = arith.index_cast %add3A_438 : i32 to index
      %swap3A_442 = tpu.vector_load %arg7[%swap3A_440, %swap3A_441] {strides = array<i32>} : memref<128x320xf32, #tpu.memory_space<vmem>>, vector<1x16xf32>,
      %swap3A_443 = vector.shape_cast %swap3A_442 : vector<1x16xf32> to vector<16xf32>
      %swap3A_444 = vector.shape_cast %get3A_436 : vector<16xf32> to vector<1x16xf32>
      tpu.vector_store %arg7[%swap3A_440, %swap3A_441], %swap3A_444 {strides = array<i32>} : memref<128x320xf32, #tpu.memory_space<vmem>>, vector<1x16xf32>,
      %get3A_445 = arith.constant 0 : i32
      %get3A_446 = arith.constant 14 : i32
      %get3A_447 = arith.index_cast %get3A_445 : i32 to index
      %get3A_448 = arith.index_cast %get3A_446 : i32 to index
      %get3A_449 = arith.constant 0 : index
      %get3A_450 = tpu.vector_load %arg6[%get3A_447, %get3A_448, %get3A_449] {strides = array<i32>} : memref<3x16x128xf32, #tpu.memory_space<vmem>>, vector<1x1x16xf32>,
      %get3A_451 = vector.shape_cast %get3A_450 : vector<1x1x16xf32> to vector<16xf32>
      %swap3A_452 = arith.constant 14 : i32
      %swap3A_453 = arith.index_cast %swap3A_452 : i32 to index
      %swap3A_454 = arith.index_cast %mul3A_53 : i32 to index
      %swap3A_455 = tpu.vector_load %arg7[%swap3A_453, %swap3A_454] {strides = array<i32>} : memref<128x320xf32, #tpu.memory_space<vmem>>, vector<1x16xf32>,
      %swap3A_456 = vector.shape_cast %swap3A_455 : vector<1x16xf32> to vector<16xf32>
      %swap3A_457 = vector.shape_cast %get3A_451 : vector<16xf32> to vector<1x16xf32>
      tpu.vector_store %arg7[%swap3A_453, %swap3A_454], %swap3A_457 {strides = array<i32>} : memref<128x320xf32, #tpu.memory_space<vmem>>, vector<1x16xf32>,
      %get3A_458 = arith.constant 0 : i32
      %get3A_459 = arith.constant 14 : i32
      %get3A_460 = arith.index_cast %get3A_458 : i32 to index
      %get3A_461 = arith.index_cast %get3A_459 : i32 to index
      %get3A_462 = arith.constant 16 : index
      %get3A_463 = tpu.vector_load %arg6[%get3A_460, %get3A_461, %get3A_462] {strides = array<i32>} : memref<3x16x128xf32, #tpu.memory_space<vmem>>, vector<1x1x16xf32>,
      %get3A_464 = vector.shape_cast %get3A_463 : vector<1x1x16xf32> to vector<16xf32>
      %add3A_465 = arith.constant 16 : i32
      %add3A_466 = arith.addi %mul3A_53, %add3A_465 : i32
      %swap3A_467 = arith.constant 14 : i32
      %swap3A_468 = arith.index_cast %swap3A_467 : i32 to index
      %swap3A_469 = arith.index_cast %add3A_466 : i32 to index
      %swap3A_470 = tpu.vector_load %arg7[%swap3A_468, %swap3A_469] {strides = array<i32>} : memref<128x320xf32, #tpu.memory_space<vmem>>, vector<1x16xf32>,
      %swap3A_471 = vector.shape_cast %swap3A_470 : vector<1x16xf32> to vector<16xf32>
      %swap3A_472 = vector.shape_cast %get3A_464 : vector<16xf32> to vector<1x16xf32>
      tpu.vector_store %arg7[%swap3A_468, %swap3A_469], %swap3A_472 {strides = array<i32>} : memref<128x320xf32, #tpu.memory_space<vmem>>, vector<1x16xf32>,
      %get3A_473 = arith.constant 0 : i32
      %get3A_474 = arith.constant 15 : i32
      %get3A_475 = arith.index_cast %get3A_473 : i32 to index
      %get3A_476 = arith.index_cast %get3A_474 : i32 to index
      %get3A_477 = arith.constant 0 : index
      %get3A_478 = tpu.vector_load %arg6[%get3A_475, %get3A_476, %get3A_477] {strides = array<i32>} : memref<3x16x128xf32, #tpu.memory_space<vmem>>, vector<1x1x16xf32>,
      %get3A_479 = vector.shape_cast %get3A_478 : vector<1x1x16xf32> to vector<16xf32>
      %swap3A_480 = arith.constant 15 : i32
      %swap3A_481 = arith.index_cast %swap3A_480 : i32 to index
      %swap3A_482 = arith.index_cast %mul3A_53 : i32 to index
      %swap3A_483 = tpu.vector_load %arg7[%swap3A_481, %swap3A_482] {strides = array<i32>} : memref<128x320xf32, #tpu.memory_space<vmem>>, vector<1x16xf32>,
      %swap3A_484 = vector.shape_cast %swap3A_483 : vector<1x16xf32> to vector<16xf32>
      %swap3A_485 = vector.shape_cast %get3A_479 : vector<16xf32> to vector<1x16xf32>
      tpu.vector_store %arg7[%swap3A_481, %swap3A_482], %swap3A_485 {strides = array<i32>} : memref<128x320xf32, #tpu.memory_space<vmem>>, vector<1x16xf32>,
      %get3A_486 = arith.constant 0 : i32
      %get3A_487 = arith.constant 15 : i32
      %get3A_488 = arith.index_cast %get3A_486 : i32 to index
      %get3A_489 = arith.index_cast %get3A_487 : i32 to index
      %get3A_490 = arith.constant 16 : index
      %get3A_491 = tpu.vector_load %arg6[%get3A_488, %get3A_489, %get3A_490] {strides = array<i32>} : memref<3x16x128xf32, #tpu.memory_space<vmem>>, vector<1x1x16xf32>,
      %get3A_492 = vector.shape_cast %get3A_491 : vector<1x1x16xf32> to vector<16xf32>
      %add3A_493 = arith.constant 16 : i32
      %add3A_494 = arith.addi %mul3A_53, %add3A_493 : i32
      %swap3A_495 = arith.constant 15 : i32
      %swap3A_496 = arith.index_cast %swap3A_495 : i32 to index
      %swap3A_497 = arith.index_cast %add3A_494 : i32 to index
      %swap3A_498 = tpu.vector_load %arg7[%swap3A_496, %swap3A_497] {strides = array<i32>} : memref<128x320xf32, #tpu.memory_space<vmem>>, vector<1x16xf32>,
      %swap3A_499 = vector.shape_cast %swap3A_498 : vector<1x16xf32> to vector<16xf32>
      %swap3A_500 = vector.shape_cast %get3A_492 : vector<16xf32> to vector<1x16xf32>
      tpu.vector_store %arg7[%swap3A_496, %swap3A_497], %swap3A_500 {strides = array<i32>} : memref<128x320xf32, #tpu.memory_space<vmem>>, vector<1x16xf32>,
      %get3A_501 = arith.index_cast %scan3A_9 : i32 to index
      %get3A_502 = arith.constant 48 : index
      %get3A_503 = tpu.vector_load %arg5[%get3A_501, %get3A_502] {strides = array<i32>} : memref<10x128xi32, #tpu.memory_space<vmem>>, vector<1x16xi32>,
      %get3A_504 = vector.shape_cast %get3A_503 : vector<1x16xi32> to vector<16xi32>
      %dma_start3A_505 = arith.constant 0 : i32
      %dma_start3A_506 = arith.constant 0 : i32
      %dma_start3A_507 = arith.constant 0 : i32
      %dma_start3A_508 = tpu.memref_slice %arg6[%dma_start3A_505, %dma_start3A_506, %dma_start3A_507] : memref<3x16x128xf32, #tpu.memory_space<vmem>> -> memref<1x16x128xf32, #tpu.memory_space<vmem>>
      %dma_start3A_509 = tpu.memref_squeeze %dma_start3A_508 : memref<1x16x128xf32, #tpu.memory_space<vmem>> -> memref<16x128xf32, #tpu.memory_space<vmem>>
      %dma_start3A_510 = arith.constant 0 : i32
      %dma_start3A_511 = arith.constant 0 : i32
      %dma_start3A_512 = tpu.memref_slice %arg2[%dma_start3A_510, %dma_start3A_511] : memref<1000000x128xf32, #tpu.memory_space<hbm>> -> memref<1000000x128xf32, #tpu.memory_space<hbm>>
      tpu.enqueue_indirect_dma source(%dma_start3A_512 : memref<1000000x128xf32, #tpu.memory_space<hbm>>) target(%dma_start3A_509 : memref<16x128xf32, #tpu.memory_space<vmem>>) offsets(%get3A_504 : vector<16xi32>) semaphore(%arg8 : memref<!tpu.dma_semaphore, #tpu.memory_space<semaphore_mem>>)
      %dma_wait3A_513 = arith.constant 1 : i32
      %dma_wait3A_514 = arith.constant 0 : i32
      %dma_wait3A_515 = arith.constant 0 : i32
      %dma_wait3A_516 = tpu.memref_slice %arg6[%dma_wait3A_513, %dma_wait3A_514, %dma_wait3A_515] : memref<3x16x128xf32, #tpu.memory_space<vmem>> -> memref<1x16x128xf32, #tpu.memory_space<vmem>>
      %dma_wait3A_517 = tpu.memref_squeeze %dma_wait3A_516 : memref<1x16x128xf32, #tpu.memory_space<vmem>> -> memref<16x128xf32, #tpu.memory_space<vmem>>
      %dma_wait3A_518 = arith.constant 0 : i32
      %dma_wait3A_519 = arith.constant 0 : i32
      %dma_wait3A_520 = tpu.memref_slice %arg2[%dma_wait3A_518, %dma_wait3A_519] : memref<1000000x128xf32, #tpu.memory_space<hbm>> -> memref<1000000x128xf32, #tpu.memory_space<hbm>>
      tpu.wait_indirect_dma semaphore(%arg9 : memref<!tpu.dma_semaphore, #tpu.memory_space<semaphore_mem>>) src(%dma_wait3A_520 : memref<1000000x128xf32, #tpu.memory_space<hbm>>) dst(%dma_wait3A_517 : memref<16x128xf32, #tpu.memory_space<vmem>>)
      %mul3A_521 = arith.constant 32 : i32
      %mul3A_522 = arith.muli %scan3A_9, %mul3A_521 : i32
      %get3A_523 = arith.constant 1 : i32
      %get3A_524 = arith.constant 0 : i32
      %get3A_525 = arith.index_cast %get3A_523 : i32 to index
      %get3A_526 = arith.index_cast %get3A_524 : i32 to index
      %get3A_527 = arith.constant 0 : index
      %get3A_528 = tpu.vector_load %arg6[%get3A_525, %get3A_526, %get3A_527] {strides = array<i32>} : memref<3x16x128xf32, #tpu.memory_space<vmem>>, vector<1x1x16xf32>,
      %get3A_529 = vector.shape_cast %get3A_528 : vector<1x1x16xf32> to vector<16xf32>
      %swap3A_530 = arith.constant 16 : i32
      %swap3A_531 = arith.index_cast %swap3A_530 : i32 to index
      %swap3A_532 = arith.index_cast %mul3A_522 : i32 to index
      %swap3A_533 = tpu.vector_load %arg7[%swap3A_531, %swap3A_532] {strides = array<i32>} : memref<128x320xf32, #tpu.memory_space<vmem>>, vector<1x16xf32>,
      %swap3A_534 = vector.shape_cast %swap3A_533 : vector<1x16xf32> to vector<16xf32>
      %swap3A_535 = vector.shape_cast %get3A_529 : vector<16xf32> to vector<1x16xf32>
      tpu.vector_store %arg7[%swap3A_531, %swap3A_532], %swap3A_535 {strides = array<i32>} : memref<128x320xf32, #tpu.memory_space<vmem>>, vector<1x16xf32>,
      %get3A_536 = arith.constant 1 : i32
      %get3A_537 = arith.constant 0 : i32
      %get3A_538 = arith.index_cast %get3A_536 : i32 to index
      %get3A_539 = arith.index_cast %get3A_537 : i32 to index
      %get3A_540 = arith.constant 16 : index
      %get3A_541 = tpu.vector_load %arg6[%get3A_538, %get3A_539, %get3A_540] {strides = array<i32>} : memref<3x16x128xf32, #tpu.memory_space<vmem>>, vector<1x1x16xf32>,
      %get3A_542 = vector.shape_cast %get3A_541 : vector<1x1x16xf32> to vector<16xf32>
      %add3A_543 = arith.constant 16 : i32
      %add3A_544 = arith.addi %mul3A_522, %add3A_543 : i32
      %swap3A_545 = arith.constant 16 : i32
      %swap3A_546 = arith.index_cast %swap3A_545 : i32 to index
      %swap3A_547 = arith.index_cast %add3A_544 : i32 to index
      %swap3A_548 = tpu.vector_load %arg7[%swap3A_546, %swap3A_547] {strides = array<i32>} : memref<128x320xf32, #tpu.memory_space<vmem>>, vector<1x16xf32>,
      %swap3A_549 = vector.shape_cast %swap3A_548 : vector<1x16xf32> to vector<16xf32>
      %swap3A_550 = vector.shape_cast %get3A_542 : vector<16xf32> to vector<1x16xf32>
      tpu.vector_store %arg7[%swap3A_546, %swap3A_547], %swap3A_550 {strides = array<i32>} : memref<128x320xf32, #tpu.memory_space<vmem>>, vector<1x16xf32>,
      %get3A_551 = arith.constant 1 : i32
      %get3A_552 = arith.constant 1 : i32
      %get3A_553 = arith.index_cast %get3A_551 : i32 to index
      %get3A_554 = arith.index_cast %get3A_552 : i32 to index
      %get3A_555 = arith.constant 0 : index
      %get3A_556 = tpu.vector_load %arg6[%get3A_553, %get3A_554, %get3A_555] {strides = array<i32>} : memref<3x16x128xf32, #tpu.memory_space<vmem>>, vector<1x1x16xf32>,
      %get3A_557 = vector.shape_cast %get3A_556 : vector<1x1x16xf32> to vector<16xf32>
      %swap3A_558 = arith.constant 17 : i32
      %swap3A_559 = arith.index_cast %swap3A_558 : i32 to index
      %swap3A_560 = arith.index_cast %mul3A_522 : i32 to index
      %swap3A_561 = tpu.vector_load %arg7[%swap3A_559, %swap3A_560] {strides = array<i32>} : memref<128x320xf32, #tpu.memory_space<vmem>>, vector<1x16xf32>,
      %swap3A_562 = vector.shape_cast %swap3A_561 : vector<1x16xf32> to vector<16xf32>
      %swap3A_563 = vector.shape_cast %get3A_557 : vector<16xf32> to vector<1x16xf32>
      tpu.vector_store %arg7[%swap3A_559, %swap3A_560], %swap3A_563 {strides = array<i32>} : memref<128x320xf32, #tpu.memory_space<vmem>>, vector<1x16xf32>,
      %get3A_564 = arith.constant 1 : i32
      %get3A_565 = arith.constant 1 : i32
      %get3A_566 = arith.index_cast %get3A_564 : i32 to index
      %get3A_567 = arith.index_cast %get3A_565 : i32 to index
      %get3A_568 = arith.constant 16 : index
      %get3A_569 = tpu.vector_load %arg6[%get3A_566, %get3A_567, %get3A_568] {strides = array<i32>} : memref<3x16x128xf32, #tpu.memory_space<vmem>>, vector<1x1x16xf32>,
      %get3A_570 = vector.shape_cast %get3A_569 : vector<1x1x16xf32> to vector<16xf32>
      %add3A_571 = arith.constant 16 : i32
      %add3A_572 = arith.addi %mul3A_522, %add3A_571 : i32
      %swap3A_573 = arith.constant 17 : i32
      %swap3A_574 = arith.index_cast %swap3A_573 : i32 to index
      %swap3A_575 = arith.index_cast %add3A_572 : i32 to index
      %swap3A_576 = tpu.vector_load %arg7[%swap3A_574, %swap3A_575] {strides = array<i32>} : memref<128x320xf32, #tpu.memory_space<vmem>>, vector<1x16xf32>,
      %swap3A_577 = vector.shape_cast %swap3A_576 : vector<1x16xf32> to vector<16xf32>
      %swap3A_578 = vector.shape_cast %get3A_570 : vector<16xf32> to vector<1x16xf32>
      tpu.vector_store %arg7[%swap3A_574, %swap3A_575], %swap3A_578 {strides = array<i32>} : memref<128x320xf32, #tpu.memory_space<vmem>>, vector<1x16xf32>,
      %get3A_579 = arith.constant 1 : i32
      %get3A_580 = arith.constant 2 : i32
      %get3A_581 = arith.index_cast %get3A_579 : i32 to index
      %get3A_582 = arith.index_cast %get3A_580 : i32 to index
      %get3A_583 = arith.constant 0 : index
      %get3A_584 = tpu.vector_load %arg6[%get3A_581, %get3A_582, %get3A_583] {strides = array<i32>} : memref<3x16x128xf32, #tpu.memory_space<vmem>>, vector<1x1x16xf32>,
      %get3A_585 = vector.shape_cast %get3A_584 : vector<1x1x16xf32> to vector<16xf32>
      %swap3A_586 = arith.constant 18 : i32
      %swap3A_587 = arith.index_cast %swap3A_586 : i32 to index
      %swap3A_588 = arith.index_cast %mul3A_522 : i32 to index
      %swap3A_589 = tpu.vector_load %arg7[%swap3A_587, %swap3A_588] {strides = array<i32>} : memref<128x320xf32, #tpu.memory_space<vmem>>, vector<1x16xf32>,
      %swap3A_590 = vector.shape_cast %swap3A_589 : vector<1x16xf32> to vector<16xf32>
      %swap3A_591 = vector.shape_cast %get3A_585 : vector<16xf32> to vector<1x16xf32>
      tpu.vector_store %arg7[%swap3A_587, %swap3A_588], %swap3A_591 {strides = array<i32>} : memref<128x320xf32, #tpu.memory_space<vmem>>, vector<1x16xf32>,
      %get3A_592 = arith.constant 1 : i32
      %get3A_593 = arith.constant 2 : i32
      %get3A_594 = arith.index_cast %get3A_592 : i32 to index
      %get3A_595 = arith.index_cast %get3A_593 : i32 to index
      %get3A_596 = arith.constant 16 : index
      %get3A_597 = tpu.vector_load %arg6[%get3A_594, %get3A_595, %get3A_596] {strides = array<i32>} : memref<3x16x128xf32, #tpu.memory_space<vmem>>, vector<1x1x16xf32>,
      %get3A_598 = vector.shape_cast %get3A_597 : vector<1x1x16xf32> to vector<16xf32>
      %add3A_599 = arith.constant 16 : i32
      %add3A_600 = arith.addi %mul3A_522, %add3A_599 : i32
      %swap3A_601 = arith.constant 18 : i32
      %swap3A_602 = arith.index_cast %swap3A_601 : i32 to index
      %swap3A_603 = arith.index_cast %add3A_600 : i32 to index
      %swap3A_604 = tpu.vector_load %arg7[%swap3A_602, %swap3A_603] {strides = array<i32>} : memref<128x320xf32, #tpu.memory_space<vmem>>, vector<1x16xf32>,
      %swap3A_605 = vector.shape_cast %swap3A_604 : vector<1x16xf32> to vector<16xf32>
      %swap3A_606 = vector.shape_cast %get3A_598 : vector<16xf32> to vector<1x16xf32>
      tpu.vector_store %arg7[%swap3A_602, %swap3A_603], %swap3A_606 {strides = array<i32>} : memref<128x320xf32, #tpu.memory_space<vmem>>, vector<1x16xf32>,
      %get3A_607 = arith.constant 1 : i32
      %get3A_608 = arith.constant 3 : i32
      %get3A_609 = arith.index_cast %get3A_607 : i32 to index
      %get3A_610 = arith.index_cast %get3A_608 : i32 to index
      %get3A_611 = arith.constant 0 : index
      %get3A_612 = tpu.vector_load %arg6[%get3A_609, %get3A_610, %get3A_611] {strides = array<i32>} : memref<3x16x128xf32, #tpu.memory_space<vmem>>, vector<1x1x16xf32>,
      %get3A_613 = vector.shape_cast %get3A_612 : vector<1x1x16xf32> to vector<16xf32>
      %swap3A_614 = arith.constant 19 : i32
      %swap3A_615 = arith.index_cast %swap3A_614 : i32 to index
      %swap3A_616 = arith.index_cast %mul3A_522 : i32 to index
      %swap3A_617 = tpu.vector_load %arg7[%swap3A_615, %swap3A_616] {strides = array<i32>} : memref<128x320xf32, #tpu.memory_space<vmem>>, vector<1x16xf32>,
      %swap3A_618 = vector.shape_cast %swap3A_617 : vector<1x16xf32> to vector<16xf32>
      %swap3A_619 = vector.shape_cast %get3A_613 : vector<16xf32> to vector<1x16xf32>
      tpu.vector_store %arg7[%swap3A_615, %swap3A_616], %swap3A_619 {strides = array<i32>} : memref<128x320xf32, #tpu.memory_space<vmem>>, vector<1x16xf32>,
      %get3A_620 = arith.constant 1 : i32
      %get3A_621 = arith.constant 3 : i32
      %get3A_622 = arith.index_cast %get3A_620 : i32 to index
      %get3A_623 = arith.index_cast %get3A_621 : i32 to index
      %get3A_624 = arith.constant 16 : index
      %get3A_625 = tpu.vector_load %arg6[%get3A_622, %get3A_623, %get3A_624] {strides = array<i32>} : memref<3x16x128xf32, #tpu.memory_space<vmem>>, vector<1x1x16xf32>,
      %get3A_626 = vector.shape_cast %get3A_625 : vector<1x1x16xf32> to vector<16xf32>
      %add3A_627 = arith.constant 16 : i32
      %add3A_628 = arith.addi %mul3A_522, %add3A_627 : i32
      %swap3A_629 = arith.constant 19 : i32
      %swap3A_630 = arith.index_cast %swap3A_629 : i32 to index
      %swap3A_631 = arith.index_cast %add3A_628 : i32 to index
      %swap3A_632 = tpu.vector_load %arg7[%swap3A_630, %swap3A_631] {strides = array<i32>} : memref<128x320xf32, #tpu.memory_space<vmem>>, vector<1x16xf32>,
      %swap3A_633 = vector.shape_cast %swap3A_632 : vector<1x16xf32> to vector<16xf32>
      %swap3A_634 = vector.shape_cast %get3A_626 : vector<16xf32> to vector<1x16xf32>
      tpu.vector_store %arg7[%swap3A_630, %swap3A_631], %swap3A_634 {strides = array<i32>} : memref<128x320xf32, #tpu.memory_space<vmem>>, vector<1x16xf32>,
      %get3A_635 = arith.constant 1 : i32
      %get3A_636 = arith.constant 4 : i32
      %get3A_637 = arith.index_cast %get3A_635 : i32 to index
      %get3A_638 = arith.index_cast %get3A_636 : i32 to index
      %get3A_639 = arith.constant 0 : index
      %get3A_640 = tpu.vector_load %arg6[%get3A_637, %get3A_638, %get3A_639] {strides = array<i32>} : memref<3x16x128xf32, #tpu.memory_space<vmem>>, vector<1x1x16xf32>,
      %get3A_641 = vector.shape_cast %get3A_640 : vector<1x1x16xf32> to vector<16xf32>
      %swap3A_642 = arith.constant 20 : i32
      %swap3A_643 = arith.index_cast %swap3A_642 : i32 to index
      %swap3A_644 = arith.index_cast %mul3A_522 : i32 to index
      %swap3A_645 = tpu.vector_load %arg7[%swap3A_643, %swap3A_644] {strides = array<i32>} : memref<128x320xf32, #tpu.memory_space<vmem>>, vector<1x16xf32>,
      %swap3A_646 = vector.shape_cast %swap3A_645 : vector<1x16xf32> to vector<16xf32>
      %swap3A_647 = vector.shape_cast %get3A_641 : vector<16xf32> to vector<1x16xf32>
      tpu.vector_store %arg7[%swap3A_643, %swap3A_644], %swap3A_647 {strides = array<i32>} : memref<128x320xf32, #tpu.memory_space<vmem>>, vector<1x16xf32>,
      %get3A_648 = arith.constant 1 : i32
      %get3A_649 = arith.constant 4 : i32
      %get3A_650 = arith.index_cast %get3A_648 : i32 to index
      %get3A_651 = arith.index_cast %get3A_649 : i32 to index
      %get3A_652 = arith.constant 16 : index
      %get3A_653 = tpu.vector_load %arg6[%get3A_650, %get3A_651, %get3A_652] {strides = array<i32>} : memref<3x16x128xf32, #tpu.memory_space<vmem>>, vector<1x1x16xf32>,
      %get3A_654 = vector.shape_cast %get3A_653 : vector<1x1x16xf32> to vector<16xf32>
      %add3A_655 = arith.constant 16 : i32
      %add3A_656 = arith.addi %mul3A_522, %add3A_655 : i32
      %swap3A_657 = arith.constant 20 : i32
      %swap3A_658 = arith.index_cast %swap3A_657 : i32 to index
      %swap3A_659 = arith.index_cast %add3A_656 : i32 to index
      %swap3A_660 = tpu.vector_load %arg7[%swap3A_658, %swap3A_659] {strides = array<i32>} : memref<128x320xf32, #tpu.memory_space<vmem>>, vector<1x16xf32>,
      %swap3A_661 = vector.shape_cast %swap3A_660 : vector<1x16xf32> to vector<16xf32>
      %swap3A_662 = vector.shape_cast %get3A_654 : vector<16xf32> to vector<1x16xf32>
      tpu.vector_store %arg7[%swap3A_658, %swap3A_659], %swap3A_662 {strides = array<i32>} : memref<128x320xf32, #tpu.memory_space<vmem>>, vector<1x16xf32>,
      %get3A_663 = arith.constant 1 : i32
      %get3A_664 = arith.constant 5 : i32
      %get3A_665 = arith.index_cast %get3A_663 : i32 to index
      %get3A_666 = arith.index_cast %get3A_664 : i32 to index
      %get3A_667 = arith.constant 0 : index
      %get3A_668 = tpu.vector_load %arg6[%get3A_665, %get3A_666, %get3A_667] {strides = array<i32>} : memref<3x16x128xf32, #tpu.memory_space<vmem>>, vector<1x1x16xf32>,
      %get3A_669 = vector.shape_cast %get3A_668 : vector<1x1x16xf32> to vector<16xf32>
      %swap3A_670 = arith.constant 21 : i32
      %swap3A_671 = arith.index_cast %swap3A_670 : i32 to index
      %swap3A_672 = arith.index_cast %mul3A_522 : i32 to index
      %swap3A_673 = tpu.vector_load %arg7[%swap3A_671, %swap3A_672] {strides = array<i32>} : memref<128x320xf32, #tpu.memory_space<vmem>>, vector<1x16xf32>,
      %swap3A_674 = vector.shape_cast %swap3A_673 : vector<1x16xf32> to vector<16xf32>
      %swap3A_675 = vector.shape_cast %get3A_669 : vector<16xf32> to vector<1x16xf32>
      tpu.vector_store %arg7[%swap3A_671, %swap3A_672], %swap3A_675 {strides = array<i32>} : memref<128x320xf32, #tpu.memory_space<vmem>>, vector<1x16xf32>,
      %get3A_676 = arith.constant 1 : i32
      %get3A_677 = arith.constant 5 : i32
      %get3A_678 = arith.index_cast %get3A_676 : i32 to index
      %get3A_679 = arith.index_cast %get3A_677 : i32 to index
      %get3A_680 = arith.constant 16 : index
      %get3A_681 = tpu.vector_load %arg6[%get3A_678, %get3A_679, %get3A_680] {strides = array<i32>} : memref<3x16x128xf32, #tpu.memory_space<vmem>>, vector<1x1x16xf32>,
      %get3A_682 = vector.shape_cast %get3A_681 : vector<1x1x16xf32> to vector<16xf32>
      %add3A_683 = arith.constant 16 : i32
      %add3A_684 = arith.addi %mul3A_522, %add3A_683 : i32
      %swap3A_685 = arith.constant 21 : i32
      %swap3A_686 = arith.index_cast %swap3A_685 : i32 to index
      %swap3A_687 = arith.index_cast %add3A_684 : i32 to index
      %swap3A_688 = tpu.vector_load %arg7[%swap3A_686, %swap3A_687] {strides = array<i32>} : memref<128x320xf32, #tpu.memory_space<vmem>>, vector<1x16xf32>,
      %swap3A_689 = vector.shape_cast %swap3A_688 : vector<1x16xf32> to vector<16xf32>
      %swap3A_690 = vector.shape_cast %get3A_682 : vector<16xf32> to vector<1x16xf32>
      tpu.vector_store %arg7[%swap3A_686, %swap3A_687], %swap3A_690 {strides = array<i32>} : memref<128x320xf32, #tpu.memory_space<vmem>>, vector<1x16xf32>,
      %get3A_691 = arith.constant 1 : i32
      %get3A_692 = arith.constant 6 : i32
      %get3A_693 = arith.index_cast %get3A_691 : i32 to index
      %get3A_694 = arith.index_cast %get3A_692 : i32 to index
      %get3A_695 = arith.constant 0 : index
      %get3A_696 = tpu.vector_load %arg6[%get3A_693, %get3A_694, %get3A_695] {strides = array<i32>} : memref<3x16x128xf32, #tpu.memory_space<vmem>>, vector<1x1x16xf32>,
      %get3A_697 = vector.shape_cast %get3A_696 : vector<1x1x16xf32> to vector<16xf32>
      %swap3A_698 = arith.constant 22 : i32
      %swap3A_699 = arith.index_cast %swap3A_698 : i32 to index
      %swap3A_700 = arith.index_cast %mul3A_522 : i32 to index
      %swap3A_701 = tpu.vector_load %arg7[%swap3A_699, %swap3A_700] {strides = array<i32>} : memref<128x320xf32, #tpu.memory_space<vmem>>, vector<1x16xf32>,
      %swap3A_702 = vector.shape_cast %swap3A_701 : vector<1x16xf32> to vector<16xf32>
      %swap3A_703 = vector.shape_cast %get3A_697 : vector<16xf32> to vector<1x16xf32>
      tpu.vector_store %arg7[%swap3A_699, %swap3A_700], %swap3A_703 {strides = array<i32>} : memref<128x320xf32, #tpu.memory_space<vmem>>, vector<1x16xf32>,
      %get3A_704 = arith.constant 1 : i32
      %get3A_705 = arith.constant 6 : i32
      %get3A_706 = arith.index_cast %get3A_704 : i32 to index
      %get3A_707 = arith.index_cast %get3A_705 : i32 to index
      %get3A_708 = arith.constant 16 : index
      %get3A_709 = tpu.vector_load %arg6[%get3A_706, %get3A_707, %get3A_708] {strides = array<i32>} : memref<3x16x128xf32, #tpu.memory_space<vmem>>, vector<1x1x16xf32>,
      %get3A_710 = vector.shape_cast %get3A_709 : vector<1x1x16xf32> to vector<16xf32>
      %add3A_711 = arith.constant 16 : i32
      %add3A_712 = arith.addi %mul3A_522, %add3A_711 : i32
      %swap3A_713 = arith.constant 22 : i32
      %swap3A_714 = arith.index_cast %swap3A_713 : i32 to index
      %swap3A_715 = arith.index_cast %add3A_712 : i32 to index
      %swap3A_716 = tpu.vector_load %arg7[%swap3A_714, %swap3A_715] {strides = array<i32>} : memref<128x320xf32, #tpu.memory_space<vmem>>, vector<1x16xf32>,
      %swap3A_717 = vector.shape_cast %swap3A_716 : vector<1x16xf32> to vector<16xf32>
      %swap3A_718 = vector.shape_cast %get3A_710 : vector<16xf32> to vector<1x16xf32>
      tpu.vector_store %arg7[%swap3A_714, %swap3A_715], %swap3A_718 {strides = array<i32>} : memref<128x320xf32, #tpu.memory_space<vmem>>, vector<1x16xf32>,
      %get3A_719 = arith.constant 1 : i32
      %get3A_720 = arith.constant 7 : i32
      %get3A_721 = arith.index_cast %get3A_719 : i32 to index
      %get3A_722 = arith.index_cast %get3A_720 : i32 to index
      %get3A_723 = arith.constant 0 : index
      %get3A_724 = tpu.vector_load %arg6[%get3A_721, %get3A_722, %get3A_723] {strides = array<i32>} : memref<3x16x128xf32, #tpu.memory_space<vmem>>, vector<1x1x16xf32>,
      %get3A_725 = vector.shape_cast %get3A_724 : vector<1x1x16xf32> to vector<16xf32>
      %swap3A_726 = arith.constant 23 : i32
      %swap3A_727 = arith.index_cast %swap3A_726 : i32 to index
      %swap3A_728 = arith.index_cast %mul3A_522 : i32 to index
      %swap3A_729 = tpu.vector_load %arg7[%swap3A_727, %swap3A_728] {strides = array<i32>} : memref<128x320xf32, #tpu.memory_space<vmem>>, vector<1x16xf32>,
      %swap3A_730 = vector.shape_cast %swap3A_729 : vector<1x16xf32> to vector<16xf32>
      %swap3A_731 = vector.shape_cast %get3A_725 : vector<16xf32> to vector<1x16xf32>
      tpu.vector_store %arg7[%swap3A_727, %swap3A_728], %swap3A_731 {strides = array<i32>} : memref<128x320xf32, #tpu.memory_space<vmem>>, vector<1x16xf32>,
      %get3A_732 = arith.constant 1 : i32
      %get3A_733 = arith.constant 7 : i32
      %get3A_734 = arith.index_cast %get3A_732 : i32 to index
      %get3A_735 = arith.index_cast %get3A_733 : i32 to index
      %get3A_736 = arith.constant 16 : index
      %get3A_737 = tpu.vector_load %arg6[%get3A_734, %get3A_735, %get3A_736] {strides = array<i32>} : memref<3x16x128xf32, #tpu.memory_space<vmem>>, vector<1x1x16xf32>,
      %get3A_738 = vector.shape_cast %get3A_737 : vector<1x1x16xf32> to vector<16xf32>
      %add3A_739 = arith.constant 16 : i32
      %add3A_740 = arith.addi %mul3A_522, %add3A_739 : i32
      %swap3A_741 = arith.constant 23 : i32
      %swap3A_742 = arith.index_cast %swap3A_741 : i32 to index
      %swap3A_743 = arith.index_cast %add3A_740 : i32 to index
      %swap3A_744 = tpu.vector_load %arg7[%swap3A_742, %swap3A_743] {strides = array<i32>} : memref<128x320xf32, #tpu.memory_space<vmem>>, vector<1x16xf32>,
      %swap3A_745 = vector.shape_cast %swap3A_744 : vector<1x16xf32> to vector<16xf32>
      %swap3A_746 = vector.shape_cast %get3A_738 : vector<16xf32> to vector<1x16xf32>
      tpu.vector_store %arg7[%swap3A_742, %swap3A_743], %swap3A_746 {strides = array<i32>} : memref<128x320xf32, #tpu.memory_space<vmem>>, vector<1x16xf32>,
      %get3A_747 = arith.constant 1 : i32
      %get3A_748 = arith.constant 8 : i32
      %get3A_749 = arith.index_cast %get3A_747 : i32 to index
      %get3A_750 = arith.index_cast %get3A_748 : i32 to index
      %get3A_751 = arith.constant 0 : index
      %get3A_752 = tpu.vector_load %arg6[%get3A_749, %get3A_750, %get3A_751] {strides = array<i32>} : memref<3x16x128xf32, #tpu.memory_space<vmem>>, vector<1x1x16xf32>,
      %get3A_753 = vector.shape_cast %get3A_752 : vector<1x1x16xf32> to vector<16xf32>
      %swap3A_754 = arith.constant 24 : i32
      %swap3A_755 = arith.index_cast %swap3A_754 : i32 to index
      %swap3A_756 = arith.index_cast %mul3A_522 : i32 to index
      %swap3A_757 = tpu.vector_load %arg7[%swap3A_755, %swap3A_756] {strides = array<i32>} : memref<128x320xf32, #tpu.memory_space<vmem>>, vector<1x16xf32>,
      %swap3A_758 = vector.shape_cast %swap3A_757 : vector<1x16xf32> to vector<16xf32>
      %swap3A_759 = vector.shape_cast %get3A_753 : vector<16xf32> to vector<1x16xf32>
      tpu.vector_store %arg7[%swap3A_755, %swap3A_756], %swap3A_759 {strides = array<i32>} : memref<128x320xf32, #tpu.memory_space<vmem>>, vector<1x16xf32>,
      %get3A_760 = arith.constant 1 : i32
      %get3A_761 = arith.constant 8 : i32
      %get3A_762 = arith.index_cast %get3A_760 : i32 to index
      %get3A_763 = arith.index_cast %get3A_761 : i32 to index
      %get3A_764 = arith.constant 16 : index
      %get3A_765 = tpu.vector_load %arg6[%get3A_762, %get3A_763, %get3A_764] {strides = array<i32>} : memref<3x16x128xf32, #tpu.memory_space<vmem>>, vector<1x1x16xf32>,
      %get3A_766 = vector.shape_cast %get3A_765 : vector<1x1x16xf32> to vector<16xf32>
      %add3A_767 = arith.constant 16 : i32
      %add3A_768 = arith.addi %mul3A_522, %add3A_767 : i32
      %swap3A_769 = arith.constant 24 : i32
      %swap3A_770 = arith.index_cast %swap3A_769 : i32 to index
      %swap3A_771 = arith.index_cast %add3A_768 : i32 to index
      %swap3A_772 = tpu.vector_load %arg7[%swap3A_770, %swap3A_771] {strides = array<i32>} : memref<128x320xf32, #tpu.memory_space<vmem>>, vector<1x16xf32>,
      %swap3A_773 = vector.shape_cast %swap3A_772 : vector<1x16xf32> to vector<16xf32>
      %swap3A_774 = vector.shape_cast %get3A_766 : vector<16xf32> to vector<1x16xf32>
      tpu.vector_store %arg7[%swap3A_770, %swap3A_771], %swap3A_774 {strides = array<i32>} : memref<128x320xf32, #tpu.memory_space<vmem>>, vector<1x16xf32>,
      %get3A_775 = arith.constant 1 : i32
      %get3A_776 = arith.constant 9 : i32
      %get3A_777 = arith.index_cast %get3A_775 : i32 to index
      %get3A_778 = arith.index_cast %get3A_776 : i32 to index
      %get3A_779 = arith.constant 0 : index
      %get3A_780 = tpu.vector_load %arg6[%get3A_777, %get3A_778, %get3A_779] {strides = array<i32>} : memref<3x16x128xf32, #tpu.memory_space<vmem>>, vector<1x1x16xf32>,
      %get3A_781 = vector.shape_cast %get3A_780 : vector<1x1x16xf32> to vector<16xf32>
      %swap3A_782 = arith.constant 25 : i32
      %swap3A_783 = arith.index_cast %swap3A_782 : i32 to index
      %swap3A_784 = arith.index_cast %mul3A_522 : i32 to index
      %swap3A_785 = tpu.vector_load %arg7[%swap3A_783, %swap3A_784] {strides = array<i32>} : memref<128x320xf32, #tpu.memory_space<vmem>>, vector<1x16xf32>,
      %swap3A_786 = vector.shape_cast %swap3A_785 : vector<1x16xf32> to vector<16xf32>
      %swap3A_787 = vector.shape_cast %get3A_781 : vector<16xf32> to vector<1x16xf32>
      tpu.vector_store %arg7[%swap3A_783, %swap3A_784], %swap3A_787 {strides = array<i32>} : memref<128x320xf32, #tpu.memory_space<vmem>>, vector<1x16xf32>,
      %get3A_788 = arith.constant 1 : i32
      %get3A_789 = arith.constant 9 : i32
      %get3A_790 = arith.index_cast %get3A_788 : i32 to index
      %get3A_791 = arith.index_cast %get3A_789 : i32 to index
      %get3A_792 = arith.constant 16 : index
      %get3A_793 = tpu.vector_load %arg6[%get3A_790, %get3A_791, %get3A_792] {strides = array<i32>} : memref<3x16x128xf32, #tpu.memory_space<vmem>>, vector<1x1x16xf32>,
      %get3A_794 = vector.shape_cast %get3A_793 : vector<1x1x16xf32> to vector<16xf32>
      %add3A_795 = arith.constant 16 : i32
      %add3A_796 = arith.addi %mul3A_522, %add3A_795 : i32
      %swap3A_797 = arith.constant 25 : i32
      %swap3A_798 = arith.index_cast %swap3A_797 : i32 to index
      %swap3A_799 = arith.index_cast %add3A_796 : i32 to index
      %swap3A_800 = tpu.vector_load %arg7[%swap3A_798, %swap3A_799] {strides = array<i32>} : memref<128x320xf32, #tpu.memory_space<vmem>>, vector<1x16xf32>,
      %swap3A_801 = vector.shape_cast %swap3A_800 : vector<1x16xf32> to vector<16xf32>
      %swap3A_802 = vector.shape_cast %get3A_794 : vector<16xf32> to vector<1x16xf32>
      tpu.vector_store %arg7[%swap3A_798, %swap3A_799], %swap3A_802 {strides = array<i32>} : memref<128x320xf32, #tpu.memory_space<vmem>>, vector<1x16xf32>,
      %get3A_803 = arith.constant 1 : i32
      %get3A_804 = arith.constant 10 : i32
      %get3A_805 = arith.index_cast %get3A_803 : i32 to index
      %get3A_806 = arith.index_cast %get3A_804 : i32 to index
      %get3A_807 = arith.constant 0 : index
      %get3A_808 = tpu.vector_load %arg6[%get3A_805, %get3A_806, %get3A_807] {strides = array<i32>} : memref<3x16x128xf32, #tpu.memory_space<vmem>>, vector<1x1x16xf32>,
      %get3A_809 = vector.shape_cast %get3A_808 : vector<1x1x16xf32> to vector<16xf32>
      %swap3A_810 = arith.constant 26 : i32
      %swap3A_811 = arith.index_cast %swap3A_810 : i32 to index
      %swap3A_812 = arith.index_cast %mul3A_522 : i32 to index
      %swap3A_813 = tpu.vector_load %arg7[%swap3A_811, %swap3A_812] {strides = array<i32>} : memref<128x320xf32, #tpu.memory_space<vmem>>, vector<1x16xf32>,
      %swap3A_814 = vector.shape_cast %swap3A_813 : vector<1x16xf32> to vector<16xf32>
      %swap3A_815 = vector.shape_cast %get3A_809 : vector<16xf32> to vector<1x16xf32>
      tpu.vector_store %arg7[%swap3A_811, %swap3A_812], %swap3A_815 {strides = array<i32>} : memref<128x320xf32, #tpu.memory_space<vmem>>, vector<1x16xf32>,
      %get3A_816 = arith.constant 1 : i32
      %get3A_817 = arith.constant 10 : i32
      %get3A_818 = arith.index_cast %get3A_816 : i32 to index
      %get3A_819 = arith.index_cast %get3A_817 : i32 to index
      %get3A_820 = arith.constant 16 : index
      %get3A_821 = tpu.vector_load %arg6[%get3A_818, %get3A_819, %get3A_820] {strides = array<i32>} : memref<3x16x128xf32, #tpu.memory_space<vmem>>, vector<1x1x16xf32>,
      %get3A_822 = vector.shape_cast %get3A_821 : vector<1x1x16xf32> to vector<16xf32>
      %add3A_823 = arith.constant 16 : i32
      %add3A_824 = arith.addi %mul3A_522, %add3A_823 : i32
      %swap3A_825 = arith.constant 26 : i32
      %swap3A_826 = arith.index_cast %swap3A_825 : i32 to index
      %swap3A_827 = arith.index_cast %add3A_824 : i32 to index
      %swap3A_828 = tpu.vector_load %arg7[%swap3A_826, %swap3A_827] {strides = array<i32>} : memref<128x320xf32, #tpu.memory_space<vmem>>, vector<1x16xf32>,
      %swap3A_829 = vector.shape_cast %swap3A_828 : vector<1x16xf32> to vector<16xf32>
      %swap3A_830 = vector.shape_cast %get3A_822 : vector<16xf32> to vector<1x16xf32>
      tpu.vector_store %arg7[%swap3A_826, %swap3A_827], %swap3A_830 {strides = array<i32>} : memref<128x320xf32, #tpu.memory_space<vmem>>, vector<1x16xf32>,
      %get3A_831 = arith.constant 1 : i32
      %get3A_832 = arith.constant 11 : i32
      %get3A_833 = arith.index_cast %get3A_831 : i32 to index
      %get3A_834 = arith.index_cast %get3A_832 : i32 to index
      %get3A_835 = arith.constant 0 : index
      %get3A_836 = tpu.vector_load %arg6[%get3A_833, %get3A_834, %get3A_835] {strides = array<i32>} : memref<3x16x128xf32, #tpu.memory_space<vmem>>, vector<1x1x16xf32>,
      %get3A_837 = vector.shape_cast %get3A_836 : vector<1x1x16xf32> to vector<16xf32>
      %swap3A_838 = arith.constant 27 : i32
      %swap3A_839 = arith.index_cast %swap3A_838 : i32 to index
      %swap3A_840 = arith.index_cast %mul3A_522 : i32 to index
      %swap3A_841 = tpu.vector_load %arg7[%swap3A_839, %swap3A_840] {strides = array<i32>} : memref<128x320xf32, #tpu.memory_space<vmem>>, vector<1x16xf32>,
      %swap3A_842 = vector.shape_cast %swap3A_841 : vector<1x16xf32> to vector<16xf32>
      %swap3A_843 = vector.shape_cast %get3A_837 : vector<16xf32> to vector<1x16xf32>
      tpu.vector_store %arg7[%swap3A_839, %swap3A_840], %swap3A_843 {strides = array<i32>} : memref<128x320xf32, #tpu.memory_space<vmem>>, vector<1x16xf32>,
      %get3A_844 = arith.constant 1 : i32
      %get3A_845 = arith.constant 11 : i32
      %get3A_846 = arith.index_cast %get3A_844 : i32 to index
      %get3A_847 = arith.index_cast %get3A_845 : i32 to index
      %get3A_848 = arith.constant 16 : index
      %get3A_849 = tpu.vector_load %arg6[%get3A_846, %get3A_847, %get3A_848] {strides = array<i32>} : memref<3x16x128xf32, #tpu.memory_space<vmem>>, vector<1x1x16xf32>,
      %get3A_850 = vector.shape_cast %get3A_849 : vector<1x1x16xf32> to vector<16xf32>
      %add3A_851 = arith.constant 16 : i32
      %add3A_852 = arith.addi %mul3A_522, %add3A_851 : i32
      %swap3A_853 = arith.constant 27 : i32
      %swap3A_854 = arith.index_cast %swap3A_853 : i32 to index
      %swap3A_855 = arith.index_cast %add3A_852 : i32 to index
      %swap3A_856 = tpu.vector_load %arg7[%swap3A_854, %swap3A_855] {strides = array<i32>} : memref<128x320xf32, #tpu.memory_space<vmem>>, vector<1x16xf32>,
      %swap3A_857 = vector.shape_cast %swap3A_856 : vector<1x16xf32> to vector<16xf32>
      %swap3A_858 = vector.shape_cast %get3A_850 : vector<16xf32> to vector<1x16xf32>
      tpu.vector_store %arg7[%swap3A_854, %swap3A_855], %swap3A_858 {strides = array<i32>} : memref<128x320xf32, #tpu.memory_space<vmem>>, vector<1x16xf32>,
      %get3A_859 = arith.constant 1 : i32
      %get3A_860 = arith.constant 12 : i32
      %get3A_861 = arith.index_cast %get3A_859 : i32 to index
      %get3A_862 = arith.index_cast %get3A_860 : i32 to index
      %get3A_863 = arith.constant 0 : index
      %get3A_864 = tpu.vector_load %arg6[%get3A_861, %get3A_862, %get3A_863] {strides = array<i32>} : memref<3x16x128xf32, #tpu.memory_space<vmem>>, vector<1x1x16xf32>,
      %get3A_865 = vector.shape_cast %get3A_864 : vector<1x1x16xf32> to vector<16xf32>
      %swap3A_866 = arith.constant 28 : i32
      %swap3A_867 = arith.index_cast %swap3A_866 : i32 to index
      %swap3A_868 = arith.index_cast %mul3A_522 : i32 to index
      %swap3A_869 = tpu.vector_load %arg7[%swap3A_867, %swap3A_868] {strides = array<i32>} : memref<128x320xf32, #tpu.memory_space<vmem>>, vector<1x16xf32>,
      %swap3A_870 = vector.shape_cast %swap3A_869 : vector<1x16xf32> to vector<16xf32>
      %swap3A_871 = vector.shape_cast %get3A_865 : vector<16xf32> to vector<1x16xf32>
      tpu.vector_store %arg7[%swap3A_867, %swap3A_868], %swap3A_871 {strides = array<i32>} : memref<128x320xf32, #tpu.memory_space<vmem>>, vector<1x16xf32>,
      %get3A_872 = arith.constant 1 : i32
      %get3A_873 = arith.constant 12 : i32
      %get3A_874 = arith.index_cast %get3A_872 : i32 to index
      %get3A_875 = arith.index_cast %get3A_873 : i32 to index
      %get3A_876 = arith.constant 16 : index
      %get3A_877 = tpu.vector_load %arg6[%get3A_874, %get3A_875, %get3A_876] {strides = array<i32>} : memref<3x16x128xf32, #tpu.memory_space<vmem>>, vector<1x1x16xf32>,
      %get3A_878 = vector.shape_cast %get3A_877 : vector<1x1x16xf32> to vector<16xf32>
      %add3A_879 = arith.constant 16 : i32
      %add3A_880 = arith.addi %mul3A_522, %add3A_879 : i32
      %swap3A_881 = arith.constant 28 : i32
      %swap3A_882 = arith.index_cast %swap3A_881 : i32 to index
      %swap3A_883 = arith.index_cast %add3A_880 : i32 to index
      %swap3A_884 = tpu.vector_load %arg7[%swap3A_882, %swap3A_883] {strides = array<i32>} : memref<128x320xf32, #tpu.memory_space<vmem>>, vector<1x16xf32>,
      %swap3A_885 = vector.shape_cast %swap3A_884 : vector<1x16xf32> to vector<16xf32>
      %swap3A_886 = vector.shape_cast %get3A_878 : vector<16xf32> to vector<1x16xf32>
      tpu.vector_store %arg7[%swap3A_882, %swap3A_883], %swap3A_886 {strides = array<i32>} : memref<128x320xf32, #tpu.memory_space<vmem>>, vector<1x16xf32>,
      %get3A_887 = arith.constant 1 : i32
      %get3A_888 = arith.constant 13 : i32
      %get3A_889 = arith.index_cast %get3A_887 : i32 to index
      %get3A_890 = arith.index_cast %get3A_888 : i32 to index
      %get3A_891 = arith.constant 0 : index
      %get3A_892 = tpu.vector_load %arg6[%get3A_889, %get3A_890, %get3A_891] {strides = array<i32>} : memref<3x16x128xf32, #tpu.memory_space<vmem>>, vector<1x1x16xf32>,
      %get3A_893 = vector.shape_cast %get3A_892 : vector<1x1x16xf32> to vector<16xf32>
      %swap3A_894 = arith.constant 29 : i32
      %swap3A_895 = arith.index_cast %swap3A_894 : i32 to index
      %swap3A_896 = arith.index_cast %mul3A_522 : i32 to index
      %swap3A_897 = tpu.vector_load %arg7[%swap3A_895, %swap3A_896] {strides = array<i32>} : memref<128x320xf32, #tpu.memory_space<vmem>>, vector<1x16xf32>,
      %swap3A_898 = vector.shape_cast %swap3A_897 : vector<1x16xf32> to vector<16xf32>
      %swap3A_899 = vector.shape_cast %get3A_893 : vector<16xf32> to vector<1x16xf32>
      tpu.vector_store %arg7[%swap3A_895, %swap3A_896], %swap3A_899 {strides = array<i32>} : memref<128x320xf32, #tpu.memory_space<vmem>>, vector<1x16xf32>,
      %get3A_900 = arith.constant 1 : i32
      %get3A_901 = arith.constant 13 : i32
      %get3A_902 = arith.index_cast %get3A_900 : i32 to index
      %get3A_903 = arith.index_cast %get3A_901 : i32 to index
      %get3A_904 = arith.constant 16 : index
      %get3A_905 = tpu.vector_load %arg6[%get3A_902, %get3A_903, %get3A_904] {strides = array<i32>} : memref<3x16x128xf32, #tpu.memory_space<vmem>>, vector<1x1x16xf32>,
      %get3A_906 = vector.shape_cast %get3A_905 : vector<1x1x16xf32> to vector<16xf32>
      %add3A_907 = arith.constant 16 : i32
      %add3A_908 = arith.addi %mul3A_522, %add3A_907 : i32
      %swap3A_909 = arith.constant 29 : i32
      %swap3A_910 = arith.index_cast %swap3A_909 : i32 to index
      %swap3A_911 = arith.index_cast %add3A_908 : i32 to index
      %swap3A_912 = tpu.vector_load %arg7[%swap3A_910, %swap3A_911] {strides = array<i32>} : memref<128x320xf32, #tpu.memory_space<vmem>>, vector<1x16xf32>,
      %swap3A_913 = vector.shape_cast %swap3A_912 : vector<1x16xf32> to vector<16xf32>
      %swap3A_914 = vector.shape_cast %get3A_906 : vector<16xf32> to vector<1x16xf32>
      tpu.vector_store %arg7[%swap3A_910, %swap3A_911], %swap3A_914 {strides = array<i32>} : memref<128x320xf32, #tpu.memory_space<vmem>>, vector<1x16xf32>,
      %get3A_915 = arith.constant 1 : i32
      %get3A_916 = arith.constant 14 : i32
      %get3A_917 = arith.index_cast %get3A_915 : i32 to index
      %get3A_918 = arith.index_cast %get3A_916 : i32 to index
      %get3A_919 = arith.constant 0 : index
      %get3A_920 = tpu.vector_load %arg6[%get3A_917, %get3A_918, %get3A_919] {strides = array<i32>} : memref<3x16x128xf32, #tpu.memory_space<vmem>>, vector<1x1x16xf32>,
      %get3A_921 = vector.shape_cast %get3A_920 : vector<1x1x16xf32> to vector<16xf32>
      %swap3A_922 = arith.constant 30 : i32
      %swap3A_923 = arith.index_cast %swap3A_922 : i32 to index
      %swap3A_924 = arith.index_cast %mul3A_522 : i32 to index
      %swap3A_925 = tpu.vector_load %arg7[%swap3A_923, %swap3A_924] {strides = array<i32>} : memref<128x320xf32, #tpu.memory_space<vmem>>, vector<1x16xf32>,
      %swap3A_926 = vector.shape_cast %swap3A_925 : vector<1x16xf32> to vector<16xf32>
      %swap3A_927 = vector.shape_cast %get3A_921 : vector<16xf32> to vector<1x16xf32>
      tpu.vector_store %arg7[%swap3A_923, %swap3A_924], %swap3A_927 {strides = array<i32>} : memref<128x320xf32, #tpu.memory_space<vmem>>, vector<1x16xf32>,
      %get3A_928 = arith.constant 1 : i32
      %get3A_929 = arith.constant 14 : i32
      %get3A_930 = arith.index_cast %get3A_928 : i32 to index
      %get3A_931 = arith.index_cast %get3A_929 : i32 to index
      %get3A_932 = arith.constant 16 : index
      %get3A_933 = tpu.vector_load %arg6[%get3A_930, %get3A_931, %get3A_932] {strides = array<i32>} : memref<3x16x128xf32, #tpu.memory_space<vmem>>, vector<1x1x16xf32>,
      %get3A_934 = vector.shape_cast %get3A_933 : vector<1x1x16xf32> to vector<16xf32>
      %add3A_935 = arith.constant 16 : i32
      %add3A_936 = arith.addi %mul3A_522, %add3A_935 : i32
      %swap3A_937 = arith.constant 30 : i32
      %swap3A_938 = arith.index_cast %swap3A_937 : i32 to index
      %swap3A_939 = arith.index_cast %add3A_936 : i32 to index
      %swap3A_940 = tpu.vector_load %arg7[%swap3A_938, %swap3A_939] {strides = array<i32>} : memref<128x320xf32, #tpu.memory_space<vmem>>, vector<1x16xf32>,
      %swap3A_941 = vector.shape_cast %swap3A_940 : vector<1x16xf32> to vector<16xf32>
      %swap3A_942 = vector.shape_cast %get3A_934 : vector<16xf32> to vector<1x16xf32>
      tpu.vector_store %arg7[%swap3A_938, %swap3A_939], %swap3A_942 {strides = array<i32>} : memref<128x320xf32, #tpu.memory_space<vmem>>, vector<1x16xf32>,
      %get3A_943 = arith.constant 1 : i32
      %get3A_944 = arith.constant 15 : i32
      %get3A_945 = arith.index_cast %get3A_943 : i32 to index
      %get3A_946 = arith.index_cast %get3A_944 : i32 to index
      %get3A_947 = arith.constant 0 : index
      %get3A_948 = tpu.vector_load %arg6[%get3A_945, %get3A_946, %get3A_947] {strides = array<i32>} : memref<3x16x128xf32, #tpu.memory_space<vmem>>, vector<1x1x16xf32>,
      %get3A_949 = vector.shape_cast %get3A_948 : vector<1x1x16xf32> to vector<16xf32>
      %swap3A_950 = arith.constant 31 : i32
      %swap3A_951 = arith.index_cast %swap3A_950 : i32 to index
      %swap3A_952 = arith.index_cast %mul3A_522 : i32 to index
      %swap3A_953 = tpu.vector_load %arg7[%swap3A_951, %swap3A_952] {strides = array<i32>} : memref<128x320xf32, #tpu.memory_space<vmem>>, vector<1x16xf32>,
      %swap3A_954 = vector.shape_cast %swap3A_953 : vector<1x16xf32> to vector<16xf32>
      %swap3A_955 = vector.shape_cast %get3A_949 : vector<16xf32> to vector<1x16xf32>
      tpu.vector_store %arg7[%swap3A_951, %swap3A_952], %swap3A_955 {strides = array<i32>} : memref<128x320xf32, #tpu.memory_space<vmem>>, vector<1x16xf32>,
      %get3A_956 = arith.constant 1 : i32
      %get3A_957 = arith.constant 15 : i32
      %get3A_958 = arith.index_cast %get3A_956 : i32 to index
      %get3A_959 = arith.index_cast %get3A_957 : i32 to index
      %get3A_960 = arith.constant 16 : index
      %get3A_961 = tpu.vector_load %arg6[%get3A_958, %get3A_959, %get3A_960] {strides = array<i32>} : memref<3x16x128xf32, #tpu.memory_space<vmem>>, vector<1x1x16xf32>,
      %get3A_962 = vector.shape_cast %get3A_961 : vector<1x1x16xf32> to vector<16xf32>
      %add3A_963 = arith.constant 16 : i32
      %add3A_964 = arith.addi %mul3A_522, %add3A_963 : i32
      %swap3A_965 = arith.constant 31 : i32
      %swap3A_966 = arith.index_cast %swap3A_965 : i32 to index
      %swap3A_967 = arith.index_cast %add3A_964 : i32 to index
      %swap3A_968 = tpu.vector_load %arg7[%swap3A_966, %swap3A_967] {strides = array<i32>} : memref<128x320xf32, #tpu.memory_space<vmem>>, vector<1x16xf32>,
      %swap3A_969 = vector.shape_cast %swap3A_968 : vector<1x16xf32> to vector<16xf32>
      %swap3A_970 = vector.shape_cast %get3A_962 : vector<16xf32> to vector<1x16xf32>
      tpu.vector_store %arg7[%swap3A_966, %swap3A_967], %swap3A_970 {strides = array<i32>} : memref<128x320xf32, #tpu.memory_space<vmem>>, vector<1x16xf32>,
      %get3A_971 = arith.index_cast %scan3A_9 : i32 to index
      %get3A_972 = arith.constant 64 : index
      %get3A_973 = tpu.vector_load %arg5[%get3A_971, %get3A_972] {strides = array<i32>} : memref<10x128xi32, #tpu.memory_space<vmem>>, vector<1x16xi32>,
      %get3A_974 = vector.shape_cast %get3A_973 : vector<1x16xi32> to vector<16xi32>
      %dma_start3A_975 = arith.constant 1 : i32
      %dma_start3A_976 = arith.constant 0 : i32
      %dma_start3A_977 = arith.constant 0 : i32
      %dma_start3A_978 = tpu.memref_slice %arg6[%dma_start3A_975, %dma_start3A_976, %dma_start3A_977] : memref<3x16x128xf32, #tpu.memory_space<vmem>> -> memref<1x16x128xf32, #tpu.memory_space<vmem>>
      %dma_start3A_979 = tpu.memref_squeeze %dma_start3A_978 : memref<1x16x128xf32, #tpu.memory_space<vmem>> -> memref<16x128xf32, #tpu.memory_space<vmem>>
      %dma_start3A_980 = arith.constant 0 : i32
      %dma_start3A_981 = arith.constant 0 : i32
      %dma_start3A_982 = tpu.memref_slice %arg2[%dma_start3A_980, %dma_start3A_981] : memref<1000000x128xf32, #tpu.memory_space<hbm>> -> memref<1000000x128xf32, #tpu.memory_space<hbm>>
      tpu.enqueue_indirect_dma source(%dma_start3A_982 : memref<1000000x128xf32, #tpu.memory_space<hbm>>) target(%dma_start3A_979 : memref<16x128xf32, #tpu.memory_space<vmem>>) offsets(%get3A_974 : vector<16xi32>) semaphore(%arg9 : memref<!tpu.dma_semaphore, #tpu.memory_space<semaphore_mem>>)
      %dma_wait3A_983 = arith.constant 2 : i32
      %dma_wait3A_984 = arith.constant 0 : i32
      %dma_wait3A_985 = arith.constant 0 : i32
      %dma_wait3A_986 = tpu.memref_slice %arg6[%dma_wait3A_983, %dma_wait3A_984, %dma_wait3A_985] : memref<3x16x128xf32, #tpu.memory_space<vmem>> -> memref<1x16x128xf32, #tpu.memory_space<vmem>>
      %dma_wait3A_987 = tpu.memref_squeeze %dma_wait3A_986 : memref<1x16x128xf32, #tpu.memory_space<vmem>> -> memref<16x128xf32, #tpu.memory_space<vmem>>
      %dma_wait3A_988 = arith.constant 0 : i32
      %dma_wait3A_989 = arith.constant 0 : i32
      %dma_wait3A_990 = tpu.memref_slice %arg2[%dma_wait3A_988, %dma_wait3A_989] : memref<1000000x128xf32, #tpu.memory_space<hbm>> -> memref<1000000x128xf32, #tpu.memory_space<hbm>>
      tpu.wait_indirect_dma semaphore(%arg10 : memref<!tpu.dma_semaphore, #tpu.memory_space<semaphore_mem>>) src(%dma_wait3A_990 : memref<1000000x128xf32, #tpu.memory_space<hbm>>) dst(%dma_wait3A_987 : memref<16x128xf32, #tpu.memory_space<vmem>>)
      %mul3A_991 = arith.constant 32 : i32
      %mul3A_992 = arith.muli %scan3A_9, %mul3A_991 : i32
      %get3A_993 = arith.constant 2 : i32
      %get3A_994 = arith.constant 0 : i32
      %get3A_995 = arith.index_cast %get3A_993 : i32 to index
      %get3A_996 = arith.index_cast %get3A_994 : i32 to index
      %get3A_997 = arith.constant 0 : index
      %get3A_998 = tpu.vector_load %arg6[%get3A_995, %get3A_996, %get3A_997] {strides = array<i32>} : memref<3x16x128xf32, #tpu.memory_space<vmem>>, vector<1x1x16xf32>,
      %get3A_999 = vector.shape_cast %get3A_998 : vector<1x1x16xf32> to vector<16xf32>
      %swap3A_1000 = arith.constant 32 : i32
      %swap3A_1001 = arith.index_cast %swap3A_1000 : i32 to index
      %swap3A_1002 = arith.index_cast %mul3A_992 : i32 to index
      %swap3A_1003 = tpu.vector_load %arg7[%swap3A_1001, %swap3A_1002] {strides = array<i32>} : memref<128x320xf32, #tpu.memory_space<vmem>>, vector<1x16xf32>,
      %swap3A_1004 = vector.shape_cast %swap3A_1003 : vector<1x16xf32> to vector<16xf32>
      %swap3A_1005 = vector.shape_cast %get3A_999 : vector<16xf32> to vector<1x16xf32>
      tpu.vector_store %arg7[%swap3A_1001, %swap3A_1002], %swap3A_1005 {strides = array<i32>} : memref<128x320xf32, #tpu.memory_space<vmem>>, vector<1x16xf32>,
      %get3A_1006 = arith.constant 2 : i32
      %get3A_1007 = arith.constant 0 : i32
      %get3A_1008 = arith.index_cast %get3A_1006 : i32 to index
      %get3A_1009 = arith.index_cast %get3A_1007 : i32 to index
      %get3A_1010 = arith.constant 16 : index
      %get3A_1011 = tpu.vector_load %arg6[%get3A_1008, %get3A_1009, %get3A_1010] {strides = array<i32>} : memref<3x16x128xf32, #tpu.memory_space<vmem>>, vector<1x1x16xf32>,
      %get3A_1012 = vector.shape_cast %get3A_1011 : vector<1x1x16xf32> to vector<16xf32>
      %add3A_1013 = arith.constant 16 : i32
      %add3A_1014 = arith.addi %mul3A_992, %add3A_1013 : i32
      %swap3A_1015 = arith.constant 32 : i32
      %swap3A_1016 = arith.index_cast %swap3A_1015 : i32 to index
      %swap3A_1017 = arith.index_cast %add3A_1014 : i32 to index
      %swap3A_1018 = tpu.vector_load %arg7[%swap3A_1016, %swap3A_1017] {strides = array<i32>} : memref<128x320xf32, #tpu.memory_space<vmem>>, vector<1x16xf32>,
      %swap3A_1019 = vector.shape_cast %swap3A_1018 : vector<1x16xf32> to vector<16xf32>
      %swap3A_1020 = vector.shape_cast %get3A_1012 : vector<16xf32> to vector<1x16xf32>
      tpu.vector_store %arg7[%swap3A_1016, %swap3A_1017], %swap3A_1020 {strides = array<i32>} : memref<128x320xf32, #tpu.memory_space<vmem>>, vector<1x16xf32>,
      %get3A_1021 = arith.constant 2 : i32
      %get3A_1022 = arith.constant 1 : i32
      %get3A_1023 = arith.index_cast %get3A_1021 : i32 to index
      %get3A_1024 = arith.index_cast %get3A_1022 : i32 to index
      %get3A_1025 = arith.constant 0 : index
      %get3A_1026 = tpu.vector_load %arg6[%get3A_1023, %get3A_1024, %get3A_1025] {strides = array<i32>} : memref<3x16x128xf32, #tpu.memory_space<vmem>>, vector<1x1x16xf32>,
      %get3A_1027 = vector.shape_cast %get3A_1026 : vector<1x1x16xf32> to vector<16xf32>
      %swap3A_1028 = arith.constant 33 : i32
      %swap3A_1029 = arith.index_cast %swap3A_1028 : i32 to index
      %swap3A_1030 = arith.index_cast %mul3A_992 : i32 to index
      %swap3A_1031 = tpu.vector_load %arg7[%swap3A_1029, %swap3A_1030] {strides = array<i32>} : memref<128x320xf32, #tpu.memory_space<vmem>>, vector<1x16xf32>,
      %swap3A_1032 = vector.shape_cast %swap3A_1031 : vector<1x16xf32> to vector<16xf32>
      %swap3A_1033 = vector.shape_cast %get3A_1027 : vector<16xf32> to vector<1x16xf32>
      tpu.vector_store %arg7[%swap3A_1029, %swap3A_1030], %swap3A_1033 {strides = array<i32>} : memref<128x320xf32, #tpu.memory_space<vmem>>, vector<1x16xf32>,
      %get3A_1034 = arith.constant 2 : i32
      %get3A_1035 = arith.constant 1 : i32
      %get3A_1036 = arith.index_cast %get3A_1034 : i32 to index
      %get3A_1037 = arith.index_cast %get3A_1035 : i32 to index
      %get3A_1038 = arith.constant 16 : index
      %get3A_1039 = tpu.vector_load %arg6[%get3A_1036, %get3A_1037, %get3A_1038] {strides = array<i32>} : memref<3x16x128xf32, #tpu.memory_space<vmem>>, vector<1x1x16xf32>,
      %get3A_1040 = vector.shape_cast %get3A_1039 : vector<1x1x16xf32> to vector<16xf32>
      %add3A_1041 = arith.constant 16 : i32
      %add3A_1042 = arith.addi %mul3A_992, %add3A_1041 : i32
      %swap3A_1043 = arith.constant 33 : i32
      %swap3A_1044 = arith.index_cast %swap3A_1043 : i32 to index
      %swap3A_1045 = arith.index_cast %add3A_1042 : i32 to index
      %swap3A_1046 = tpu.vector_load %arg7[%swap3A_1044, %swap3A_1045] {strides = array<i32>} : memref<128x320xf32, #tpu.memory_space<vmem>>, vector<1x16xf32>,
      %swap3A_1047 = vector.shape_cast %swap3A_1046 : vector<1x16xf32> to vector<16xf32>
      %swap3A_1048 = vector.shape_cast %get3A_1040 : vector<16xf32> to vector<1x16xf32>
      tpu.vector_store %arg7[%swap3A_1044, %swap3A_1045], %swap3A_1048 {strides = array<i32>} : memref<128x320xf32, #tpu.memory_space<vmem>>, vector<1x16xf32>,
      %get3A_1049 = arith.constant 2 : i32
      %get3A_1050 = arith.constant 2 : i32
      %get3A_1051 = arith.index_cast %get3A_1049 : i32 to index
      %get3A_1052 = arith.index_cast %get3A_1050 : i32 to index
      %get3A_1053 = arith.constant 0 : index
      %get3A_1054 = tpu.vector_load %arg6[%get3A_1051, %get3A_1052, %get3A_1053] {strides = array<i32>} : memref<3x16x128xf32, #tpu.memory_space<vmem>>, vector<1x1x16xf32>,
      %get3A_1055 = vector.shape_cast %get3A_1054 : vector<1x1x16xf32> to vector<16xf32>
      %swap3A_1056 = arith.constant 34 : i32
      %swap3A_1057 = arith.index_cast %swap3A_1056 : i32 to index
      %swap3A_1058 = arith.index_cast %mul3A_992 : i32 to index
      %swap3A_1059 = tpu.vector_load %arg7[%swap3A_1057, %swap3A_1058] {strides = array<i32>} : memref<128x320xf32, #tpu.memory_space<vmem>>, vector<1x16xf32>,
      %swap3A_1060 = vector.shape_cast %swap3A_1059 : vector<1x16xf32> to vector<16xf32>
      %swap3A_1061 = vector.shape_cast %get3A_1055 : vector<16xf32> to vector<1x16xf32>
      tpu.vector_store %arg7[%swap3A_1057, %swap3A_1058], %swap3A_1061 {strides = array<i32>} : memref<128x320xf32, #tpu.memory_space<vmem>>, vector<1x16xf32>,
      %get3A_1062 = arith.constant 2 : i32
      %get3A_1063 = arith.constant 2 : i32
      %get3A_1064 = arith.index_cast %get3A_1062 : i32 to index
      %get3A_1065 = arith.index_cast %get3A_1063 : i32 to index
      %get3A_1066 = arith.constant 16 : index
      %get3A_1067 = tpu.vector_load %arg6[%get3A_1064, %get3A_1065, %get3A_1066] {strides = array<i32>} : memref<3x16x128xf32, #tpu.memory_space<vmem>>, vector<1x1x16xf32>,
      %get3A_1068 = vector.shape_cast %get3A_1067 : vector<1x1x16xf32> to vector<16xf32>
      %add3A_1069 = arith.constant 16 : i32
      %add3A_1070 = arith.addi %mul3A_992, %add3A_1069 : i32
      %swap3A_1071 = arith.constant 34 : i32
      %swap3A_1072 = arith.index_cast %swap3A_1071 : i32 to index
      %swap3A_1073 = arith.index_cast %add3A_1070 : i32 to index
      %swap3A_1074 = tpu.vector_load %arg7[%swap3A_1072, %swap3A_1073] {strides = array<i32>} : memref<128x320xf32, #tpu.memory_space<vmem>>, vector<1x16xf32>,
      %swap3A_1075 = vector.shape_cast %swap3A_1074 : vector<1x16xf32> to vector<16xf32>
      %swap3A_1076 = vector.shape_cast %get3A_1068 : vector<16xf32> to vector<1x16xf32>
      tpu.vector_store %arg7[%swap3A_1072, %swap3A_1073], %swap3A_1076 {strides = array<i32>} : memref<128x320xf32, #tpu.memory_space<vmem>>, vector<1x16xf32>,
      %get3A_1077 = arith.constant 2 : i32
      %get3A_1078 = arith.constant 3 : i32
      %get3A_1079 = arith.index_cast %get3A_1077 : i32 to index
      %get3A_1080 = arith.index_cast %get3A_1078 : i32 to index
      %get3A_1081 = arith.constant 0 : index
      %get3A_1082 = tpu.vector_load %arg6[%get3A_1079, %get3A_1080, %get3A_1081] {strides = array<i32>} : memref<3x16x128xf32, #tpu.memory_space<vmem>>, vector<1x1x16xf32>,
      %get3A_1083 = vector.shape_cast %get3A_1082 : vector<1x1x16xf32> to vector<16xf32>
      %swap3A_1084 = arith.constant 35 : i32
      %swap3A_1085 = arith.index_cast %swap3A_1084 : i32 to index
      %swap3A_1086 = arith.index_cast %mul3A_992 : i32 to index
      %swap3A_1087 = tpu.vector_load %arg7[%swap3A_1085, %swap3A_1086] {strides = array<i32>} : memref<128x320xf32, #tpu.memory_space<vmem>>, vector<1x16xf32>,
      %swap3A_1088 = vector.shape_cast %swap3A_1087 : vector<1x16xf32> to vector<16xf32>
      %swap3A_1089 = vector.shape_cast %get3A_1083 : vector<16xf32> to vector<1x16xf32>
      tpu.vector_store %arg7[%swap3A_1085, %swap3A_1086], %swap3A_1089 {strides = array<i32>} : memref<128x320xf32, #tpu.memory_space<vmem>>, vector<1x16xf32>,
      %get3A_1090 = arith.constant 2 : i32
      %get3A_1091 = arith.constant 3 : i32
      %get3A_1092 = arith.index_cast %get3A_1090 : i32 to index
      %get3A_1093 = arith.index_cast %get3A_1091 : i32 to index
      %get3A_1094 = arith.constant 16 : index
      %get3A_1095 = tpu.vector_load %arg6[%get3A_1092, %get3A_1093, %get3A_1094] {strides = array<i32>} : memref<3x16x128xf32, #tpu.memory_space<vmem>>, vector<1x1x16xf32>,
      %get3A_1096 = vector.shape_cast %get3A_1095 : vector<1x1x16xf32> to vector<16xf32>
      %add3A_1097 = arith.constant 16 : i32
      %add3A_1098 = arith.addi %mul3A_992, %add3A_1097 : i32
      %swap3A_1099 = arith.constant 35 : i32
      %swap3A_1100 = arith.index_cast %swap3A_1099 : i32 to index
      %swap3A_1101 = arith.index_cast %add3A_1098 : i32 to index
      %swap3A_1102 = tpu.vector_load %arg7[%swap3A_1100, %swap3A_1101] {strides = array<i32>} : memref<128x320xf32, #tpu.memory_space<vmem>>, vector<1x16xf32>,
      %swap3A_1103 = vector.shape_cast %swap3A_1102 : vector<1x16xf32> to vector<16xf32>
      %swap3A_1104 = vector.shape_cast %get3A_1096 : vector<16xf32> to vector<1x16xf32>
      tpu.vector_store %arg7[%swap3A_1100, %swap3A_1101], %swap3A_1104 {strides = array<i32>} : memref<128x320xf32, #tpu.memory_space<vmem>>, vector<1x16xf32>,
      %get3A_1105 = arith.constant 2 : i32
      %get3A_1106 = arith.constant 4 : i32
      %get3A_1107 = arith.index_cast %get3A_1105 : i32 to index
      %get3A_1108 = arith.index_cast %get3A_1106 : i32 to index
      %get3A_1109 = arith.constant 0 : index
      %get3A_1110 = tpu.vector_load %arg6[%get3A_1107, %get3A_1108, %get3A_1109] {strides = array<i32>} : memref<3x16x128xf32, #tpu.memory_space<vmem>>, vector<1x1x16xf32>,
      %get3A_1111 = vector.shape_cast %get3A_1110 : vector<1x1x16xf32> to vector<16xf32>
      %swap3A_1112 = arith.constant 36 : i32
      %swap3A_1113 = arith.index_cast %swap3A_1112 : i32 to index
      %swap3A_1114 = arith.index_cast %mul3A_992 : i32 to index
      %swap3A_1115 = tpu.vector_load %arg7[%swap3A_1113, %swap3A_1114] {strides = array<i32>} : memref<128x320xf32, #tpu.memory_space<vmem>>, vector<1x16xf32>,
      %swap3A_1116 = vector.shape_cast %swap3A_1115 : vector<1x16xf32> to vector<16xf32>
      %swap3A_1117 = vector.shape_cast %get3A_1111 : vector<16xf32> to vector<1x16xf32>
      tpu.vector_store %arg7[%swap3A_1113, %swap3A_1114], %swap3A_1117 {strides = array<i32>} : memref<128x320xf32, #tpu.memory_space<vmem>>, vector<1x16xf32>,
      %get3A_1118 = arith.constant 2 : i32
      %get3A_1119 = arith.constant 4 : i32
      %get3A_1120 = arith.index_cast %get3A_1118 : i32 to index
      %get3A_1121 = arith.index_cast %get3A_1119 : i32 to index
      %get3A_1122 = arith.constant 16 : index
      %get3A_1123 = tpu.vector_load %arg6[%get3A_1120, %get3A_1121, %get3A_1122] {strides = array<i32>} : memref<3x16x128xf32, #tpu.memory_space<vmem>>, vector<1x1x16xf32>,
      %get3A_1124 = vector.shape_cast %get3A_1123 : vector<1x1x16xf32> to vector<16xf32>
      %add3A_1125 = arith.constant 16 : i32
      %add3A_1126 = arith.addi %mul3A_992, %add3A_1125 : i32
      %swap3A_1127 = arith.constant 36 : i32
      %swap3A_1128 = arith.index_cast %swap3A_1127 : i32 to index
      %swap3A_1129 = arith.index_cast %add3A_1126 : i32 to index
      %swap3A_1130 = tpu.vector_load %arg7[%swap3A_1128, %swap3A_1129] {strides = array<i32>} : memref<128x320xf32, #tpu.memory_space<vmem>>, vector<1x16xf32>,
      %swap3A_1131 = vector.shape_cast %swap3A_1130 : vector<1x16xf32> to vector<16xf32>
      %swap3A_1132 = vector.shape_cast %get3A_1124 : vector<16xf32> to vector<1x16xf32>
      tpu.vector_store %arg7[%swap3A_1128, %swap3A_1129], %swap3A_1132 {strides = array<i32>} : memref<128x320xf32, #tpu.memory_space<vmem>>, vector<1x16xf32>,
      %get3A_1133 = arith.constant 2 : i32
      %get3A_1134 = arith.constant 5 : i32
      %get3A_1135 = arith.index_cast %get3A_1133 : i32 to index
      %get3A_1136 = arith.index_cast %get3A_1134 : i32 to index
      %get3A_1137 = arith.constant 0 : index
      %get3A_1138 = tpu.vector_load %arg6[%get3A_1135, %get3A_1136, %get3A_1137] {strides = array<i32>} : memref<3x16x128xf32, #tpu.memory_space<vmem>>, vector<1x1x16xf32>,
      %get3A_1139 = vector.shape_cast %get3A_1138 : vector<1x1x16xf32> to vector<16xf32>
      %swap3A_1140 = arith.constant 37 : i32
      %swap3A_1141 = arith.index_cast %swap3A_1140 : i32 to index
      %swap3A_1142 = arith.index_cast %mul3A_992 : i32 to index
      %swap3A_1143 = tpu.vector_load %arg7[%swap3A_1141, %swap3A_1142] {strides = array<i32>} : memref<128x320xf32, #tpu.memory_space<vmem>>, vector<1x16xf32>,
      %swap3A_1144 = vector.shape_cast %swap3A_1143 : vector<1x16xf32> to vector<16xf32>
      %swap3A_1145 = vector.shape_cast %get3A_1139 : vector<16xf32> to vector<1x16xf32>
      tpu.vector_store %arg7[%swap3A_1141, %swap3A_1142], %swap3A_1145 {strides = array<i32>} : memref<128x320xf32, #tpu.memory_space<vmem>>, vector<1x16xf32>,
      %get3A_1146 = arith.constant 2 : i32
      %get3A_1147 = arith.constant 5 : i32
      %get3A_1148 = arith.index_cast %get3A_1146 : i32 to index
      %get3A_1149 = arith.index_cast %get3A_1147 : i32 to index
      %get3A_1150 = arith.constant 16 : index
      %get3A_1151 = tpu.vector_load %arg6[%get3A_1148, %get3A_1149, %get3A_1150] {strides = array<i32>} : memref<3x16x128xf32, #tpu.memory_space<vmem>>, vector<1x1x16xf32>,
      %get3A_1152 = vector.shape_cast %get3A_1151 : vector<1x1x16xf32> to vector<16xf32>
      %add3A_1153 = arith.constant 16 : i32
      %add3A_1154 = arith.addi %mul3A_992, %add3A_1153 : i32
      %swap3A_1155 = arith.constant 37 : i32
      %swap3A_1156 = arith.index_cast %swap3A_1155 : i32 to index
      %swap3A_1157 = arith.index_cast %add3A_1154 : i32 to index
      %swap3A_1158 = tpu.vector_load %arg7[%swap3A_1156, %swap3A_1157] {strides = array<i32>} : memref<128x320xf32, #tpu.memory_space<vmem>>, vector<1x16xf32>,
      %swap3A_1159 = vector.shape_cast %swap3A_1158 : vector<1x16xf32> to vector<16xf32>
      %swap3A_1160 = vector.shape_cast %get3A_1152 : vector<16xf32> to vector<1x16xf32>
      tpu.vector_store %arg7[%swap3A_1156, %swap3A_1157], %swap3A_1160 {strides = array<i32>} : memref<128x320xf32, #tpu.memory_space<vmem>>, vector<1x16xf32>,
      %get3A_1161 = arith.constant 2 : i32
      %get3A_1162 = arith.constant 6 : i32
      %get3A_1163 = arith.index_cast %get3A_1161 : i32 to index
      %get3A_1164 = arith.index_cast %get3A_1162 : i32 to index
      %get3A_1165 = arith.constant 0 : index
      %get3A_1166 = tpu.vector_load %arg6[%get3A_1163, %get3A_1164, %get3A_1165] {strides = array<i32>} : memref<3x16x128xf32, #tpu.memory_space<vmem>>, vector<1x1x16xf32>,
      %get3A_1167 = vector.shape_cast %get3A_1166 : vector<1x1x16xf32> to vector<16xf32>
      %swap3A_1168 = arith.constant 38 : i32
      %swap3A_1169 = arith.index_cast %swap3A_1168 : i32 to index
      %swap3A_1170 = arith.index_cast %mul3A_992 : i32 to index
      %swap3A_1171 = tpu.vector_load %arg7[%swap3A_1169, %swap3A_1170] {strides = array<i32>} : memref<128x320xf32, #tpu.memory_space<vmem>>, vector<1x16xf32>,
      %swap3A_1172 = vector.shape_cast %swap3A_1171 : vector<1x16xf32> to vector<16xf32>
      %swap3A_1173 = vector.shape_cast %get3A_1167 : vector<16xf32> to vector<1x16xf32>
      tpu.vector_store %arg7[%swap3A_1169, %swap3A_1170], %swap3A_1173 {strides = array<i32>} : memref<128x320xf32, #tpu.memory_space<vmem>>, vector<1x16xf32>,
      %get3A_1174 = arith.constant 2 : i32
      %get3A_1175 = arith.constant 6 : i32
      %get3A_1176 = arith.index_cast %get3A_1174 : i32 to index
      %get3A_1177 = arith.index_cast %get3A_1175 : i32 to index
      %get3A_1178 = arith.constant 16 : index
      %get3A_1179 = tpu.vector_load %arg6[%get3A_1176, %get3A_1177, %get3A_1178] {strides = array<i32>} : memref<3x16x128xf32, #tpu.memory_space<vmem>>, vector<1x1x16xf32>,
      %get3A_1180 = vector.shape_cast %get3A_1179 : vector<1x1x16xf32> to vector<16xf32>
      %add3A_1181 = arith.constant 16 : i32
      %add3A_1182 = arith.addi %mul3A_992, %add3A_1181 : i32
      %swap3A_1183 = arith.constant 38 : i32
      %swap3A_1184 = arith.index_cast %swap3A_1183 : i32 to index
      %swap3A_1185 = arith.index_cast %add3A_1182 : i32 to index
      %swap3A_1186 = tpu.vector_load %arg7[%swap3A_1184, %swap3A_1185] {strides = array<i32>} : memref<128x320xf32, #tpu.memory_space<vmem>>, vector<1x16xf32>,
      %swap3A_1187 = vector.shape_cast %swap3A_1186 : vector<1x16xf32> to vector<16xf32>
      %swap3A_1188 = vector.shape_cast %get3A_1180 : vector<16xf32> to vector<1x16xf32>
      tpu.vector_store %arg7[%swap3A_1184, %swap3A_1185], %swap3A_1188 {strides = array<i32>} : memref<128x320xf32, #tpu.memory_space<vmem>>, vector<1x16xf32>,
      %get3A_1189 = arith.constant 2 : i32
      %get3A_1190 = arith.constant 7 : i32
      %get3A_1191 = arith.index_cast %get3A_1189 : i32 to index
      %get3A_1192 = arith.index_cast %get3A_1190 : i32 to index
      %get3A_1193 = arith.constant 0 : index
      %get3A_1194 = tpu.vector_load %arg6[%get3A_1191, %get3A_1192, %get3A_1193] {strides = array<i32>} : memref<3x16x128xf32, #tpu.memory_space<vmem>>, vector<1x1x16xf32>,
      %get3A_1195 = vector.shape_cast %get3A_1194 : vector<1x1x16xf32> to vector<16xf32>
      %swap3A_1196 = arith.constant 39 : i32
      %swap3A_1197 = arith.index_cast %swap3A_1196 : i32 to index
      %swap3A_1198 = arith.index_cast %mul3A_992 : i32 to index
      %swap3A_1199 = tpu.vector_load %arg7[%swap3A_1197, %swap3A_1198] {strides = array<i32>} : memref<128x320xf32, #tpu.memory_space<vmem>>, vector<1x16xf32>,
      %swap3A_1200 = vector.shape_cast %swap3A_1199 : vector<1x16xf32> to vector<16xf32>
      %swap3A_1201 = vector.shape_cast %get3A_1195 : vector<16xf32> to vector<1x16xf32>
      tpu.vector_store %arg7[%swap3A_1197, %swap3A_1198], %swap3A_1201 {strides = array<i32>} : memref<128x320xf32, #tpu.memory_space<vmem>>, vector<1x16xf32>,
      %get3A_1202 = arith.constant 2 : i32
      %get3A_1203 = arith.constant 7 : i32
      %get3A_1204 = arith.index_cast %get3A_1202 : i32 to index
      %get3A_1205 = arith.index_cast %get3A_1203 : i32 to index
      %get3A_1206 = arith.constant 16 : index
      %get3A_1207 = tpu.vector_load %arg6[%get3A_1204, %get3A_1205, %get3A_1206] {strides = array<i32>} : memref<3x16x128xf32, #tpu.memory_space<vmem>>, vector<1x1x16xf32>,
      %get3A_1208 = vector.shape_cast %get3A_1207 : vector<1x1x16xf32> to vector<16xf32>
      %add3A_1209 = arith.constant 16 : i32
      %add3A_1210 = arith.addi %mul3A_992, %add3A_1209 : i32
      %swap3A_1211 = arith.constant 39 : i32
      %swap3A_1212 = arith.index_cast %swap3A_1211 : i32 to index
      %swap3A_1213 = arith.index_cast %add3A_1210 : i32 to index
      %swap3A_1214 = tpu.vector_load %arg7[%swap3A_1212, %swap3A_1213] {strides = array<i32>} : memref<128x320xf32, #tpu.memory_space<vmem>>, vector<1x16xf32>,
      %swap3A_1215 = vector.shape_cast %swap3A_1214 : vector<1x16xf32> to vector<16xf32>
      %swap3A_1216 = vector.shape_cast %get3A_1208 : vector<16xf32> to vector<1x16xf32>
      tpu.vector_store %arg7[%swap3A_1212, %swap3A_1213], %swap3A_1216 {strides = array<i32>} : memref<128x320xf32, #tpu.memory_space<vmem>>, vector<1x16xf32>,
      %get3A_1217 = arith.constant 2 : i32
      %get3A_1218 = arith.constant 8 : i32
      %get3A_1219 = arith.index_cast %get3A_1217 : i32 to index
      %get3A_1220 = arith.index_cast %get3A_1218 : i32 to index
      %get3A_1221 = arith.constant 0 : index
      %get3A_1222 = tpu.vector_load %arg6[%get3A_1219, %get3A_1220, %get3A_1221] {strides = array<i32>} : memref<3x16x128xf32, #tpu.memory_space<vmem>>, vector<1x1x16xf32>,
      %get3A_1223 = vector.shape_cast %get3A_1222 : vector<1x1x16xf32> to vector<16xf32>
      %swap3A_1224 = arith.constant 40 : i32
      %swap3A_1225 = arith.index_cast %swap3A_1224 : i32 to index
      %swap3A_1226 = arith.index_cast %mul3A_992 : i32 to index
      %swap3A_1227 = tpu.vector_load %arg7[%swap3A_1225, %swap3A_1226] {strides = array<i32>} : memref<128x320xf32, #tpu.memory_space<vmem>>, vector<1x16xf32>,
      %swap3A_1228 = vector.shape_cast %swap3A_1227 : vector<1x16xf32> to vector<16xf32>
      %swap3A_1229 = vector.shape_cast %get3A_1223 : vector<16xf32> to vector<1x16xf32>
      tpu.vector_store %arg7[%swap3A_1225, %swap3A_1226], %swap3A_1229 {strides = array<i32>} : memref<128x320xf32, #tpu.memory_space<vmem>>, vector<1x16xf32>,
      %get3A_1230 = arith.constant 2 : i32
      %get3A_1231 = arith.constant 8 : i32
      %get3A_1232 = arith.index_cast %get3A_1230 : i32 to index
      %get3A_1233 = arith.index_cast %get3A_1231 : i32 to index
      %get3A_1234 = arith.constant 16 : index
      %get3A_1235 = tpu.vector_load %arg6[%get3A_1232, %get3A_1233, %get3A_1234] {strides = array<i32>} : memref<3x16x128xf32, #tpu.memory_space<vmem>>, vector<1x1x16xf32>,
      %get3A_1236 = vector.shape_cast %get3A_1235 : vector<1x1x16xf32> to vector<16xf32>
      %add3A_1237 = arith.constant 16 : i32
      %add3A_1238 = arith.addi %mul3A_992, %add3A_1237 : i32
      %swap3A_1239 = arith.constant 40 : i32
      %swap3A_1240 = arith.index_cast %swap3A_1239 : i32 to index
      %swap3A_1241 = arith.index_cast %add3A_1238 : i32 to index
      %swap3A_1242 = tpu.vector_load %arg7[%swap3A_1240, %swap3A_1241] {strides = array<i32>} : memref<128x320xf32, #tpu.memory_space<vmem>>, vector<1x16xf32>,
      %swap3A_1243 = vector.shape_cast %swap3A_1242 : vector<1x16xf32> to vector<16xf32>
      %swap3A_1244 = vector.shape_cast %get3A_1236 : vector<16xf32> to vector<1x16xf32>
      tpu.vector_store %arg7[%swap3A_1240, %swap3A_1241], %swap3A_1244 {strides = array<i32>} : memref<128x320xf32, #tpu.memory_space<vmem>>, vector<1x16xf32>,
      %get3A_1245 = arith.constant 2 : i32
      %get3A_1246 = arith.constant 9 : i32
      %get3A_1247 = arith.index_cast %get3A_1245 : i32 to index
      %get3A_1248 = arith.index_cast %get3A_1246 : i32 to index
      %get3A_1249 = arith.constant 0 : index
      %get3A_1250 = tpu.vector_load %arg6[%get3A_1247, %get3A_1248, %get3A_1249] {strides = array<i32>} : memref<3x16x128xf32, #tpu.memory_space<vmem>>, vector<1x1x16xf32>,
      %get3A_1251 = vector.shape_cast %get3A_1250 : vector<1x1x16xf32> to vector<16xf32>
      %swap3A_1252 = arith.constant 41 : i32
      %swap3A_1253 = arith.index_cast %swap3A_1252 : i32 to index
      %swap3A_1254 = arith.index_cast %mul3A_992 : i32 to index
      %swap3A_1255 = tpu.vector_load %arg7[%swap3A_1253, %swap3A_1254] {strides = array<i32>} : memref<128x320xf32, #tpu.memory_space<vmem>>, vector<1x16xf32>,
      %swap3A_1256 = vector.shape_cast %swap3A_1255 : vector<1x16xf32> to vector<16xf32>
      %swap3A_1257 = vector.shape_cast %get3A_1251 : vector<16xf32> to vector<1x16xf32>
      tpu.vector_store %arg7[%swap3A_1253, %swap3A_1254], %swap3A_1257 {strides = array<i32>} : memref<128x320xf32, #tpu.memory_space<vmem>>, vector<1x16xf32>,
      %get3A_1258 = arith.constant 2 : i32
      %get3A_1259 = arith.constant 9 : i32
      %get3A_1260 = arith.index_cast %get3A_1258 : i32 to index
      %get3A_1261 = arith.index_cast %get3A_1259 : i32 to index
      %get3A_1262 = arith.constant 16 : index
      %get3A_1263 = tpu.vector_load %arg6[%get3A_1260, %get3A_1261, %get3A_1262] {strides = array<i32>} : memref<3x16x128xf32, #tpu.memory_space<vmem>>, vector<1x1x16xf32>,
      %get3A_1264 = vector.shape_cast %get3A_1263 : vector<1x1x16xf32> to vector<16xf32>
      %add3A_1265 = arith.constant 16 : i32
      %add3A_1266 = arith.addi %mul3A_992, %add3A_1265 : i32
      %swap3A_1267 = arith.constant 41 : i32
      %swap3A_1268 = arith.index_cast %swap3A_1267 : i32 to index
      %swap3A_1269 = arith.index_cast %add3A_1266 : i32 to index
      %swap3A_1270 = tpu.vector_load %arg7[%swap3A_1268, %swap3A_1269] {strides = array<i32>} : memref<128x320xf32, #tpu.memory_space<vmem>>, vector<1x16xf32>,
      %swap3A_1271 = vector.shape_cast %swap3A_1270 : vector<1x16xf32> to vector<16xf32>
      %swap3A_1272 = vector.shape_cast %get3A_1264 : vector<16xf32> to vector<1x16xf32>
      tpu.vector_store %arg7[%swap3A_1268, %swap3A_1269], %swap3A_1272 {strides = array<i32>} : memref<128x320xf32, #tpu.memory_space<vmem>>, vector<1x16xf32>,
      %get3A_1273 = arith.constant 2 : i32
      %get3A_1274 = arith.constant 10 : i32
      %get3A_1275 = arith.index_cast %get3A_1273 : i32 to index
      %get3A_1276 = arith.index_cast %get3A_1274 : i32 to index
      %get3A_1277 = arith.constant 0 : index
      %get3A_1278 = tpu.vector_load %arg6[%get3A_1275, %get3A_1276, %get3A_1277] {strides = array<i32>} : memref<3x16x128xf32, #tpu.memory_space<vmem>>, vector<1x1x16xf32>,
      %get3A_1279 = vector.shape_cast %get3A_1278 : vector<1x1x16xf32> to vector<16xf32>
      %swap3A_1280 = arith.constant 42 : i32
      %swap3A_1281 = arith.index_cast %swap3A_1280 : i32 to index
      %swap3A_1282 = arith.index_cast %mul3A_992 : i32 to index
      %swap3A_1283 = tpu.vector_load %arg7[%swap3A_1281, %swap3A_1282] {strides = array<i32>} : memref<128x320xf32, #tpu.memory_space<vmem>>, vector<1x16xf32>,
      %swap3A_1284 = vector.shape_cast %swap3A_1283 : vector<1x16xf32> to vector<16xf32>
      %swap3A_1285 = vector.shape_cast %get3A_1279 : vector<16xf32> to vector<1x16xf32>
      tpu.vector_store %arg7[%swap3A_1281, %swap3A_1282], %swap3A_1285 {strides = array<i32>} : memref<128x320xf32, #tpu.memory_space<vmem>>, vector<1x16xf32>,
      %get3A_1286 = arith.constant 2 : i32
      %get3A_1287 = arith.constant 10 : i32
      %get3A_1288 = arith.index_cast %get3A_1286 : i32 to index
      %get3A_1289 = arith.index_cast %get3A_1287 : i32 to index
      %get3A_1290 = arith.constant 16 : index
      %get3A_1291 = tpu.vector_load %arg6[%get3A_1288, %get3A_1289, %get3A_1290] {strides = array<i32>} : memref<3x16x128xf32, #tpu.memory_space<vmem>>, vector<1x1x16xf32>,
      %get3A_1292 = vector.shape_cast %get3A_1291 : vector<1x1x16xf32> to vector<16xf32>
      %add3A_1293 = arith.constant 16 : i32
      %add3A_1294 = arith.addi %mul3A_992, %add3A_1293 : i32
      %swap3A_1295 = arith.constant 42 : i32
      %swap3A_1296 = arith.index_cast %swap3A_1295 : i32 to index
      %swap3A_1297 = arith.index_cast %add3A_1294 : i32 to index
      %swap3A_1298 = tpu.vector_load %arg7[%swap3A_1296, %swap3A_1297] {strides = array<i32>} : memref<128x320xf32, #tpu.memory_space<vmem>>, vector<1x16xf32>,
      %swap3A_1299 = vector.shape_cast %swap3A_1298 : vector<1x16xf32> to vector<16xf32>
      %swap3A_1300 = vector.shape_cast %get3A_1292 : vector<16xf32> to vector<1x16xf32>
      tpu.vector_store %arg7[%swap3A_1296, %swap3A_1297], %swap3A_1300 {strides = array<i32>} : memref<128x320xf32, #tpu.memory_space<vmem>>, vector<1x16xf32>,
      %get3A_1301 = arith.constant 2 : i32
      %get3A_1302 = arith.constant 11 : i32
      %get3A_1303 = arith.index_cast %get3A_1301 : i32 to index
      %get3A_1304 = arith.index_cast %get3A_1302 : i32 to index
      %get3A_1305 = arith.constant 0 : index
      %get3A_1306 = tpu.vector_load %arg6[%get3A_1303, %get3A_1304, %get3A_1305] {strides = array<i32>} : memref<3x16x128xf32, #tpu.memory_space<vmem>>, vector<1x1x16xf32>,
      %get3A_1307 = vector.shape_cast %get3A_1306 : vector<1x1x16xf32> to vector<16xf32>
      %swap3A_1308 = arith.constant 43 : i32
      %swap3A_1309 = arith.index_cast %swap3A_1308 : i32 to index
      %swap3A_1310 = arith.index_cast %mul3A_992 : i32 to index
      %swap3A_1311 = tpu.vector_load %arg7[%swap3A_1309, %swap3A_1310] {strides = array<i32>} : memref<128x320xf32, #tpu.memory_space<vmem>>, vector<1x16xf32>,
      %swap3A_1312 = vector.shape_cast %swap3A_1311 : vector<1x16xf32> to vector<16xf32>
      %swap3A_1313 = vector.shape_cast %get3A_1307 : vector<16xf32> to vector<1x16xf32>
      tpu.vector_store %arg7[%swap3A_1309, %swap3A_1310], %swap3A_1313 {strides = array<i32>} : memref<128x320xf32, #tpu.memory_space<vmem>>, vector<1x16xf32>,
      %get3A_1314 = arith.constant 2 : i32
      %get3A_1315 = arith.constant 11 : i32
      %get3A_1316 = arith.index_cast %get3A_1314 : i32 to index
      %get3A_1317 = arith.index_cast %get3A_1315 : i32 to index
      %get3A_1318 = arith.constant 16 : index
      %get3A_1319 = tpu.vector_load %arg6[%get3A_1316, %get3A_1317, %get3A_1318] {strides = array<i32>} : memref<3x16x128xf32, #tpu.memory_space<vmem>>, vector<1x1x16xf32>,
      %get3A_1320 = vector.shape_cast %get3A_1319 : vector<1x1x16xf32> to vector<16xf32>
      %add3A_1321 = arith.constant 16 : i32
      %add3A_1322 = arith.addi %mul3A_992, %add3A_1321 : i32
      %swap3A_1323 = arith.constant 43 : i32
      %swap3A_1324 = arith.index_cast %swap3A_1323 : i32 to index
      %swap3A_1325 = arith.index_cast %add3A_1322 : i32 to index
      %swap3A_1326 = tpu.vector_load %arg7[%swap3A_1324, %swap3A_1325] {strides = array<i32>} : memref<128x320xf32, #tpu.memory_space<vmem>>, vector<1x16xf32>,
      %swap3A_1327 = vector.shape_cast %swap3A_1326 : vector<1x16xf32> to vector<16xf32>
      %swap3A_1328 = vector.shape_cast %get3A_1320 : vector<16xf32> to vector<1x16xf32>
      tpu.vector_store %arg7[%swap3A_1324, %swap3A_1325], %swap3A_1328 {strides = array<i32>} : memref<128x320xf32, #tpu.memory_space<vmem>>, vector<1x16xf32>,
      %get3A_1329 = arith.constant 2 : i32
      %get3A_1330 = arith.constant 12 : i32
      %get3A_1331 = arith.index_cast %get3A_1329 : i32 to index
      %get3A_1332 = arith.index_cast %get3A_1330 : i32 to index
      %get3A_1333 = arith.constant 0 : index
      %get3A_1334 = tpu.vector_load %arg6[%get3A_1331, %get3A_1332, %get3A_1333] {strides = array<i32>} : memref<3x16x128xf32, #tpu.memory_space<vmem>>, vector<1x1x16xf32>,
      %get3A_1335 = vector.shape_cast %get3A_1334 : vector<1x1x16xf32> to vector<16xf32>
      %swap3A_1336 = arith.constant 44 : i32
      %swap3A_1337 = arith.index_cast %swap3A_1336 : i32 to index
      %swap3A_1338 = arith.index_cast %mul3A_992 : i32 to index
      %swap3A_1339 = tpu.vector_load %arg7[%swap3A_1337, %swap3A_1338] {strides = array<i32>} : memref<128x320xf32, #tpu.memory_space<vmem>>, vector<1x16xf32>,
      %swap3A_1340 = vector.shape_cast %swap3A_1339 : vector<1x16xf32> to vector<16xf32>
      %swap3A_1341 = vector.shape_cast %get3A_1335 : vector<16xf32> to vector<1x16xf32>
      tpu.vector_store %arg7[%swap3A_1337, %swap3A_1338], %swap3A_1341 {strides = array<i32>} : memref<128x320xf32, #tpu.memory_space<vmem>>, vector<1x16xf32>,
      %get3A_1342 = arith.constant 2 : i32
      %get3A_1343 = arith.constant 12 : i32
      %get3A_1344 = arith.index_cast %get3A_1342 : i32 to index
      %get3A_1345 = arith.index_cast %get3A_1343 : i32 to index
      %get3A_1346 = arith.constant 16 : index
      %get3A_1347 = tpu.vector_load %arg6[%get3A_1344, %get3A_1345, %get3A_1346] {strides = array<i32>} : memref<3x16x128xf32, #tpu.memory_space<vmem>>, vector<1x1x16xf32>,
      %get3A_1348 = vector.shape_cast %get3A_1347 : vector<1x1x16xf32> to vector<16xf32>
      %add3A_1349 = arith.constant 16 : i32
      %add3A_1350 = arith.addi %mul3A_992, %add3A_1349 : i32
      %swap3A_1351 = arith.constant 44 : i32
      %swap3A_1352 = arith.index_cast %swap3A_1351 : i32 to index
      %swap3A_1353 = arith.index_cast %add3A_1350 : i32 to index
      %swap3A_1354 = tpu.vector_load %arg7[%swap3A_1352, %swap3A_1353] {strides = array<i32>} : memref<128x320xf32, #tpu.memory_space<vmem>>, vector<1x16xf32>,
      %swap3A_1355 = vector.shape_cast %swap3A_1354 : vector<1x16xf32> to vector<16xf32>
      %swap3A_1356 = vector.shape_cast %get3A_1348 : vector<16xf32> to vector<1x16xf32>
      tpu.vector_store %arg7[%swap3A_1352, %swap3A_1353], %swap3A_1356 {strides = array<i32>} : memref<128x320xf32, #tpu.memory_space<vmem>>, vector<1x16xf32>,
      %get3A_1357 = arith.constant 2 : i32
      %get3A_1358 = arith.constant 13 : i32
      %get3A_1359 = arith.index_cast %get3A_1357 : i32 to index
      %get3A_1360 = arith.index_cast %get3A_1358 : i32 to index
      %get3A_1361 = arith.constant 0 : index
      %get3A_1362 = tpu.vector_load %arg6[%get3A_1359, %get3A_1360, %get3A_1361] {strides = array<i32>} : memref<3x16x128xf32, #tpu.memory_space<vmem>>, vector<1x1x16xf32>,
      %get3A_1363 = vector.shape_cast %get3A_1362 : vector<1x1x16xf32> to vector<16xf32>
      %swap3A_1364 = arith.constant 45 : i32
      %swap3A_1365 = arith.index_cast %swap3A_1364 : i32 to index
      %swap3A_1366 = arith.index_cast %mul3A_992 : i32 to index
      %swap3A_1367 = tpu.vector_load %arg7[%swap3A_1365, %swap3A_1366] {strides = array<i32>} : memref<128x320xf32, #tpu.memory_space<vmem>>, vector<1x16xf32>,
      %swap3A_1368 = vector.shape_cast %swap3A_1367 : vector<1x16xf32> to vector<16xf32>
      %swap3A_1369 = vector.shape_cast %get3A_1363 : vector<16xf32> to vector<1x16xf32>
      tpu.vector_store %arg7[%swap3A_1365, %swap3A_1366], %swap3A_1369 {strides = array<i32>} : memref<128x320xf32, #tpu.memory_space<vmem>>, vector<1x16xf32>,
      %get3A_1370 = arith.constant 2 : i32
      %get3A_1371 = arith.constant 13 : i32
      %get3A_1372 = arith.index_cast %get3A_1370 : i32 to index
      %get3A_1373 = arith.index_cast %get3A_1371 : i32 to index
      %get3A_1374 = arith.constant 16 : index
      %get3A_1375 = tpu.vector_load %arg6[%get3A_1372, %get3A_1373, %get3A_1374] {strides = array<i32>} : memref<3x16x128xf32, #tpu.memory_space<vmem>>, vector<1x1x16xf32>,
      %get3A_1376 = vector.shape_cast %get3A_1375 : vector<1x1x16xf32> to vector<16xf32>
      %add3A_1377 = arith.constant 16 : i32
      %add3A_1378 = arith.addi %mul3A_992, %add3A_1377 : i32
      %swap3A_1379 = arith.constant 45 : i32
      %swap3A_1380 = arith.index_cast %swap3A_1379 : i32 to index
      %swap3A_1381 = arith.index_cast %add3A_1378 : i32 to index
      %swap3A_1382 = tpu.vector_load %arg7[%swap3A_1380, %swap3A_1381] {strides = array<i32>} : memref<128x320xf32, #tpu.memory_space<vmem>>, vector<1x16xf32>,
      %swap3A_1383 = vector.shape_cast %swap3A_1382 : vector<1x16xf32> to vector<16xf32>
      %swap3A_1384 = vector.shape_cast %get3A_1376 : vector<16xf32> to vector<1x16xf32>
      tpu.vector_store %arg7[%swap3A_1380, %swap3A_1381], %swap3A_1384 {strides = array<i32>} : memref<128x320xf32, #tpu.memory_space<vmem>>, vector<1x16xf32>,
      %get3A_1385 = arith.constant 2 : i32
      %get3A_1386 = arith.constant 14 : i32
      %get3A_1387 = arith.index_cast %get3A_1385 : i32 to index
      %get3A_1388 = arith.index_cast %get3A_1386 : i32 to index
      %get3A_1389 = arith.constant 0 : index
      %get3A_1390 = tpu.vector_load %arg6[%get3A_1387, %get3A_1388, %get3A_1389] {strides = array<i32>} : memref<3x16x128xf32, #tpu.memory_space<vmem>>, vector<1x1x16xf32>,
      %get3A_1391 = vector.shape_cast %get3A_1390 : vector<1x1x16xf32> to vector<16xf32>
      %swap3A_1392 = arith.constant 46 : i32
      %swap3A_1393 = arith.index_cast %swap3A_1392 : i32 to index
      %swap3A_1394 = arith.index_cast %mul3A_992 : i32 to index
      %swap3A_1395 = tpu.vector_load %arg7[%swap3A_1393, %swap3A_1394] {strides = array<i32>} : memref<128x320xf32, #tpu.memory_space<vmem>>, vector<1x16xf32>,
      %swap3A_1396 = vector.shape_cast %swap3A_1395 : vector<1x16xf32> to vector<16xf32>
      %swap3A_1397 = vector.shape_cast %get3A_1391 : vector<16xf32> to vector<1x16xf32>
      tpu.vector_store %arg7[%swap3A_1393, %swap3A_1394], %swap3A_1397 {strides = array<i32>} : memref<128x320xf32, #tpu.memory_space<vmem>>, vector<1x16xf32>,
      %get3A_1398 = arith.constant 2 : i32
      %get3A_1399 = arith.constant 14 : i32
      %get3A_1400 = arith.index_cast %get3A_1398 : i32 to index
      %get3A_1401 = arith.index_cast %get3A_1399 : i32 to index
      %get3A_1402 = arith.constant 16 : index
      %get3A_1403 = tpu.vector_load %arg6[%get3A_1400, %get3A_1401, %get3A_1402] {strides = array<i32>} : memref<3x16x128xf32, #tpu.memory_space<vmem>>, vector<1x1x16xf32>,
      %get3A_1404 = vector.shape_cast %get3A_1403 : vector<1x1x16xf32> to vector<16xf32>
      %add3A_1405 = arith.constant 16 : i32
      %add3A_1406 = arith.addi %mul3A_992, %add3A_1405 : i32
      %swap3A_1407 = arith.constant 46 : i32
      %swap3A_1408 = arith.index_cast %swap3A_1407 : i32 to index
      %swap3A_1409 = arith.index_cast %add3A_1406 : i32 to index
      %swap3A_1410 = tpu.vector_load %arg7[%swap3A_1408, %swap3A_1409] {strides = array<i32>} : memref<128x320xf32, #tpu.memory_space<vmem>>, vector<1x16xf32>,
      %swap3A_1411 = vector.shape_cast %swap3A_1410 : vector<1x16xf32> to vector<16xf32>
      %swap3A_1412 = vector.shape_cast %get3A_1404 : vector<16xf32> to vector<1x16xf32>
      tpu.vector_store %arg7[%swap3A_1408, %swap3A_1409], %swap3A_1412 {strides = array<i32>} : memref<128x320xf32, #tpu.memory_space<vmem>>, vector<1x16xf32>,
      %get3A_1413 = arith.constant 2 : i32
      %get3A_1414 = arith.constant 15 : i32
      %get3A_1415 = arith.index_cast %get3A_1413 : i32 to index
      %get3A_1416 = arith.index_cast %get3A_1414 : i32 to index
      %get3A_1417 = arith.constant 0 : index
      %get3A_1418 = tpu.vector_load %arg6[%get3A_1415, %get3A_1416, %get3A_1417] {strides = array<i32>} : memref<3x16x128xf32, #tpu.memory_space<vmem>>, vector<1x1x16xf32>,
      %get3A_1419 = vector.shape_cast %get3A_1418 : vector<1x1x16xf32> to vector<16xf32>
      %swap3A_1420 = arith.constant 47 : i32
      %swap3A_1421 = arith.index_cast %swap3A_1420 : i32 to index
      %swap3A_1422 = arith.index_cast %mul3A_992 : i32 to index
      %swap3A_1423 = tpu.vector_load %arg7[%swap3A_1421, %swap3A_1422] {strides = array<i32>} : memref<128x320xf32, #tpu.memory_space<vmem>>, vector<1x16xf32>,
      %swap3A_1424 = vector.shape_cast %swap3A_1423 : vector<1x16xf32> to vector<16xf32>
      %swap3A_1425 = vector.shape_cast %get3A_1419 : vector<16xf32> to vector<1x16xf32>
      tpu.vector_store %arg7[%swap3A_1421, %swap3A_1422], %swap3A_1425 {strides = array<i32>} : memref<128x320xf32, #tpu.memory_space<vmem>>, vector<1x16xf32>,
      %get3A_1426 = arith.constant 2 : i32
      %get3A_1427 = arith.constant 15 : i32
      %get3A_1428 = arith.index_cast %get3A_1426 : i32 to index
      %get3A_1429 = arith.index_cast %get3A_1427 : i32 to index
      %get3A_1430 = arith.constant 16 : index
      %get3A_1431 = tpu.vector_load %arg6[%get3A_1428, %get3A_1429, %get3A_1430] {strides = array<i32>} : memref<3x16x128xf32, #tpu.memory_space<vmem>>, vector<1x1x16xf32>,
      %get3A_1432 = vector.shape_cast %get3A_1431 : vector<1x1x16xf32> to vector<16xf32>
      %add3A_1433 = arith.constant 16 : i32
      %add3A_1434 = arith.addi %mul3A_992, %add3A_1433 : i32
      %swap3A_1435 = arith.constant 47 : i32
      %swap3A_1436 = arith.index_cast %swap3A_1435 : i32 to index
      %swap3A_1437 = arith.index_cast %add3A_1434 : i32 to index
      %swap3A_1438 = tpu.vector_load %arg7[%swap3A_1436, %swap3A_1437] {strides = array<i32>} : memref<128x320xf32, #tpu.memory_space<vmem>>, vector<1x16xf32>,
      %swap3A_1439 = vector.shape_cast %swap3A_1438 : vector<1x16xf32> to vector<16xf32>
      %swap3A_1440 = vector.shape_cast %get3A_1432 : vector<16xf32> to vector<1x16xf32>
      tpu.vector_store %arg7[%swap3A_1436, %swap3A_1437], %swap3A_1440 {strides = array<i32>} : memref<128x320xf32, #tpu.memory_space<vmem>>, vector<1x16xf32>,
      %get3A_1441 = arith.index_cast %scan3A_9 : i32 to index
      %get3A_1442 = arith.constant 80 : index
      %get3A_1443 = tpu.vector_load %arg5[%get3A_1441, %get3A_1442] {strides = array<i32>} : memref<10x128xi32, #tpu.memory_space<vmem>>, vector<1x16xi32>,
      %get3A_1444 = vector.shape_cast %get3A_1443 : vector<1x16xi32> to vector<16xi32>
      %dma_start3A_1445 = arith.constant 2 : i32
      %dma_start3A_1446 = arith.constant 0 : i32
      %dma_start3A_1447 = arith.constant 0 : i32
      %dma_start3A_1448 = tpu.memref_slice %arg6[%dma_start3A_1445, %dma_start3A_1446, %dma_start3A_1447] : memref<3x16x128xf32, #tpu.memory_space<vmem>> -> memref<1x16x128xf32, #tpu.memory_space<vmem>>
      %dma_start3A_1449 = tpu.memref_squeeze %dma_start3A_1448 : memref<1x16x128xf32, #tpu.memory_space<vmem>> -> memref<16x128xf32, #tpu.memory_space<vmem>>
      %dma_start3A_1450 = arith.constant 0 : i32
      %dma_start3A_1451 = arith.constant 0 : i32
      %dma_start3A_1452 = tpu.memref_slice %arg2[%dma_start3A_1450, %dma_start3A_1451] : memref<1000000x128xf32, #tpu.memory_space<hbm>> -> memref<1000000x128xf32, #tpu.memory_space<hbm>>
      tpu.enqueue_indirect_dma source(%dma_start3A_1452 : memref<1000000x128xf32, #tpu.memory_space<hbm>>) target(%dma_start3A_1449 : memref<16x128xf32, #tpu.memory_space<vmem>>) offsets(%get3A_1444 : vector<16xi32>) semaphore(%arg10 : memref<!tpu.dma_semaphore, #tpu.memory_space<semaphore_mem>>)
      %dma_wait3A_1453 = arith.constant 0 : i32
      %dma_wait3A_1454 = arith.constant 0 : i32
      %dma_wait3A_1455 = arith.constant 0 : i32
      %dma_wait3A_1456 = tpu.memref_slice %arg6[%dma_wait3A_1453, %dma_wait3A_1454, %dma_wait3A_1455] : memref<3x16x128xf32, #tpu.memory_space<vmem>> -> memref<1x16x128xf32, #tpu.memory_space<vmem>>
      %dma_wait3A_1457 = tpu.memref_squeeze %dma_wait3A_1456 : memref<1x16x128xf32, #tpu.memory_space<vmem>> -> memref<16x128xf32, #tpu.memory_space<vmem>>
      %dma_wait3A_1458 = arith.constant 0 : i32
      %dma_wait3A_1459 = arith.constant 0 : i32
      %dma_wait3A_1460 = tpu.memref_slice %arg2[%dma_wait3A_1458, %dma_wait3A_1459] : memref<1000000x128xf32, #tpu.memory_space<hbm>> -> memref<1000000x128xf32, #tpu.memory_space<hbm>>
      tpu.wait_indirect_dma semaphore(%arg8 : memref<!tpu.dma_semaphore, #tpu.memory_space<semaphore_mem>>) src(%dma_wait3A_1460 : memref<1000000x128xf32, #tpu.memory_space<hbm>>) dst(%dma_wait3A_1457 : memref<16x128xf32, #tpu.memory_space<vmem>>)
      %mul3A_1461 = arith.constant 32 : i32
      %mul3A_1462 = arith.muli %scan3A_9, %mul3A_1461 : i32
      %get3A_1463 = arith.constant 0 : i32
      %get3A_1464 = arith.constant 0 : i32
      %get3A_1465 = arith.index_cast %get3A_1463 : i32 to index
      %get3A_1466 = arith.index_cast %get3A_1464 : i32 to index
      %get3A_1467 = arith.constant 0 : index
      %get3A_1468 = tpu.vector_load %arg6[%get3A_1465, %get3A_1466, %get3A_1467] {strides = array<i32>} : memref<3x16x128xf32, #tpu.memory_space<vmem>>, vector<1x1x16xf32>,
      %get3A_1469 = vector.shape_cast %get3A_1468 : vector<1x1x16xf32> to vector<16xf32>
      %swap3A_1470 = arith.constant 48 : i32
      %swap3A_1471 = arith.index_cast %swap3A_1470 : i32 to index
      %swap3A_1472 = arith.index_cast %mul3A_1462 : i32 to index
      %swap3A_1473 = tpu.vector_load %arg7[%swap3A_1471, %swap3A_1472] {strides = array<i32>} : memref<128x320xf32, #tpu.memory_space<vmem>>, vector<1x16xf32>,
      %swap3A_1474 = vector.shape_cast %swap3A_1473 : vector<1x16xf32> to vector<16xf32>
      %swap3A_1475 = vector.shape_cast %get3A_1469 : vector<16xf32> to vector<1x16xf32>
      tpu.vector_store %arg7[%swap3A_1471, %swap3A_1472], %swap3A_1475 {strides = array<i32>} : memref<128x320xf32, #tpu.memory_space<vmem>>, vector<1x16xf32>,
      %get3A_1476 = arith.constant 0 : i32
      %get3A_1477 = arith.constant 0 : i32
      %get3A_1478 = arith.index_cast %get3A_1476 : i32 to index
      %get3A_1479 = arith.index_cast %get3A_1477 : i32 to index
      %get3A_1480 = arith.constant 16 : index
      %get3A_1481 = tpu.vector_load %arg6[%get3A_1478, %get3A_1479, %get3A_1480] {strides = array<i32>} : memref<3x16x128xf32, #tpu.memory_space<vmem>>, vector<1x1x16xf32>,
      %get3A_1482 = vector.shape_cast %get3A_1481 : vector<1x1x16xf32> to vector<16xf32>
      %add3A_1483 = arith.constant 16 : i32
      %add3A_1484 = arith.addi %mul3A_1462, %add3A_1483 : i32
      %swap3A_1485 = arith.constant 48 : i32
      %swap3A_1486 = arith.index_cast %swap3A_1485 : i32 to index
      %swap3A_1487 = arith.index_cast %add3A_1484 : i32 to index
      %swap3A_1488 = tpu.vector_load %arg7[%swap3A_1486, %swap3A_1487] {strides = array<i32>} : memref<128x320xf32, #tpu.memory_space<vmem>>, vector<1x16xf32>,
      %swap3A_1489 = vector.shape_cast %swap3A_1488 : vector<1x16xf32> to vector<16xf32>
      %swap3A_1490 = vector.shape_cast %get3A_1482 : vector<16xf32> to vector<1x16xf32>
      tpu.vector_store %arg7[%swap3A_1486, %swap3A_1487], %swap3A_1490 {strides = array<i32>} : memref<128x320xf32, #tpu.memory_space<vmem>>, vector<1x16xf32>,
      %get3A_1491 = arith.constant 0 : i32
      %get3A_1492 = arith.constant 1 : i32
      %get3A_1493 = arith.index_cast %get3A_1491 : i32 to index
      %get3A_1494 = arith.index_cast %get3A_1492 : i32 to index
      %get3A_1495 = arith.constant 0 : index
      %get3A_1496 = tpu.vector_load %arg6[%get3A_1493, %get3A_1494, %get3A_1495] {strides = array<i32>} : memref<3x16x128xf32, #tpu.memory_space<vmem>>, vector<1x1x16xf32>,
      %get3A_1497 = vector.shape_cast %get3A_1496 : vector<1x1x16xf32> to vector<16xf32>
      %swap3A_1498 = arith.constant 49 : i32
      %swap3A_1499 = arith.index_cast %swap3A_1498 : i32 to index
      %swap3A_1500 = arith.index_cast %mul3A_1462 : i32 to index
      %swap3A_1501 = tpu.vector_load %arg7[%swap3A_1499, %swap3A_1500] {strides = array<i32>} : memref<128x320xf32, #tpu.memory_space<vmem>>, vector<1x16xf32>,
      %swap3A_1502 = vector.shape_cast %swap3A_1501 : vector<1x16xf32> to vector<16xf32>
      %swap3A_1503 = vector.shape_cast %get3A_1497 : vector<16xf32> to vector<1x16xf32>
      tpu.vector_store %arg7[%swap3A_1499, %swap3A_1500], %swap3A_1503 {strides = array<i32>} : memref<128x320xf32, #tpu.memory_space<vmem>>, vector<1x16xf32>,
      %get3A_1504 = arith.constant 0 : i32
      %get3A_1505 = arith.constant 1 : i32
      %get3A_1506 = arith.index_cast %get3A_1504 : i32 to index
      %get3A_1507 = arith.index_cast %get3A_1505 : i32 to index
      %get3A_1508 = arith.constant 16 : index
      %get3A_1509 = tpu.vector_load %arg6[%get3A_1506, %get3A_1507, %get3A_1508] {strides = array<i32>} : memref<3x16x128xf32, #tpu.memory_space<vmem>>, vector<1x1x16xf32>,
      %get3A_1510 = vector.shape_cast %get3A_1509 : vector<1x1x16xf32> to vector<16xf32>
      %add3A_1511 = arith.constant 16 : i32
      %add3A_1512 = arith.addi %mul3A_1462, %add3A_1511 : i32
      %swap3A_1513 = arith.constant 49 : i32
      %swap3A_1514 = arith.index_cast %swap3A_1513 : i32 to index
      %swap3A_1515 = arith.index_cast %add3A_1512 : i32 to index
      %swap3A_1516 = tpu.vector_load %arg7[%swap3A_1514, %swap3A_1515] {strides = array<i32>} : memref<128x320xf32, #tpu.memory_space<vmem>>, vector<1x16xf32>,
      %swap3A_1517 = vector.shape_cast %swap3A_1516 : vector<1x16xf32> to vector<16xf32>
      %swap3A_1518 = vector.shape_cast %get3A_1510 : vector<16xf32> to vector<1x16xf32>
      tpu.vector_store %arg7[%swap3A_1514, %swap3A_1515], %swap3A_1518 {strides = array<i32>} : memref<128x320xf32, #tpu.memory_space<vmem>>, vector<1x16xf32>,
      %get3A_1519 = arith.constant 0 : i32
      %get3A_1520 = arith.constant 2 : i32
      %get3A_1521 = arith.index_cast %get3A_1519 : i32 to index
      %get3A_1522 = arith.index_cast %get3A_1520 : i32 to index
      %get3A_1523 = arith.constant 0 : index
      %get3A_1524 = tpu.vector_load %arg6[%get3A_1521, %get3A_1522, %get3A_1523] {strides = array<i32>} : memref<3x16x128xf32, #tpu.memory_space<vmem>>, vector<1x1x16xf32>,
      %get3A_1525 = vector.shape_cast %get3A_1524 : vector<1x1x16xf32> to vector<16xf32>
      %swap3A_1526 = arith.constant 50 : i32
      %swap3A_1527 = arith.index_cast %swap3A_1526 : i32 to index
      %swap3A_1528 = arith.index_cast %mul3A_1462 : i32 to index
      %swap3A_1529 = tpu.vector_load %arg7[%swap3A_1527, %swap3A_1528] {strides = array<i32>} : memref<128x320xf32, #tpu.memory_space<vmem>>, vector<1x16xf32>,
      %swap3A_1530 = vector.shape_cast %swap3A_1529 : vector<1x16xf32> to vector<16xf32>
      %swap3A_1531 = vector.shape_cast %get3A_1525 : vector<16xf32> to vector<1x16xf32>
      tpu.vector_store %arg7[%swap3A_1527, %swap3A_1528], %swap3A_1531 {strides = array<i32>} : memref<128x320xf32, #tpu.memory_space<vmem>>, vector<1x16xf32>,
      %get3A_1532 = arith.constant 0 : i32
      %get3A_1533 = arith.constant 2 : i32
      %get3A_1534 = arith.index_cast %get3A_1532 : i32 to index
      %get3A_1535 = arith.index_cast %get3A_1533 : i32 to index
      %get3A_1536 = arith.constant 16 : index
      %get3A_1537 = tpu.vector_load %arg6[%get3A_1534, %get3A_1535, %get3A_1536] {strides = array<i32>} : memref<3x16x128xf32, #tpu.memory_space<vmem>>, vector<1x1x16xf32>,
      %get3A_1538 = vector.shape_cast %get3A_1537 : vector<1x1x16xf32> to vector<16xf32>
      %add3A_1539 = arith.constant 16 : i32
      %add3A_1540 = arith.addi %mul3A_1462, %add3A_1539 : i32
      %swap3A_1541 = arith.constant 50 : i32
      %swap3A_1542 = arith.index_cast %swap3A_1541 : i32 to index
      %swap3A_1543 = arith.index_cast %add3A_1540 : i32 to index
      %swap3A_1544 = tpu.vector_load %arg7[%swap3A_1542, %swap3A_1543] {strides = array<i32>} : memref<128x320xf32, #tpu.memory_space<vmem>>, vector<1x16xf32>,
      %swap3A_1545 = vector.shape_cast %swap3A_1544 : vector<1x16xf32> to vector<16xf32>
      %swap3A_1546 = vector.shape_cast %get3A_1538 : vector<16xf32> to vector<1x16xf32>
      tpu.vector_store %arg7[%swap3A_1542, %swap3A_1543], %swap3A_1546 {strides = array<i32>} : memref<128x320xf32, #tpu.memory_space<vmem>>, vector<1x16xf32>,
      %get3A_1547 = arith.constant 0 : i32
      %get3A_1548 = arith.constant 3 : i32
      %get3A_1549 = arith.index_cast %get3A_1547 : i32 to index
      %get3A_1550 = arith.index_cast %get3A_1548 : i32 to index
      %get3A_1551 = arith.constant 0 : index
      %get3A_1552 = tpu.vector_load %arg6[%get3A_1549, %get3A_1550, %get3A_1551] {strides = array<i32>} : memref<3x16x128xf32, #tpu.memory_space<vmem>>, vector<1x1x16xf32>,
      %get3A_1553 = vector.shape_cast %get3A_1552 : vector<1x1x16xf32> to vector<16xf32>
      %swap3A_1554 = arith.constant 51 : i32
      %swap3A_1555 = arith.index_cast %swap3A_1554 : i32 to index
      %swap3A_1556 = arith.index_cast %mul3A_1462 : i32 to index
      %swap3A_1557 = tpu.vector_load %arg7[%swap3A_1555, %swap3A_1556] {strides = array<i32>} : memref<128x320xf32, #tpu.memory_space<vmem>>, vector<1x16xf32>,
      %swap3A_1558 = vector.shape_cast %swap3A_1557 : vector<1x16xf32> to vector<16xf32>
      %swap3A_1559 = vector.shape_cast %get3A_1553 : vector<16xf32> to vector<1x16xf32>
      tpu.vector_store %arg7[%swap3A_1555, %swap3A_1556], %swap3A_1559 {strides = array<i32>} : memref<128x320xf32, #tpu.memory_space<vmem>>, vector<1x16xf32>,
      %get3A_1560 = arith.constant 0 : i32
      %get3A_1561 = arith.constant 3 : i32
      %get3A_1562 = arith.index_cast %get3A_1560 : i32 to index
      %get3A_1563 = arith.index_cast %get3A_1561 : i32 to index
      %get3A_1564 = arith.constant 16 : index
      %get3A_1565 = tpu.vector_load %arg6[%get3A_1562, %get3A_1563, %get3A_1564] {strides = array<i32>} : memref<3x16x128xf32, #tpu.memory_space<vmem>>, vector<1x1x16xf32>,
      %get3A_1566 = vector.shape_cast %get3A_1565 : vector<1x1x16xf32> to vector<16xf32>
      %add3A_1567 = arith.constant 16 : i32
      %add3A_1568 = arith.addi %mul3A_1462, %add3A_1567 : i32
      %swap3A_1569 = arith.constant 51 : i32
      %swap3A_1570 = arith.index_cast %swap3A_1569 : i32 to index
      %swap3A_1571 = arith.index_cast %add3A_1568 : i32 to index
      %swap3A_1572 = tpu.vector_load %arg7[%swap3A_1570, %swap3A_1571] {strides = array<i32>} : memref<128x320xf32, #tpu.memory_space<vmem>>, vector<1x16xf32>,
      %swap3A_1573 = vector.shape_cast %swap3A_1572 : vector<1x16xf32> to vector<16xf32>
      %swap3A_1574 = vector.shape_cast %get3A_1566 : vector<16xf32> to vector<1x16xf32>
      tpu.vector_store %arg7[%swap3A_1570, %swap3A_1571], %swap3A_1574 {strides = array<i32>} : memref<128x320xf32, #tpu.memory_space<vmem>>, vector<1x16xf32>,
      %get3A_1575 = arith.constant 0 : i32
      %get3A_1576 = arith.constant 4 : i32
      %get3A_1577 = arith.index_cast %get3A_1575 : i32 to index
      %get3A_1578 = arith.index_cast %get3A_1576 : i32 to index
      %get3A_1579 = arith.constant 0 : index
      %get3A_1580 = tpu.vector_load %arg6[%get3A_1577, %get3A_1578, %get3A_1579] {strides = array<i32>} : memref<3x16x128xf32, #tpu.memory_space<vmem>>, vector<1x1x16xf32>,
      %get3A_1581 = vector.shape_cast %get3A_1580 : vector<1x1x16xf32> to vector<16xf32>
      %swap3A_1582 = arith.constant 52 : i32
      %swap3A_1583 = arith.index_cast %swap3A_1582 : i32 to index
      %swap3A_1584 = arith.index_cast %mul3A_1462 : i32 to index
      %swap3A_1585 = tpu.vector_load %arg7[%swap3A_1583, %swap3A_1584] {strides = array<i32>} : memref<128x320xf32, #tpu.memory_space<vmem>>, vector<1x16xf32>,
      %swap3A_1586 = vector.shape_cast %swap3A_1585 : vector<1x16xf32> to vector<16xf32>
      %swap3A_1587 = vector.shape_cast %get3A_1581 : vector<16xf32> to vector<1x16xf32>
      tpu.vector_store %arg7[%swap3A_1583, %swap3A_1584], %swap3A_1587 {strides = array<i32>} : memref<128x320xf32, #tpu.memory_space<vmem>>, vector<1x16xf32>,
      %get3A_1588 = arith.constant 0 : i32
      %get3A_1589 = arith.constant 4 : i32
      %get3A_1590 = arith.index_cast %get3A_1588 : i32 to index
      %get3A_1591 = arith.index_cast %get3A_1589 : i32 to index
      %get3A_1592 = arith.constant 16 : index
      %get3A_1593 = tpu.vector_load %arg6[%get3A_1590, %get3A_1591, %get3A_1592] {strides = array<i32>} : memref<3x16x128xf32, #tpu.memory_space<vmem>>, vector<1x1x16xf32>,
      %get3A_1594 = vector.shape_cast %get3A_1593 : vector<1x1x16xf32> to vector<16xf32>
      %add3A_1595 = arith.constant 16 : i32
      %add3A_1596 = arith.addi %mul3A_1462, %add3A_1595 : i32
      %swap3A_1597 = arith.constant 52 : i32
      %swap3A_1598 = arith.index_cast %swap3A_1597 : i32 to index
      %swap3A_1599 = arith.index_cast %add3A_1596 : i32 to index
      %swap3A_1600 = tpu.vector_load %arg7[%swap3A_1598, %swap3A_1599] {strides = array<i32>} : memref<128x320xf32, #tpu.memory_space<vmem>>, vector<1x16xf32>,
      %swap3A_1601 = vector.shape_cast %swap3A_1600 : vector<1x16xf32> to vector<16xf32>
      %swap3A_1602 = vector.shape_cast %get3A_1594 : vector<16xf32> to vector<1x16xf32>
      tpu.vector_store %arg7[%swap3A_1598, %swap3A_1599], %swap3A_1602 {strides = array<i32>} : memref<128x320xf32, #tpu.memory_space<vmem>>, vector<1x16xf32>,
      %get3A_1603 = arith.constant 0 : i32
      %get3A_1604 = arith.constant 5 : i32
      %get3A_1605 = arith.index_cast %get3A_1603 : i32 to index
      %get3A_1606 = arith.index_cast %get3A_1604 : i32 to index
      %get3A_1607 = arith.constant 0 : index
      %get3A_1608 = tpu.vector_load %arg6[%get3A_1605, %get3A_1606, %get3A_1607] {strides = array<i32>} : memref<3x16x128xf32, #tpu.memory_space<vmem>>, vector<1x1x16xf32>,
      %get3A_1609 = vector.shape_cast %get3A_1608 : vector<1x1x16xf32> to vector<16xf32>
      %swap3A_1610 = arith.constant 53 : i32
      %swap3A_1611 = arith.index_cast %swap3A_1610 : i32 to index
      %swap3A_1612 = arith.index_cast %mul3A_1462 : i32 to index
      %swap3A_1613 = tpu.vector_load %arg7[%swap3A_1611, %swap3A_1612] {strides = array<i32>} : memref<128x320xf32, #tpu.memory_space<vmem>>, vector<1x16xf32>,
      %swap3A_1614 = vector.shape_cast %swap3A_1613 : vector<1x16xf32> to vector<16xf32>
      %swap3A_1615 = vector.shape_cast %get3A_1609 : vector<16xf32> to vector<1x16xf32>
      tpu.vector_store %arg7[%swap3A_1611, %swap3A_1612], %swap3A_1615 {strides = array<i32>} : memref<128x320xf32, #tpu.memory_space<vmem>>, vector<1x16xf32>,
      %get3A_1616 = arith.constant 0 : i32
      %get3A_1617 = arith.constant 5 : i32
      %get3A_1618 = arith.index_cast %get3A_1616 : i32 to index
      %get3A_1619 = arith.index_cast %get3A_1617 : i32 to index
      %get3A_1620 = arith.constant 16 : index
      %get3A_1621 = tpu.vector_load %arg6[%get3A_1618, %get3A_1619, %get3A_1620] {strides = array<i32>} : memref<3x16x128xf32, #tpu.memory_space<vmem>>, vector<1x1x16xf32>,
      %get3A_1622 = vector.shape_cast %get3A_1621 : vector<1x1x16xf32> to vector<16xf32>
      %add3A_1623 = arith.constant 16 : i32
      %add3A_1624 = arith.addi %mul3A_1462, %add3A_1623 : i32
      %swap3A_1625 = arith.constant 53 : i32
      %swap3A_1626 = arith.index_cast %swap3A_1625 : i32 to index
      %swap3A_1627 = arith.index_cast %add3A_1624 : i32 to index
      %swap3A_1628 = tpu.vector_load %arg7[%swap3A_1626, %swap3A_1627] {strides = array<i32>} : memref<128x320xf32, #tpu.memory_space<vmem>>, vector<1x16xf32>,
      %swap3A_1629 = vector.shape_cast %swap3A_1628 : vector<1x16xf32> to vector<16xf32>
      %swap3A_1630 = vector.shape_cast %get3A_1622 : vector<16xf32> to vector<1x16xf32>
      tpu.vector_store %arg7[%swap3A_1626, %swap3A_1627], %swap3A_1630 {strides = array<i32>} : memref<128x320xf32, #tpu.memory_space<vmem>>, vector<1x16xf32>,
      %get3A_1631 = arith.constant 0 : i32
      %get3A_1632 = arith.constant 6 : i32
      %get3A_1633 = arith.index_cast %get3A_1631 : i32 to index
      %get3A_1634 = arith.index_cast %get3A_1632 : i32 to index
      %get3A_1635 = arith.constant 0 : index
      %get3A_1636 = tpu.vector_load %arg6[%get3A_1633, %get3A_1634, %get3A_1635] {strides = array<i32>} : memref<3x16x128xf32, #tpu.memory_space<vmem>>, vector<1x1x16xf32>,
      %get3A_1637 = vector.shape_cast %get3A_1636 : vector<1x1x16xf32> to vector<16xf32>
      %swap3A_1638 = arith.constant 54 : i32
      %swap3A_1639 = arith.index_cast %swap3A_1638 : i32 to index
      %swap3A_1640 = arith.index_cast %mul3A_1462 : i32 to index
      %swap3A_1641 = tpu.vector_load %arg7[%swap3A_1639, %swap3A_1640] {strides = array<i32>} : memref<128x320xf32, #tpu.memory_space<vmem>>, vector<1x16xf32>,
      %swap3A_1642 = vector.shape_cast %swap3A_1641 : vector<1x16xf32> to vector<16xf32>
      %swap3A_1643 = vector.shape_cast %get3A_1637 : vector<16xf32> to vector<1x16xf32>
      tpu.vector_store %arg7[%swap3A_1639, %swap3A_1640], %swap3A_1643 {strides = array<i32>} : memref<128x320xf32, #tpu.memory_space<vmem>>, vector<1x16xf32>,
      %get3A_1644 = arith.constant 0 : i32
      %get3A_1645 = arith.constant 6 : i32
      %get3A_1646 = arith.index_cast %get3A_1644 : i32 to index
      %get3A_1647 = arith.index_cast %get3A_1645 : i32 to index
      %get3A_1648 = arith.constant 16 : index
      %get3A_1649 = tpu.vector_load %arg6[%get3A_1646, %get3A_1647, %get3A_1648] {strides = array<i32>} : memref<3x16x128xf32, #tpu.memory_space<vmem>>, vector<1x1x16xf32>,
      %get3A_1650 = vector.shape_cast %get3A_1649 : vector<1x1x16xf32> to vector<16xf32>
      %add3A_1651 = arith.constant 16 : i32
      %add3A_1652 = arith.addi %mul3A_1462, %add3A_1651 : i32
      %swap3A_1653 = arith.constant 54 : i32
      %swap3A_1654 = arith.index_cast %swap3A_1653 : i32 to index
      %swap3A_1655 = arith.index_cast %add3A_1652 : i32 to index
      %swap3A_1656 = tpu.vector_load %arg7[%swap3A_1654, %swap3A_1655] {strides = array<i32>} : memref<128x320xf32, #tpu.memory_space<vmem>>, vector<1x16xf32>,
      %swap3A_1657 = vector.shape_cast %swap3A_1656 : vector<1x16xf32> to vector<16xf32>
      %swap3A_1658 = vector.shape_cast %get3A_1650 : vector<16xf32> to vector<1x16xf32>
      tpu.vector_store %arg7[%swap3A_1654, %swap3A_1655], %swap3A_1658 {strides = array<i32>} : memref<128x320xf32, #tpu.memory_space<vmem>>, vector<1x16xf32>,
      %get3A_1659 = arith.constant 0 : i32
      %get3A_1660 = arith.constant 7 : i32
      %get3A_1661 = arith.index_cast %get3A_1659 : i32 to index
      %get3A_1662 = arith.index_cast %get3A_1660 : i32 to index
      %get3A_1663 = arith.constant 0 : index
      %get3A_1664 = tpu.vector_load %arg6[%get3A_1661, %get3A_1662, %get3A_1663] {strides = array<i32>} : memref<3x16x128xf32, #tpu.memory_space<vmem>>, vector<1x1x16xf32>,
      %get3A_1665 = vector.shape_cast %get3A_1664 : vector<1x1x16xf32> to vector<16xf32>
      %swap3A_1666 = arith.constant 55 : i32
      %swap3A_1667 = arith.index_cast %swap3A_1666 : i32 to index
      %swap3A_1668 = arith.index_cast %mul3A_1462 : i32 to index
      %swap3A_1669 = tpu.vector_load %arg7[%swap3A_1667, %swap3A_1668] {strides = array<i32>} : memref<128x320xf32, #tpu.memory_space<vmem>>, vector<1x16xf32>,
      %swap3A_1670 = vector.shape_cast %swap3A_1669 : vector<1x16xf32> to vector<16xf32>
      %swap3A_1671 = vector.shape_cast %get3A_1665 : vector<16xf32> to vector<1x16xf32>
      tpu.vector_store %arg7[%swap3A_1667, %swap3A_1668], %swap3A_1671 {strides = array<i32>} : memref<128x320xf32, #tpu.memory_space<vmem>>, vector<1x16xf32>,
      %get3A_1672 = arith.constant 0 : i32
      %get3A_1673 = arith.constant 7 : i32
      %get3A_1674 = arith.index_cast %get3A_1672 : i32 to index
      %get3A_1675 = arith.index_cast %get3A_1673 : i32 to index
      %get3A_1676 = arith.constant 16 : index
      %get3A_1677 = tpu.vector_load %arg6[%get3A_1674, %get3A_1675, %get3A_1676] {strides = array<i32>} : memref<3x16x128xf32, #tpu.memory_space<vmem>>, vector<1x1x16xf32>,
      %get3A_1678 = vector.shape_cast %get3A_1677 : vector<1x1x16xf32> to vector<16xf32>
      %add3A_1679 = arith.constant 16 : i32
      %add3A_1680 = arith.addi %mul3A_1462, %add3A_1679 : i32
      %swap3A_1681 = arith.constant 55 : i32
      %swap3A_1682 = arith.index_cast %swap3A_1681 : i32 to index
      %swap3A_1683 = arith.index_cast %add3A_1680 : i32 to index
      %swap3A_1684 = tpu.vector_load %arg7[%swap3A_1682, %swap3A_1683] {strides = array<i32>} : memref<128x320xf32, #tpu.memory_space<vmem>>, vector<1x16xf32>,
      %swap3A_1685 = vector.shape_cast %swap3A_1684 : vector<1x16xf32> to vector<16xf32>
      %swap3A_1686 = vector.shape_cast %get3A_1678 : vector<16xf32> to vector<1x16xf32>
      tpu.vector_store %arg7[%swap3A_1682, %swap3A_1683], %swap3A_1686 {strides = array<i32>} : memref<128x320xf32, #tpu.memory_space<vmem>>, vector<1x16xf32>,
      %get3A_1687 = arith.constant 0 : i32
      %get3A_1688 = arith.constant 8 : i32
      %get3A_1689 = arith.index_cast %get3A_1687 : i32 to index
      %get3A_1690 = arith.index_cast %get3A_1688 : i32 to index
      %get3A_1691 = arith.constant 0 : index
      %get3A_1692 = tpu.vector_load %arg6[%get3A_1689, %get3A_1690, %get3A_1691] {strides = array<i32>} : memref<3x16x128xf32, #tpu.memory_space<vmem>>, vector<1x1x16xf32>,
      %get3A_1693 = vector.shape_cast %get3A_1692 : vector<1x1x16xf32> to vector<16xf32>
      %swap3A_1694 = arith.constant 56 : i32
      %swap3A_1695 = arith.index_cast %swap3A_1694 : i32 to index
      %swap3A_1696 = arith.index_cast %mul3A_1462 : i32 to index
      %swap3A_1697 = tpu.vector_load %arg7[%swap3A_1695, %swap3A_1696] {strides = array<i32>} : memref<128x320xf32, #tpu.memory_space<vmem>>, vector<1x16xf32>,
      %swap3A_1698 = vector.shape_cast %swap3A_1697 : vector<1x16xf32> to vector<16xf32>
      %swap3A_1699 = vector.shape_cast %get3A_1693 : vector<16xf32> to vector<1x16xf32>
      tpu.vector_store %arg7[%swap3A_1695, %swap3A_1696], %swap3A_1699 {strides = array<i32>} : memref<128x320xf32, #tpu.memory_space<vmem>>, vector<1x16xf32>,
      %get3A_1700 = arith.constant 0 : i32
      %get3A_1701 = arith.constant 8 : i32
      %get3A_1702 = arith.index_cast %get3A_1700 : i32 to index
      %get3A_1703 = arith.index_cast %get3A_1701 : i32 to index
      %get3A_1704 = arith.constant 16 : index
      %get3A_1705 = tpu.vector_load %arg6[%get3A_1702, %get3A_1703, %get3A_1704] {strides = array<i32>} : memref<3x16x128xf32, #tpu.memory_space<vmem>>, vector<1x1x16xf32>,
      %get3A_1706 = vector.shape_cast %get3A_1705 : vector<1x1x16xf32> to vector<16xf32>
      %add3A_1707 = arith.constant 16 : i32
      %add3A_1708 = arith.addi %mul3A_1462, %add3A_1707 : i32
      %swap3A_1709 = arith.constant 56 : i32
      %swap3A_1710 = arith.index_cast %swap3A_1709 : i32 to index
      %swap3A_1711 = arith.index_cast %add3A_1708 : i32 to index
      %swap3A_1712 = tpu.vector_load %arg7[%swap3A_1710, %swap3A_1711] {strides = array<i32>} : memref<128x320xf32, #tpu.memory_space<vmem>>, vector<1x16xf32>,
      %swap3A_1713 = vector.shape_cast %swap3A_1712 : vector<1x16xf32> to vector<16xf32>
      %swap3A_1714 = vector.shape_cast %get3A_1706 : vector<16xf32> to vector<1x16xf32>
      tpu.vector_store %arg7[%swap3A_1710, %swap3A_1711], %swap3A_1714 {strides = array<i32>} : memref<128x320xf32, #tpu.memory_space<vmem>>, vector<1x16xf32>,
      %get3A_1715 = arith.constant 0 : i32
      %get3A_1716 = arith.constant 9 : i32
      %get3A_1717 = arith.index_cast %get3A_1715 : i32 to index
      %get3A_1718 = arith.index_cast %get3A_1716 : i32 to index
      %get3A_1719 = arith.constant 0 : index
      %get3A_1720 = tpu.vector_load %arg6[%get3A_1717, %get3A_1718, %get3A_1719] {strides = array<i32>} : memref<3x16x128xf32, #tpu.memory_space<vmem>>, vector<1x1x16xf32>,
      %get3A_1721 = vector.shape_cast %get3A_1720 : vector<1x1x16xf32> to vector<16xf32>
      %swap3A_1722 = arith.constant 57 : i32
      %swap3A_1723 = arith.index_cast %swap3A_1722 : i32 to index
      %swap3A_1724 = arith.index_cast %mul3A_1462 : i32 to index
      %swap3A_1725 = tpu.vector_load %arg7[%swap3A_1723, %swap3A_1724] {strides = array<i32>} : memref<128x320xf32, #tpu.memory_space<vmem>>, vector<1x16xf32>,
      %swap3A_1726 = vector.shape_cast %swap3A_1725 : vector<1x16xf32> to vector<16xf32>
      %swap3A_1727 = vector.shape_cast %get3A_1721 : vector<16xf32> to vector<1x16xf32>
      tpu.vector_store %arg7[%swap3A_1723, %swap3A_1724], %swap3A_1727 {strides = array<i32>} : memref<128x320xf32, #tpu.memory_space<vmem>>, vector<1x16xf32>,
      %get3A_1728 = arith.constant 0 : i32
      %get3A_1729 = arith.constant 9 : i32
      %get3A_1730 = arith.index_cast %get3A_1728 : i32 to index
      %get3A_1731 = arith.index_cast %get3A_1729 : i32 to index
      %get3A_1732 = arith.constant 16 : index
      %get3A_1733 = tpu.vector_load %arg6[%get3A_1730, %get3A_1731, %get3A_1732] {strides = array<i32>} : memref<3x16x128xf32, #tpu.memory_space<vmem>>, vector<1x1x16xf32>,
      %get3A_1734 = vector.shape_cast %get3A_1733 : vector<1x1x16xf32> to vector<16xf32>
      %add3A_1735 = arith.constant 16 : i32
      %add3A_1736 = arith.addi %mul3A_1462, %add3A_1735 : i32
      %swap3A_1737 = arith.constant 57 : i32
      %swap3A_1738 = arith.index_cast %swap3A_1737 : i32 to index
      %swap3A_1739 = arith.index_cast %add3A_1736 : i32 to index
      %swap3A_1740 = tpu.vector_load %arg7[%swap3A_1738, %swap3A_1739] {strides = array<i32>} : memref<128x320xf32, #tpu.memory_space<vmem>>, vector<1x16xf32>,
      %swap3A_1741 = vector.shape_cast %swap3A_1740 : vector<1x16xf32> to vector<16xf32>
      %swap3A_1742 = vector.shape_cast %get3A_1734 : vector<16xf32> to vector<1x16xf32>
      tpu.vector_store %arg7[%swap3A_1738, %swap3A_1739], %swap3A_1742 {strides = array<i32>} : memref<128x320xf32, #tpu.memory_space<vmem>>, vector<1x16xf32>,
      %get3A_1743 = arith.constant 0 : i32
      %get3A_1744 = arith.constant 10 : i32
      %get3A_1745 = arith.index_cast %get3A_1743 : i32 to index
      %get3A_1746 = arith.index_cast %get3A_1744 : i32 to index
      %get3A_1747 = arith.constant 0 : index
      %get3A_1748 = tpu.vector_load %arg6[%get3A_1745, %get3A_1746, %get3A_1747] {strides = array<i32>} : memref<3x16x128xf32, #tpu.memory_space<vmem>>, vector<1x1x16xf32>,
      %get3A_1749 = vector.shape_cast %get3A_1748 : vector<1x1x16xf32> to vector<16xf32>
      %swap3A_1750 = arith.constant 58 : i32
      %swap3A_1751 = arith.index_cast %swap3A_1750 : i32 to index
      %swap3A_1752 = arith.index_cast %mul3A_1462 : i32 to index
      %swap3A_1753 = tpu.vector_load %arg7[%swap3A_1751, %swap3A_1752] {strides = array<i32>} : memref<128x320xf32, #tpu.memory_space<vmem>>, vector<1x16xf32>,
      %swap3A_1754 = vector.shape_cast %swap3A_1753 : vector<1x16xf32> to vector<16xf32>
      %swap3A_1755 = vector.shape_cast %get3A_1749 : vector<16xf32> to vector<1x16xf32>
      tpu.vector_store %arg7[%swap3A_1751, %swap3A_1752], %swap3A_1755 {strides = array<i32>} : memref<128x320xf32, #tpu.memory_space<vmem>>, vector<1x16xf32>,
      %get3A_1756 = arith.constant 0 : i32
      %get3A_1757 = arith.constant 10 : i32
      %get3A_1758 = arith.index_cast %get3A_1756 : i32 to index
      %get3A_1759 = arith.index_cast %get3A_1757 : i32 to index
      %get3A_1760 = arith.constant 16 : index
      %get3A_1761 = tpu.vector_load %arg6[%get3A_1758, %get3A_1759, %get3A_1760] {strides = array<i32>} : memref<3x16x128xf32, #tpu.memory_space<vmem>>, vector<1x1x16xf32>,
      %get3A_1762 = vector.shape_cast %get3A_1761 : vector<1x1x16xf32> to vector<16xf32>
      %add3A_1763 = arith.constant 16 : i32
      %add3A_1764 = arith.addi %mul3A_1462, %add3A_1763 : i32
      %swap3A_1765 = arith.constant 58 : i32
      %swap3A_1766 = arith.index_cast %swap3A_1765 : i32 to index
      %swap3A_1767 = arith.index_cast %add3A_1764 : i32 to index
      %swap3A_1768 = tpu.vector_load %arg7[%swap3A_1766, %swap3A_1767] {strides = array<i32>} : memref<128x320xf32, #tpu.memory_space<vmem>>, vector<1x16xf32>,
      %swap3A_1769 = vector.shape_cast %swap3A_1768 : vector<1x16xf32> to vector<16xf32>
      %swap3A_1770 = vector.shape_cast %get3A_1762 : vector<16xf32> to vector<1x16xf32>
      tpu.vector_store %arg7[%swap3A_1766, %swap3A_1767], %swap3A_1770 {strides = array<i32>} : memref<128x320xf32, #tpu.memory_space<vmem>>, vector<1x16xf32>,
      %get3A_1771 = arith.constant 0 : i32
      %get3A_1772 = arith.constant 11 : i32
      %get3A_1773 = arith.index_cast %get3A_1771 : i32 to index
      %get3A_1774 = arith.index_cast %get3A_1772 : i32 to index
      %get3A_1775 = arith.constant 0 : index
      %get3A_1776 = tpu.vector_load %arg6[%get3A_1773, %get3A_1774, %get3A_1775] {strides = array<i32>} : memref<3x16x128xf32, #tpu.memory_space<vmem>>, vector<1x1x16xf32>,
      %get3A_1777 = vector.shape_cast %get3A_1776 : vector<1x1x16xf32> to vector<16xf32>
      %swap3A_1778 = arith.constant 59 : i32
      %swap3A_1779 = arith.index_cast %swap3A_1778 : i32 to index
      %swap3A_1780 = arith.index_cast %mul3A_1462 : i32 to index
      %swap3A_1781 = tpu.vector_load %arg7[%swap3A_1779, %swap3A_1780] {strides = array<i32>} : memref<128x320xf32, #tpu.memory_space<vmem>>, vector<1x16xf32>,
      %swap3A_1782 = vector.shape_cast %swap3A_1781 : vector<1x16xf32> to vector<16xf32>
      %swap3A_1783 = vector.shape_cast %get3A_1777 : vector<16xf32> to vector<1x16xf32>
      tpu.vector_store %arg7[%swap3A_1779, %swap3A_1780], %swap3A_1783 {strides = array<i32>} : memref<128x320xf32, #tpu.memory_space<vmem>>, vector<1x16xf32>,
      %get3A_1784 = arith.constant 0 : i32
      %get3A_1785 = arith.constant 11 : i32
      %get3A_1786 = arith.index_cast %get3A_1784 : i32 to index
      %get3A_1787 = arith.index_cast %get3A_1785 : i32 to index
      %get3A_1788 = arith.constant 16 : index
      %get3A_1789 = tpu.vector_load %arg6[%get3A_1786, %get3A_1787, %get3A_1788] {strides = array<i32>} : memref<3x16x128xf32, #tpu.memory_space<vmem>>, vector<1x1x16xf32>,
      %get3A_1790 = vector.shape_cast %get3A_1789 : vector<1x1x16xf32> to vector<16xf32>
      %add3A_1791 = arith.constant 16 : i32
      %add3A_1792 = arith.addi %mul3A_1462, %add3A_1791 : i32
      %swap3A_1793 = arith.constant 59 : i32
      %swap3A_1794 = arith.index_cast %swap3A_1793 : i32 to index
      %swap3A_1795 = arith.index_cast %add3A_1792 : i32 to index
      %swap3A_1796 = tpu.vector_load %arg7[%swap3A_1794, %swap3A_1795] {strides = array<i32>} : memref<128x320xf32, #tpu.memory_space<vmem>>, vector<1x16xf32>,
      %swap3A_1797 = vector.shape_cast %swap3A_1796 : vector<1x16xf32> to vector<16xf32>
      %swap3A_1798 = vector.shape_cast %get3A_1790 : vector<16xf32> to vector<1x16xf32>
      tpu.vector_store %arg7[%swap3A_1794, %swap3A_1795], %swap3A_1798 {strides = array<i32>} : memref<128x320xf32, #tpu.memory_space<vmem>>, vector<1x16xf32>,
      %get3A_1799 = arith.constant 0 : i32
      %get3A_1800 = arith.constant 12 : i32
      %get3A_1801 = arith.index_cast %get3A_1799 : i32 to index
      %get3A_1802 = arith.index_cast %get3A_1800 : i32 to index
      %get3A_1803 = arith.constant 0 : index
      %get3A_1804 = tpu.vector_load %arg6[%get3A_1801, %get3A_1802, %get3A_1803] {strides = array<i32>} : memref<3x16x128xf32, #tpu.memory_space<vmem>>, vector<1x1x16xf32>,
      %get3A_1805 = vector.shape_cast %get3A_1804 : vector<1x1x16xf32> to vector<16xf32>
      %swap3A_1806 = arith.constant 60 : i32
      %swap3A_1807 = arith.index_cast %swap3A_1806 : i32 to index
      %swap3A_1808 = arith.index_cast %mul3A_1462 : i32 to index
      %swap3A_1809 = tpu.vector_load %arg7[%swap3A_1807, %swap3A_1808] {strides = array<i32>} : memref<128x320xf32, #tpu.memory_space<vmem>>, vector<1x16xf32>,
      %swap3A_1810 = vector.shape_cast %swap3A_1809 : vector<1x16xf32> to vector<16xf32>
      %swap3A_1811 = vector.shape_cast %get3A_1805 : vector<16xf32> to vector<1x16xf32>
      tpu.vector_store %arg7[%swap3A_1807, %swap3A_1808], %swap3A_1811 {strides = array<i32>} : memref<128x320xf32, #tpu.memory_space<vmem>>, vector<1x16xf32>,
      %get3A_1812 = arith.constant 0 : i32
      %get3A_1813 = arith.constant 12 : i32
      %get3A_1814 = arith.index_cast %get3A_1812 : i32 to index
      %get3A_1815 = arith.index_cast %get3A_1813 : i32 to index
      %get3A_1816 = arith.constant 16 : index
      %get3A_1817 = tpu.vector_load %arg6[%get3A_1814, %get3A_1815, %get3A_1816] {strides = array<i32>} : memref<3x16x128xf32, #tpu.memory_space<vmem>>, vector<1x1x16xf32>,
      %get3A_1818 = vector.shape_cast %get3A_1817 : vector<1x1x16xf32> to vector<16xf32>
      %add3A_1819 = arith.constant 16 : i32
      %add3A_1820 = arith.addi %mul3A_1462, %add3A_1819 : i32
      %swap3A_1821 = arith.constant 60 : i32
      %swap3A_1822 = arith.index_cast %swap3A_1821 : i32 to index
      %swap3A_1823 = arith.index_cast %add3A_1820 : i32 to index
      %swap3A_1824 = tpu.vector_load %arg7[%swap3A_1822, %swap3A_1823] {strides = array<i32>} : memref<128x320xf32, #tpu.memory_space<vmem>>, vector<1x16xf32>,
      %swap3A_1825 = vector.shape_cast %swap3A_1824 : vector<1x16xf32> to vector<16xf32>
      %swap3A_1826 = vector.shape_cast %get3A_1818 : vector<16xf32> to vector<1x16xf32>
      tpu.vector_store %arg7[%swap3A_1822, %swap3A_1823], %swap3A_1826 {strides = array<i32>} : memref<128x320xf32, #tpu.memory_space<vmem>>, vector<1x16xf32>,
      %get3A_1827 = arith.constant 0 : i32
      %get3A_1828 = arith.constant 13 : i32
      %get3A_1829 = arith.index_cast %get3A_1827 : i32 to index
      %get3A_1830 = arith.index_cast %get3A_1828 : i32 to index
      %get3A_1831 = arith.constant 0 : index
      %get3A_1832 = tpu.vector_load %arg6[%get3A_1829, %get3A_1830, %get3A_1831] {strides = array<i32>} : memref<3x16x128xf32, #tpu.memory_space<vmem>>, vector<1x1x16xf32>,
      %get3A_1833 = vector.shape_cast %get3A_1832 : vector<1x1x16xf32> to vector<16xf32>
      %swap3A_1834 = arith.constant 61 : i32
      %swap3A_1835 = arith.index_cast %swap3A_1834 : i32 to index
      %swap3A_1836 = arith.index_cast %mul3A_1462 : i32 to index
      %swap3A_1837 = tpu.vector_load %arg7[%swap3A_1835, %swap3A_1836] {strides = array<i32>} : memref<128x320xf32, #tpu.memory_space<vmem>>, vector<1x16xf32>,
      %swap3A_1838 = vector.shape_cast %swap3A_1837 : vector<1x16xf32> to vector<16xf32>
      %swap3A_1839 = vector.shape_cast %get3A_1833 : vector<16xf32> to vector<1x16xf32>
      tpu.vector_store %arg7[%swap3A_1835, %swap3A_1836], %swap3A_1839 {strides = array<i32>} : memref<128x320xf32, #tpu.memory_space<vmem>>, vector<1x16xf32>,
      %get3A_1840 = arith.constant 0 : i32
      %get3A_1841 = arith.constant 13 : i32
      %get3A_1842 = arith.index_cast %get3A_1840 : i32 to index
      %get3A_1843 = arith.index_cast %get3A_1841 : i32 to index
      %get3A_1844 = arith.constant 16 : index
      %get3A_1845 = tpu.vector_load %arg6[%get3A_1842, %get3A_1843, %get3A_1844] {strides = array<i32>} : memref<3x16x128xf32, #tpu.memory_space<vmem>>, vector<1x1x16xf32>,
      %get3A_1846 = vector.shape_cast %get3A_1845 : vector<1x1x16xf32> to vector<16xf32>
      %add3A_1847 = arith.constant 16 : i32
      %add3A_1848 = arith.addi %mul3A_1462, %add3A_1847 : i32
      %swap3A_1849 = arith.constant 61 : i32
      %swap3A_1850 = arith.index_cast %swap3A_1849 : i32 to index
      %swap3A_1851 = arith.index_cast %add3A_1848 : i32 to index
      %swap3A_1852 = tpu.vector_load %arg7[%swap3A_1850, %swap3A_1851] {strides = array<i32>} : memref<128x320xf32, #tpu.memory_space<vmem>>, vector<1x16xf32>,
      %swap3A_1853 = vector.shape_cast %swap3A_1852 : vector<1x16xf32> to vector<16xf32>
      %swap3A_1854 = vector.shape_cast %get3A_1846 : vector<16xf32> to vector<1x16xf32>
      tpu.vector_store %arg7[%swap3A_1850, %swap3A_1851], %swap3A_1854 {strides = array<i32>} : memref<128x320xf32, #tpu.memory_space<vmem>>, vector<1x16xf32>,
      %get3A_1855 = arith.constant 0 : i32
      %get3A_1856 = arith.constant 14 : i32
      %get3A_1857 = arith.index_cast %get3A_1855 : i32 to index
      %get3A_1858 = arith.index_cast %get3A_1856 : i32 to index
      %get3A_1859 = arith.constant 0 : index
      %get3A_1860 = tpu.vector_load %arg6[%get3A_1857, %get3A_1858, %get3A_1859] {strides = array<i32>} : memref<3x16x128xf32, #tpu.memory_space<vmem>>, vector<1x1x16xf32>,
      %get3A_1861 = vector.shape_cast %get3A_1860 : vector<1x1x16xf32> to vector<16xf32>
      %swap3A_1862 = arith.constant 62 : i32
      %swap3A_1863 = arith.index_cast %swap3A_1862 : i32 to index
      %swap3A_1864 = arith.index_cast %mul3A_1462 : i32 to index
      %swap3A_1865 = tpu.vector_load %arg7[%swap3A_1863, %swap3A_1864] {strides = array<i32>} : memref<128x320xf32, #tpu.memory_space<vmem>>, vector<1x16xf32>,
      %swap3A_1866 = vector.shape_cast %swap3A_1865 : vector<1x16xf32> to vector<16xf32>
      %swap3A_1867 = vector.shape_cast %get3A_1861 : vector<16xf32> to vector<1x16xf32>
      tpu.vector_store %arg7[%swap3A_1863, %swap3A_1864], %swap3A_1867 {strides = array<i32>} : memref<128x320xf32, #tpu.memory_space<vmem>>, vector<1x16xf32>,
      %get3A_1868 = arith.constant 0 : i32
      %get3A_1869 = arith.constant 14 : i32
      %get3A_1870 = arith.index_cast %get3A_1868 : i32 to index
      %get3A_1871 = arith.index_cast %get3A_1869 : i32 to index
      %get3A_1872 = arith.constant 16 : index
      %get3A_1873 = tpu.vector_load %arg6[%get3A_1870, %get3A_1871, %get3A_1872] {strides = array<i32>} : memref<3x16x128xf32, #tpu.memory_space<vmem>>, vector<1x1x16xf32>,
      %get3A_1874 = vector.shape_cast %get3A_1873 : vector<1x1x16xf32> to vector<16xf32>
      %add3A_1875 = arith.constant 16 : i32
      %add3A_1876 = arith.addi %mul3A_1462, %add3A_1875 : i32
      %swap3A_1877 = arith.constant 62 : i32
      %swap3A_1878 = arith.index_cast %swap3A_1877 : i32 to index
      %swap3A_1879 = arith.index_cast %add3A_1876 : i32 to index
      %swap3A_1880 = tpu.vector_load %arg7[%swap3A_1878, %swap3A_1879] {strides = array<i32>} : memref<128x320xf32, #tpu.memory_space<vmem>>, vector<1x16xf32>,
      %swap3A_1881 = vector.shape_cast %swap3A_1880 : vector<1x16xf32> to vector<16xf32>
      %swap3A_1882 = vector.shape_cast %get3A_1874 : vector<16xf32> to vector<1x16xf32>
      tpu.vector_store %arg7[%swap3A_1878, %swap3A_1879], %swap3A_1882 {strides = array<i32>} : memref<128x320xf32, #tpu.memory_space<vmem>>, vector<1x16xf32>,
      %get3A_1883 = arith.constant 0 : i32
      %get3A_1884 = arith.constant 15 : i32
      %get3A_1885 = arith.index_cast %get3A_1883 : i32 to index
      %get3A_1886 = arith.index_cast %get3A_1884 : i32 to index
      %get3A_1887 = arith.constant 0 : index
      %get3A_1888 = tpu.vector_load %arg6[%get3A_1885, %get3A_1886, %get3A_1887] {strides = array<i32>} : memref<3x16x128xf32, #tpu.memory_space<vmem>>, vector<1x1x16xf32>,
      %get3A_1889 = vector.shape_cast %get3A_1888 : vector<1x1x16xf32> to vector<16xf32>
      %swap3A_1890 = arith.constant 63 : i32
      %swap3A_1891 = arith.index_cast %swap3A_1890 : i32 to index
      %swap3A_1892 = arith.index_cast %mul3A_1462 : i32 to index
      %swap3A_1893 = tpu.vector_load %arg7[%swap3A_1891, %swap3A_1892] {strides = array<i32>} : memref<128x320xf32, #tpu.memory_space<vmem>>, vector<1x16xf32>,
      %swap3A_1894 = vector.shape_cast %swap3A_1893 : vector<1x16xf32> to vector<16xf32>
      %swap3A_1895 = vector.shape_cast %get3A_1889 : vector<16xf32> to vector<1x16xf32>
      tpu.vector_store %arg7[%swap3A_1891, %swap3A_1892], %swap3A_1895 {strides = array<i32>} : memref<128x320xf32, #tpu.memory_space<vmem>>, vector<1x16xf32>,
      %get3A_1896 = arith.constant 0 : i32
      %get3A_1897 = arith.constant 15 : i32
      %get3A_1898 = arith.index_cast %get3A_1896 : i32 to index
      %get3A_1899 = arith.index_cast %get3A_1897 : i32 to index
      %get3A_1900 = arith.constant 16 : index
      %get3A_1901 = tpu.vector_load %arg6[%get3A_1898, %get3A_1899, %get3A_1900] {strides = array<i32>} : memref<3x16x128xf32, #tpu.memory_space<vmem>>, vector<1x1x16xf32>,
      %get3A_1902 = vector.shape_cast %get3A_1901 : vector<1x1x16xf32> to vector<16xf32>
      %add3A_1903 = arith.constant 16 : i32
      %add3A_1904 = arith.addi %mul3A_1462, %add3A_1903 : i32
      %swap3A_1905 = arith.constant 63 : i32
      %swap3A_1906 = arith.index_cast %swap3A_1905 : i32 to index
      %swap3A_1907 = arith.index_cast %add3A_1904 : i32 to index
      %swap3A_1908 = tpu.vector_load %arg7[%swap3A_1906, %swap3A_1907] {strides = array<i32>} : memref<128x320xf32, #tpu.memory_space<vmem>>, vector<1x16xf32>,
      %swap3A_1909 = vector.shape_cast %swap3A_1908 : vector<1x16xf32> to vector<16xf32>
      %swap3A_1910 = vector.shape_cast %get3A_1902 : vector<16xf32> to vector<1x16xf32>
      tpu.vector_store %arg7[%swap3A_1906, %swap3A_1907], %swap3A_1910 {strides = array<i32>} : memref<128x320xf32, #tpu.memory_space<vmem>>, vector<1x16xf32>,
      %get3A_1911 = arith.index_cast %scan3A_9 : i32 to index
      %get3A_1912 = arith.constant 96 : index
      %get3A_1913 = tpu.vector_load %arg5[%get3A_1911, %get3A_1912] {strides = array<i32>} : memref<10x128xi32, #tpu.memory_space<vmem>>, vector<1x16xi32>,
      %get3A_1914 = vector.shape_cast %get3A_1913 : vector<1x16xi32> to vector<16xi32>
      %dma_start3A_1915 = arith.constant 0 : i32
      %dma_start3A_1916 = arith.constant 0 : i32
      %dma_start3A_1917 = arith.constant 0 : i32
      %dma_start3A_1918 = tpu.memref_slice %arg6[%dma_start3A_1915, %dma_start3A_1916, %dma_start3A_1917] : memref<3x16x128xf32, #tpu.memory_space<vmem>> -> memref<1x16x128xf32, #tpu.memory_space<vmem>>
      %dma_start3A_1919 = tpu.memref_squeeze %dma_start3A_1918 : memref<1x16x128xf32, #tpu.memory_space<vmem>> -> memref<16x128xf32, #tpu.memory_space<vmem>>
      %dma_start3A_1920 = arith.constant 0 : i32
      %dma_start3A_1921 = arith.constant 0 : i32
      %dma_start3A_1922 = tpu.memref_slice %arg2[%dma_start3A_1920, %dma_start3A_1921] : memref<1000000x128xf32, #tpu.memory_space<hbm>> -> memref<1000000x128xf32, #tpu.memory_space<hbm>>
      tpu.enqueue_indirect_dma source(%dma_start3A_1922 : memref<1000000x128xf32, #tpu.memory_space<hbm>>) target(%dma_start3A_1919 : memref<16x128xf32, #tpu.memory_space<vmem>>) offsets(%get3A_1914 : vector<16xi32>) semaphore(%arg8 : memref<!tpu.dma_semaphore, #tpu.memory_space<semaphore_mem>>)
      %dma_wait3A_1923 = arith.constant 1 : i32
      %dma_wait3A_1924 = arith.constant 0 : i32
      %dma_wait3A_1925 = arith.constant 0 : i32
      %dma_wait3A_1926 = tpu.memref_slice %arg6[%dma_wait3A_1923, %dma_wait3A_1924, %dma_wait3A_1925] : memref<3x16x128xf32, #tpu.memory_space<vmem>> -> memref<1x16x128xf32, #tpu.memory_space<vmem>>
      %dma_wait3A_1927 = tpu.memref_squeeze %dma_wait3A_1926 : memref<1x16x128xf32, #tpu.memory_space<vmem>> -> memref<16x128xf32, #tpu.memory_space<vmem>>
      %dma_wait3A_1928 = arith.constant 0 : i32
      %dma_wait3A_1929 = arith.constant 0 : i32
      %dma_wait3A_1930 = tpu.memref_slice %arg2[%dma_wait3A_1928, %dma_wait3A_1929] : memref<1000000x128xf32, #tpu.memory_space<hbm>> -> memref<1000000x128xf32, #tpu.memory_space<hbm>>
      tpu.wait_indirect_dma semaphore(%arg9 : memref<!tpu.dma_semaphore, #tpu.memory_space<semaphore_mem>>) src(%dma_wait3A_1930 : memref<1000000x128xf32, #tpu.memory_space<hbm>>) dst(%dma_wait3A_1927 : memref<16x128xf32, #tpu.memory_space<vmem>>)
      %mul3A_1931 = arith.constant 32 : i32
      %mul3A_1932 = arith.muli %scan3A_9, %mul3A_1931 : i32
      %get3A_1933 = arith.constant 1 : i32
      %get3A_1934 = arith.constant 0 : i32
      %get3A_1935 = arith.index_cast %get3A_1933 : i32 to index
      %get3A_1936 = arith.index_cast %get3A_1934 : i32 to index
      %get3A_1937 = arith.constant 0 : index
      %get3A_1938 = tpu.vector_load %arg6[%get3A_1935, %get3A_1936, %get3A_1937] {strides = array<i32>} : memref<3x16x128xf32, #tpu.memory_space<vmem>>, vector<1x1x16xf32>,
      %get3A_1939 = vector.shape_cast %get3A_1938 : vector<1x1x16xf32> to vector<16xf32>
      %swap3A_1940 = arith.constant 64 : i32
      %swap3A_1941 = arith.index_cast %swap3A_1940 : i32 to index
      %swap3A_1942 = arith.index_cast %mul3A_1932 : i32 to index
      %swap3A_1943 = tpu.vector_load %arg7[%swap3A_1941, %swap3A_1942] {strides = array<i32>} : memref<128x320xf32, #tpu.memory_space<vmem>>, vector<1x16xf32>,
      %swap3A_1944 = vector.shape_cast %swap3A_1943 : vector<1x16xf32> to vector<16xf32>
      %swap3A_1945 = vector.shape_cast %get3A_1939 : vector<16xf32> to vector<1x16xf32>
      tpu.vector_store %arg7[%swap3A_1941, %swap3A_1942], %swap3A_1945 {strides = array<i32>} : memref<128x320xf32, #tpu.memory_space<vmem>>, vector<1x16xf32>,
      %get3A_1946 = arith.constant 1 : i32
      %get3A_1947 = arith.constant 0 : i32
      %get3A_1948 = arith.index_cast %get3A_1946 : i32 to index
      %get3A_1949 = arith.index_cast %get3A_1947 : i32 to index
      %get3A_1950 = arith.constant 16 : index
      %get3A_1951 = tpu.vector_load %arg6[%get3A_1948, %get3A_1949, %get3A_1950] {strides = array<i32>} : memref<3x16x128xf32, #tpu.memory_space<vmem>>, vector<1x1x16xf32>,
      %get3A_1952 = vector.shape_cast %get3A_1951 : vector<1x1x16xf32> to vector<16xf32>
      %add3A_1953 = arith.constant 16 : i32
      %add3A_1954 = arith.addi %mul3A_1932, %add3A_1953 : i32
      %swap3A_1955 = arith.constant 64 : i32
      %swap3A_1956 = arith.index_cast %swap3A_1955 : i32 to index
      %swap3A_1957 = arith.index_cast %add3A_1954 : i32 to index
      %swap3A_1958 = tpu.vector_load %arg7[%swap3A_1956, %swap3A_1957] {strides = array<i32>} : memref<128x320xf32, #tpu.memory_space<vmem>>, vector<1x16xf32>,
      %swap3A_1959 = vector.shape_cast %swap3A_1958 : vector<1x16xf32> to vector<16xf32>
      %swap3A_1960 = vector.shape_cast %get3A_1952 : vector<16xf32> to vector<1x16xf32>
      tpu.vector_store %arg7[%swap3A_1956, %swap3A_1957], %swap3A_1960 {strides = array<i32>} : memref<128x320xf32, #tpu.memory_space<vmem>>, vector<1x16xf32>,
      %get3A_1961 = arith.constant 1 : i32
      %get3A_1962 = arith.constant 1 : i32
      %get3A_1963 = arith.index_cast %get3A_1961 : i32 to index
      %get3A_1964 = arith.index_cast %get3A_1962 : i32 to index
      %get3A_1965 = arith.constant 0 : index
      %get3A_1966 = tpu.vector_load %arg6[%get3A_1963, %get3A_1964, %get3A_1965] {strides = array<i32>} : memref<3x16x128xf32, #tpu.memory_space<vmem>>, vector<1x1x16xf32>,
      %get3A_1967 = vector.shape_cast %get3A_1966 : vector<1x1x16xf32> to vector<16xf32>
      %swap3A_1968 = arith.constant 65 : i32
      %swap3A_1969 = arith.index_cast %swap3A_1968 : i32 to index
      %swap3A_1970 = arith.index_cast %mul3A_1932 : i32 to index
      %swap3A_1971 = tpu.vector_load %arg7[%swap3A_1969, %swap3A_1970] {strides = array<i32>} : memref<128x320xf32, #tpu.memory_space<vmem>>, vector<1x16xf32>,
      %swap3A_1972 = vector.shape_cast %swap3A_1971 : vector<1x16xf32> to vector<16xf32>
      %swap3A_1973 = vector.shape_cast %get3A_1967 : vector<16xf32> to vector<1x16xf32>
      tpu.vector_store %arg7[%swap3A_1969, %swap3A_1970], %swap3A_1973 {strides = array<i32>} : memref<128x320xf32, #tpu.memory_space<vmem>>, vector<1x16xf32>,
      %get3A_1974 = arith.constant 1 : i32
      %get3A_1975 = arith.constant 1 : i32
      %get3A_1976 = arith.index_cast %get3A_1974 : i32 to index
      %get3A_1977 = arith.index_cast %get3A_1975 : i32 to index
      %get3A_1978 = arith.constant 16 : index
      %get3A_1979 = tpu.vector_load %arg6[%get3A_1976, %get3A_1977, %get3A_1978] {strides = array<i32>} : memref<3x16x128xf32, #tpu.memory_space<vmem>>, vector<1x1x16xf32>,
      %get3A_1980 = vector.shape_cast %get3A_1979 : vector<1x1x16xf32> to vector<16xf32>
      %add3A_1981 = arith.constant 16 : i32
      %add3A_1982 = arith.addi %mul3A_1932, %add3A_1981 : i32
      %swap3A_1983 = arith.constant 65 : i32
      %swap3A_1984 = arith.index_cast %swap3A_1983 : i32 to index
      %swap3A_1985 = arith.index_cast %add3A_1982 : i32 to index
      %swap3A_1986 = tpu.vector_load %arg7[%swap3A_1984, %swap3A_1985] {strides = array<i32>} : memref<128x320xf32, #tpu.memory_space<vmem>>, vector<1x16xf32>,
      %swap3A_1987 = vector.shape_cast %swap3A_1986 : vector<1x16xf32> to vector<16xf32>
      %swap3A_1988 = vector.shape_cast %get3A_1980 : vector<16xf32> to vector<1x16xf32>
      tpu.vector_store %arg7[%swap3A_1984, %swap3A_1985], %swap3A_1988 {strides = array<i32>} : memref<128x320xf32, #tpu.memory_space<vmem>>, vector<1x16xf32>,
      %get3A_1989 = arith.constant 1 : i32
      %get3A_1990 = arith.constant 2 : i32
      %get3A_1991 = arith.index_cast %get3A_1989 : i32 to index
      %get3A_1992 = arith.index_cast %get3A_1990 : i32 to index
      %get3A_1993 = arith.constant 0 : index
      %get3A_1994 = tpu.vector_load %arg6[%get3A_1991, %get3A_1992, %get3A_1993] {strides = array<i32>} : memref<3x16x128xf32, #tpu.memory_space<vmem>>, vector<1x1x16xf32>,
      %get3A_1995 = vector.shape_cast %get3A_1994 : vector<1x1x16xf32> to vector<16xf32>
      %swap3A_1996 = arith.constant 66 : i32
      %swap3A_1997 = arith.index_cast %swap3A_1996 : i32 to index
      %swap3A_1998 = arith.index_cast %mul3A_1932 : i32 to index
      %swap3A_1999 = tpu.vector_load %arg7[%swap3A_1997, %swap3A_1998] {strides = array<i32>} : memref<128x320xf32, #tpu.memory_space<vmem>>, vector<1x16xf32>,
      %swap3A_2000 = vector.shape_cast %swap3A_1999 : vector<1x16xf32> to vector<16xf32>
      %swap3A_2001 = vector.shape_cast %get3A_1995 : vector<16xf32> to vector<1x16xf32>
      tpu.vector_store %arg7[%swap3A_1997, %swap3A_1998], %swap3A_2001 {strides = array<i32>} : memref<128x320xf32, #tpu.memory_space<vmem>>, vector<1x16xf32>,
      %get3A_2002 = arith.constant 1 : i32
      %get3A_2003 = arith.constant 2 : i32
      %get3A_2004 = arith.index_cast %get3A_2002 : i32 to index
      %get3A_2005 = arith.index_cast %get3A_2003 : i32 to index
      %get3A_2006 = arith.constant 16 : index
      %get3A_2007 = tpu.vector_load %arg6[%get3A_2004, %get3A_2005, %get3A_2006] {strides = array<i32>} : memref<3x16x128xf32, #tpu.memory_space<vmem>>, vector<1x1x16xf32>,
      %get3A_2008 = vector.shape_cast %get3A_2007 : vector<1x1x16xf32> to vector<16xf32>
      %add3A_2009 = arith.constant 16 : i32
      %add3A_2010 = arith.addi %mul3A_1932, %add3A_2009 : i32
      %swap3A_2011 = arith.constant 66 : i32
      %swap3A_2012 = arith.index_cast %swap3A_2011 : i32 to index
      %swap3A_2013 = arith.index_cast %add3A_2010 : i32 to index
      %swap3A_2014 = tpu.vector_load %arg7[%swap3A_2012, %swap3A_2013] {strides = array<i32>} : memref<128x320xf32, #tpu.memory_space<vmem>>, vector<1x16xf32>,
      %swap3A_2015 = vector.shape_cast %swap3A_2014 : vector<1x16xf32> to vector<16xf32>
      %swap3A_2016 = vector.shape_cast %get3A_2008 : vector<16xf32> to vector<1x16xf32>
      tpu.vector_store %arg7[%swap3A_2012, %swap3A_2013], %swap3A_2016 {strides = array<i32>} : memref<128x320xf32, #tpu.memory_space<vmem>>, vector<1x16xf32>,
      %get3A_2017 = arith.constant 1 : i32
      %get3A_2018 = arith.constant 3 : i32
      %get3A_2019 = arith.index_cast %get3A_2017 : i32 to index
      %get3A_2020 = arith.index_cast %get3A_2018 : i32 to index
      %get3A_2021 = arith.constant 0 : index
      %get3A_2022 = tpu.vector_load %arg6[%get3A_2019, %get3A_2020, %get3A_2021] {strides = array<i32>} : memref<3x16x128xf32, #tpu.memory_space<vmem>>, vector<1x1x16xf32>,
      %get3A_2023 = vector.shape_cast %get3A_2022 : vector<1x1x16xf32> to vector<16xf32>
      %swap3A_2024 = arith.constant 67 : i32
      %swap3A_2025 = arith.index_cast %swap3A_2024 : i32 to index
      %swap3A_2026 = arith.index_cast %mul3A_1932 : i32 to index
      %swap3A_2027 = tpu.vector_load %arg7[%swap3A_2025, %swap3A_2026] {strides = array<i32>} : memref<128x320xf32, #tpu.memory_space<vmem>>, vector<1x16xf32>,
      %swap3A_2028 = vector.shape_cast %swap3A_2027 : vector<1x16xf32> to vector<16xf32>
      %swap3A_2029 = vector.shape_cast %get3A_2023 : vector<16xf32> to vector<1x16xf32>
      tpu.vector_store %arg7[%swap3A_2025, %swap3A_2026], %swap3A_2029 {strides = array<i32>} : memref<128x320xf32, #tpu.memory_space<vmem>>, vector<1x16xf32>,
      %get3A_2030 = arith.constant 1 : i32
      %get3A_2031 = arith.constant 3 : i32
      %get3A_2032 = arith.index_cast %get3A_2030 : i32 to index
      %get3A_2033 = arith.index_cast %get3A_2031 : i32 to index
      %get3A_2034 = arith.constant 16 : index
      %get3A_2035 = tpu.vector_load %arg6[%get3A_2032, %get3A_2033, %get3A_2034] {strides = array<i32>} : memref<3x16x128xf32, #tpu.memory_space<vmem>>, vector<1x1x16xf32>,
      %get3A_2036 = vector.shape_cast %get3A_2035 : vector<1x1x16xf32> to vector<16xf32>
      %add3A_2037 = arith.constant 16 : i32
      %add3A_2038 = arith.addi %mul3A_1932, %add3A_2037 : i32
      %swap3A_2039 = arith.constant 67 : i32
      %swap3A_2040 = arith.index_cast %swap3A_2039 : i32 to index
      %swap3A_2041 = arith.index_cast %add3A_2038 : i32 to index
      %swap3A_2042 = tpu.vector_load %arg7[%swap3A_2040, %swap3A_2041] {strides = array<i32>} : memref<128x320xf32, #tpu.memory_space<vmem>>, vector<1x16xf32>,
      %swap3A_2043 = vector.shape_cast %swap3A_2042 : vector<1x16xf32> to vector<16xf32>
      %swap3A_2044 = vector.shape_cast %get3A_2036 : vector<16xf32> to vector<1x16xf32>
      tpu.vector_store %arg7[%swap3A_2040, %swap3A_2041], %swap3A_2044 {strides = array<i32>} : memref<128x320xf32, #tpu.memory_space<vmem>>, vector<1x16xf32>,
      %get3A_2045 = arith.constant 1 : i32
      %get3A_2046 = arith.constant 4 : i32
      %get3A_2047 = arith.index_cast %get3A_2045 : i32 to index
      %get3A_2048 = arith.index_cast %get3A_2046 : i32 to index
      %get3A_2049 = arith.constant 0 : index
      %get3A_2050 = tpu.vector_load %arg6[%get3A_2047, %get3A_2048, %get3A_2049] {strides = array<i32>} : memref<3x16x128xf32, #tpu.memory_space<vmem>>, vector<1x1x16xf32>,
      %get3A_2051 = vector.shape_cast %get3A_2050 : vector<1x1x16xf32> to vector<16xf32>
      %swap3A_2052 = arith.constant 68 : i32
      %swap3A_2053 = arith.index_cast %swap3A_2052 : i32 to index
      %swap3A_2054 = arith.index_cast %mul3A_1932 : i32 to index
      %swap3A_2055 = tpu.vector_load %arg7[%swap3A_2053, %swap3A_2054] {strides = array<i32>} : memref<128x320xf32, #tpu.memory_space<vmem>>, vector<1x16xf32>,
      %swap3A_2056 = vector.shape_cast %swap3A_2055 : vector<1x16xf32> to vector<16xf32>
      %swap3A_2057 = vector.shape_cast %get3A_2051 : vector<16xf32> to vector<1x16xf32>
      tpu.vector_store %arg7[%swap3A_2053, %swap3A_2054], %swap3A_2057 {strides = array<i32>} : memref<128x320xf32, #tpu.memory_space<vmem>>, vector<1x16xf32>,
      %get3A_2058 = arith.constant 1 : i32
      %get3A_2059 = arith.constant 4 : i32
      %get3A_2060 = arith.index_cast %get3A_2058 : i32 to index
      %get3A_2061 = arith.index_cast %get3A_2059 : i32 to index
      %get3A_2062 = arith.constant 16 : index
      %get3A_2063 = tpu.vector_load %arg6[%get3A_2060, %get3A_2061, %get3A_2062] {strides = array<i32>} : memref<3x16x128xf32, #tpu.memory_space<vmem>>, vector<1x1x16xf32>,
      %get3A_2064 = vector.shape_cast %get3A_2063 : vector<1x1x16xf32> to vector<16xf32>
      %add3A_2065 = arith.constant 16 : i32
      %add3A_2066 = arith.addi %mul3A_1932, %add3A_2065 : i32
      %swap3A_2067 = arith.constant 68 : i32
      %swap3A_2068 = arith.index_cast %swap3A_2067 : i32 to index
      %swap3A_2069 = arith.index_cast %add3A_2066 : i32 to index
      %swap3A_2070 = tpu.vector_load %arg7[%swap3A_2068, %swap3A_2069] {strides = array<i32>} : memref<128x320xf32, #tpu.memory_space<vmem>>, vector<1x16xf32>,
      %swap3A_2071 = vector.shape_cast %swap3A_2070 : vector<1x16xf32> to vector<16xf32>
      %swap3A_2072 = vector.shape_cast %get3A_2064 : vector<16xf32> to vector<1x16xf32>
      tpu.vector_store %arg7[%swap3A_2068, %swap3A_2069], %swap3A_2072 {strides = array<i32>} : memref<128x320xf32, #tpu.memory_space<vmem>>, vector<1x16xf32>,
      %get3A_2073 = arith.constant 1 : i32
      %get3A_2074 = arith.constant 5 : i32
      %get3A_2075 = arith.index_cast %get3A_2073 : i32 to index
      %get3A_2076 = arith.index_cast %get3A_2074 : i32 to index
      %get3A_2077 = arith.constant 0 : index
      %get3A_2078 = tpu.vector_load %arg6[%get3A_2075, %get3A_2076, %get3A_2077] {strides = array<i32>} : memref<3x16x128xf32, #tpu.memory_space<vmem>>, vector<1x1x16xf32>,
      %get3A_2079 = vector.shape_cast %get3A_2078 : vector<1x1x16xf32> to vector<16xf32>
      %swap3A_2080 = arith.constant 69 : i32
      %swap3A_2081 = arith.index_cast %swap3A_2080 : i32 to index
      %swap3A_2082 = arith.index_cast %mul3A_1932 : i32 to index
      %swap3A_2083 = tpu.vector_load %arg7[%swap3A_2081, %swap3A_2082] {strides = array<i32>} : memref<128x320xf32, #tpu.memory_space<vmem>>, vector<1x16xf32>,
      %swap3A_2084 = vector.shape_cast %swap3A_2083 : vector<1x16xf32> to vector<16xf32>
      %swap3A_2085 = vector.shape_cast %get3A_2079 : vector<16xf32> to vector<1x16xf32>
      tpu.vector_store %arg7[%swap3A_2081, %swap3A_2082], %swap3A_2085 {strides = array<i32>} : memref<128x320xf32, #tpu.memory_space<vmem>>, vector<1x16xf32>,
      %get3A_2086 = arith.constant 1 : i32
      %get3A_2087 = arith.constant 5 : i32
      %get3A_2088 = arith.index_cast %get3A_2086 : i32 to index
      %get3A_2089 = arith.index_cast %get3A_2087 : i32 to index
      %get3A_2090 = arith.constant 16 : index
      %get3A_2091 = tpu.vector_load %arg6[%get3A_2088, %get3A_2089, %get3A_2090] {strides = array<i32>} : memref<3x16x128xf32, #tpu.memory_space<vmem>>, vector<1x1x16xf32>,
      %get3A_2092 = vector.shape_cast %get3A_2091 : vector<1x1x16xf32> to vector<16xf32>
      %add3A_2093 = arith.constant 16 : i32
      %add3A_2094 = arith.addi %mul3A_1932, %add3A_2093 : i32
      %swap3A_2095 = arith.constant 69 : i32
      %swap3A_2096 = arith.index_cast %swap3A_2095 : i32 to index
      %swap3A_2097 = arith.index_cast %add3A_2094 : i32 to index
      %swap3A_2098 = tpu.vector_load %arg7[%swap3A_2096, %swap3A_2097] {strides = array<i32>} : memref<128x320xf32, #tpu.memory_space<vmem>>, vector<1x16xf32>,
      %swap3A_2099 = vector.shape_cast %swap3A_2098 : vector<1x16xf32> to vector<16xf32>
      %swap3A_2100 = vector.shape_cast %get3A_2092 : vector<16xf32> to vector<1x16xf32>
      tpu.vector_store %arg7[%swap3A_2096, %swap3A_2097], %swap3A_2100 {strides = array<i32>} : memref<128x320xf32, #tpu.memory_space<vmem>>, vector<1x16xf32>,
      %get3A_2101 = arith.constant 1 : i32
      %get3A_2102 = arith.constant 6 : i32
      %get3A_2103 = arith.index_cast %get3A_2101 : i32 to index
      %get3A_2104 = arith.index_cast %get3A_2102 : i32 to index
      %get3A_2105 = arith.constant 0 : index
      %get3A_2106 = tpu.vector_load %arg6[%get3A_2103, %get3A_2104, %get3A_2105] {strides = array<i32>} : memref<3x16x128xf32, #tpu.memory_space<vmem>>, vector<1x1x16xf32>,
      %get3A_2107 = vector.shape_cast %get3A_2106 : vector<1x1x16xf32> to vector<16xf32>
      %swap3A_2108 = arith.constant 70 : i32
      %swap3A_2109 = arith.index_cast %swap3A_2108 : i32 to index
      %swap3A_2110 = arith.index_cast %mul3A_1932 : i32 to index
      %swap3A_2111 = tpu.vector_load %arg7[%swap3A_2109, %swap3A_2110] {strides = array<i32>} : memref<128x320xf32, #tpu.memory_space<vmem>>, vector<1x16xf32>,
      %swap3A_2112 = vector.shape_cast %swap3A_2111 : vector<1x16xf32> to vector<16xf32>
      %swap3A_2113 = vector.shape_cast %get3A_2107 : vector<16xf32> to vector<1x16xf32>
      tpu.vector_store %arg7[%swap3A_2109, %swap3A_2110], %swap3A_2113 {strides = array<i32>} : memref<128x320xf32, #tpu.memory_space<vmem>>, vector<1x16xf32>,
      %get3A_2114 = arith.constant 1 : i32
      %get3A_2115 = arith.constant 6 : i32
      %get3A_2116 = arith.index_cast %get3A_2114 : i32 to index
      %get3A_2117 = arith.index_cast %get3A_2115 : i32 to index
      %get3A_2118 = arith.constant 16 : index
      %get3A_2119 = tpu.vector_load %arg6[%get3A_2116, %get3A_2117, %get3A_2118] {strides = array<i32>} : memref<3x16x128xf32, #tpu.memory_space<vmem>>, vector<1x1x16xf32>,
      %get3A_2120 = vector.shape_cast %get3A_2119 : vector<1x1x16xf32> to vector<16xf32>
      %add3A_2121 = arith.constant 16 : i32
      %add3A_2122 = arith.addi %mul3A_1932, %add3A_2121 : i32
      %swap3A_2123 = arith.constant 70 : i32
      %swap3A_2124 = arith.index_cast %swap3A_2123 : i32 to index
      %swap3A_2125 = arith.index_cast %add3A_2122 : i32 to index
      %swap3A_2126 = tpu.vector_load %arg7[%swap3A_2124, %swap3A_2125] {strides = array<i32>} : memref<128x320xf32, #tpu.memory_space<vmem>>, vector<1x16xf32>,
      %swap3A_2127 = vector.shape_cast %swap3A_2126 : vector<1x16xf32> to vector<16xf32>
      %swap3A_2128 = vector.shape_cast %get3A_2120 : vector<16xf32> to vector<1x16xf32>
      tpu.vector_store %arg7[%swap3A_2124, %swap3A_2125], %swap3A_2128 {strides = array<i32>} : memref<128x320xf32, #tpu.memory_space<vmem>>, vector<1x16xf32>,
      %get3A_2129 = arith.constant 1 : i32
      %get3A_2130 = arith.constant 7 : i32
      %get3A_2131 = arith.index_cast %get3A_2129 : i32 to index
      %get3A_2132 = arith.index_cast %get3A_2130 : i32 to index
      %get3A_2133 = arith.constant 0 : index
      %get3A_2134 = tpu.vector_load %arg6[%get3A_2131, %get3A_2132, %get3A_2133] {strides = array<i32>} : memref<3x16x128xf32, #tpu.memory_space<vmem>>, vector<1x1x16xf32>,
      %get3A_2135 = vector.shape_cast %get3A_2134 : vector<1x1x16xf32> to vector<16xf32>
      %swap3A_2136 = arith.constant 71 : i32
      %swap3A_2137 = arith.index_cast %swap3A_2136 : i32 to index
      %swap3A_2138 = arith.index_cast %mul3A_1932 : i32 to index
      %swap3A_2139 = tpu.vector_load %arg7[%swap3A_2137, %swap3A_2138] {strides = array<i32>} : memref<128x320xf32, #tpu.memory_space<vmem>>, vector<1x16xf32>,
      %swap3A_2140 = vector.shape_cast %swap3A_2139 : vector<1x16xf32> to vector<16xf32>
      %swap3A_2141 = vector.shape_cast %get3A_2135 : vector<16xf32> to vector<1x16xf32>
      tpu.vector_store %arg7[%swap3A_2137, %swap3A_2138], %swap3A_2141 {strides = array<i32>} : memref<128x320xf32, #tpu.memory_space<vmem>>, vector<1x16xf32>,
      %get3A_2142 = arith.constant 1 : i32
      %get3A_2143 = arith.constant 7 : i32
      %get3A_2144 = arith.index_cast %get3A_2142 : i32 to index
      %get3A_2145 = arith.index_cast %get3A_2143 : i32 to index
      %get3A_2146 = arith.constant 16 : index
      %get3A_2147 = tpu.vector_load %arg6[%get3A_2144, %get3A_2145, %get3A_2146] {strides = array<i32>} : memref<3x16x128xf32, #tpu.memory_space<vmem>>, vector<1x1x16xf32>,
      %get3A_2148 = vector.shape_cast %get3A_2147 : vector<1x1x16xf32> to vector<16xf32>
      %add3A_2149 = arith.constant 16 : i32
      %add3A_2150 = arith.addi %mul3A_1932, %add3A_2149 : i32
      %swap3A_2151 = arith.constant 71 : i32
      %swap3A_2152 = arith.index_cast %swap3A_2151 : i32 to index
      %swap3A_2153 = arith.index_cast %add3A_2150 : i32 to index
      %swap3A_2154 = tpu.vector_load %arg7[%swap3A_2152, %swap3A_2153] {strides = array<i32>} : memref<128x320xf32, #tpu.memory_space<vmem>>, vector<1x16xf32>,
      %swap3A_2155 = vector.shape_cast %swap3A_2154 : vector<1x16xf32> to vector<16xf32>
      %swap3A_2156 = vector.shape_cast %get3A_2148 : vector<16xf32> to vector<1x16xf32>
      tpu.vector_store %arg7[%swap3A_2152, %swap3A_2153], %swap3A_2156 {strides = array<i32>} : memref<128x320xf32, #tpu.memory_space<vmem>>, vector<1x16xf32>,
      %get3A_2157 = arith.constant 1 : i32
      %get3A_2158 = arith.constant 8 : i32
      %get3A_2159 = arith.index_cast %get3A_2157 : i32 to index
      %get3A_2160 = arith.index_cast %get3A_2158 : i32 to index
      %get3A_2161 = arith.constant 0 : index
      %get3A_2162 = tpu.vector_load %arg6[%get3A_2159, %get3A_2160, %get3A_2161] {strides = array<i32>} : memref<3x16x128xf32, #tpu.memory_space<vmem>>, vector<1x1x16xf32>,
      %get3A_2163 = vector.shape_cast %get3A_2162 : vector<1x1x16xf32> to vector<16xf32>
      %swap3A_2164 = arith.constant 72 : i32
      %swap3A_2165 = arith.index_cast %swap3A_2164 : i32 to index
      %swap3A_2166 = arith.index_cast %mul3A_1932 : i32 to index
      %swap3A_2167 = tpu.vector_load %arg7[%swap3A_2165, %swap3A_2166] {strides = array<i32>} : memref<128x320xf32, #tpu.memory_space<vmem>>, vector<1x16xf32>,
      %swap3A_2168 = vector.shape_cast %swap3A_2167 : vector<1x16xf32> to vector<16xf32>
      %swap3A_2169 = vector.shape_cast %get3A_2163 : vector<16xf32> to vector<1x16xf32>
      tpu.vector_store %arg7[%swap3A_2165, %swap3A_2166], %swap3A_2169 {strides = array<i32>} : memref<128x320xf32, #tpu.memory_space<vmem>>, vector<1x16xf32>,
      %get3A_2170 = arith.constant 1 : i32
      %get3A_2171 = arith.constant 8 : i32
      %get3A_2172 = arith.index_cast %get3A_2170 : i32 to index
      %get3A_2173 = arith.index_cast %get3A_2171 : i32 to index
      %get3A_2174 = arith.constant 16 : index
      %get3A_2175 = tpu.vector_load %arg6[%get3A_2172, %get3A_2173, %get3A_2174] {strides = array<i32>} : memref<3x16x128xf32, #tpu.memory_space<vmem>>, vector<1x1x16xf32>,
      %get3A_2176 = vector.shape_cast %get3A_2175 : vector<1x1x16xf32> to vector<16xf32>
      %add3A_2177 = arith.constant 16 : i32
      %add3A_2178 = arith.addi %mul3A_1932, %add3A_2177 : i32
      %swap3A_2179 = arith.constant 72 : i32
      %swap3A_2180 = arith.index_cast %swap3A_2179 : i32 to index
      %swap3A_2181 = arith.index_cast %add3A_2178 : i32 to index
      %swap3A_2182 = tpu.vector_load %arg7[%swap3A_2180, %swap3A_2181] {strides = array<i32>} : memref<128x320xf32, #tpu.memory_space<vmem>>, vector<1x16xf32>,
      %swap3A_2183 = vector.shape_cast %swap3A_2182 : vector<1x16xf32> to vector<16xf32>
      %swap3A_2184 = vector.shape_cast %get3A_2176 : vector<16xf32> to vector<1x16xf32>
      tpu.vector_store %arg7[%swap3A_2180, %swap3A_2181], %swap3A_2184 {strides = array<i32>} : memref<128x320xf32, #tpu.memory_space<vmem>>, vector<1x16xf32>,
      %get3A_2185 = arith.constant 1 : i32
      %get3A_2186 = arith.constant 9 : i32
      %get3A_2187 = arith.index_cast %get3A_2185 : i32 to index
      %get3A_2188 = arith.index_cast %get3A_2186 : i32 to index
      %get3A_2189 = arith.constant 0 : index
      %get3A_2190 = tpu.vector_load %arg6[%get3A_2187, %get3A_2188, %get3A_2189] {strides = array<i32>} : memref<3x16x128xf32, #tpu.memory_space<vmem>>, vector<1x1x16xf32>,
      %get3A_2191 = vector.shape_cast %get3A_2190 : vector<1x1x16xf32> to vector<16xf32>
      %swap3A_2192 = arith.constant 73 : i32
      %swap3A_2193 = arith.index_cast %swap3A_2192 : i32 to index
      %swap3A_2194 = arith.index_cast %mul3A_1932 : i32 to index
      %swap3A_2195 = tpu.vector_load %arg7[%swap3A_2193, %swap3A_2194] {strides = array<i32>} : memref<128x320xf32, #tpu.memory_space<vmem>>, vector<1x16xf32>,
      %swap3A_2196 = vector.shape_cast %swap3A_2195 : vector<1x16xf32> to vector<16xf32>
      %swap3A_2197 = vector.shape_cast %get3A_2191 : vector<16xf32> to vector<1x16xf32>
      tpu.vector_store %arg7[%swap3A_2193, %swap3A_2194], %swap3A_2197 {strides = array<i32>} : memref<128x320xf32, #tpu.memory_space<vmem>>, vector<1x16xf32>,
      %get3A_2198 = arith.constant 1 : i32
      %get3A_2199 = arith.constant 9 : i32
      %get3A_2200 = arith.index_cast %get3A_2198 : i32 to index
      %get3A_2201 = arith.index_cast %get3A_2199 : i32 to index
      %get3A_2202 = arith.constant 16 : index
      %get3A_2203 = tpu.vector_load %arg6[%get3A_2200, %get3A_2201, %get3A_2202] {strides = array<i32>} : memref<3x16x128xf32, #tpu.memory_space<vmem>>, vector<1x1x16xf32>,
      %get3A_2204 = vector.shape_cast %get3A_2203 : vector<1x1x16xf32> to vector<16xf32>
      %add3A_2205 = arith.constant 16 : i32
      %add3A_2206 = arith.addi %mul3A_1932, %add3A_2205 : i32
      %swap3A_2207 = arith.constant 73 : i32
      %swap3A_2208 = arith.index_cast %swap3A_2207 : i32 to index
      %swap3A_2209 = arith.index_cast %add3A_2206 : i32 to index
      %swap3A_2210 = tpu.vector_load %arg7[%swap3A_2208, %swap3A_2209] {strides = array<i32>} : memref<128x320xf32, #tpu.memory_space<vmem>>, vector<1x16xf32>,
      %swap3A_2211 = vector.shape_cast %swap3A_2210 : vector<1x16xf32> to vector<16xf32>
      %swap3A_2212 = vector.shape_cast %get3A_2204 : vector<16xf32> to vector<1x16xf32>
      tpu.vector_store %arg7[%swap3A_2208, %swap3A_2209], %swap3A_2212 {strides = array<i32>} : memref<128x320xf32, #tpu.memory_space<vmem>>, vector<1x16xf32>,
      %get3A_2213 = arith.constant 1 : i32
      %get3A_2214 = arith.constant 10 : i32
      %get3A_2215 = arith.index_cast %get3A_2213 : i32 to index
      %get3A_2216 = arith.index_cast %get3A_2214 : i32 to index
      %get3A_2217 = arith.constant 0 : index
      %get3A_2218 = tpu.vector_load %arg6[%get3A_2215, %get3A_2216, %get3A_2217] {strides = array<i32>} : memref<3x16x128xf32, #tpu.memory_space<vmem>>, vector<1x1x16xf32>,
      %get3A_2219 = vector.shape_cast %get3A_2218 : vector<1x1x16xf32> to vector<16xf32>
      %swap3A_2220 = arith.constant 74 : i32
      %swap3A_2221 = arith.index_cast %swap3A_2220 : i32 to index
      %swap3A_2222 = arith.index_cast %mul3A_1932 : i32 to index
      %swap3A_2223 = tpu.vector_load %arg7[%swap3A_2221, %swap3A_2222] {strides = array<i32>} : memref<128x320xf32, #tpu.memory_space<vmem>>, vector<1x16xf32>,
      %swap3A_2224 = vector.shape_cast %swap3A_2223 : vector<1x16xf32> to vector<16xf32>
      %swap3A_2225 = vector.shape_cast %get3A_2219 : vector<16xf32> to vector<1x16xf32>
      tpu.vector_store %arg7[%swap3A_2221, %swap3A_2222], %swap3A_2225 {strides = array<i32>} : memref<128x320xf32, #tpu.memory_space<vmem>>, vector<1x16xf32>,
      %get3A_2226 = arith.constant 1 : i32
      %get3A_2227 = arith.constant 10 : i32
      %get3A_2228 = arith.index_cast %get3A_2226 : i32 to index
      %get3A_2229 = arith.index_cast %get3A_2227 : i32 to index
      %get3A_2230 = arith.constant 16 : index
      %get3A_2231 = tpu.vector_load %arg6[%get3A_2228, %get3A_2229, %get3A_2230] {strides = array<i32>} : memref<3x16x128xf32, #tpu.memory_space<vmem>>, vector<1x1x16xf32>,
      %get3A_2232 = vector.shape_cast %get3A_2231 : vector<1x1x16xf32> to vector<16xf32>
      %add3A_2233 = arith.constant 16 : i32
      %add3A_2234 = arith.addi %mul3A_1932, %add3A_2233 : i32
      %swap3A_2235 = arith.constant 74 : i32
      %swap3A_2236 = arith.index_cast %swap3A_2235 : i32 to index
      %swap3A_2237 = arith.index_cast %add3A_2234 : i32 to index
      %swap3A_2238 = tpu.vector_load %arg7[%swap3A_2236, %swap3A_2237] {strides = array<i32>} : memref<128x320xf32, #tpu.memory_space<vmem>>, vector<1x16xf32>,
      %swap3A_2239 = vector.shape_cast %swap3A_2238 : vector<1x16xf32> to vector<16xf32>
      %swap3A_2240 = vector.shape_cast %get3A_2232 : vector<16xf32> to vector<1x16xf32>
      tpu.vector_store %arg7[%swap3A_2236, %swap3A_2237], %swap3A_2240 {strides = array<i32>} : memref<128x320xf32, #tpu.memory_space<vmem>>, vector<1x16xf32>,
      %get3A_2241 = arith.constant 1 : i32
      %get3A_2242 = arith.constant 11 : i32
      %get3A_2243 = arith.index_cast %get3A_2241 : i32 to index
      %get3A_2244 = arith.index_cast %get3A_2242 : i32 to index
      %get3A_2245 = arith.constant 0 : index
      %get3A_2246 = tpu.vector_load %arg6[%get3A_2243, %get3A_2244, %get3A_2245] {strides = array<i32>} : memref<3x16x128xf32, #tpu.memory_space<vmem>>, vector<1x1x16xf32>,
      %get3A_2247 = vector.shape_cast %get3A_2246 : vector<1x1x16xf32> to vector<16xf32>
      %swap3A_2248 = arith.constant 75 : i32
      %swap3A_2249 = arith.index_cast %swap3A_2248 : i32 to index
      %swap3A_2250 = arith.index_cast %mul3A_1932 : i32 to index
      %swap3A_2251 = tpu.vector_load %arg7[%swap3A_2249, %swap3A_2250] {strides = array<i32>} : memref<128x320xf32, #tpu.memory_space<vmem>>, vector<1x16xf32>,
      %swap3A_2252 = vector.shape_cast %swap3A_2251 : vector<1x16xf32> to vector<16xf32>
      %swap3A_2253 = vector.shape_cast %get3A_2247 : vector<16xf32> to vector<1x16xf32>
      tpu.vector_store %arg7[%swap3A_2249, %swap3A_2250], %swap3A_2253 {strides = array<i32>} : memref<128x320xf32, #tpu.memory_space<vmem>>, vector<1x16xf32>,
      %get3A_2254 = arith.constant 1 : i32
      %get3A_2255 = arith.constant 11 : i32
      %get3A_2256 = arith.index_cast %get3A_2254 : i32 to index
      %get3A_2257 = arith.index_cast %get3A_2255 : i32 to index
      %get3A_2258 = arith.constant 16 : index
      %get3A_2259 = tpu.vector_load %arg6[%get3A_2256, %get3A_2257, %get3A_2258] {strides = array<i32>} : memref<3x16x128xf32, #tpu.memory_space<vmem>>, vector<1x1x16xf32>,
      %get3A_2260 = vector.shape_cast %get3A_2259 : vector<1x1x16xf32> to vector<16xf32>
      %add3A_2261 = arith.constant 16 : i32
      %add3A_2262 = arith.addi %mul3A_1932, %add3A_2261 : i32
      %swap3A_2263 = arith.constant 75 : i32
      %swap3A_2264 = arith.index_cast %swap3A_2263 : i32 to index
      %swap3A_2265 = arith.index_cast %add3A_2262 : i32 to index
      %swap3A_2266 = tpu.vector_load %arg7[%swap3A_2264, %swap3A_2265] {strides = array<i32>} : memref<128x320xf32, #tpu.memory_space<vmem>>, vector<1x16xf32>,
      %swap3A_2267 = vector.shape_cast %swap3A_2266 : vector<1x16xf32> to vector<16xf32>
      %swap3A_2268 = vector.shape_cast %get3A_2260 : vector<16xf32> to vector<1x16xf32>
      tpu.vector_store %arg7[%swap3A_2264, %swap3A_2265], %swap3A_2268 {strides = array<i32>} : memref<128x320xf32, #tpu.memory_space<vmem>>, vector<1x16xf32>,
      %get3A_2269 = arith.constant 1 : i32
      %get3A_2270 = arith.constant 12 : i32
      %get3A_2271 = arith.index_cast %get3A_2269 : i32 to index
      %get3A_2272 = arith.index_cast %get3A_2270 : i32 to index
      %get3A_2273 = arith.constant 0 : index
      %get3A_2274 = tpu.vector_load %arg6[%get3A_2271, %get3A_2272, %get3A_2273] {strides = array<i32>} : memref<3x16x128xf32, #tpu.memory_space<vmem>>, vector<1x1x16xf32>,
      %get3A_2275 = vector.shape_cast %get3A_2274 : vector<1x1x16xf32> to vector<16xf32>
      %swap3A_2276 = arith.constant 76 : i32
      %swap3A_2277 = arith.index_cast %swap3A_2276 : i32 to index
      %swap3A_2278 = arith.index_cast %mul3A_1932 : i32 to index
      %swap3A_2279 = tpu.vector_load %arg7[%swap3A_2277, %swap3A_2278] {strides = array<i32>} : memref<128x320xf32, #tpu.memory_space<vmem>>, vector<1x16xf32>,
      %swap3A_2280 = vector.shape_cast %swap3A_2279 : vector<1x16xf32> to vector<16xf32>
      %swap3A_2281 = vector.shape_cast %get3A_2275 : vector<16xf32> to vector<1x16xf32>
      tpu.vector_store %arg7[%swap3A_2277, %swap3A_2278], %swap3A_2281 {strides = array<i32>} : memref<128x320xf32, #tpu.memory_space<vmem>>, vector<1x16xf32>,
      %get3A_2282 = arith.constant 1 : i32
      %get3A_2283 = arith.constant 12 : i32
      %get3A_2284 = arith.index_cast %get3A_2282 : i32 to index
      %get3A_2285 = arith.index_cast %get3A_2283 : i32 to index
      %get3A_2286 = arith.constant 16 : index
      %get3A_2287 = tpu.vector_load %arg6[%get3A_2284, %get3A_2285, %get3A_2286] {strides = array<i32>} : memref<3x16x128xf32, #tpu.memory_space<vmem>>, vector<1x1x16xf32>,
      %get3A_2288 = vector.shape_cast %get3A_2287 : vector<1x1x16xf32> to vector<16xf32>
      %add3A_2289 = arith.constant 16 : i32
      %add3A_2290 = arith.addi %mul3A_1932, %add3A_2289 : i32
      %swap3A_2291 = arith.constant 76 : i32
      %swap3A_2292 = arith.index_cast %swap3A_2291 : i32 to index
      %swap3A_2293 = arith.index_cast %add3A_2290 : i32 to index
      %swap3A_2294 = tpu.vector_load %arg7[%swap3A_2292, %swap3A_2293] {strides = array<i32>} : memref<128x320xf32, #tpu.memory_space<vmem>>, vector<1x16xf32>,
      %swap3A_2295 = vector.shape_cast %swap3A_2294 : vector<1x16xf32> to vector<16xf32>
      %swap3A_2296 = vector.shape_cast %get3A_2288 : vector<16xf32> to vector<1x16xf32>
      tpu.vector_store %arg7[%swap3A_2292, %swap3A_2293], %swap3A_2296 {strides = array<i32>} : memref<128x320xf32, #tpu.memory_space<vmem>>, vector<1x16xf32>,
      %get3A_2297 = arith.constant 1 : i32
      %get3A_2298 = arith.constant 13 : i32
      %get3A_2299 = arith.index_cast %get3A_2297 : i32 to index
      %get3A_2300 = arith.index_cast %get3A_2298 : i32 to index
      %get3A_2301 = arith.constant 0 : index
      %get3A_2302 = tpu.vector_load %arg6[%get3A_2299, %get3A_2300, %get3A_2301] {strides = array<i32>} : memref<3x16x128xf32, #tpu.memory_space<vmem>>, vector<1x1x16xf32>,
      %get3A_2303 = vector.shape_cast %get3A_2302 : vector<1x1x16xf32> to vector<16xf32>
      %swap3A_2304 = arith.constant 77 : i32
      %swap3A_2305 = arith.index_cast %swap3A_2304 : i32 to index
      %swap3A_2306 = arith.index_cast %mul3A_1932 : i32 to index
      %swap3A_2307 = tpu.vector_load %arg7[%swap3A_2305, %swap3A_2306] {strides = array<i32>} : memref<128x320xf32, #tpu.memory_space<vmem>>, vector<1x16xf32>,
      %swap3A_2308 = vector.shape_cast %swap3A_2307 : vector<1x16xf32> to vector<16xf32>
      %swap3A_2309 = vector.shape_cast %get3A_2303 : vector<16xf32> to vector<1x16xf32>
      tpu.vector_store %arg7[%swap3A_2305, %swap3A_2306], %swap3A_2309 {strides = array<i32>} : memref<128x320xf32, #tpu.memory_space<vmem>>, vector<1x16xf32>,
      %get3A_2310 = arith.constant 1 : i32
      %get3A_2311 = arith.constant 13 : i32
      %get3A_2312 = arith.index_cast %get3A_2310 : i32 to index
      %get3A_2313 = arith.index_cast %get3A_2311 : i32 to index
      %get3A_2314 = arith.constant 16 : index
      %get3A_2315 = tpu.vector_load %arg6[%get3A_2312, %get3A_2313, %get3A_2314] {strides = array<i32>} : memref<3x16x128xf32, #tpu.memory_space<vmem>>, vector<1x1x16xf32>,
      %get3A_2316 = vector.shape_cast %get3A_2315 : vector<1x1x16xf32> to vector<16xf32>
      %add3A_2317 = arith.constant 16 : i32
      %add3A_2318 = arith.addi %mul3A_1932, %add3A_2317 : i32
      %swap3A_2319 = arith.constant 77 : i32
      %swap3A_2320 = arith.index_cast %swap3A_2319 : i32 to index
      %swap3A_2321 = arith.index_cast %add3A_2318 : i32 to index
      %swap3A_2322 = tpu.vector_load %arg7[%swap3A_2320, %swap3A_2321] {strides = array<i32>} : memref<128x320xf32, #tpu.memory_space<vmem>>, vector<1x16xf32>,
      %swap3A_2323 = vector.shape_cast %swap3A_2322 : vector<1x16xf32> to vector<16xf32>
      %swap3A_2324 = vector.shape_cast %get3A_2316 : vector<16xf32> to vector<1x16xf32>
      tpu.vector_store %arg7[%swap3A_2320, %swap3A_2321], %swap3A_2324 {strides = array<i32>} : memref<128x320xf32, #tpu.memory_space<vmem>>, vector<1x16xf32>,
      %get3A_2325 = arith.constant 1 : i32
      %get3A_2326 = arith.constant 14 : i32
      %get3A_2327 = arith.index_cast %get3A_2325 : i32 to index
      %get3A_2328 = arith.index_cast %get3A_2326 : i32 to index
      %get3A_2329 = arith.constant 0 : index
      %get3A_2330 = tpu.vector_load %arg6[%get3A_2327, %get3A_2328, %get3A_2329] {strides = array<i32>} : memref<3x16x128xf32, #tpu.memory_space<vmem>>, vector<1x1x16xf32>,
      %get3A_2331 = vector.shape_cast %get3A_2330 : vector<1x1x16xf32> to vector<16xf32>
      %swap3A_2332 = arith.constant 78 : i32
      %swap3A_2333 = arith.index_cast %swap3A_2332 : i32 to index
      %swap3A_2334 = arith.index_cast %mul3A_1932 : i32 to index
      %swap3A_2335 = tpu.vector_load %arg7[%swap3A_2333, %swap3A_2334] {strides = array<i32>} : memref<128x320xf32, #tpu.memory_space<vmem>>, vector<1x16xf32>,
      %swap3A_2336 = vector.shape_cast %swap3A_2335 : vector<1x16xf32> to vector<16xf32>
      %swap3A_2337 = vector.shape_cast %get3A_2331 : vector<16xf32> to vector<1x16xf32>
      tpu.vector_store %arg7[%swap3A_2333, %swap3A_2334], %swap3A_2337 {strides = array<i32>} : memref<128x320xf32, #tpu.memory_space<vmem>>, vector<1x16xf32>,
      %get3A_2338 = arith.constant 1 : i32
      %get3A_2339 = arith.constant 14 : i32
      %get3A_2340 = arith.index_cast %get3A_2338 : i32 to index
      %get3A_2341 = arith.index_cast %get3A_2339 : i32 to index
      %get3A_2342 = arith.constant 16 : index
      %get3A_2343 = tpu.vector_load %arg6[%get3A_2340, %get3A_2341, %get3A_2342] {strides = array<i32>} : memref<3x16x128xf32, #tpu.memory_space<vmem>>, vector<1x1x16xf32>,
      %get3A_2344 = vector.shape_cast %get3A_2343 : vector<1x1x16xf32> to vector<16xf32>
      %add3A_2345 = arith.constant 16 : i32
      %add3A_2346 = arith.addi %mul3A_1932, %add3A_2345 : i32
      %swap3A_2347 = arith.constant 78 : i32
      %swap3A_2348 = arith.index_cast %swap3A_2347 : i32 to index
      %swap3A_2349 = arith.index_cast %add3A_2346 : i32 to index
      %swap3A_2350 = tpu.vector_load %arg7[%swap3A_2348, %swap3A_2349] {strides = array<i32>} : memref<128x320xf32, #tpu.memory_space<vmem>>, vector<1x16xf32>,
      %swap3A_2351 = vector.shape_cast %swap3A_2350 : vector<1x16xf32> to vector<16xf32>
      %swap3A_2352 = vector.shape_cast %get3A_2344 : vector<16xf32> to vector<1x16xf32>
      tpu.vector_store %arg7[%swap3A_2348, %swap3A_2349], %swap3A_2352 {strides = array<i32>} : memref<128x320xf32, #tpu.memory_space<vmem>>, vector<1x16xf32>,
      %get3A_2353 = arith.constant 1 : i32
      %get3A_2354 = arith.constant 15 : i32
      %get3A_2355 = arith.index_cast %get3A_2353 : i32 to index
      %get3A_2356 = arith.index_cast %get3A_2354 : i32 to index
      %get3A_2357 = arith.constant 0 : index
      %get3A_2358 = tpu.vector_load %arg6[%get3A_2355, %get3A_2356, %get3A_2357] {strides = array<i32>} : memref<3x16x128xf32, #tpu.memory_space<vmem>>, vector<1x1x16xf32>,
      %get3A_2359 = vector.shape_cast %get3A_2358 : vector<1x1x16xf32> to vector<16xf32>
      %swap3A_2360 = arith.constant 79 : i32
      %swap3A_2361 = arith.index_cast %swap3A_2360 : i32 to index
      %swap3A_2362 = arith.index_cast %mul3A_1932 : i32 to index
      %swap3A_2363 = tpu.vector_load %arg7[%swap3A_2361, %swap3A_2362] {strides = array<i32>} : memref<128x320xf32, #tpu.memory_space<vmem>>, vector<1x16xf32>,
      %swap3A_2364 = vector.shape_cast %swap3A_2363 : vector<1x16xf32> to vector<16xf32>
      %swap3A_2365 = vector.shape_cast %get3A_2359 : vector<16xf32> to vector<1x16xf32>
      tpu.vector_store %arg7[%swap3A_2361, %swap3A_2362], %swap3A_2365 {strides = array<i32>} : memref<128x320xf32, #tpu.memory_space<vmem>>, vector<1x16xf32>,
      %get3A_2366 = arith.constant 1 : i32
      %get3A_2367 = arith.constant 15 : i32
      %get3A_2368 = arith.index_cast %get3A_2366 : i32 to index
      %get3A_2369 = arith.index_cast %get3A_2367 : i32 to index
      %get3A_2370 = arith.constant 16 : index
      %get3A_2371 = tpu.vector_load %arg6[%get3A_2368, %get3A_2369, %get3A_2370] {strides = array<i32>} : memref<3x16x128xf32, #tpu.memory_space<vmem>>, vector<1x1x16xf32>,
      %get3A_2372 = vector.shape_cast %get3A_2371 : vector<1x1x16xf32> to vector<16xf32>
      %add3A_2373 = arith.constant 16 : i32
      %add3A_2374 = arith.addi %mul3A_1932, %add3A_2373 : i32
      %swap3A_2375 = arith.constant 79 : i32
      %swap3A_2376 = arith.index_cast %swap3A_2375 : i32 to index
      %swap3A_2377 = arith.index_cast %add3A_2374 : i32 to index
      %swap3A_2378 = tpu.vector_load %arg7[%swap3A_2376, %swap3A_2377] {strides = array<i32>} : memref<128x320xf32, #tpu.memory_space<vmem>>, vector<1x16xf32>,
      %swap3A_2379 = vector.shape_cast %swap3A_2378 : vector<1x16xf32> to vector<16xf32>
      %swap3A_2380 = vector.shape_cast %get3A_2372 : vector<16xf32> to vector<1x16xf32>
      tpu.vector_store %arg7[%swap3A_2376, %swap3A_2377], %swap3A_2380 {strides = array<i32>} : memref<128x320xf32, #tpu.memory_space<vmem>>, vector<1x16xf32>,
      %get3A_2381 = arith.index_cast %scan3A_9 : i32 to index
      %get3A_2382 = arith.constant 112 : index
      %get3A_2383 = tpu.vector_load %arg5[%get3A_2381, %get3A_2382] {strides = array<i32>} : memref<10x128xi32, #tpu.memory_space<vmem>>, vector<1x16xi32>,
      %get3A_2384 = vector.shape_cast %get3A_2383 : vector<1x16xi32> to vector<16xi32>
      %dma_start3A_2385 = arith.constant 1 : i32
      %dma_start3A_2386 = arith.constant 0 : i32
      %dma_start3A_2387 = arith.constant 0 : i32
      %dma_start3A_2388 = tpu.memref_slice %arg6[%dma_start3A_2385, %dma_start3A_2386, %dma_start3A_2387] : memref<3x16x128xf32, #tpu.memory_space<vmem>> -> memref<1x16x128xf32, #tpu.memory_space<vmem>>
      %dma_start3A_2389 = tpu.memref_squeeze %dma_start3A_2388 : memref<1x16x128xf32, #tpu.memory_space<vmem>> -> memref<16x128xf32, #tpu.memory_space<vmem>>
      %dma_start3A_2390 = arith.constant 0 : i32
      %dma_start3A_2391 = arith.constant 0 : i32
      %dma_start3A_2392 = tpu.memref_slice %arg2[%dma_start3A_2390, %dma_start3A_2391] : memref<1000000x128xf32, #tpu.memory_space<hbm>> -> memref<1000000x128xf32, #tpu.memory_space<hbm>>
      tpu.enqueue_indirect_dma source(%dma_start3A_2392 : memref<1000000x128xf32, #tpu.memory_space<hbm>>) target(%dma_start3A_2389 : memref<16x128xf32, #tpu.memory_space<vmem>>) offsets(%get3A_2384 : vector<16xi32>) semaphore(%arg9 : memref<!tpu.dma_semaphore, #tpu.memory_space<semaphore_mem>>)
      %dma_wait3A_2393 = arith.constant 2 : i32
      %dma_wait3A_2394 = arith.constant 0 : i32
      %dma_wait3A_2395 = arith.constant 0 : i32
      %dma_wait3A_2396 = tpu.memref_slice %arg6[%dma_wait3A_2393, %dma_wait3A_2394, %dma_wait3A_2395] : memref<3x16x128xf32, #tpu.memory_space<vmem>> -> memref<1x16x128xf32, #tpu.memory_space<vmem>>
      %dma_wait3A_2397 = tpu.memref_squeeze %dma_wait3A_2396 : memref<1x16x128xf32, #tpu.memory_space<vmem>> -> memref<16x128xf32, #tpu.memory_space<vmem>>
      %dma_wait3A_2398 = arith.constant 0 : i32
      %dma_wait3A_2399 = arith.constant 0 : i32
      %dma_wait3A_2400 = tpu.memref_slice %arg2[%dma_wait3A_2398, %dma_wait3A_2399] : memref<1000000x128xf32, #tpu.memory_space<hbm>> -> memref<1000000x128xf32, #tpu.memory_space<hbm>>
      tpu.wait_indirect_dma semaphore(%arg10 : memref<!tpu.dma_semaphore, #tpu.memory_space<semaphore_mem>>) src(%dma_wait3A_2400 : memref<1000000x128xf32, #tpu.memory_space<hbm>>) dst(%dma_wait3A_2397 : memref<16x128xf32, #tpu.memory_space<vmem>>)
      %mul3A_2401 = arith.constant 32 : i32
      %mul3A_2402 = arith.muli %scan3A_9, %mul3A_2401 : i32
      %get3A_2403 = arith.constant 2 : i32
      %get3A_2404 = arith.constant 0 : i32
      %get3A_2405 = arith.index_cast %get3A_2403 : i32 to index
      %get3A_2406 = arith.index_cast %get3A_2404 : i32 to index
      %get3A_2407 = arith.constant 0 : index
      %get3A_2408 = tpu.vector_load %arg6[%get3A_2405, %get3A_2406, %get3A_2407] {strides = array<i32>} : memref<3x16x128xf32, #tpu.memory_space<vmem>>, vector<1x1x16xf32>,
      %get3A_2409 = vector.shape_cast %get3A_2408 : vector<1x1x16xf32> to vector<16xf32>
      %swap3A_2410 = arith.constant 80 : i32
      %swap3A_2411 = arith.index_cast %swap3A_2410 : i32 to index
      %swap3A_2412 = arith.index_cast %mul3A_2402 : i32 to index
      %swap3A_2413 = tpu.vector_load %arg7[%swap3A_2411, %swap3A_2412] {strides = array<i32>} : memref<128x320xf32, #tpu.memory_space<vmem>>, vector<1x16xf32>,
      %swap3A_2414 = vector.shape_cast %swap3A_2413 : vector<1x16xf32> to vector<16xf32>
      %swap3A_2415 = vector.shape_cast %get3A_2409 : vector<16xf32> to vector<1x16xf32>
      tpu.vector_store %arg7[%swap3A_2411, %swap3A_2412], %swap3A_2415 {strides = array<i32>} : memref<128x320xf32, #tpu.memory_space<vmem>>, vector<1x16xf32>,
      %get3A_2416 = arith.constant 2 : i32
      %get3A_2417 = arith.constant 0 : i32
      %get3A_2418 = arith.index_cast %get3A_2416 : i32 to index
      %get3A_2419 = arith.index_cast %get3A_2417 : i32 to index
      %get3A_2420 = arith.constant 16 : index
      %get3A_2421 = tpu.vector_load %arg6[%get3A_2418, %get3A_2419, %get3A_2420] {strides = array<i32>} : memref<3x16x128xf32, #tpu.memory_space<vmem>>, vector<1x1x16xf32>,
      %get3A_2422 = vector.shape_cast %get3A_2421 : vector<1x1x16xf32> to vector<16xf32>
      %add3A_2423 = arith.constant 16 : i32
      %add3A_2424 = arith.addi %mul3A_2402, %add3A_2423 : i32
      %swap3A_2425 = arith.constant 80 : i32
      %swap3A_2426 = arith.index_cast %swap3A_2425 : i32 to index
      %swap3A_2427 = arith.index_cast %add3A_2424 : i32 to index
      %swap3A_2428 = tpu.vector_load %arg7[%swap3A_2426, %swap3A_2427] {strides = array<i32>} : memref<128x320xf32, #tpu.memory_space<vmem>>, vector<1x16xf32>,
      %swap3A_2429 = vector.shape_cast %swap3A_2428 : vector<1x16xf32> to vector<16xf32>
      %swap3A_2430 = vector.shape_cast %get3A_2422 : vector<16xf32> to vector<1x16xf32>
      tpu.vector_store %arg7[%swap3A_2426, %swap3A_2427], %swap3A_2430 {strides = array<i32>} : memref<128x320xf32, #tpu.memory_space<vmem>>, vector<1x16xf32>,
      %get3A_2431 = arith.constant 2 : i32
      %get3A_2432 = arith.constant 1 : i32
      %get3A_2433 = arith.index_cast %get3A_2431 : i32 to index
      %get3A_2434 = arith.index_cast %get3A_2432 : i32 to index
      %get3A_2435 = arith.constant 0 : index
      %get3A_2436 = tpu.vector_load %arg6[%get3A_2433, %get3A_2434, %get3A_2435] {strides = array<i32>} : memref<3x16x128xf32, #tpu.memory_space<vmem>>, vector<1x1x16xf32>,
      %get3A_2437 = vector.shape_cast %get3A_2436 : vector<1x1x16xf32> to vector<16xf32>
      %swap3A_2438 = arith.constant 81 : i32
      %swap3A_2439 = arith.index_cast %swap3A_2438 : i32 to index
      %swap3A_2440 = arith.index_cast %mul3A_2402 : i32 to index
      %swap3A_2441 = tpu.vector_load %arg7[%swap3A_2439, %swap3A_2440] {strides = array<i32>} : memref<128x320xf32, #tpu.memory_space<vmem>>, vector<1x16xf32>,
      %swap3A_2442 = vector.shape_cast %swap3A_2441 : vector<1x16xf32> to vector<16xf32>
      %swap3A_2443 = vector.shape_cast %get3A_2437 : vector<16xf32> to vector<1x16xf32>
      tpu.vector_store %arg7[%swap3A_2439, %swap3A_2440], %swap3A_2443 {strides = array<i32>} : memref<128x320xf32, #tpu.memory_space<vmem>>, vector<1x16xf32>,
      %get3A_2444 = arith.constant 2 : i32
      %get3A_2445 = arith.constant 1 : i32
      %get3A_2446 = arith.index_cast %get3A_2444 : i32 to index
      %get3A_2447 = arith.index_cast %get3A_2445 : i32 to index
      %get3A_2448 = arith.constant 16 : index
      %get3A_2449 = tpu.vector_load %arg6[%get3A_2446, %get3A_2447, %get3A_2448] {strides = array<i32>} : memref<3x16x128xf32, #tpu.memory_space<vmem>>, vector<1x1x16xf32>,
      %get3A_2450 = vector.shape_cast %get3A_2449 : vector<1x1x16xf32> to vector<16xf32>
      %add3A_2451 = arith.constant 16 : i32
      %add3A_2452 = arith.addi %mul3A_2402, %add3A_2451 : i32
      %swap3A_2453 = arith.constant 81 : i32
      %swap3A_2454 = arith.index_cast %swap3A_2453 : i32 to index
      %swap3A_2455 = arith.index_cast %add3A_2452 : i32 to index
      %swap3A_2456 = tpu.vector_load %arg7[%swap3A_2454, %swap3A_2455] {strides = array<i32>} : memref<128x320xf32, #tpu.memory_space<vmem>>, vector<1x16xf32>,
      %swap3A_2457 = vector.shape_cast %swap3A_2456 : vector<1x16xf32> to vector<16xf32>
      %swap3A_2458 = vector.shape_cast %get3A_2450 : vector<16xf32> to vector<1x16xf32>
      tpu.vector_store %arg7[%swap3A_2454, %swap3A_2455], %swap3A_2458 {strides = array<i32>} : memref<128x320xf32, #tpu.memory_space<vmem>>, vector<1x16xf32>,
      %get3A_2459 = arith.constant 2 : i32
      %get3A_2460 = arith.constant 2 : i32
      %get3A_2461 = arith.index_cast %get3A_2459 : i32 to index
      %get3A_2462 = arith.index_cast %get3A_2460 : i32 to index
      %get3A_2463 = arith.constant 0 : index
      %get3A_2464 = tpu.vector_load %arg6[%get3A_2461, %get3A_2462, %get3A_2463] {strides = array<i32>} : memref<3x16x128xf32, #tpu.memory_space<vmem>>, vector<1x1x16xf32>,
      %get3A_2465 = vector.shape_cast %get3A_2464 : vector<1x1x16xf32> to vector<16xf32>
      %swap3A_2466 = arith.constant 82 : i32
      %swap3A_2467 = arith.index_cast %swap3A_2466 : i32 to index
      %swap3A_2468 = arith.index_cast %mul3A_2402 : i32 to index
      %swap3A_2469 = tpu.vector_load %arg7[%swap3A_2467, %swap3A_2468] {strides = array<i32>} : memref<128x320xf32, #tpu.memory_space<vmem>>, vector<1x16xf32>,
      %swap3A_2470 = vector.shape_cast %swap3A_2469 : vector<1x16xf32> to vector<16xf32>
      %swap3A_2471 = vector.shape_cast %get3A_2465 : vector<16xf32> to vector<1x16xf32>
      tpu.vector_store %arg7[%swap3A_2467, %swap3A_2468], %swap3A_2471 {strides = array<i32>} : memref<128x320xf32, #tpu.memory_space<vmem>>, vector<1x16xf32>,
      %get3A_2472 = arith.constant 2 : i32
      %get3A_2473 = arith.constant 2 : i32
      %get3A_2474 = arith.index_cast %get3A_2472 : i32 to index
      %get3A_2475 = arith.index_cast %get3A_2473 : i32 to index
      %get3A_2476 = arith.constant 16 : index
      %get3A_2477 = tpu.vector_load %arg6[%get3A_2474, %get3A_2475, %get3A_2476] {strides = array<i32>} : memref<3x16x128xf32, #tpu.memory_space<vmem>>, vector<1x1x16xf32>,
      %get3A_2478 = vector.shape_cast %get3A_2477 : vector<1x1x16xf32> to vector<16xf32>
      %add3A_2479 = arith.constant 16 : i32
      %add3A_2480 = arith.addi %mul3A_2402, %add3A_2479 : i32
      %swap3A_2481 = arith.constant 82 : i32
      %swap3A_2482 = arith.index_cast %swap3A_2481 : i32 to index
      %swap3A_2483 = arith.index_cast %add3A_2480 : i32 to index
      %swap3A_2484 = tpu.vector_load %arg7[%swap3A_2482, %swap3A_2483] {strides = array<i32>} : memref<128x320xf32, #tpu.memory_space<vmem>>, vector<1x16xf32>,
      %swap3A_2485 = vector.shape_cast %swap3A_2484 : vector<1x16xf32> to vector<16xf32>
      %swap3A_2486 = vector.shape_cast %get3A_2478 : vector<16xf32> to vector<1x16xf32>
      tpu.vector_store %arg7[%swap3A_2482, %swap3A_2483], %swap3A_2486 {strides = array<i32>} : memref<128x320xf32, #tpu.memory_space<vmem>>, vector<1x16xf32>,
      %get3A_2487 = arith.constant 2 : i32
      %get3A_2488 = arith.constant 3 : i32
      %get3A_2489 = arith.index_cast %get3A_2487 : i32 to index
      %get3A_2490 = arith.index_cast %get3A_2488 : i32 to index
      %get3A_2491 = arith.constant 0 : index
      %get3A_2492 = tpu.vector_load %arg6[%get3A_2489, %get3A_2490, %get3A_2491] {strides = array<i32>} : memref<3x16x128xf32, #tpu.memory_space<vmem>>, vector<1x1x16xf32>,
      %get3A_2493 = vector.shape_cast %get3A_2492 : vector<1x1x16xf32> to vector<16xf32>
      %swap3A_2494 = arith.constant 83 : i32
      %swap3A_2495 = arith.index_cast %swap3A_2494 : i32 to index
      %swap3A_2496 = arith.index_cast %mul3A_2402 : i32 to index
      %swap3A_2497 = tpu.vector_load %arg7[%swap3A_2495, %swap3A_2496] {strides = array<i32>} : memref<128x320xf32, #tpu.memory_space<vmem>>, vector<1x16xf32>,
      %swap3A_2498 = vector.shape_cast %swap3A_2497 : vector<1x16xf32> to vector<16xf32>
      %swap3A_2499 = vector.shape_cast %get3A_2493 : vector<16xf32> to vector<1x16xf32>
      tpu.vector_store %arg7[%swap3A_2495, %swap3A_2496], %swap3A_2499 {strides = array<i32>} : memref<128x320xf32, #tpu.memory_space<vmem>>, vector<1x16xf32>,
      %get3A_2500 = arith.constant 2 : i32
      %get3A_2501 = arith.constant 3 : i32
      %get3A_2502 = arith.index_cast %get3A_2500 : i32 to index
      %get3A_2503 = arith.index_cast %get3A_2501 : i32 to index
      %get3A_2504 = arith.constant 16 : index
      %get3A_2505 = tpu.vector_load %arg6[%get3A_2502, %get3A_2503, %get3A_2504] {strides = array<i32>} : memref<3x16x128xf32, #tpu.memory_space<vmem>>, vector<1x1x16xf32>,
      %get3A_2506 = vector.shape_cast %get3A_2505 : vector<1x1x16xf32> to vector<16xf32>
      %add3A_2507 = arith.constant 16 : i32
      %add3A_2508 = arith.addi %mul3A_2402, %add3A_2507 : i32
      %swap3A_2509 = arith.constant 83 : i32
      %swap3A_2510 = arith.index_cast %swap3A_2509 : i32 to index
      %swap3A_2511 = arith.index_cast %add3A_2508 : i32 to index
      %swap3A_2512 = tpu.vector_load %arg7[%swap3A_2510, %swap3A_2511] {strides = array<i32>} : memref<128x320xf32, #tpu.memory_space<vmem>>, vector<1x16xf32>,
      %swap3A_2513 = vector.shape_cast %swap3A_2512 : vector<1x16xf32> to vector<16xf32>
      %swap3A_2514 = vector.shape_cast %get3A_2506 : vector<16xf32> to vector<1x16xf32>
      tpu.vector_store %arg7[%swap3A_2510, %swap3A_2511], %swap3A_2514 {strides = array<i32>} : memref<128x320xf32, #tpu.memory_space<vmem>>, vector<1x16xf32>,
      %get3A_2515 = arith.constant 2 : i32
      %get3A_2516 = arith.constant 4 : i32
      %get3A_2517 = arith.index_cast %get3A_2515 : i32 to index
      %get3A_2518 = arith.index_cast %get3A_2516 : i32 to index
      %get3A_2519 = arith.constant 0 : index
      %get3A_2520 = tpu.vector_load %arg6[%get3A_2517, %get3A_2518, %get3A_2519] {strides = array<i32>} : memref<3x16x128xf32, #tpu.memory_space<vmem>>, vector<1x1x16xf32>,
      %get3A_2521 = vector.shape_cast %get3A_2520 : vector<1x1x16xf32> to vector<16xf32>
      %swap3A_2522 = arith.constant 84 : i32
      %swap3A_2523 = arith.index_cast %swap3A_2522 : i32 to index
      %swap3A_2524 = arith.index_cast %mul3A_2402 : i32 to index
      %swap3A_2525 = tpu.vector_load %arg7[%swap3A_2523, %swap3A_2524] {strides = array<i32>} : memref<128x320xf32, #tpu.memory_space<vmem>>, vector<1x16xf32>,
      %swap3A_2526 = vector.shape_cast %swap3A_2525 : vector<1x16xf32> to vector<16xf32>
      %swap3A_2527 = vector.shape_cast %get3A_2521 : vector<16xf32> to vector<1x16xf32>
      tpu.vector_store %arg7[%swap3A_2523, %swap3A_2524], %swap3A_2527 {strides = array<i32>} : memref<128x320xf32, #tpu.memory_space<vmem>>, vector<1x16xf32>,
      %get3A_2528 = arith.constant 2 : i32
      %get3A_2529 = arith.constant 4 : i32
      %get3A_2530 = arith.index_cast %get3A_2528 : i32 to index
      %get3A_2531 = arith.index_cast %get3A_2529 : i32 to index
      %get3A_2532 = arith.constant 16 : index
      %get3A_2533 = tpu.vector_load %arg6[%get3A_2530, %get3A_2531, %get3A_2532] {strides = array<i32>} : memref<3x16x128xf32, #tpu.memory_space<vmem>>, vector<1x1x16xf32>,
      %get3A_2534 = vector.shape_cast %get3A_2533 : vector<1x1x16xf32> to vector<16xf32>
      %add3A_2535 = arith.constant 16 : i32
      %add3A_2536 = arith.addi %mul3A_2402, %add3A_2535 : i32
      %swap3A_2537 = arith.constant 84 : i32
      %swap3A_2538 = arith.index_cast %swap3A_2537 : i32 to index
      %swap3A_2539 = arith.index_cast %add3A_2536 : i32 to index
      %swap3A_2540 = tpu.vector_load %arg7[%swap3A_2538, %swap3A_2539] {strides = array<i32>} : memref<128x320xf32, #tpu.memory_space<vmem>>, vector<1x16xf32>,
      %swap3A_2541 = vector.shape_cast %swap3A_2540 : vector<1x16xf32> to vector<16xf32>
      %swap3A_2542 = vector.shape_cast %get3A_2534 : vector<16xf32> to vector<1x16xf32>
      tpu.vector_store %arg7[%swap3A_2538, %swap3A_2539], %swap3A_2542 {strides = array<i32>} : memref<128x320xf32, #tpu.memory_space<vmem>>, vector<1x16xf32>,
      %get3A_2543 = arith.constant 2 : i32
      %get3A_2544 = arith.constant 5 : i32
      %get3A_2545 = arith.index_cast %get3A_2543 : i32 to index
      %get3A_2546 = arith.index_cast %get3A_2544 : i32 to index
      %get3A_2547 = arith.constant 0 : index
      %get3A_2548 = tpu.vector_load %arg6[%get3A_2545, %get3A_2546, %get3A_2547] {strides = array<i32>} : memref<3x16x128xf32, #tpu.memory_space<vmem>>, vector<1x1x16xf32>,
      %get3A_2549 = vector.shape_cast %get3A_2548 : vector<1x1x16xf32> to vector<16xf32>
      %swap3A_2550 = arith.constant 85 : i32
      %swap3A_2551 = arith.index_cast %swap3A_2550 : i32 to index
      %swap3A_2552 = arith.index_cast %mul3A_2402 : i32 to index
      %swap3A_2553 = tpu.vector_load %arg7[%swap3A_2551, %swap3A_2552] {strides = array<i32>} : memref<128x320xf32, #tpu.memory_space<vmem>>, vector<1x16xf32>,
      %swap3A_2554 = vector.shape_cast %swap3A_2553 : vector<1x16xf32> to vector<16xf32>
      %swap3A_2555 = vector.shape_cast %get3A_2549 : vector<16xf32> to vector<1x16xf32>
      tpu.vector_store %arg7[%swap3A_2551, %swap3A_2552], %swap3A_2555 {strides = array<i32>} : memref<128x320xf32, #tpu.memory_space<vmem>>, vector<1x16xf32>,
      %get3A_2556 = arith.constant 2 : i32
      %get3A_2557 = arith.constant 5 : i32
      %get3A_2558 = arith.index_cast %get3A_2556 : i32 to index
      %get3A_2559 = arith.index_cast %get3A_2557 : i32 to index
      %get3A_2560 = arith.constant 16 : index
      %get3A_2561 = tpu.vector_load %arg6[%get3A_2558, %get3A_2559, %get3A_2560] {strides = array<i32>} : memref<3x16x128xf32, #tpu.memory_space<vmem>>, vector<1x1x16xf32>,
      %get3A_2562 = vector.shape_cast %get3A_2561 : vector<1x1x16xf32> to vector<16xf32>
      %add3A_2563 = arith.constant 16 : i32
      %add3A_2564 = arith.addi %mul3A_2402, %add3A_2563 : i32
      %swap3A_2565 = arith.constant 85 : i32
      %swap3A_2566 = arith.index_cast %swap3A_2565 : i32 to index
      %swap3A_2567 = arith.index_cast %add3A_2564 : i32 to index
      %swap3A_2568 = tpu.vector_load %arg7[%swap3A_2566, %swap3A_2567] {strides = array<i32>} : memref<128x320xf32, #tpu.memory_space<vmem>>, vector<1x16xf32>,
      %swap3A_2569 = vector.shape_cast %swap3A_2568 : vector<1x16xf32> to vector<16xf32>
      %swap3A_2570 = vector.shape_cast %get3A_2562 : vector<16xf32> to vector<1x16xf32>
      tpu.vector_store %arg7[%swap3A_2566, %swap3A_2567], %swap3A_2570 {strides = array<i32>} : memref<128x320xf32, #tpu.memory_space<vmem>>, vector<1x16xf32>,
      %get3A_2571 = arith.constant 2 : i32
      %get3A_2572 = arith.constant 6 : i32
      %get3A_2573 = arith.index_cast %get3A_2571 : i32 to index
      %get3A_2574 = arith.index_cast %get3A_2572 : i32 to index
      %get3A_2575 = arith.constant 0 : index
      %get3A_2576 = tpu.vector_load %arg6[%get3A_2573, %get3A_2574, %get3A_2575] {strides = array<i32>} : memref<3x16x128xf32, #tpu.memory_space<vmem>>, vector<1x1x16xf32>,
      %get3A_2577 = vector.shape_cast %get3A_2576 : vector<1x1x16xf32> to vector<16xf32>
      %swap3A_2578 = arith.constant 86 : i32
      %swap3A_2579 = arith.index_cast %swap3A_2578 : i32 to index
      %swap3A_2580 = arith.index_cast %mul3A_2402 : i32 to index
      %swap3A_2581 = tpu.vector_load %arg7[%swap3A_2579, %swap3A_2580] {strides = array<i32>} : memref<128x320xf32, #tpu.memory_space<vmem>>, vector<1x16xf32>,
      %swap3A_2582 = vector.shape_cast %swap3A_2581 : vector<1x16xf32> to vector<16xf32>
      %swap3A_2583 = vector.shape_cast %get3A_2577 : vector<16xf32> to vector<1x16xf32>
      tpu.vector_store %arg7[%swap3A_2579, %swap3A_2580], %swap3A_2583 {strides = array<i32>} : memref<128x320xf32, #tpu.memory_space<vmem>>, vector<1x16xf32>,
      %get3A_2584 = arith.constant 2 : i32
      %get3A_2585 = arith.constant 6 : i32
      %get3A_2586 = arith.index_cast %get3A_2584 : i32 to index
      %get3A_2587 = arith.index_cast %get3A_2585 : i32 to index
      %get3A_2588 = arith.constant 16 : index
      %get3A_2589 = tpu.vector_load %arg6[%get3A_2586, %get3A_2587, %get3A_2588] {strides = array<i32>} : memref<3x16x128xf32, #tpu.memory_space<vmem>>, vector<1x1x16xf32>,
      %get3A_2590 = vector.shape_cast %get3A_2589 : vector<1x1x16xf32> to vector<16xf32>
      %add3A_2591 = arith.constant 16 : i32
      %add3A_2592 = arith.addi %mul3A_2402, %add3A_2591 : i32
      %swap3A_2593 = arith.constant 86 : i32
      %swap3A_2594 = arith.index_cast %swap3A_2593 : i32 to index
      %swap3A_2595 = arith.index_cast %add3A_2592 : i32 to index
      %swap3A_2596 = tpu.vector_load %arg7[%swap3A_2594, %swap3A_2595] {strides = array<i32>} : memref<128x320xf32, #tpu.memory_space<vmem>>, vector<1x16xf32>,
      %swap3A_2597 = vector.shape_cast %swap3A_2596 : vector<1x16xf32> to vector<16xf32>
      %swap3A_2598 = vector.shape_cast %get3A_2590 : vector<16xf32> to vector<1x16xf32>
      tpu.vector_store %arg7[%swap3A_2594, %swap3A_2595], %swap3A_2598 {strides = array<i32>} : memref<128x320xf32, #tpu.memory_space<vmem>>, vector<1x16xf32>,
      %get3A_2599 = arith.constant 2 : i32
      %get3A_2600 = arith.constant 7 : i32
      %get3A_2601 = arith.index_cast %get3A_2599 : i32 to index
      %get3A_2602 = arith.index_cast %get3A_2600 : i32 to index
      %get3A_2603 = arith.constant 0 : index
      %get3A_2604 = tpu.vector_load %arg6[%get3A_2601, %get3A_2602, %get3A_2603] {strides = array<i32>} : memref<3x16x128xf32, #tpu.memory_space<vmem>>, vector<1x1x16xf32>,
      %get3A_2605 = vector.shape_cast %get3A_2604 : vector<1x1x16xf32> to vector<16xf32>
      %swap3A_2606 = arith.constant 87 : i32
      %swap3A_2607 = arith.index_cast %swap3A_2606 : i32 to index
      %swap3A_2608 = arith.index_cast %mul3A_2402 : i32 to index
      %swap3A_2609 = tpu.vector_load %arg7[%swap3A_2607, %swap3A_2608] {strides = array<i32>} : memref<128x320xf32, #tpu.memory_space<vmem>>, vector<1x16xf32>,
      %swap3A_2610 = vector.shape_cast %swap3A_2609 : vector<1x16xf32> to vector<16xf32>
      %swap3A_2611 = vector.shape_cast %get3A_2605 : vector<16xf32> to vector<1x16xf32>
      tpu.vector_store %arg7[%swap3A_2607, %swap3A_2608], %swap3A_2611 {strides = array<i32>} : memref<128x320xf32, #tpu.memory_space<vmem>>, vector<1x16xf32>,
      %get3A_2612 = arith.constant 2 : i32
      %get3A_2613 = arith.constant 7 : i32
      %get3A_2614 = arith.index_cast %get3A_2612 : i32 to index
      %get3A_2615 = arith.index_cast %get3A_2613 : i32 to index
      %get3A_2616 = arith.constant 16 : index
      %get3A_2617 = tpu.vector_load %arg6[%get3A_2614, %get3A_2615, %get3A_2616] {strides = array<i32>} : memref<3x16x128xf32, #tpu.memory_space<vmem>>, vector<1x1x16xf32>,
      %get3A_2618 = vector.shape_cast %get3A_2617 : vector<1x1x16xf32> to vector<16xf32>
      %add3A_2619 = arith.constant 16 : i32
      %add3A_2620 = arith.addi %mul3A_2402, %add3A_2619 : i32
      %swap3A_2621 = arith.constant 87 : i32
      %swap3A_2622 = arith.index_cast %swap3A_2621 : i32 to index
      %swap3A_2623 = arith.index_cast %add3A_2620 : i32 to index
      %swap3A_2624 = tpu.vector_load %arg7[%swap3A_2622, %swap3A_2623] {strides = array<i32>} : memref<128x320xf32, #tpu.memory_space<vmem>>, vector<1x16xf32>,
      %swap3A_2625 = vector.shape_cast %swap3A_2624 : vector<1x16xf32> to vector<16xf32>
      %swap3A_2626 = vector.shape_cast %get3A_2618 : vector<16xf32> to vector<1x16xf32>
      tpu.vector_store %arg7[%swap3A_2622, %swap3A_2623], %swap3A_2626 {strides = array<i32>} : memref<128x320xf32, #tpu.memory_space<vmem>>, vector<1x16xf32>,
      %get3A_2627 = arith.constant 2 : i32
      %get3A_2628 = arith.constant 8 : i32
      %get3A_2629 = arith.index_cast %get3A_2627 : i32 to index
      %get3A_2630 = arith.index_cast %get3A_2628 : i32 to index
      %get3A_2631 = arith.constant 0 : index
      %get3A_2632 = tpu.vector_load %arg6[%get3A_2629, %get3A_2630, %get3A_2631] {strides = array<i32>} : memref<3x16x128xf32, #tpu.memory_space<vmem>>, vector<1x1x16xf32>,
      %get3A_2633 = vector.shape_cast %get3A_2632 : vector<1x1x16xf32> to vector<16xf32>
      %swap3A_2634 = arith.constant 88 : i32
      %swap3A_2635 = arith.index_cast %swap3A_2634 : i32 to index
      %swap3A_2636 = arith.index_cast %mul3A_2402 : i32 to index
      %swap3A_2637 = tpu.vector_load %arg7[%swap3A_2635, %swap3A_2636] {strides = array<i32>} : memref<128x320xf32, #tpu.memory_space<vmem>>, vector<1x16xf32>,
      %swap3A_2638 = vector.shape_cast %swap3A_2637 : vector<1x16xf32> to vector<16xf32>
      %swap3A_2639 = vector.shape_cast %get3A_2633 : vector<16xf32> to vector<1x16xf32>
      tpu.vector_store %arg7[%swap3A_2635, %swap3A_2636], %swap3A_2639 {strides = array<i32>} : memref<128x320xf32, #tpu.memory_space<vmem>>, vector<1x16xf32>,
      %get3A_2640 = arith.constant 2 : i32
      %get3A_2641 = arith.constant 8 : i32
      %get3A_2642 = arith.index_cast %get3A_2640 : i32 to index
      %get3A_2643 = arith.index_cast %get3A_2641 : i32 to index
      %get3A_2644 = arith.constant 16 : index
      %get3A_2645 = tpu.vector_load %arg6[%get3A_2642, %get3A_2643, %get3A_2644] {strides = array<i32>} : memref<3x16x128xf32, #tpu.memory_space<vmem>>, vector<1x1x16xf32>,
      %get3A_2646 = vector.shape_cast %get3A_2645 : vector<1x1x16xf32> to vector<16xf32>
      %add3A_2647 = arith.constant 16 : i32
      %add3A_2648 = arith.addi %mul3A_2402, %add3A_2647 : i32
      %swap3A_2649 = arith.constant 88 : i32
      %swap3A_2650 = arith.index_cast %swap3A_2649 : i32 to index
      %swap3A_2651 = arith.index_cast %add3A_2648 : i32 to index
      %swap3A_2652 = tpu.vector_load %arg7[%swap3A_2650, %swap3A_2651] {strides = array<i32>} : memref<128x320xf32, #tpu.memory_space<vmem>>, vector<1x16xf32>,
      %swap3A_2653 = vector.shape_cast %swap3A_2652 : vector<1x16xf32> to vector<16xf32>
      %swap3A_2654 = vector.shape_cast %get3A_2646 : vector<16xf32> to vector<1x16xf32>
      tpu.vector_store %arg7[%swap3A_2650, %swap3A_2651], %swap3A_2654 {strides = array<i32>} : memref<128x320xf32, #tpu.memory_space<vmem>>, vector<1x16xf32>,
      %get3A_2655 = arith.constant 2 : i32
      %get3A_2656 = arith.constant 9 : i32
      %get3A_2657 = arith.index_cast %get3A_2655 : i32 to index
      %get3A_2658 = arith.index_cast %get3A_2656 : i32 to index
      %get3A_2659 = arith.constant 0 : index
      %get3A_2660 = tpu.vector_load %arg6[%get3A_2657, %get3A_2658, %get3A_2659] {strides = array<i32>} : memref<3x16x128xf32, #tpu.memory_space<vmem>>, vector<1x1x16xf32>,
      %get3A_2661 = vector.shape_cast %get3A_2660 : vector<1x1x16xf32> to vector<16xf32>
      %swap3A_2662 = arith.constant 89 : i32
      %swap3A_2663 = arith.index_cast %swap3A_2662 : i32 to index
      %swap3A_2664 = arith.index_cast %mul3A_2402 : i32 to index
      %swap3A_2665 = tpu.vector_load %arg7[%swap3A_2663, %swap3A_2664] {strides = array<i32>} : memref<128x320xf32, #tpu.memory_space<vmem>>, vector<1x16xf32>,
      %swap3A_2666 = vector.shape_cast %swap3A_2665 : vector<1x16xf32> to vector<16xf32>
      %swap3A_2667 = vector.shape_cast %get3A_2661 : vector<16xf32> to vector<1x16xf32>
      tpu.vector_store %arg7[%swap3A_2663, %swap3A_2664], %swap3A_2667 {strides = array<i32>} : memref<128x320xf32, #tpu.memory_space<vmem>>, vector<1x16xf32>,
      %get3A_2668 = arith.constant 2 : i32
      %get3A_2669 = arith.constant 9 : i32
      %get3A_2670 = arith.index_cast %get3A_2668 : i32 to index
      %get3A_2671 = arith.index_cast %get3A_2669 : i32 to index
      %get3A_2672 = arith.constant 16 : index
      %get3A_2673 = tpu.vector_load %arg6[%get3A_2670, %get3A_2671, %get3A_2672] {strides = array<i32>} : memref<3x16x128xf32, #tpu.memory_space<vmem>>, vector<1x1x16xf32>,
      %get3A_2674 = vector.shape_cast %get3A_2673 : vector<1x1x16xf32> to vector<16xf32>
      %add3A_2675 = arith.constant 16 : i32
      %add3A_2676 = arith.addi %mul3A_2402, %add3A_2675 : i32
      %swap3A_2677 = arith.constant 89 : i32
      %swap3A_2678 = arith.index_cast %swap3A_2677 : i32 to index
      %swap3A_2679 = arith.index_cast %add3A_2676 : i32 to index
      %swap3A_2680 = tpu.vector_load %arg7[%swap3A_2678, %swap3A_2679] {strides = array<i32>} : memref<128x320xf32, #tpu.memory_space<vmem>>, vector<1x16xf32>,
      %swap3A_2681 = vector.shape_cast %swap3A_2680 : vector<1x16xf32> to vector<16xf32>
      %swap3A_2682 = vector.shape_cast %get3A_2674 : vector<16xf32> to vector<1x16xf32>
      tpu.vector_store %arg7[%swap3A_2678, %swap3A_2679], %swap3A_2682 {strides = array<i32>} : memref<128x320xf32, #tpu.memory_space<vmem>>, vector<1x16xf32>,
      %get3A_2683 = arith.constant 2 : i32
      %get3A_2684 = arith.constant 10 : i32
      %get3A_2685 = arith.index_cast %get3A_2683 : i32 to index
      %get3A_2686 = arith.index_cast %get3A_2684 : i32 to index
      %get3A_2687 = arith.constant 0 : index
      %get3A_2688 = tpu.vector_load %arg6[%get3A_2685, %get3A_2686, %get3A_2687] {strides = array<i32>} : memref<3x16x128xf32, #tpu.memory_space<vmem>>, vector<1x1x16xf32>,
      %get3A_2689 = vector.shape_cast %get3A_2688 : vector<1x1x16xf32> to vector<16xf32>
      %swap3A_2690 = arith.constant 90 : i32
      %swap3A_2691 = arith.index_cast %swap3A_2690 : i32 to index
      %swap3A_2692 = arith.index_cast %mul3A_2402 : i32 to index
      %swap3A_2693 = tpu.vector_load %arg7[%swap3A_2691, %swap3A_2692] {strides = array<i32>} : memref<128x320xf32, #tpu.memory_space<vmem>>, vector<1x16xf32>,
      %swap3A_2694 = vector.shape_cast %swap3A_2693 : vector<1x16xf32> to vector<16xf32>
      %swap3A_2695 = vector.shape_cast %get3A_2689 : vector<16xf32> to vector<1x16xf32>
      tpu.vector_store %arg7[%swap3A_2691, %swap3A_2692], %swap3A_2695 {strides = array<i32>} : memref<128x320xf32, #tpu.memory_space<vmem>>, vector<1x16xf32>,
      %get3A_2696 = arith.constant 2 : i32
      %get3A_2697 = arith.constant 10 : i32
      %get3A_2698 = arith.index_cast %get3A_2696 : i32 to index
      %get3A_2699 = arith.index_cast %get3A_2697 : i32 to index
      %get3A_2700 = arith.constant 16 : index
      %get3A_2701 = tpu.vector_load %arg6[%get3A_2698, %get3A_2699, %get3A_2700] {strides = array<i32>} : memref<3x16x128xf32, #tpu.memory_space<vmem>>, vector<1x1x16xf32>,
      %get3A_2702 = vector.shape_cast %get3A_2701 : vector<1x1x16xf32> to vector<16xf32>
      %add3A_2703 = arith.constant 16 : i32
      %add3A_2704 = arith.addi %mul3A_2402, %add3A_2703 : i32
      %swap3A_2705 = arith.constant 90 : i32
      %swap3A_2706 = arith.index_cast %swap3A_2705 : i32 to index
      %swap3A_2707 = arith.index_cast %add3A_2704 : i32 to index
      %swap3A_2708 = tpu.vector_load %arg7[%swap3A_2706, %swap3A_2707] {strides = array<i32>} : memref<128x320xf32, #tpu.memory_space<vmem>>, vector<1x16xf32>,
      %swap3A_2709 = vector.shape_cast %swap3A_2708 : vector<1x16xf32> to vector<16xf32>
      %swap3A_2710 = vector.shape_cast %get3A_2702 : vector<16xf32> to vector<1x16xf32>
      tpu.vector_store %arg7[%swap3A_2706, %swap3A_2707], %swap3A_2710 {strides = array<i32>} : memref<128x320xf32, #tpu.memory_space<vmem>>, vector<1x16xf32>,
      %get3A_2711 = arith.constant 2 : i32
      %get3A_2712 = arith.constant 11 : i32
      %get3A_2713 = arith.index_cast %get3A_2711 : i32 to index
      %get3A_2714 = arith.index_cast %get3A_2712 : i32 to index
      %get3A_2715 = arith.constant 0 : index
      %get3A_2716 = tpu.vector_load %arg6[%get3A_2713, %get3A_2714, %get3A_2715] {strides = array<i32>} : memref<3x16x128xf32, #tpu.memory_space<vmem>>, vector<1x1x16xf32>,
      %get3A_2717 = vector.shape_cast %get3A_2716 : vector<1x1x16xf32> to vector<16xf32>
      %swap3A_2718 = arith.constant 91 : i32
      %swap3A_2719 = arith.index_cast %swap3A_2718 : i32 to index
      %swap3A_2720 = arith.index_cast %mul3A_2402 : i32 to index
      %swap3A_2721 = tpu.vector_load %arg7[%swap3A_2719, %swap3A_2720] {strides = array<i32>} : memref<128x320xf32, #tpu.memory_space<vmem>>, vector<1x16xf32>,
      %swap3A_2722 = vector.shape_cast %swap3A_2721 : vector<1x16xf32> to vector<16xf32>
      %swap3A_2723 = vector.shape_cast %get3A_2717 : vector<16xf32> to vector<1x16xf32>
      tpu.vector_store %arg7[%swap3A_2719, %swap3A_2720], %swap3A_2723 {strides = array<i32>} : memref<128x320xf32, #tpu.memory_space<vmem>>, vector<1x16xf32>,
      %get3A_2724 = arith.constant 2 : i32
      %get3A_2725 = arith.constant 11 : i32
      %get3A_2726 = arith.index_cast %get3A_2724 : i32 to index
      %get3A_2727 = arith.index_cast %get3A_2725 : i32 to index
      %get3A_2728 = arith.constant 16 : index
      %get3A_2729 = tpu.vector_load %arg6[%get3A_2726, %get3A_2727, %get3A_2728] {strides = array<i32>} : memref<3x16x128xf32, #tpu.memory_space<vmem>>, vector<1x1x16xf32>,
      %get3A_2730 = vector.shape_cast %get3A_2729 : vector<1x1x16xf32> to vector<16xf32>
      %add3A_2731 = arith.constant 16 : i32
      %add3A_2732 = arith.addi %mul3A_2402, %add3A_2731 : i32
      %swap3A_2733 = arith.constant 91 : i32
      %swap3A_2734 = arith.index_cast %swap3A_2733 : i32 to index
      %swap3A_2735 = arith.index_cast %add3A_2732 : i32 to index
      %swap3A_2736 = tpu.vector_load %arg7[%swap3A_2734, %swap3A_2735] {strides = array<i32>} : memref<128x320xf32, #tpu.memory_space<vmem>>, vector<1x16xf32>,
      %swap3A_2737 = vector.shape_cast %swap3A_2736 : vector<1x16xf32> to vector<16xf32>
      %swap3A_2738 = vector.shape_cast %get3A_2730 : vector<16xf32> to vector<1x16xf32>
      tpu.vector_store %arg7[%swap3A_2734, %swap3A_2735], %swap3A_2738 {strides = array<i32>} : memref<128x320xf32, #tpu.memory_space<vmem>>, vector<1x16xf32>,
      %get3A_2739 = arith.constant 2 : i32
      %get3A_2740 = arith.constant 12 : i32
      %get3A_2741 = arith.index_cast %get3A_2739 : i32 to index
      %get3A_2742 = arith.index_cast %get3A_2740 : i32 to index
      %get3A_2743 = arith.constant 0 : index
      %get3A_2744 = tpu.vector_load %arg6[%get3A_2741, %get3A_2742, %get3A_2743] {strides = array<i32>} : memref<3x16x128xf32, #tpu.memory_space<vmem>>, vector<1x1x16xf32>,
      %get3A_2745 = vector.shape_cast %get3A_2744 : vector<1x1x16xf32> to vector<16xf32>
      %swap3A_2746 = arith.constant 92 : i32
      %swap3A_2747 = arith.index_cast %swap3A_2746 : i32 to index
      %swap3A_2748 = arith.index_cast %mul3A_2402 : i32 to index
      %swap3A_2749 = tpu.vector_load %arg7[%swap3A_2747, %swap3A_2748] {strides = array<i32>} : memref<128x320xf32, #tpu.memory_space<vmem>>, vector<1x16xf32>,
      %swap3A_2750 = vector.shape_cast %swap3A_2749 : vector<1x16xf32> to vector<16xf32>
      %swap3A_2751 = vector.shape_cast %get3A_2745 : vector<16xf32> to vector<1x16xf32>
      tpu.vector_store %arg7[%swap3A_2747, %swap3A_2748], %swap3A_2751 {strides = array<i32>} : memref<128x320xf32, #tpu.memory_space<vmem>>, vector<1x16xf32>,
      %get3A_2752 = arith.constant 2 : i32
      %get3A_2753 = arith.constant 12 : i32
      %get3A_2754 = arith.index_cast %get3A_2752 : i32 to index
      %get3A_2755 = arith.index_cast %get3A_2753 : i32 to index
      %get3A_2756 = arith.constant 16 : index
      %get3A_2757 = tpu.vector_load %arg6[%get3A_2754, %get3A_2755, %get3A_2756] {strides = array<i32>} : memref<3x16x128xf32, #tpu.memory_space<vmem>>, vector<1x1x16xf32>,
      %get3A_2758 = vector.shape_cast %get3A_2757 : vector<1x1x16xf32> to vector<16xf32>
      %add3A_2759 = arith.constant 16 : i32
      %add3A_2760 = arith.addi %mul3A_2402, %add3A_2759 : i32
      %swap3A_2761 = arith.constant 92 : i32
      %swap3A_2762 = arith.index_cast %swap3A_2761 : i32 to index
      %swap3A_2763 = arith.index_cast %add3A_2760 : i32 to index
      %swap3A_2764 = tpu.vector_load %arg7[%swap3A_2762, %swap3A_2763] {strides = array<i32>} : memref<128x320xf32, #tpu.memory_space<vmem>>, vector<1x16xf32>,
      %swap3A_2765 = vector.shape_cast %swap3A_2764 : vector<1x16xf32> to vector<16xf32>
      %swap3A_2766 = vector.shape_cast %get3A_2758 : vector<16xf32> to vector<1x16xf32>
      tpu.vector_store %arg7[%swap3A_2762, %swap3A_2763], %swap3A_2766 {strides = array<i32>} : memref<128x320xf32, #tpu.memory_space<vmem>>, vector<1x16xf32>,
      %get3A_2767 = arith.constant 2 : i32
      %get3A_2768 = arith.constant 13 : i32
      %get3A_2769 = arith.index_cast %get3A_2767 : i32 to index
      %get3A_2770 = arith.index_cast %get3A_2768 : i32 to index
      %get3A_2771 = arith.constant 0 : index
      %get3A_2772 = tpu.vector_load %arg6[%get3A_2769, %get3A_2770, %get3A_2771] {strides = array<i32>} : memref<3x16x128xf32, #tpu.memory_space<vmem>>, vector<1x1x16xf32>,
      %get3A_2773 = vector.shape_cast %get3A_2772 : vector<1x1x16xf32> to vector<16xf32>
      %swap3A_2774 = arith.constant 93 : i32
      %swap3A_2775 = arith.index_cast %swap3A_2774 : i32 to index
      %swap3A_2776 = arith.index_cast %mul3A_2402 : i32 to index
      %swap3A_2777 = tpu.vector_load %arg7[%swap3A_2775, %swap3A_2776] {strides = array<i32>} : memref<128x320xf32, #tpu.memory_space<vmem>>, vector<1x16xf32>,
      %swap3A_2778 = vector.shape_cast %swap3A_2777 : vector<1x16xf32> to vector<16xf32>
      %swap3A_2779 = vector.shape_cast %get3A_2773 : vector<16xf32> to vector<1x16xf32>
      tpu.vector_store %arg7[%swap3A_2775, %swap3A_2776], %swap3A_2779 {strides = array<i32>} : memref<128x320xf32, #tpu.memory_space<vmem>>, vector<1x16xf32>,
      %get3A_2780 = arith.constant 2 : i32
      %get3A_2781 = arith.constant 13 : i32
      %get3A_2782 = arith.index_cast %get3A_2780 : i32 to index
      %get3A_2783 = arith.index_cast %get3A_2781 : i32 to index
      %get3A_2784 = arith.constant 16 : index
      %get3A_2785 = tpu.vector_load %arg6[%get3A_2782, %get3A_2783, %get3A_2784] {strides = array<i32>} : memref<3x16x128xf32, #tpu.memory_space<vmem>>, vector<1x1x16xf32>,
      %get3A_2786 = vector.shape_cast %get3A_2785 : vector<1x1x16xf32> to vector<16xf32>
      %add3A_2787 = arith.constant 16 : i32
      %add3A_2788 = arith.addi %mul3A_2402, %add3A_2787 : i32
      %swap3A_2789 = arith.constant 93 : i32
      %swap3A_2790 = arith.index_cast %swap3A_2789 : i32 to index
      %swap3A_2791 = arith.index_cast %add3A_2788 : i32 to index
      %swap3A_2792 = tpu.vector_load %arg7[%swap3A_2790, %swap3A_2791] {strides = array<i32>} : memref<128x320xf32, #tpu.memory_space<vmem>>, vector<1x16xf32>,
      %swap3A_2793 = vector.shape_cast %swap3A_2792 : vector<1x16xf32> to vector<16xf32>
      %swap3A_2794 = vector.shape_cast %get3A_2786 : vector<16xf32> to vector<1x16xf32>
      tpu.vector_store %arg7[%swap3A_2790, %swap3A_2791], %swap3A_2794 {strides = array<i32>} : memref<128x320xf32, #tpu.memory_space<vmem>>, vector<1x16xf32>,
      %get3A_2795 = arith.constant 2 : i32
      %get3A_2796 = arith.constant 14 : i32
      %get3A_2797 = arith.index_cast %get3A_2795 : i32 to index
      %get3A_2798 = arith.index_cast %get3A_2796 : i32 to index
      %get3A_2799 = arith.constant 0 : index
      %get3A_2800 = tpu.vector_load %arg6[%get3A_2797, %get3A_2798, %get3A_2799] {strides = array<i32>} : memref<3x16x128xf32, #tpu.memory_space<vmem>>, vector<1x1x16xf32>,
      %get3A_2801 = vector.shape_cast %get3A_2800 : vector<1x1x16xf32> to vector<16xf32>
      %swap3A_2802 = arith.constant 94 : i32
      %swap3A_2803 = arith.index_cast %swap3A_2802 : i32 to index
      %swap3A_2804 = arith.index_cast %mul3A_2402 : i32 to index
      %swap3A_2805 = tpu.vector_load %arg7[%swap3A_2803, %swap3A_2804] {strides = array<i32>} : memref<128x320xf32, #tpu.memory_space<vmem>>, vector<1x16xf32>,
      %swap3A_2806 = vector.shape_cast %swap3A_2805 : vector<1x16xf32> to vector<16xf32>
      %swap3A_2807 = vector.shape_cast %get3A_2801 : vector<16xf32> to vector<1x16xf32>
      tpu.vector_store %arg7[%swap3A_2803, %swap3A_2804], %swap3A_2807 {strides = array<i32>} : memref<128x320xf32, #tpu.memory_space<vmem>>, vector<1x16xf32>,
      %get3A_2808 = arith.constant 2 : i32
      %get3A_2809 = arith.constant 14 : i32
      %get3A_2810 = arith.index_cast %get3A_2808 : i32 to index
      %get3A_2811 = arith.index_cast %get3A_2809 : i32 to index
      %get3A_2812 = arith.constant 16 : index
      %get3A_2813 = tpu.vector_load %arg6[%get3A_2810, %get3A_2811, %get3A_2812] {strides = array<i32>} : memref<3x16x128xf32, #tpu.memory_space<vmem>>, vector<1x1x16xf32>,
      %get3A_2814 = vector.shape_cast %get3A_2813 : vector<1x1x16xf32> to vector<16xf32>
      %add3A_2815 = arith.constant 16 : i32
      %add3A_2816 = arith.addi %mul3A_2402, %add3A_2815 : i32
      %swap3A_2817 = arith.constant 94 : i32
      %swap3A_2818 = arith.index_cast %swap3A_2817 : i32 to index
      %swap3A_2819 = arith.index_cast %add3A_2816 : i32 to index
      %swap3A_2820 = tpu.vector_load %arg7[%swap3A_2818, %swap3A_2819] {strides = array<i32>} : memref<128x320xf32, #tpu.memory_space<vmem>>, vector<1x16xf32>,
      %swap3A_2821 = vector.shape_cast %swap3A_2820 : vector<1x16xf32> to vector<16xf32>
      %swap3A_2822 = vector.shape_cast %get3A_2814 : vector<16xf32> to vector<1x16xf32>
      tpu.vector_store %arg7[%swap3A_2818, %swap3A_2819], %swap3A_2822 {strides = array<i32>} : memref<128x320xf32, #tpu.memory_space<vmem>>, vector<1x16xf32>,
      %get3A_2823 = arith.constant 2 : i32
      %get3A_2824 = arith.constant 15 : i32
      %get3A_2825 = arith.index_cast %get3A_2823 : i32 to index
      %get3A_2826 = arith.index_cast %get3A_2824 : i32 to index
      %get3A_2827 = arith.constant 0 : index
      %get3A_2828 = tpu.vector_load %arg6[%get3A_2825, %get3A_2826, %get3A_2827] {strides = array<i32>} : memref<3x16x128xf32, #tpu.memory_space<vmem>>, vector<1x1x16xf32>,
      %get3A_2829 = vector.shape_cast %get3A_2828 : vector<1x1x16xf32> to vector<16xf32>
      %swap3A_2830 = arith.constant 95 : i32
      %swap3A_2831 = arith.index_cast %swap3A_2830 : i32 to index
      %swap3A_2832 = arith.index_cast %mul3A_2402 : i32 to index
      %swap3A_2833 = tpu.vector_load %arg7[%swap3A_2831, %swap3A_2832] {strides = array<i32>} : memref<128x320xf32, #tpu.memory_space<vmem>>, vector<1x16xf32>,
      %swap3A_2834 = vector.shape_cast %swap3A_2833 : vector<1x16xf32> to vector<16xf32>
      %swap3A_2835 = vector.shape_cast %get3A_2829 : vector<16xf32> to vector<1x16xf32>
      tpu.vector_store %arg7[%swap3A_2831, %swap3A_2832], %swap3A_2835 {strides = array<i32>} : memref<128x320xf32, #tpu.memory_space<vmem>>, vector<1x16xf32>,
      %get3A_2836 = arith.constant 2 : i32
      %get3A_2837 = arith.constant 15 : i32
      %get3A_2838 = arith.index_cast %get3A_2836 : i32 to index
      %get3A_2839 = arith.index_cast %get3A_2837 : i32 to index
      %get3A_2840 = arith.constant 16 : index
      %get3A_2841 = tpu.vector_load %arg6[%get3A_2838, %get3A_2839, %get3A_2840] {strides = array<i32>} : memref<3x16x128xf32, #tpu.memory_space<vmem>>, vector<1x1x16xf32>,
      %get3A_2842 = vector.shape_cast %get3A_2841 : vector<1x1x16xf32> to vector<16xf32>
      %add3A_2843 = arith.constant 16 : i32
      %add3A_2844 = arith.addi %mul3A_2402, %add3A_2843 : i32
      %swap3A_2845 = arith.constant 95 : i32
      %swap3A_2846 = arith.index_cast %swap3A_2845 : i32 to index
      %swap3A_2847 = arith.index_cast %add3A_2844 : i32 to index
      %swap3A_2848 = tpu.vector_load %arg7[%swap3A_2846, %swap3A_2847] {strides = array<i32>} : memref<128x320xf32, #tpu.memory_space<vmem>>, vector<1x16xf32>,
      %swap3A_2849 = vector.shape_cast %swap3A_2848 : vector<1x16xf32> to vector<16xf32>
      %swap3A_2850 = vector.shape_cast %get3A_2842 : vector<16xf32> to vector<1x16xf32>
      tpu.vector_store %arg7[%swap3A_2846, %swap3A_2847], %swap3A_2850 {strides = array<i32>} : memref<128x320xf32, #tpu.memory_space<vmem>>, vector<1x16xf32>,
      %dma_wait3A_2851 = arith.constant 0 : i32
      %dma_wait3A_2852 = arith.constant 0 : i32
      %dma_wait3A_2853 = arith.constant 0 : i32
      %dma_wait3A_2854 = tpu.memref_slice %arg6[%dma_wait3A_2851, %dma_wait3A_2852, %dma_wait3A_2853] : memref<3x16x128xf32, #tpu.memory_space<vmem>> -> memref<1x16x128xf32, #tpu.memory_space<vmem>>
      %dma_wait3A_2855 = tpu.memref_squeeze %dma_wait3A_2854 : memref<1x16x128xf32, #tpu.memory_space<vmem>> -> memref<16x128xf32, #tpu.memory_space<vmem>>
      %dma_wait3A_2856 = arith.constant 0 : i32
      %dma_wait3A_2857 = arith.constant 0 : i32
      %dma_wait3A_2858 = tpu.memref_slice %arg2[%dma_wait3A_2856, %dma_wait3A_2857] : memref<1000000x128xf32, #tpu.memory_space<hbm>> -> memref<1000000x128xf32, #tpu.memory_space<hbm>>
      tpu.wait_indirect_dma semaphore(%arg8 : memref<!tpu.dma_semaphore, #tpu.memory_space<semaphore_mem>>) src(%dma_wait3A_2858 : memref<1000000x128xf32, #tpu.memory_space<hbm>>) dst(%dma_wait3A_2855 : memref<16x128xf32, #tpu.memory_space<vmem>>)
      %mul3A_2859 = arith.constant 32 : i32
      %mul3A_2860 = arith.muli %scan3A_9, %mul3A_2859 : i32
      %get3A_2861 = arith.constant 0 : i32
      %get3A_2862 = arith.constant 0 : i32
      %get3A_2863 = arith.index_cast %get3A_2861 : i32 to index
      %get3A_2864 = arith.index_cast %get3A_2862 : i32 to index
      %get3A_2865 = arith.constant 0 : index
      %get3A_2866 = tpu.vector_load %arg6[%get3A_2863, %get3A_2864, %get3A_2865] {strides = array<i32>} : memref<3x16x128xf32, #tpu.memory_space<vmem>>, vector<1x1x16xf32>,
      %get3A_2867 = vector.shape_cast %get3A_2866 : vector<1x1x16xf32> to vector<16xf32>
      %swap3A_2868 = arith.constant 96 : i32
      %swap3A_2869 = arith.index_cast %swap3A_2868 : i32 to index
      %swap3A_2870 = arith.index_cast %mul3A_2860 : i32 to index
      %swap3A_2871 = tpu.vector_load %arg7[%swap3A_2869, %swap3A_2870] {strides = array<i32>} : memref<128x320xf32, #tpu.memory_space<vmem>>, vector<1x16xf32>,
      %swap3A_2872 = vector.shape_cast %swap3A_2871 : vector<1x16xf32> to vector<16xf32>
      %swap3A_2873 = vector.shape_cast %get3A_2867 : vector<16xf32> to vector<1x16xf32>
      tpu.vector_store %arg7[%swap3A_2869, %swap3A_2870], %swap3A_2873 {strides = array<i32>} : memref<128x320xf32, #tpu.memory_space<vmem>>, vector<1x16xf32>,
      %get3A_2874 = arith.constant 0 : i32
      %get3A_2875 = arith.constant 0 : i32
      %get3A_2876 = arith.index_cast %get3A_2874 : i32 to index
      %get3A_2877 = arith.index_cast %get3A_2875 : i32 to index
      %get3A_2878 = arith.constant 16 : index
      %get3A_2879 = tpu.vector_load %arg6[%get3A_2876, %get3A_2877, %get3A_2878] {strides = array<i32>} : memref<3x16x128xf32, #tpu.memory_space<vmem>>, vector<1x1x16xf32>,
      %get3A_2880 = vector.shape_cast %get3A_2879 : vector<1x1x16xf32> to vector<16xf32>
      %add3A_2881 = arith.constant 16 : i32
      %add3A_2882 = arith.addi %mul3A_2860, %add3A_2881 : i32
      %swap3A_2883 = arith.constant 96 : i32
      %swap3A_2884 = arith.index_cast %swap3A_2883 : i32 to index
      %swap3A_2885 = arith.index_cast %add3A_2882 : i32 to index
      %swap3A_2886 = tpu.vector_load %arg7[%swap3A_2884, %swap3A_2885] {strides = array<i32>} : memref<128x320xf32, #tpu.memory_space<vmem>>, vector<1x16xf32>,
      %swap3A_2887 = vector.shape_cast %swap3A_2886 : vector<1x16xf32> to vector<16xf32>
      %swap3A_2888 = vector.shape_cast %get3A_2880 : vector<16xf32> to vector<1x16xf32>
      tpu.vector_store %arg7[%swap3A_2884, %swap3A_2885], %swap3A_2888 {strides = array<i32>} : memref<128x320xf32, #tpu.memory_space<vmem>>, vector<1x16xf32>,
      %get3A_2889 = arith.constant 0 : i32
      %get3A_2890 = arith.constant 1 : i32
      %get3A_2891 = arith.index_cast %get3A_2889 : i32 to index
      %get3A_2892 = arith.index_cast %get3A_2890 : i32 to index
      %get3A_2893 = arith.constant 0 : index
      %get3A_2894 = tpu.vector_load %arg6[%get3A_2891, %get3A_2892, %get3A_2893] {strides = array<i32>} : memref<3x16x128xf32, #tpu.memory_space<vmem>>, vector<1x1x16xf32>,
      %get3A_2895 = vector.shape_cast %get3A_2894 : vector<1x1x16xf32> to vector<16xf32>
      %swap3A_2896 = arith.constant 97 : i32
      %swap3A_2897 = arith.index_cast %swap3A_2896 : i32 to index
      %swap3A_2898 = arith.index_cast %mul3A_2860 : i32 to index
      %swap3A_2899 = tpu.vector_load %arg7[%swap3A_2897, %swap3A_2898] {strides = array<i32>} : memref<128x320xf32, #tpu.memory_space<vmem>>, vector<1x16xf32>,
      %swap3A_2900 = vector.shape_cast %swap3A_2899 : vector<1x16xf32> to vector<16xf32>
      %swap3A_2901 = vector.shape_cast %get3A_2895 : vector<16xf32> to vector<1x16xf32>
      tpu.vector_store %arg7[%swap3A_2897, %swap3A_2898], %swap3A_2901 {strides = array<i32>} : memref<128x320xf32, #tpu.memory_space<vmem>>, vector<1x16xf32>,
      %get3A_2902 = arith.constant 0 : i32
      %get3A_2903 = arith.constant 1 : i32
      %get3A_2904 = arith.index_cast %get3A_2902 : i32 to index
      %get3A_2905 = arith.index_cast %get3A_2903 : i32 to index
      %get3A_2906 = arith.constant 16 : index
      %get3A_2907 = tpu.vector_load %arg6[%get3A_2904, %get3A_2905, %get3A_2906] {strides = array<i32>} : memref<3x16x128xf32, #tpu.memory_space<vmem>>, vector<1x1x16xf32>,
      %get3A_2908 = vector.shape_cast %get3A_2907 : vector<1x1x16xf32> to vector<16xf32>
      %add3A_2909 = arith.constant 16 : i32
      %add3A_2910 = arith.addi %mul3A_2860, %add3A_2909 : i32
      %swap3A_2911 = arith.constant 97 : i32
      %swap3A_2912 = arith.index_cast %swap3A_2911 : i32 to index
      %swap3A_2913 = arith.index_cast %add3A_2910 : i32 to index
      %swap3A_2914 = tpu.vector_load %arg7[%swap3A_2912, %swap3A_2913] {strides = array<i32>} : memref<128x320xf32, #tpu.memory_space<vmem>>, vector<1x16xf32>,
      %swap3A_2915 = vector.shape_cast %swap3A_2914 : vector<1x16xf32> to vector<16xf32>
      %swap3A_2916 = vector.shape_cast %get3A_2908 : vector<16xf32> to vector<1x16xf32>
      tpu.vector_store %arg7[%swap3A_2912, %swap3A_2913], %swap3A_2916 {strides = array<i32>} : memref<128x320xf32, #tpu.memory_space<vmem>>, vector<1x16xf32>,
      %get3A_2917 = arith.constant 0 : i32
      %get3A_2918 = arith.constant 2 : i32
      %get3A_2919 = arith.index_cast %get3A_2917 : i32 to index
      %get3A_2920 = arith.index_cast %get3A_2918 : i32 to index
      %get3A_2921 = arith.constant 0 : index
      %get3A_2922 = tpu.vector_load %arg6[%get3A_2919, %get3A_2920, %get3A_2921] {strides = array<i32>} : memref<3x16x128xf32, #tpu.memory_space<vmem>>, vector<1x1x16xf32>,
      %get3A_2923 = vector.shape_cast %get3A_2922 : vector<1x1x16xf32> to vector<16xf32>
      %swap3A_2924 = arith.constant 98 : i32
      %swap3A_2925 = arith.index_cast %swap3A_2924 : i32 to index
      %swap3A_2926 = arith.index_cast %mul3A_2860 : i32 to index
      %swap3A_2927 = tpu.vector_load %arg7[%swap3A_2925, %swap3A_2926] {strides = array<i32>} : memref<128x320xf32, #tpu.memory_space<vmem>>, vector<1x16xf32>,
      %swap3A_2928 = vector.shape_cast %swap3A_2927 : vector<1x16xf32> to vector<16xf32>
      %swap3A_2929 = vector.shape_cast %get3A_2923 : vector<16xf32> to vector<1x16xf32>
      tpu.vector_store %arg7[%swap3A_2925, %swap3A_2926], %swap3A_2929 {strides = array<i32>} : memref<128x320xf32, #tpu.memory_space<vmem>>, vector<1x16xf32>,
      %get3A_2930 = arith.constant 0 : i32
      %get3A_2931 = arith.constant 2 : i32
      %get3A_2932 = arith.index_cast %get3A_2930 : i32 to index
      %get3A_2933 = arith.index_cast %get3A_2931 : i32 to index
      %get3A_2934 = arith.constant 16 : index
      %get3A_2935 = tpu.vector_load %arg6[%get3A_2932, %get3A_2933, %get3A_2934] {strides = array<i32>} : memref<3x16x128xf32, #tpu.memory_space<vmem>>, vector<1x1x16xf32>,
      %get3A_2936 = vector.shape_cast %get3A_2935 : vector<1x1x16xf32> to vector<16xf32>
      %add3A_2937 = arith.constant 16 : i32
      %add3A_2938 = arith.addi %mul3A_2860, %add3A_2937 : i32
      %swap3A_2939 = arith.constant 98 : i32
      %swap3A_2940 = arith.index_cast %swap3A_2939 : i32 to index
      %swap3A_2941 = arith.index_cast %add3A_2938 : i32 to index
      %swap3A_2942 = tpu.vector_load %arg7[%swap3A_2940, %swap3A_2941] {strides = array<i32>} : memref<128x320xf32, #tpu.memory_space<vmem>>, vector<1x16xf32>,
      %swap3A_2943 = vector.shape_cast %swap3A_2942 : vector<1x16xf32> to vector<16xf32>
      %swap3A_2944 = vector.shape_cast %get3A_2936 : vector<16xf32> to vector<1x16xf32>
      tpu.vector_store %arg7[%swap3A_2940, %swap3A_2941], %swap3A_2944 {strides = array<i32>} : memref<128x320xf32, #tpu.memory_space<vmem>>, vector<1x16xf32>,
      %get3A_2945 = arith.constant 0 : i32
      %get3A_2946 = arith.constant 3 : i32
      %get3A_2947 = arith.index_cast %get3A_2945 : i32 to index
      %get3A_2948 = arith.index_cast %get3A_2946 : i32 to index
      %get3A_2949 = arith.constant 0 : index
      %get3A_2950 = tpu.vector_load %arg6[%get3A_2947, %get3A_2948, %get3A_2949] {strides = array<i32>} : memref<3x16x128xf32, #tpu.memory_space<vmem>>, vector<1x1x16xf32>,
      %get3A_2951 = vector.shape_cast %get3A_2950 : vector<1x1x16xf32> to vector<16xf32>
      %swap3A_2952 = arith.constant 99 : i32
      %swap3A_2953 = arith.index_cast %swap3A_2952 : i32 to index
      %swap3A_2954 = arith.index_cast %mul3A_2860 : i32 to index
      %swap3A_2955 = tpu.vector_load %arg7[%swap3A_2953, %swap3A_2954] {strides = array<i32>} : memref<128x320xf32, #tpu.memory_space<vmem>>, vector<1x16xf32>,
      %swap3A_2956 = vector.shape_cast %swap3A_2955 : vector<1x16xf32> to vector<16xf32>
      %swap3A_2957 = vector.shape_cast %get3A_2951 : vector<16xf32> to vector<1x16xf32>
      tpu.vector_store %arg7[%swap3A_2953, %swap3A_2954], %swap3A_2957 {strides = array<i32>} : memref<128x320xf32, #tpu.memory_space<vmem>>, vector<1x16xf32>,
      %get3A_2958 = arith.constant 0 : i32
      %get3A_2959 = arith.constant 3 : i32
      %get3A_2960 = arith.index_cast %get3A_2958 : i32 to index
      %get3A_2961 = arith.index_cast %get3A_2959 : i32 to index
      %get3A_2962 = arith.constant 16 : index
      %get3A_2963 = tpu.vector_load %arg6[%get3A_2960, %get3A_2961, %get3A_2962] {strides = array<i32>} : memref<3x16x128xf32, #tpu.memory_space<vmem>>, vector<1x1x16xf32>,
      %get3A_2964 = vector.shape_cast %get3A_2963 : vector<1x1x16xf32> to vector<16xf32>
      %add3A_2965 = arith.constant 16 : i32
      %add3A_2966 = arith.addi %mul3A_2860, %add3A_2965 : i32
      %swap3A_2967 = arith.constant 99 : i32
      %swap3A_2968 = arith.index_cast %swap3A_2967 : i32 to index
      %swap3A_2969 = arith.index_cast %add3A_2966 : i32 to index
      %swap3A_2970 = tpu.vector_load %arg7[%swap3A_2968, %swap3A_2969] {strides = array<i32>} : memref<128x320xf32, #tpu.memory_space<vmem>>, vector<1x16xf32>,
      %swap3A_2971 = vector.shape_cast %swap3A_2970 : vector<1x16xf32> to vector<16xf32>
      %swap3A_2972 = vector.shape_cast %get3A_2964 : vector<16xf32> to vector<1x16xf32>
      tpu.vector_store %arg7[%swap3A_2968, %swap3A_2969], %swap3A_2972 {strides = array<i32>} : memref<128x320xf32, #tpu.memory_space<vmem>>, vector<1x16xf32>,
      %get3A_2973 = arith.constant 0 : i32
      %get3A_2974 = arith.constant 4 : i32
      %get3A_2975 = arith.index_cast %get3A_2973 : i32 to index
      %get3A_2976 = arith.index_cast %get3A_2974 : i32 to index
      %get3A_2977 = arith.constant 0 : index
      %get3A_2978 = tpu.vector_load %arg6[%get3A_2975, %get3A_2976, %get3A_2977] {strides = array<i32>} : memref<3x16x128xf32, #tpu.memory_space<vmem>>, vector<1x1x16xf32>,
      %get3A_2979 = vector.shape_cast %get3A_2978 : vector<1x1x16xf32> to vector<16xf32>
      %swap3A_2980 = arith.constant 100 : i32
      %swap3A_2981 = arith.index_cast %swap3A_2980 : i32 to index
      %swap3A_2982 = arith.index_cast %mul3A_2860 : i32 to index
      %swap3A_2983 = tpu.vector_load %arg7[%swap3A_2981, %swap3A_2982] {strides = array<i32>} : memref<128x320xf32, #tpu.memory_space<vmem>>, vector<1x16xf32>,
      %swap3A_2984 = vector.shape_cast %swap3A_2983 : vector<1x16xf32> to vector<16xf32>
      %swap3A_2985 = vector.shape_cast %get3A_2979 : vector<16xf32> to vector<1x16xf32>
      tpu.vector_store %arg7[%swap3A_2981, %swap3A_2982], %swap3A_2985 {strides = array<i32>} : memref<128x320xf32, #tpu.memory_space<vmem>>, vector<1x16xf32>,
      %get3A_2986 = arith.constant 0 : i32
      %get3A_2987 = arith.constant 4 : i32
      %get3A_2988 = arith.index_cast %get3A_2986 : i32 to index
      %get3A_2989 = arith.index_cast %get3A_2987 : i32 to index
      %get3A_2990 = arith.constant 16 : index
      %get3A_2991 = tpu.vector_load %arg6[%get3A_2988, %get3A_2989, %get3A_2990] {strides = array<i32>} : memref<3x16x128xf32, #tpu.memory_space<vmem>>, vector<1x1x16xf32>,
      %get3A_2992 = vector.shape_cast %get3A_2991 : vector<1x1x16xf32> to vector<16xf32>
      %add3A_2993 = arith.constant 16 : i32
      %add3A_2994 = arith.addi %mul3A_2860, %add3A_2993 : i32
      %swap3A_2995 = arith.constant 100 : i32
      %swap3A_2996 = arith.index_cast %swap3A_2995 : i32 to index
      %swap3A_2997 = arith.index_cast %add3A_2994 : i32 to index
      %swap3A_2998 = tpu.vector_load %arg7[%swap3A_2996, %swap3A_2997] {strides = array<i32>} : memref<128x320xf32, #tpu.memory_space<vmem>>, vector<1x16xf32>,
      %swap3A_2999 = vector.shape_cast %swap3A_2998 : vector<1x16xf32> to vector<16xf32>
      %swap3A_3000 = vector.shape_cast %get3A_2992 : vector<16xf32> to vector<1x16xf32>
      tpu.vector_store %arg7[%swap3A_2996, %swap3A_2997], %swap3A_3000 {strides = array<i32>} : memref<128x320xf32, #tpu.memory_space<vmem>>, vector<1x16xf32>,
      %get3A_3001 = arith.constant 0 : i32
      %get3A_3002 = arith.constant 5 : i32
      %get3A_3003 = arith.index_cast %get3A_3001 : i32 to index
      %get3A_3004 = arith.index_cast %get3A_3002 : i32 to index
      %get3A_3005 = arith.constant 0 : index
      %get3A_3006 = tpu.vector_load %arg6[%get3A_3003, %get3A_3004, %get3A_3005] {strides = array<i32>} : memref<3x16x128xf32, #tpu.memory_space<vmem>>, vector<1x1x16xf32>,
      %get3A_3007 = vector.shape_cast %get3A_3006 : vector<1x1x16xf32> to vector<16xf32>
      %swap3A_3008 = arith.constant 101 : i32
      %swap3A_3009 = arith.index_cast %swap3A_3008 : i32 to index
      %swap3A_3010 = arith.index_cast %mul3A_2860 : i32 to index
      %swap3A_3011 = tpu.vector_load %arg7[%swap3A_3009, %swap3A_3010] {strides = array<i32>} : memref<128x320xf32, #tpu.memory_space<vmem>>, vector<1x16xf32>,
      %swap3A_3012 = vector.shape_cast %swap3A_3011 : vector<1x16xf32> to vector<16xf32>
      %swap3A_3013 = vector.shape_cast %get3A_3007 : vector<16xf32> to vector<1x16xf32>
      tpu.vector_store %arg7[%swap3A_3009, %swap3A_3010], %swap3A_3013 {strides = array<i32>} : memref<128x320xf32, #tpu.memory_space<vmem>>, vector<1x16xf32>,
      %get3A_3014 = arith.constant 0 : i32
      %get3A_3015 = arith.constant 5 : i32
      %get3A_3016 = arith.index_cast %get3A_3014 : i32 to index
      %get3A_3017 = arith.index_cast %get3A_3015 : i32 to index
      %get3A_3018 = arith.constant 16 : index
      %get3A_3019 = tpu.vector_load %arg6[%get3A_3016, %get3A_3017, %get3A_3018] {strides = array<i32>} : memref<3x16x128xf32, #tpu.memory_space<vmem>>, vector<1x1x16xf32>,
      %get3A_3020 = vector.shape_cast %get3A_3019 : vector<1x1x16xf32> to vector<16xf32>
      %add3A_3021 = arith.constant 16 : i32
      %add3A_3022 = arith.addi %mul3A_2860, %add3A_3021 : i32
      %swap3A_3023 = arith.constant 101 : i32
      %swap3A_3024 = arith.index_cast %swap3A_3023 : i32 to index
      %swap3A_3025 = arith.index_cast %add3A_3022 : i32 to index
      %swap3A_3026 = tpu.vector_load %arg7[%swap3A_3024, %swap3A_3025] {strides = array<i32>} : memref<128x320xf32, #tpu.memory_space<vmem>>, vector<1x16xf32>,
      %swap3A_3027 = vector.shape_cast %swap3A_3026 : vector<1x16xf32> to vector<16xf32>
      %swap3A_3028 = vector.shape_cast %get3A_3020 : vector<16xf32> to vector<1x16xf32>
      tpu.vector_store %arg7[%swap3A_3024, %swap3A_3025], %swap3A_3028 {strides = array<i32>} : memref<128x320xf32, #tpu.memory_space<vmem>>, vector<1x16xf32>,
      %get3A_3029 = arith.constant 0 : i32
      %get3A_3030 = arith.constant 6 : i32
      %get3A_3031 = arith.index_cast %get3A_3029 : i32 to index
      %get3A_3032 = arith.index_cast %get3A_3030 : i32 to index
      %get3A_3033 = arith.constant 0 : index
      %get3A_3034 = tpu.vector_load %arg6[%get3A_3031, %get3A_3032, %get3A_3033] {strides = array<i32>} : memref<3x16x128xf32, #tpu.memory_space<vmem>>, vector<1x1x16xf32>,
      %get3A_3035 = vector.shape_cast %get3A_3034 : vector<1x1x16xf32> to vector<16xf32>
      %swap3A_3036 = arith.constant 102 : i32
      %swap3A_3037 = arith.index_cast %swap3A_3036 : i32 to index
      %swap3A_3038 = arith.index_cast %mul3A_2860 : i32 to index
      %swap3A_3039 = tpu.vector_load %arg7[%swap3A_3037, %swap3A_3038] {strides = array<i32>} : memref<128x320xf32, #tpu.memory_space<vmem>>, vector<1x16xf32>,
      %swap3A_3040 = vector.shape_cast %swap3A_3039 : vector<1x16xf32> to vector<16xf32>
      %swap3A_3041 = vector.shape_cast %get3A_3035 : vector<16xf32> to vector<1x16xf32>
      tpu.vector_store %arg7[%swap3A_3037, %swap3A_3038], %swap3A_3041 {strides = array<i32>} : memref<128x320xf32, #tpu.memory_space<vmem>>, vector<1x16xf32>,
      %get3A_3042 = arith.constant 0 : i32
      %get3A_3043 = arith.constant 6 : i32
      %get3A_3044 = arith.index_cast %get3A_3042 : i32 to index
      %get3A_3045 = arith.index_cast %get3A_3043 : i32 to index
      %get3A_3046 = arith.constant 16 : index
      %get3A_3047 = tpu.vector_load %arg6[%get3A_3044, %get3A_3045, %get3A_3046] {strides = array<i32>} : memref<3x16x128xf32, #tpu.memory_space<vmem>>, vector<1x1x16xf32>,
      %get3A_3048 = vector.shape_cast %get3A_3047 : vector<1x1x16xf32> to vector<16xf32>
      %add3A_3049 = arith.constant 16 : i32
      %add3A_3050 = arith.addi %mul3A_2860, %add3A_3049 : i32
      %swap3A_3051 = arith.constant 102 : i32
      %swap3A_3052 = arith.index_cast %swap3A_3051 : i32 to index
      %swap3A_3053 = arith.index_cast %add3A_3050 : i32 to index
      %swap3A_3054 = tpu.vector_load %arg7[%swap3A_3052, %swap3A_3053] {strides = array<i32>} : memref<128x320xf32, #tpu.memory_space<vmem>>, vector<1x16xf32>,
      %swap3A_3055 = vector.shape_cast %swap3A_3054 : vector<1x16xf32> to vector<16xf32>
      %swap3A_3056 = vector.shape_cast %get3A_3048 : vector<16xf32> to vector<1x16xf32>
      tpu.vector_store %arg7[%swap3A_3052, %swap3A_3053], %swap3A_3056 {strides = array<i32>} : memref<128x320xf32, #tpu.memory_space<vmem>>, vector<1x16xf32>,
      %get3A_3057 = arith.constant 0 : i32
      %get3A_3058 = arith.constant 7 : i32
      %get3A_3059 = arith.index_cast %get3A_3057 : i32 to index
      %get3A_3060 = arith.index_cast %get3A_3058 : i32 to index
      %get3A_3061 = arith.constant 0 : index
      %get3A_3062 = tpu.vector_load %arg6[%get3A_3059, %get3A_3060, %get3A_3061] {strides = array<i32>} : memref<3x16x128xf32, #tpu.memory_space<vmem>>, vector<1x1x16xf32>,
      %get3A_3063 = vector.shape_cast %get3A_3062 : vector<1x1x16xf32> to vector<16xf32>
      %swap3A_3064 = arith.constant 103 : i32
      %swap3A_3065 = arith.index_cast %swap3A_3064 : i32 to index
      %swap3A_3066 = arith.index_cast %mul3A_2860 : i32 to index
      %swap3A_3067 = tpu.vector_load %arg7[%swap3A_3065, %swap3A_3066] {strides = array<i32>} : memref<128x320xf32, #tpu.memory_space<vmem>>, vector<1x16xf32>,
      %swap3A_3068 = vector.shape_cast %swap3A_3067 : vector<1x16xf32> to vector<16xf32>
      %swap3A_3069 = vector.shape_cast %get3A_3063 : vector<16xf32> to vector<1x16xf32>
      tpu.vector_store %arg7[%swap3A_3065, %swap3A_3066], %swap3A_3069 {strides = array<i32>} : memref<128x320xf32, #tpu.memory_space<vmem>>, vector<1x16xf32>,
      %get3A_3070 = arith.constant 0 : i32
      %get3A_3071 = arith.constant 7 : i32
      %get3A_3072 = arith.index_cast %get3A_3070 : i32 to index
      %get3A_3073 = arith.index_cast %get3A_3071 : i32 to index
      %get3A_3074 = arith.constant 16 : index
      %get3A_3075 = tpu.vector_load %arg6[%get3A_3072, %get3A_3073, %get3A_3074] {strides = array<i32>} : memref<3x16x128xf32, #tpu.memory_space<vmem>>, vector<1x1x16xf32>,
      %get3A_3076 = vector.shape_cast %get3A_3075 : vector<1x1x16xf32> to vector<16xf32>
      %add3A_3077 = arith.constant 16 : i32
      %add3A_3078 = arith.addi %mul3A_2860, %add3A_3077 : i32
      %swap3A_3079 = arith.constant 103 : i32
      %swap3A_3080 = arith.index_cast %swap3A_3079 : i32 to index
      %swap3A_3081 = arith.index_cast %add3A_3078 : i32 to index
      %swap3A_3082 = tpu.vector_load %arg7[%swap3A_3080, %swap3A_3081] {strides = array<i32>} : memref<128x320xf32, #tpu.memory_space<vmem>>, vector<1x16xf32>,
      %swap3A_3083 = vector.shape_cast %swap3A_3082 : vector<1x16xf32> to vector<16xf32>
      %swap3A_3084 = vector.shape_cast %get3A_3076 : vector<16xf32> to vector<1x16xf32>
      tpu.vector_store %arg7[%swap3A_3080, %swap3A_3081], %swap3A_3084 {strides = array<i32>} : memref<128x320xf32, #tpu.memory_space<vmem>>, vector<1x16xf32>,
      %get3A_3085 = arith.constant 0 : i32
      %get3A_3086 = arith.constant 8 : i32
      %get3A_3087 = arith.index_cast %get3A_3085 : i32 to index
      %get3A_3088 = arith.index_cast %get3A_3086 : i32 to index
      %get3A_3089 = arith.constant 0 : index
      %get3A_3090 = tpu.vector_load %arg6[%get3A_3087, %get3A_3088, %get3A_3089] {strides = array<i32>} : memref<3x16x128xf32, #tpu.memory_space<vmem>>, vector<1x1x16xf32>,
      %get3A_3091 = vector.shape_cast %get3A_3090 : vector<1x1x16xf32> to vector<16xf32>
      %swap3A_3092 = arith.constant 104 : i32
      %swap3A_3093 = arith.index_cast %swap3A_3092 : i32 to index
      %swap3A_3094 = arith.index_cast %mul3A_2860 : i32 to index
      %swap3A_3095 = tpu.vector_load %arg7[%swap3A_3093, %swap3A_3094] {strides = array<i32>} : memref<128x320xf32, #tpu.memory_space<vmem>>, vector<1x16xf32>,
      %swap3A_3096 = vector.shape_cast %swap3A_3095 : vector<1x16xf32> to vector<16xf32>
      %swap3A_3097 = vector.shape_cast %get3A_3091 : vector<16xf32> to vector<1x16xf32>
      tpu.vector_store %arg7[%swap3A_3093, %swap3A_3094], %swap3A_3097 {strides = array<i32>} : memref<128x320xf32, #tpu.memory_space<vmem>>, vector<1x16xf32>,
      %get3A_3098 = arith.constant 0 : i32
      %get3A_3099 = arith.constant 8 : i32
      %get3A_3100 = arith.index_cast %get3A_3098 : i32 to index
      %get3A_3101 = arith.index_cast %get3A_3099 : i32 to index
      %get3A_3102 = arith.constant 16 : index
      %get3A_3103 = tpu.vector_load %arg6[%get3A_3100, %get3A_3101, %get3A_3102] {strides = array<i32>} : memref<3x16x128xf32, #tpu.memory_space<vmem>>, vector<1x1x16xf32>,
      %get3A_3104 = vector.shape_cast %get3A_3103 : vector<1x1x16xf32> to vector<16xf32>
      %add3A_3105 = arith.constant 16 : i32
      %add3A_3106 = arith.addi %mul3A_2860, %add3A_3105 : i32
      %swap3A_3107 = arith.constant 104 : i32
      %swap3A_3108 = arith.index_cast %swap3A_3107 : i32 to index
      %swap3A_3109 = arith.index_cast %add3A_3106 : i32 to index
      %swap3A_3110 = tpu.vector_load %arg7[%swap3A_3108, %swap3A_3109] {strides = array<i32>} : memref<128x320xf32, #tpu.memory_space<vmem>>, vector<1x16xf32>,
      %swap3A_3111 = vector.shape_cast %swap3A_3110 : vector<1x16xf32> to vector<16xf32>
      %swap3A_3112 = vector.shape_cast %get3A_3104 : vector<16xf32> to vector<1x16xf32>
      tpu.vector_store %arg7[%swap3A_3108, %swap3A_3109], %swap3A_3112 {strides = array<i32>} : memref<128x320xf32, #tpu.memory_space<vmem>>, vector<1x16xf32>,
      %get3A_3113 = arith.constant 0 : i32
      %get3A_3114 = arith.constant 9 : i32
      %get3A_3115 = arith.index_cast %get3A_3113 : i32 to index
      %get3A_3116 = arith.index_cast %get3A_3114 : i32 to index
      %get3A_3117 = arith.constant 0 : index
      %get3A_3118 = tpu.vector_load %arg6[%get3A_3115, %get3A_3116, %get3A_3117] {strides = array<i32>} : memref<3x16x128xf32, #tpu.memory_space<vmem>>, vector<1x1x16xf32>,
      %get3A_3119 = vector.shape_cast %get3A_3118 : vector<1x1x16xf32> to vector<16xf32>
      %swap3A_3120 = arith.constant 105 : i32
      %swap3A_3121 = arith.index_cast %swap3A_3120 : i32 to index
      %swap3A_3122 = arith.index_cast %mul3A_2860 : i32 to index
      %swap3A_3123 = tpu.vector_load %arg7[%swap3A_3121, %swap3A_3122] {strides = array<i32>} : memref<128x320xf32, #tpu.memory_space<vmem>>, vector<1x16xf32>,
      %swap3A_3124 = vector.shape_cast %swap3A_3123 : vector<1x16xf32> to vector<16xf32>
      %swap3A_3125 = vector.shape_cast %get3A_3119 : vector<16xf32> to vector<1x16xf32>
      tpu.vector_store %arg7[%swap3A_3121, %swap3A_3122], %swap3A_3125 {strides = array<i32>} : memref<128x320xf32, #tpu.memory_space<vmem>>, vector<1x16xf32>,
      %get3A_3126 = arith.constant 0 : i32
      %get3A_3127 = arith.constant 9 : i32
      %get3A_3128 = arith.index_cast %get3A_3126 : i32 to index
      %get3A_3129 = arith.index_cast %get3A_3127 : i32 to index
      %get3A_3130 = arith.constant 16 : index
      %get3A_3131 = tpu.vector_load %arg6[%get3A_3128, %get3A_3129, %get3A_3130] {strides = array<i32>} : memref<3x16x128xf32, #tpu.memory_space<vmem>>, vector<1x1x16xf32>,
      %get3A_3132 = vector.shape_cast %get3A_3131 : vector<1x1x16xf32> to vector<16xf32>
      %add3A_3133 = arith.constant 16 : i32
      %add3A_3134 = arith.addi %mul3A_2860, %add3A_3133 : i32
      %swap3A_3135 = arith.constant 105 : i32
      %swap3A_3136 = arith.index_cast %swap3A_3135 : i32 to index
      %swap3A_3137 = arith.index_cast %add3A_3134 : i32 to index
      %swap3A_3138 = tpu.vector_load %arg7[%swap3A_3136, %swap3A_3137] {strides = array<i32>} : memref<128x320xf32, #tpu.memory_space<vmem>>, vector<1x16xf32>,
      %swap3A_3139 = vector.shape_cast %swap3A_3138 : vector<1x16xf32> to vector<16xf32>
      %swap3A_3140 = vector.shape_cast %get3A_3132 : vector<16xf32> to vector<1x16xf32>
      tpu.vector_store %arg7[%swap3A_3136, %swap3A_3137], %swap3A_3140 {strides = array<i32>} : memref<128x320xf32, #tpu.memory_space<vmem>>, vector<1x16xf32>,
      %get3A_3141 = arith.constant 0 : i32
      %get3A_3142 = arith.constant 10 : i32
      %get3A_3143 = arith.index_cast %get3A_3141 : i32 to index
      %get3A_3144 = arith.index_cast %get3A_3142 : i32 to index
      %get3A_3145 = arith.constant 0 : index
      %get3A_3146 = tpu.vector_load %arg6[%get3A_3143, %get3A_3144, %get3A_3145] {strides = array<i32>} : memref<3x16x128xf32, #tpu.memory_space<vmem>>, vector<1x1x16xf32>,
      %get3A_3147 = vector.shape_cast %get3A_3146 : vector<1x1x16xf32> to vector<16xf32>
      %swap3A_3148 = arith.constant 106 : i32
      %swap3A_3149 = arith.index_cast %swap3A_3148 : i32 to index
      %swap3A_3150 = arith.index_cast %mul3A_2860 : i32 to index
      %swap3A_3151 = tpu.vector_load %arg7[%swap3A_3149, %swap3A_3150] {strides = array<i32>} : memref<128x320xf32, #tpu.memory_space<vmem>>, vector<1x16xf32>,
      %swap3A_3152 = vector.shape_cast %swap3A_3151 : vector<1x16xf32> to vector<16xf32>
      %swap3A_3153 = vector.shape_cast %get3A_3147 : vector<16xf32> to vector<1x16xf32>
      tpu.vector_store %arg7[%swap3A_3149, %swap3A_3150], %swap3A_3153 {strides = array<i32>} : memref<128x320xf32, #tpu.memory_space<vmem>>, vector<1x16xf32>,
      %get3A_3154 = arith.constant 0 : i32
      %get3A_3155 = arith.constant 10 : i32
      %get3A_3156 = arith.index_cast %get3A_3154 : i32 to index
      %get3A_3157 = arith.index_cast %get3A_3155 : i32 to index
      %get3A_3158 = arith.constant 16 : index
      %get3A_3159 = tpu.vector_load %arg6[%get3A_3156, %get3A_3157, %get3A_3158] {strides = array<i32>} : memref<3x16x128xf32, #tpu.memory_space<vmem>>, vector<1x1x16xf32>,
      %get3A_3160 = vector.shape_cast %get3A_3159 : vector<1x1x16xf32> to vector<16xf32>
      %add3A_3161 = arith.constant 16 : i32
      %add3A_3162 = arith.addi %mul3A_2860, %add3A_3161 : i32
      %swap3A_3163 = arith.constant 106 : i32
      %swap3A_3164 = arith.index_cast %swap3A_3163 : i32 to index
      %swap3A_3165 = arith.index_cast %add3A_3162 : i32 to index
      %swap3A_3166 = tpu.vector_load %arg7[%swap3A_3164, %swap3A_3165] {strides = array<i32>} : memref<128x320xf32, #tpu.memory_space<vmem>>, vector<1x16xf32>,
      %swap3A_3167 = vector.shape_cast %swap3A_3166 : vector<1x16xf32> to vector<16xf32>
      %swap3A_3168 = vector.shape_cast %get3A_3160 : vector<16xf32> to vector<1x16xf32>
      tpu.vector_store %arg7[%swap3A_3164, %swap3A_3165], %swap3A_3168 {strides = array<i32>} : memref<128x320xf32, #tpu.memory_space<vmem>>, vector<1x16xf32>,
      %get3A_3169 = arith.constant 0 : i32
      %get3A_3170 = arith.constant 11 : i32
      %get3A_3171 = arith.index_cast %get3A_3169 : i32 to index
      %get3A_3172 = arith.index_cast %get3A_3170 : i32 to index
      %get3A_3173 = arith.constant 0 : index
      %get3A_3174 = tpu.vector_load %arg6[%get3A_3171, %get3A_3172, %get3A_3173] {strides = array<i32>} : memref<3x16x128xf32, #tpu.memory_space<vmem>>, vector<1x1x16xf32>,
      %get3A_3175 = vector.shape_cast %get3A_3174 : vector<1x1x16xf32> to vector<16xf32>
      %swap3A_3176 = arith.constant 107 : i32
      %swap3A_3177 = arith.index_cast %swap3A_3176 : i32 to index
      %swap3A_3178 = arith.index_cast %mul3A_2860 : i32 to index
      %swap3A_3179 = tpu.vector_load %arg7[%swap3A_3177, %swap3A_3178] {strides = array<i32>} : memref<128x320xf32, #tpu.memory_space<vmem>>, vector<1x16xf32>,
      %swap3A_3180 = vector.shape_cast %swap3A_3179 : vector<1x16xf32> to vector<16xf32>
      %swap3A_3181 = vector.shape_cast %get3A_3175 : vector<16xf32> to vector<1x16xf32>
      tpu.vector_store %arg7[%swap3A_3177, %swap3A_3178], %swap3A_3181 {strides = array<i32>} : memref<128x320xf32, #tpu.memory_space<vmem>>, vector<1x16xf32>,
      %get3A_3182 = arith.constant 0 : i32
      %get3A_3183 = arith.constant 11 : i32
      %get3A_3184 = arith.index_cast %get3A_3182 : i32 to index
      %get3A_3185 = arith.index_cast %get3A_3183 : i32 to index
      %get3A_3186 = arith.constant 16 : index
      %get3A_3187 = tpu.vector_load %arg6[%get3A_3184, %get3A_3185, %get3A_3186] {strides = array<i32>} : memref<3x16x128xf32, #tpu.memory_space<vmem>>, vector<1x1x16xf32>,
      %get3A_3188 = vector.shape_cast %get3A_3187 : vector<1x1x16xf32> to vector<16xf32>
      %add3A_3189 = arith.constant 16 : i32
      %add3A_3190 = arith.addi %mul3A_2860, %add3A_3189 : i32
      %swap3A_3191 = arith.constant 107 : i32
      %swap3A_3192 = arith.index_cast %swap3A_3191 : i32 to index
      %swap3A_3193 = arith.index_cast %add3A_3190 : i32 to index
      %swap3A_3194 = tpu.vector_load %arg7[%swap3A_3192, %swap3A_3193] {strides = array<i32>} : memref<128x320xf32, #tpu.memory_space<vmem>>, vector<1x16xf32>,
      %swap3A_3195 = vector.shape_cast %swap3A_3194 : vector<1x16xf32> to vector<16xf32>
      %swap3A_3196 = vector.shape_cast %get3A_3188 : vector<16xf32> to vector<1x16xf32>
      tpu.vector_store %arg7[%swap3A_3192, %swap3A_3193], %swap3A_3196 {strides = array<i32>} : memref<128x320xf32, #tpu.memory_space<vmem>>, vector<1x16xf32>,
      %get3A_3197 = arith.constant 0 : i32
      %get3A_3198 = arith.constant 12 : i32
      %get3A_3199 = arith.index_cast %get3A_3197 : i32 to index
      %get3A_3200 = arith.index_cast %get3A_3198 : i32 to index
      %get3A_3201 = arith.constant 0 : index
      %get3A_3202 = tpu.vector_load %arg6[%get3A_3199, %get3A_3200, %get3A_3201] {strides = array<i32>} : memref<3x16x128xf32, #tpu.memory_space<vmem>>, vector<1x1x16xf32>,
      %get3A_3203 = vector.shape_cast %get3A_3202 : vector<1x1x16xf32> to vector<16xf32>
      %swap3A_3204 = arith.constant 108 : i32
      %swap3A_3205 = arith.index_cast %swap3A_3204 : i32 to index
      %swap3A_3206 = arith.index_cast %mul3A_2860 : i32 to index
      %swap3A_3207 = tpu.vector_load %arg7[%swap3A_3205, %swap3A_3206] {strides = array<i32>} : memref<128x320xf32, #tpu.memory_space<vmem>>, vector<1x16xf32>,
      %swap3A_3208 = vector.shape_cast %swap3A_3207 : vector<1x16xf32> to vector<16xf32>
      %swap3A_3209 = vector.shape_cast %get3A_3203 : vector<16xf32> to vector<1x16xf32>
      tpu.vector_store %arg7[%swap3A_3205, %swap3A_3206], %swap3A_3209 {strides = array<i32>} : memref<128x320xf32, #tpu.memory_space<vmem>>, vector<1x16xf32>,
      %get3A_3210 = arith.constant 0 : i32
      %get3A_3211 = arith.constant 12 : i32
      %get3A_3212 = arith.index_cast %get3A_3210 : i32 to index
      %get3A_3213 = arith.index_cast %get3A_3211 : i32 to index
      %get3A_3214 = arith.constant 16 : index
      %get3A_3215 = tpu.vector_load %arg6[%get3A_3212, %get3A_3213, %get3A_3214] {strides = array<i32>} : memref<3x16x128xf32, #tpu.memory_space<vmem>>, vector<1x1x16xf32>,
      %get3A_3216 = vector.shape_cast %get3A_3215 : vector<1x1x16xf32> to vector<16xf32>
      %add3A_3217 = arith.constant 16 : i32
      %add3A_3218 = arith.addi %mul3A_2860, %add3A_3217 : i32
      %swap3A_3219 = arith.constant 108 : i32
      %swap3A_3220 = arith.index_cast %swap3A_3219 : i32 to index
      %swap3A_3221 = arith.index_cast %add3A_3218 : i32 to index
      %swap3A_3222 = tpu.vector_load %arg7[%swap3A_3220, %swap3A_3221] {strides = array<i32>} : memref<128x320xf32, #tpu.memory_space<vmem>>, vector<1x16xf32>,
      %swap3A_3223 = vector.shape_cast %swap3A_3222 : vector<1x16xf32> to vector<16xf32>
      %swap3A_3224 = vector.shape_cast %get3A_3216 : vector<16xf32> to vector<1x16xf32>
      tpu.vector_store %arg7[%swap3A_3220, %swap3A_3221], %swap3A_3224 {strides = array<i32>} : memref<128x320xf32, #tpu.memory_space<vmem>>, vector<1x16xf32>,
      %get3A_3225 = arith.constant 0 : i32
      %get3A_3226 = arith.constant 13 : i32
      %get3A_3227 = arith.index_cast %get3A_3225 : i32 to index
      %get3A_3228 = arith.index_cast %get3A_3226 : i32 to index
      %get3A_3229 = arith.constant 0 : index
      %get3A_3230 = tpu.vector_load %arg6[%get3A_3227, %get3A_3228, %get3A_3229] {strides = array<i32>} : memref<3x16x128xf32, #tpu.memory_space<vmem>>, vector<1x1x16xf32>,
      %get3A_3231 = vector.shape_cast %get3A_3230 : vector<1x1x16xf32> to vector<16xf32>
      %swap3A_3232 = arith.constant 109 : i32
      %swap3A_3233 = arith.index_cast %swap3A_3232 : i32 to index
      %swap3A_3234 = arith.index_cast %mul3A_2860 : i32 to index
      %swap3A_3235 = tpu.vector_load %arg7[%swap3A_3233, %swap3A_3234] {strides = array<i32>} : memref<128x320xf32, #tpu.memory_space<vmem>>, vector<1x16xf32>,
      %swap3A_3236 = vector.shape_cast %swap3A_3235 : vector<1x16xf32> to vector<16xf32>
      %swap3A_3237 = vector.shape_cast %get3A_3231 : vector<16xf32> to vector<1x16xf32>
      tpu.vector_store %arg7[%swap3A_3233, %swap3A_3234], %swap3A_3237 {strides = array<i32>} : memref<128x320xf32, #tpu.memory_space<vmem>>, vector<1x16xf32>,
      %get3A_3238 = arith.constant 0 : i32
      %get3A_3239 = arith.constant 13 : i32
      %get3A_3240 = arith.index_cast %get3A_3238 : i32 to index
      %get3A_3241 = arith.index_cast %get3A_3239 : i32 to index
      %get3A_3242 = arith.constant 16 : index
      %get3A_3243 = tpu.vector_load %arg6[%get3A_3240, %get3A_3241, %get3A_3242] {strides = array<i32>} : memref<3x16x128xf32, #tpu.memory_space<vmem>>, vector<1x1x16xf32>,
      %get3A_3244 = vector.shape_cast %get3A_3243 : vector<1x1x16xf32> to vector<16xf32>
      %add3A_3245 = arith.constant 16 : i32
      %add3A_3246 = arith.addi %mul3A_2860, %add3A_3245 : i32
      %swap3A_3247 = arith.constant 109 : i32
      %swap3A_3248 = arith.index_cast %swap3A_3247 : i32 to index
      %swap3A_3249 = arith.index_cast %add3A_3246 : i32 to index
      %swap3A_3250 = tpu.vector_load %arg7[%swap3A_3248, %swap3A_3249] {strides = array<i32>} : memref<128x320xf32, #tpu.memory_space<vmem>>, vector<1x16xf32>,
      %swap3A_3251 = vector.shape_cast %swap3A_3250 : vector<1x16xf32> to vector<16xf32>
      %swap3A_3252 = vector.shape_cast %get3A_3244 : vector<16xf32> to vector<1x16xf32>
      tpu.vector_store %arg7[%swap3A_3248, %swap3A_3249], %swap3A_3252 {strides = array<i32>} : memref<128x320xf32, #tpu.memory_space<vmem>>, vector<1x16xf32>,
      %get3A_3253 = arith.constant 0 : i32
      %get3A_3254 = arith.constant 14 : i32
      %get3A_3255 = arith.index_cast %get3A_3253 : i32 to index
      %get3A_3256 = arith.index_cast %get3A_3254 : i32 to index
      %get3A_3257 = arith.constant 0 : index
      %get3A_3258 = tpu.vector_load %arg6[%get3A_3255, %get3A_3256, %get3A_3257] {strides = array<i32>} : memref<3x16x128xf32, #tpu.memory_space<vmem>>, vector<1x1x16xf32>,
      %get3A_3259 = vector.shape_cast %get3A_3258 : vector<1x1x16xf32> to vector<16xf32>
      %swap3A_3260 = arith.constant 110 : i32
      %swap3A_3261 = arith.index_cast %swap3A_3260 : i32 to index
      %swap3A_3262 = arith.index_cast %mul3A_2860 : i32 to index
      %swap3A_3263 = tpu.vector_load %arg7[%swap3A_3261, %swap3A_3262] {strides = array<i32>} : memref<128x320xf32, #tpu.memory_space<vmem>>, vector<1x16xf32>,
      %swap3A_3264 = vector.shape_cast %swap3A_3263 : vector<1x16xf32> to vector<16xf32>
      %swap3A_3265 = vector.shape_cast %get3A_3259 : vector<16xf32> to vector<1x16xf32>
      tpu.vector_store %arg7[%swap3A_3261, %swap3A_3262], %swap3A_3265 {strides = array<i32>} : memref<128x320xf32, #tpu.memory_space<vmem>>, vector<1x16xf32>,
      %get3A_3266 = arith.constant 0 : i32
      %get3A_3267 = arith.constant 14 : i32
      %get3A_3268 = arith.index_cast %get3A_3266 : i32 to index
      %get3A_3269 = arith.index_cast %get3A_3267 : i32 to index
      %get3A_3270 = arith.constant 16 : index
      %get3A_3271 = tpu.vector_load %arg6[%get3A_3268, %get3A_3269, %get3A_3270] {strides = array<i32>} : memref<3x16x128xf32, #tpu.memory_space<vmem>>, vector<1x1x16xf32>,
      %get3A_3272 = vector.shape_cast %get3A_3271 : vector<1x1x16xf32> to vector<16xf32>
      %add3A_3273 = arith.constant 16 : i32
      %add3A_3274 = arith.addi %mul3A_2860, %add3A_3273 : i32
      %swap3A_3275 = arith.constant 110 : i32
      %swap3A_3276 = arith.index_cast %swap3A_3275 : i32 to index
      %swap3A_3277 = arith.index_cast %add3A_3274 : i32 to index
      %swap3A_3278 = tpu.vector_load %arg7[%swap3A_3276, %swap3A_3277] {strides = array<i32>} : memref<128x320xf32, #tpu.memory_space<vmem>>, vector<1x16xf32>,
      %swap3A_3279 = vector.shape_cast %swap3A_3278 : vector<1x16xf32> to vector<16xf32>
      %swap3A_3280 = vector.shape_cast %get3A_3272 : vector<16xf32> to vector<1x16xf32>
      tpu.vector_store %arg7[%swap3A_3276, %swap3A_3277], %swap3A_3280 {strides = array<i32>} : memref<128x320xf32, #tpu.memory_space<vmem>>, vector<1x16xf32>,
      %get3A_3281 = arith.constant 0 : i32
      %get3A_3282 = arith.constant 15 : i32
      %get3A_3283 = arith.index_cast %get3A_3281 : i32 to index
      %get3A_3284 = arith.index_cast %get3A_3282 : i32 to index
      %get3A_3285 = arith.constant 0 : index
      %get3A_3286 = tpu.vector_load %arg6[%get3A_3283, %get3A_3284, %get3A_3285] {strides = array<i32>} : memref<3x16x128xf32, #tpu.memory_space<vmem>>, vector<1x1x16xf32>,
      %get3A_3287 = vector.shape_cast %get3A_3286 : vector<1x1x16xf32> to vector<16xf32>
      %swap3A_3288 = arith.constant 111 : i32
      %swap3A_3289 = arith.index_cast %swap3A_3288 : i32 to index
      %swap3A_3290 = arith.index_cast %mul3A_2860 : i32 to index
      %swap3A_3291 = tpu.vector_load %arg7[%swap3A_3289, %swap3A_3290] {strides = array<i32>} : memref<128x320xf32, #tpu.memory_space<vmem>>, vector<1x16xf32>,
      %swap3A_3292 = vector.shape_cast %swap3A_3291 : vector<1x16xf32> to vector<16xf32>
      %swap3A_3293 = vector.shape_cast %get3A_3287 : vector<16xf32> to vector<1x16xf32>
      tpu.vector_store %arg7[%swap3A_3289, %swap3A_3290], %swap3A_3293 {strides = array<i32>} : memref<128x320xf32, #tpu.memory_space<vmem>>, vector<1x16xf32>,
      %get3A_3294 = arith.constant 0 : i32
      %get3A_3295 = arith.constant 15 : i32
      %get3A_3296 = arith.index_cast %get3A_3294 : i32 to index
      %get3A_3297 = arith.index_cast %get3A_3295 : i32 to index
      %get3A_3298 = arith.constant 16 : index
      %get3A_3299 = tpu.vector_load %arg6[%get3A_3296, %get3A_3297, %get3A_3298] {strides = array<i32>} : memref<3x16x128xf32, #tpu.memory_space<vmem>>, vector<1x1x16xf32>,
      %get3A_3300 = vector.shape_cast %get3A_3299 : vector<1x1x16xf32> to vector<16xf32>
      %add3A_3301 = arith.constant 16 : i32
      %add3A_3302 = arith.addi %mul3A_2860, %add3A_3301 : i32
      %swap3A_3303 = arith.constant 111 : i32
      %swap3A_3304 = arith.index_cast %swap3A_3303 : i32 to index
      %swap3A_3305 = arith.index_cast %add3A_3302 : i32 to index
      %swap3A_3306 = tpu.vector_load %arg7[%swap3A_3304, %swap3A_3305] {strides = array<i32>} : memref<128x320xf32, #tpu.memory_space<vmem>>, vector<1x16xf32>,
      %swap3A_3307 = vector.shape_cast %swap3A_3306 : vector<1x16xf32> to vector<16xf32>
      %swap3A_3308 = vector.shape_cast %get3A_3300 : vector<16xf32> to vector<1x16xf32>
      tpu.vector_store %arg7[%swap3A_3304, %swap3A_3305], %swap3A_3308 {strides = array<i32>} : memref<128x320xf32, #tpu.memory_space<vmem>>, vector<1x16xf32>,
      %dma_wait3A_3309 = arith.constant 1 : i32
      %dma_wait3A_3310 = arith.constant 0 : i32
      %dma_wait3A_3311 = arith.constant 0 : i32
      %dma_wait3A_3312 = tpu.memref_slice %arg6[%dma_wait3A_3309, %dma_wait3A_3310, %dma_wait3A_3311] : memref<3x16x128xf32, #tpu.memory_space<vmem>> -> memref<1x16x128xf32, #tpu.memory_space<vmem>>
      %dma_wait3A_3313 = tpu.memref_squeeze %dma_wait3A_3312 : memref<1x16x128xf32, #tpu.memory_space<vmem>> -> memref<16x128xf32, #tpu.memory_space<vmem>>
      %dma_wait3A_3314 = arith.constant 0 : i32
      %dma_wait3A_3315 = arith.constant 0 : i32
      %dma_wait3A_3316 = tpu.memref_slice %arg2[%dma_wait3A_3314, %dma_wait3A_3315] : memref<1000000x128xf32, #tpu.memory_space<hbm>> -> memref<1000000x128xf32, #tpu.memory_space<hbm>>
      tpu.wait_indirect_dma semaphore(%arg9 : memref<!tpu.dma_semaphore, #tpu.memory_space<semaphore_mem>>) src(%dma_wait3A_3316 : memref<1000000x128xf32, #tpu.memory_space<hbm>>) dst(%dma_wait3A_3313 : memref<16x128xf32, #tpu.memory_space<vmem>>)
      %mul3A_3317 = arith.constant 32 : i32
      %mul3A_3318 = arith.muli %scan3A_9, %mul3A_3317 : i32
      %get3A_3319 = arith.constant 1 : i32
      %get3A_3320 = arith.constant 0 : i32
      %get3A_3321 = arith.index_cast %get3A_3319 : i32 to index
      %get3A_3322 = arith.index_cast %get3A_3320 : i32 to index
      %get3A_3323 = arith.constant 0 : index
      %get3A_3324 = tpu.vector_load %arg6[%get3A_3321, %get3A_3322, %get3A_3323] {strides = array<i32>} : memref<3x16x128xf32, #tpu.memory_space<vmem>>, vector<1x1x16xf32>,
      %get3A_3325 = vector.shape_cast %get3A_3324 : vector<1x1x16xf32> to vector<16xf32>
      %swap3A_3326 = arith.constant 112 : i32
      %swap3A_3327 = arith.index_cast %swap3A_3326 : i32 to index
      %swap3A_3328 = arith.index_cast %mul3A_3318 : i32 to index
      %swap3A_3329 = tpu.vector_load %arg7[%swap3A_3327, %swap3A_3328] {strides = array<i32>} : memref<128x320xf32, #tpu.memory_space<vmem>>, vector<1x16xf32>,
      %swap3A_3330 = vector.shape_cast %swap3A_3329 : vector<1x16xf32> to vector<16xf32>
      %swap3A_3331 = vector.shape_cast %get3A_3325 : vector<16xf32> to vector<1x16xf32>
      tpu.vector_store %arg7[%swap3A_3327, %swap3A_3328], %swap3A_3331 {strides = array<i32>} : memref<128x320xf32, #tpu.memory_space<vmem>>, vector<1x16xf32>,
      %get3A_3332 = arith.constant 1 : i32
      %get3A_3333 = arith.constant 0 : i32
      %get3A_3334 = arith.index_cast %get3A_3332 : i32 to index
      %get3A_3335 = arith.index_cast %get3A_3333 : i32 to index
      %get3A_3336 = arith.constant 16 : index
      %get3A_3337 = tpu.vector_load %arg6[%get3A_3334, %get3A_3335, %get3A_3336] {strides = array<i32>} : memref<3x16x128xf32, #tpu.memory_space<vmem>>, vector<1x1x16xf32>,
      %get3A_3338 = vector.shape_cast %get3A_3337 : vector<1x1x16xf32> to vector<16xf32>
      %add3A_3339 = arith.constant 16 : i32
      %add3A_3340 = arith.addi %mul3A_3318, %add3A_3339 : i32
      %swap3A_3341 = arith.constant 112 : i32
      %swap3A_3342 = arith.index_cast %swap3A_3341 : i32 to index
      %swap3A_3343 = arith.index_cast %add3A_3340 : i32 to index
      %swap3A_3344 = tpu.vector_load %arg7[%swap3A_3342, %swap3A_3343] {strides = array<i32>} : memref<128x320xf32, #tpu.memory_space<vmem>>, vector<1x16xf32>,
      %swap3A_3345 = vector.shape_cast %swap3A_3344 : vector<1x16xf32> to vector<16xf32>
      %swap3A_3346 = vector.shape_cast %get3A_3338 : vector<16xf32> to vector<1x16xf32>
      tpu.vector_store %arg7[%swap3A_3342, %swap3A_3343], %swap3A_3346 {strides = array<i32>} : memref<128x320xf32, #tpu.memory_space<vmem>>, vector<1x16xf32>,
      %get3A_3347 = arith.constant 1 : i32
      %get3A_3348 = arith.constant 1 : i32
      %get3A_3349 = arith.index_cast %get3A_3347 : i32 to index
      %get3A_3350 = arith.index_cast %get3A_3348 : i32 to index
      %get3A_3351 = arith.constant 0 : index
      %get3A_3352 = tpu.vector_load %arg6[%get3A_3349, %get3A_3350, %get3A_3351] {strides = array<i32>} : memref<3x16x128xf32, #tpu.memory_space<vmem>>, vector<1x1x16xf32>,
      %get3A_3353 = vector.shape_cast %get3A_3352 : vector<1x1x16xf32> to vector<16xf32>
      %swap3A_3354 = arith.constant 113 : i32
      %swap3A_3355 = arith.index_cast %swap3A_3354 : i32 to index
      %swap3A_3356 = arith.index_cast %mul3A_3318 : i32 to index
      %swap3A_3357 = tpu.vector_load %arg7[%swap3A_3355, %swap3A_3356] {strides = array<i32>} : memref<128x320xf32, #tpu.memory_space<vmem>>, vector<1x16xf32>,
      %swap3A_3358 = vector.shape_cast %swap3A_3357 : vector<1x16xf32> to vector<16xf32>
      %swap3A_3359 = vector.shape_cast %get3A_3353 : vector<16xf32> to vector<1x16xf32>
      tpu.vector_store %arg7[%swap3A_3355, %swap3A_3356], %swap3A_3359 {strides = array<i32>} : memref<128x320xf32, #tpu.memory_space<vmem>>, vector<1x16xf32>,
      %get3A_3360 = arith.constant 1 : i32
      %get3A_3361 = arith.constant 1 : i32
      %get3A_3362 = arith.index_cast %get3A_3360 : i32 to index
      %get3A_3363 = arith.index_cast %get3A_3361 : i32 to index
      %get3A_3364 = arith.constant 16 : index
      %get3A_3365 = tpu.vector_load %arg6[%get3A_3362, %get3A_3363, %get3A_3364] {strides = array<i32>} : memref<3x16x128xf32, #tpu.memory_space<vmem>>, vector<1x1x16xf32>,
      %get3A_3366 = vector.shape_cast %get3A_3365 : vector<1x1x16xf32> to vector<16xf32>
      %add3A_3367 = arith.constant 16 : i32
      %add3A_3368 = arith.addi %mul3A_3318, %add3A_3367 : i32
      %swap3A_3369 = arith.constant 113 : i32
      %swap3A_3370 = arith.index_cast %swap3A_3369 : i32 to index
      %swap3A_3371 = arith.index_cast %add3A_3368 : i32 to index
      %swap3A_3372 = tpu.vector_load %arg7[%swap3A_3370, %swap3A_3371] {strides = array<i32>} : memref<128x320xf32, #tpu.memory_space<vmem>>, vector<1x16xf32>,
      %swap3A_3373 = vector.shape_cast %swap3A_3372 : vector<1x16xf32> to vector<16xf32>
      %swap3A_3374 = vector.shape_cast %get3A_3366 : vector<16xf32> to vector<1x16xf32>
      tpu.vector_store %arg7[%swap3A_3370, %swap3A_3371], %swap3A_3374 {strides = array<i32>} : memref<128x320xf32, #tpu.memory_space<vmem>>, vector<1x16xf32>,
      %get3A_3375 = arith.constant 1 : i32
      %get3A_3376 = arith.constant 2 : i32
      %get3A_3377 = arith.index_cast %get3A_3375 : i32 to index
      %get3A_3378 = arith.index_cast %get3A_3376 : i32 to index
      %get3A_3379 = arith.constant 0 : index
      %get3A_3380 = tpu.vector_load %arg6[%get3A_3377, %get3A_3378, %get3A_3379] {strides = array<i32>} : memref<3x16x128xf32, #tpu.memory_space<vmem>>, vector<1x1x16xf32>,
      %get3A_3381 = vector.shape_cast %get3A_3380 : vector<1x1x16xf32> to vector<16xf32>
      %swap3A_3382 = arith.constant 114 : i32
      %swap3A_3383 = arith.index_cast %swap3A_3382 : i32 to index
      %swap3A_3384 = arith.index_cast %mul3A_3318 : i32 to index
      %swap3A_3385 = tpu.vector_load %arg7[%swap3A_3383, %swap3A_3384] {strides = array<i32>} : memref<128x320xf32, #tpu.memory_space<vmem>>, vector<1x16xf32>,
      %swap3A_3386 = vector.shape_cast %swap3A_3385 : vector<1x16xf32> to vector<16xf32>
      %swap3A_3387 = vector.shape_cast %get3A_3381 : vector<16xf32> to vector<1x16xf32>
      tpu.vector_store %arg7[%swap3A_3383, %swap3A_3384], %swap3A_3387 {strides = array<i32>} : memref<128x320xf32, #tpu.memory_space<vmem>>, vector<1x16xf32>,
      %get3A_3388 = arith.constant 1 : i32
      %get3A_3389 = arith.constant 2 : i32
      %get3A_3390 = arith.index_cast %get3A_3388 : i32 to index
      %get3A_3391 = arith.index_cast %get3A_3389 : i32 to index
      %get3A_3392 = arith.constant 16 : index
      %get3A_3393 = tpu.vector_load %arg6[%get3A_3390, %get3A_3391, %get3A_3392] {strides = array<i32>} : memref<3x16x128xf32, #tpu.memory_space<vmem>>, vector<1x1x16xf32>,
      %get3A_3394 = vector.shape_cast %get3A_3393 : vector<1x1x16xf32> to vector<16xf32>
      %add3A_3395 = arith.constant 16 : i32
      %add3A_3396 = arith.addi %mul3A_3318, %add3A_3395 : i32
      %swap3A_3397 = arith.constant 114 : i32
      %swap3A_3398 = arith.index_cast %swap3A_3397 : i32 to index
      %swap3A_3399 = arith.index_cast %add3A_3396 : i32 to index
      %swap3A_3400 = tpu.vector_load %arg7[%swap3A_3398, %swap3A_3399] {strides = array<i32>} : memref<128x320xf32, #tpu.memory_space<vmem>>, vector<1x16xf32>,
      %swap3A_3401 = vector.shape_cast %swap3A_3400 : vector<1x16xf32> to vector<16xf32>
      %swap3A_3402 = vector.shape_cast %get3A_3394 : vector<16xf32> to vector<1x16xf32>
      tpu.vector_store %arg7[%swap3A_3398, %swap3A_3399], %swap3A_3402 {strides = array<i32>} : memref<128x320xf32, #tpu.memory_space<vmem>>, vector<1x16xf32>,
      %get3A_3403 = arith.constant 1 : i32
      %get3A_3404 = arith.constant 3 : i32
      %get3A_3405 = arith.index_cast %get3A_3403 : i32 to index
      %get3A_3406 = arith.index_cast %get3A_3404 : i32 to index
      %get3A_3407 = arith.constant 0 : index
      %get3A_3408 = tpu.vector_load %arg6[%get3A_3405, %get3A_3406, %get3A_3407] {strides = array<i32>} : memref<3x16x128xf32, #tpu.memory_space<vmem>>, vector<1x1x16xf32>,
      %get3A_3409 = vector.shape_cast %get3A_3408 : vector<1x1x16xf32> to vector<16xf32>
      %swap3A_3410 = arith.constant 115 : i32
      %swap3A_3411 = arith.index_cast %swap3A_3410 : i32 to index
      %swap3A_3412 = arith.index_cast %mul3A_3318 : i32 to index
      %swap3A_3413 = tpu.vector_load %arg7[%swap3A_3411, %swap3A_3412] {strides = array<i32>} : memref<128x320xf32, #tpu.memory_space<vmem>>, vector<1x16xf32>,
      %swap3A_3414 = vector.shape_cast %swap3A_3413 : vector<1x16xf32> to vector<16xf32>
      %swap3A_3415 = vector.shape_cast %get3A_3409 : vector<16xf32> to vector<1x16xf32>
      tpu.vector_store %arg7[%swap3A_3411, %swap3A_3412], %swap3A_3415 {strides = array<i32>} : memref<128x320xf32, #tpu.memory_space<vmem>>, vector<1x16xf32>,
      %get3A_3416 = arith.constant 1 : i32
      %get3A_3417 = arith.constant 3 : i32
      %get3A_3418 = arith.index_cast %get3A_3416 : i32 to index
      %get3A_3419 = arith.index_cast %get3A_3417 : i32 to index
      %get3A_3420 = arith.constant 16 : index
      %get3A_3421 = tpu.vector_load %arg6[%get3A_3418, %get3A_3419, %get3A_3420] {strides = array<i32>} : memref<3x16x128xf32, #tpu.memory_space<vmem>>, vector<1x1x16xf32>,
      %get3A_3422 = vector.shape_cast %get3A_3421 : vector<1x1x16xf32> to vector<16xf32>
      %add3A_3423 = arith.constant 16 : i32
      %add3A_3424 = arith.addi %mul3A_3318, %add3A_3423 : i32
      %swap3A_3425 = arith.constant 115 : i32
      %swap3A_3426 = arith.index_cast %swap3A_3425 : i32 to index
      %swap3A_3427 = arith.index_cast %add3A_3424 : i32 to index
      %swap3A_3428 = tpu.vector_load %arg7[%swap3A_3426, %swap3A_3427] {strides = array<i32>} : memref<128x320xf32, #tpu.memory_space<vmem>>, vector<1x16xf32>,
      %swap3A_3429 = vector.shape_cast %swap3A_3428 : vector<1x16xf32> to vector<16xf32>
      %swap3A_3430 = vector.shape_cast %get3A_3422 : vector<16xf32> to vector<1x16xf32>
      tpu.vector_store %arg7[%swap3A_3426, %swap3A_3427], %swap3A_3430 {strides = array<i32>} : memref<128x320xf32, #tpu.memory_space<vmem>>, vector<1x16xf32>,
      %get3A_3431 = arith.constant 1 : i32
      %get3A_3432 = arith.constant 4 : i32
      %get3A_3433 = arith.index_cast %get3A_3431 : i32 to index
      %get3A_3434 = arith.index_cast %get3A_3432 : i32 to index
      %get3A_3435 = arith.constant 0 : index
      %get3A_3436 = tpu.vector_load %arg6[%get3A_3433, %get3A_3434, %get3A_3435] {strides = array<i32>} : memref<3x16x128xf32, #tpu.memory_space<vmem>>, vector<1x1x16xf32>,
      %get3A_3437 = vector.shape_cast %get3A_3436 : vector<1x1x16xf32> to vector<16xf32>
      %swap3A_3438 = arith.constant 116 : i32
      %swap3A_3439 = arith.index_cast %swap3A_3438 : i32 to index
      %swap3A_3440 = arith.index_cast %mul3A_3318 : i32 to index
      %swap3A_3441 = tpu.vector_load %arg7[%swap3A_3439, %swap3A_3440] {strides = array<i32>} : memref<128x320xf32, #tpu.memory_space<vmem>>, vector<1x16xf32>,
      %swap3A_3442 = vector.shape_cast %swap3A_3441 : vector<1x16xf32> to vector<16xf32>
      %swap3A_3443 = vector.shape_cast %get3A_3437 : vector<16xf32> to vector<1x16xf32>
      tpu.vector_store %arg7[%swap3A_3439, %swap3A_3440], %swap3A_3443 {strides = array<i32>} : memref<128x320xf32, #tpu.memory_space<vmem>>, vector<1x16xf32>,
      %get3A_3444 = arith.constant 1 : i32
      %get3A_3445 = arith.constant 4 : i32
      %get3A_3446 = arith.index_cast %get3A_3444 : i32 to index
      %get3A_3447 = arith.index_cast %get3A_3445 : i32 to index
      %get3A_3448 = arith.constant 16 : index
      %get3A_3449 = tpu.vector_load %arg6[%get3A_3446, %get3A_3447, %get3A_3448] {strides = array<i32>} : memref<3x16x128xf32, #tpu.memory_space<vmem>>, vector<1x1x16xf32>,
      %get3A_3450 = vector.shape_cast %get3A_3449 : vector<1x1x16xf32> to vector<16xf32>
      %add3A_3451 = arith.constant 16 : i32
      %add3A_3452 = arith.addi %mul3A_3318, %add3A_3451 : i32
      %swap3A_3453 = arith.constant 116 : i32
      %swap3A_3454 = arith.index_cast %swap3A_3453 : i32 to index
      %swap3A_3455 = arith.index_cast %add3A_3452 : i32 to index
      %swap3A_3456 = tpu.vector_load %arg7[%swap3A_3454, %swap3A_3455] {strides = array<i32>} : memref<128x320xf32, #tpu.memory_space<vmem>>, vector<1x16xf32>,
      %swap3A_3457 = vector.shape_cast %swap3A_3456 : vector<1x16xf32> to vector<16xf32>
      %swap3A_3458 = vector.shape_cast %get3A_3450 : vector<16xf32> to vector<1x16xf32>
      tpu.vector_store %arg7[%swap3A_3454, %swap3A_3455], %swap3A_3458 {strides = array<i32>} : memref<128x320xf32, #tpu.memory_space<vmem>>, vector<1x16xf32>,
      %get3A_3459 = arith.constant 1 : i32
      %get3A_3460 = arith.constant 5 : i32
      %get3A_3461 = arith.index_cast %get3A_3459 : i32 to index
      %get3A_3462 = arith.index_cast %get3A_3460 : i32 to index
      %get3A_3463 = arith.constant 0 : index
      %get3A_3464 = tpu.vector_load %arg6[%get3A_3461, %get3A_3462, %get3A_3463] {strides = array<i32>} : memref<3x16x128xf32, #tpu.memory_space<vmem>>, vector<1x1x16xf32>,
      %get3A_3465 = vector.shape_cast %get3A_3464 : vector<1x1x16xf32> to vector<16xf32>
      %swap3A_3466 = arith.constant 117 : i32
      %swap3A_3467 = arith.index_cast %swap3A_3466 : i32 to index
      %swap3A_3468 = arith.index_cast %mul3A_3318 : i32 to index
      %swap3A_3469 = tpu.vector_load %arg7[%swap3A_3467, %swap3A_3468] {strides = array<i32>} : memref<128x320xf32, #tpu.memory_space<vmem>>, vector<1x16xf32>,
      %swap3A_3470 = vector.shape_cast %swap3A_3469 : vector<1x16xf32> to vector<16xf32>
      %swap3A_3471 = vector.shape_cast %get3A_3465 : vector<16xf32> to vector<1x16xf32>
      tpu.vector_store %arg7[%swap3A_3467, %swap3A_3468], %swap3A_3471 {strides = array<i32>} : memref<128x320xf32, #tpu.memory_space<vmem>>, vector<1x16xf32>,
      %get3A_3472 = arith.constant 1 : i32
      %get3A_3473 = arith.constant 5 : i32
      %get3A_3474 = arith.index_cast %get3A_3472 : i32 to index
      %get3A_3475 = arith.index_cast %get3A_3473 : i32 to index
      %get3A_3476 = arith.constant 16 : index
      %get3A_3477 = tpu.vector_load %arg6[%get3A_3474, %get3A_3475, %get3A_3476] {strides = array<i32>} : memref<3x16x128xf32, #tpu.memory_space<vmem>>, vector<1x1x16xf32>,
      %get3A_3478 = vector.shape_cast %get3A_3477 : vector<1x1x16xf32> to vector<16xf32>
      %add3A_3479 = arith.constant 16 : i32
      %add3A_3480 = arith.addi %mul3A_3318, %add3A_3479 : i32
      %swap3A_3481 = arith.constant 117 : i32
      %swap3A_3482 = arith.index_cast %swap3A_3481 : i32 to index
      %swap3A_3483 = arith.index_cast %add3A_3480 : i32 to index
      %swap3A_3484 = tpu.vector_load %arg7[%swap3A_3482, %swap3A_3483] {strides = array<i32>} : memref<128x320xf32, #tpu.memory_space<vmem>>, vector<1x16xf32>,
      %swap3A_3485 = vector.shape_cast %swap3A_3484 : vector<1x16xf32> to vector<16xf32>
      %swap3A_3486 = vector.shape_cast %get3A_3478 : vector<16xf32> to vector<1x16xf32>
      tpu.vector_store %arg7[%swap3A_3482, %swap3A_3483], %swap3A_3486 {strides = array<i32>} : memref<128x320xf32, #tpu.memory_space<vmem>>, vector<1x16xf32>,
      %get3A_3487 = arith.constant 1 : i32
      %get3A_3488 = arith.constant 6 : i32
      %get3A_3489 = arith.index_cast %get3A_3487 : i32 to index
      %get3A_3490 = arith.index_cast %get3A_3488 : i32 to index
      %get3A_3491 = arith.constant 0 : index
      %get3A_3492 = tpu.vector_load %arg6[%get3A_3489, %get3A_3490, %get3A_3491] {strides = array<i32>} : memref<3x16x128xf32, #tpu.memory_space<vmem>>, vector<1x1x16xf32>,
      %get3A_3493 = vector.shape_cast %get3A_3492 : vector<1x1x16xf32> to vector<16xf32>
      %swap3A_3494 = arith.constant 118 : i32
      %swap3A_3495 = arith.index_cast %swap3A_3494 : i32 to index
      %swap3A_3496 = arith.index_cast %mul3A_3318 : i32 to index
      %swap3A_3497 = tpu.vector_load %arg7[%swap3A_3495, %swap3A_3496] {strides = array<i32>} : memref<128x320xf32, #tpu.memory_space<vmem>>, vector<1x16xf32>,
      %swap3A_3498 = vector.shape_cast %swap3A_3497 : vector<1x16xf32> to vector<16xf32>
      %swap3A_3499 = vector.shape_cast %get3A_3493 : vector<16xf32> to vector<1x16xf32>
      tpu.vector_store %arg7[%swap3A_3495, %swap3A_3496], %swap3A_3499 {strides = array<i32>} : memref<128x320xf32, #tpu.memory_space<vmem>>, vector<1x16xf32>,
      %get3A_3500 = arith.constant 1 : i32
      %get3A_3501 = arith.constant 6 : i32
      %get3A_3502 = arith.index_cast %get3A_3500 : i32 to index
      %get3A_3503 = arith.index_cast %get3A_3501 : i32 to index
      %get3A_3504 = arith.constant 16 : index
      %get3A_3505 = tpu.vector_load %arg6[%get3A_3502, %get3A_3503, %get3A_3504] {strides = array<i32>} : memref<3x16x128xf32, #tpu.memory_space<vmem>>, vector<1x1x16xf32>,
      %get3A_3506 = vector.shape_cast %get3A_3505 : vector<1x1x16xf32> to vector<16xf32>
      %add3A_3507 = arith.constant 16 : i32
      %add3A_3508 = arith.addi %mul3A_3318, %add3A_3507 : i32
      %swap3A_3509 = arith.constant 118 : i32
      %swap3A_3510 = arith.index_cast %swap3A_3509 : i32 to index
      %swap3A_3511 = arith.index_cast %add3A_3508 : i32 to index
      %swap3A_3512 = tpu.vector_load %arg7[%swap3A_3510, %swap3A_3511] {strides = array<i32>} : memref<128x320xf32, #tpu.memory_space<vmem>>, vector<1x16xf32>,
      %swap3A_3513 = vector.shape_cast %swap3A_3512 : vector<1x16xf32> to vector<16xf32>
      %swap3A_3514 = vector.shape_cast %get3A_3506 : vector<16xf32> to vector<1x16xf32>
      tpu.vector_store %arg7[%swap3A_3510, %swap3A_3511], %swap3A_3514 {strides = array<i32>} : memref<128x320xf32, #tpu.memory_space<vmem>>, vector<1x16xf32>,
      %get3A_3515 = arith.constant 1 : i32
      %get3A_3516 = arith.constant 7 : i32
      %get3A_3517 = arith.index_cast %get3A_3515 : i32 to index
      %get3A_3518 = arith.index_cast %get3A_3516 : i32 to index
      %get3A_3519 = arith.constant 0 : index
      %get3A_3520 = tpu.vector_load %arg6[%get3A_3517, %get3A_3518, %get3A_3519] {strides = array<i32>} : memref<3x16x128xf32, #tpu.memory_space<vmem>>, vector<1x1x16xf32>,
      %get3A_3521 = vector.shape_cast %get3A_3520 : vector<1x1x16xf32> to vector<16xf32>
      %swap3A_3522 = arith.constant 119 : i32
      %swap3A_3523 = arith.index_cast %swap3A_3522 : i32 to index
      %swap3A_3524 = arith.index_cast %mul3A_3318 : i32 to index
      %swap3A_3525 = tpu.vector_load %arg7[%swap3A_3523, %swap3A_3524] {strides = array<i32>} : memref<128x320xf32, #tpu.memory_space<vmem>>, vector<1x16xf32>,
      %swap3A_3526 = vector.shape_cast %swap3A_3525 : vector<1x16xf32> to vector<16xf32>
      %swap3A_3527 = vector.shape_cast %get3A_3521 : vector<16xf32> to vector<1x16xf32>
      tpu.vector_store %arg7[%swap3A_3523, %swap3A_3524], %swap3A_3527 {strides = array<i32>} : memref<128x320xf32, #tpu.memory_space<vmem>>, vector<1x16xf32>,
      %get3A_3528 = arith.constant 1 : i32
      %get3A_3529 = arith.constant 7 : i32
      %get3A_3530 = arith.index_cast %get3A_3528 : i32 to index
      %get3A_3531 = arith.index_cast %get3A_3529 : i32 to index
      %get3A_3532 = arith.constant 16 : index
      %get3A_3533 = tpu.vector_load %arg6[%get3A_3530, %get3A_3531, %get3A_3532] {strides = array<i32>} : memref<3x16x128xf32, #tpu.memory_space<vmem>>, vector<1x1x16xf32>,
      %get3A_3534 = vector.shape_cast %get3A_3533 : vector<1x1x16xf32> to vector<16xf32>
      %add3A_3535 = arith.constant 16 : i32
      %add3A_3536 = arith.addi %mul3A_3318, %add3A_3535 : i32
      %swap3A_3537 = arith.constant 119 : i32
      %swap3A_3538 = arith.index_cast %swap3A_3537 : i32 to index
      %swap3A_3539 = arith.index_cast %add3A_3536 : i32 to index
      %swap3A_3540 = tpu.vector_load %arg7[%swap3A_3538, %swap3A_3539] {strides = array<i32>} : memref<128x320xf32, #tpu.memory_space<vmem>>, vector<1x16xf32>,
      %swap3A_3541 = vector.shape_cast %swap3A_3540 : vector<1x16xf32> to vector<16xf32>
      %swap3A_3542 = vector.shape_cast %get3A_3534 : vector<16xf32> to vector<1x16xf32>
      tpu.vector_store %arg7[%swap3A_3538, %swap3A_3539], %swap3A_3542 {strides = array<i32>} : memref<128x320xf32, #tpu.memory_space<vmem>>, vector<1x16xf32>,
      %get3A_3543 = arith.constant 1 : i32
      %get3A_3544 = arith.constant 8 : i32
      %get3A_3545 = arith.index_cast %get3A_3543 : i32 to index
      %get3A_3546 = arith.index_cast %get3A_3544 : i32 to index
      %get3A_3547 = arith.constant 0 : index
      %get3A_3548 = tpu.vector_load %arg6[%get3A_3545, %get3A_3546, %get3A_3547] {strides = array<i32>} : memref<3x16x128xf32, #tpu.memory_space<vmem>>, vector<1x1x16xf32>,
      %get3A_3549 = vector.shape_cast %get3A_3548 : vector<1x1x16xf32> to vector<16xf32>
      %swap3A_3550 = arith.constant 120 : i32
      %swap3A_3551 = arith.index_cast %swap3A_3550 : i32 to index
      %swap3A_3552 = arith.index_cast %mul3A_3318 : i32 to index
      %swap3A_3553 = tpu.vector_load %arg7[%swap3A_3551, %swap3A_3552] {strides = array<i32>} : memref<128x320xf32, #tpu.memory_space<vmem>>, vector<1x16xf32>,
      %swap3A_3554 = vector.shape_cast %swap3A_3553 : vector<1x16xf32> to vector<16xf32>
      %swap3A_3555 = vector.shape_cast %get3A_3549 : vector<16xf32> to vector<1x16xf32>
      tpu.vector_store %arg7[%swap3A_3551, %swap3A_3552], %swap3A_3555 {strides = array<i32>} : memref<128x320xf32, #tpu.memory_space<vmem>>, vector<1x16xf32>,
      %get3A_3556 = arith.constant 1 : i32
      %get3A_3557 = arith.constant 8 : i32
      %get3A_3558 = arith.index_cast %get3A_3556 : i32 to index
      %get3A_3559 = arith.index_cast %get3A_3557 : i32 to index
      %get3A_3560 = arith.constant 16 : index
      %get3A_3561 = tpu.vector_load %arg6[%get3A_3558, %get3A_3559, %get3A_3560] {strides = array<i32>} : memref<3x16x128xf32, #tpu.memory_space<vmem>>, vector<1x1x16xf32>,
      %get3A_3562 = vector.shape_cast %get3A_3561 : vector<1x1x16xf32> to vector<16xf32>
      %add3A_3563 = arith.constant 16 : i32
      %add3A_3564 = arith.addi %mul3A_3318, %add3A_3563 : i32
      %swap3A_3565 = arith.constant 120 : i32
      %swap3A_3566 = arith.index_cast %swap3A_3565 : i32 to index
      %swap3A_3567 = arith.index_cast %add3A_3564 : i32 to index
      %swap3A_3568 = tpu.vector_load %arg7[%swap3A_3566, %swap3A_3567] {strides = array<i32>} : memref<128x320xf32, #tpu.memory_space<vmem>>, vector<1x16xf32>,
      %swap3A_3569 = vector.shape_cast %swap3A_3568 : vector<1x16xf32> to vector<16xf32>
      %swap3A_3570 = vector.shape_cast %get3A_3562 : vector<16xf32> to vector<1x16xf32>
      tpu.vector_store %arg7[%swap3A_3566, %swap3A_3567], %swap3A_3570 {strides = array<i32>} : memref<128x320xf32, #tpu.memory_space<vmem>>, vector<1x16xf32>,
      %get3A_3571 = arith.constant 1 : i32
      %get3A_3572 = arith.constant 9 : i32
      %get3A_3573 = arith.index_cast %get3A_3571 : i32 to index
      %get3A_3574 = arith.index_cast %get3A_3572 : i32 to index
      %get3A_3575 = arith.constant 0 : index
      %get3A_3576 = tpu.vector_load %arg6[%get3A_3573, %get3A_3574, %get3A_3575] {strides = array<i32>} : memref<3x16x128xf32, #tpu.memory_space<vmem>>, vector<1x1x16xf32>,
      %get3A_3577 = vector.shape_cast %get3A_3576 : vector<1x1x16xf32> to vector<16xf32>
      %swap3A_3578 = arith.constant 121 : i32
      %swap3A_3579 = arith.index_cast %swap3A_3578 : i32 to index
      %swap3A_3580 = arith.index_cast %mul3A_3318 : i32 to index
      %swap3A_3581 = tpu.vector_load %arg7[%swap3A_3579, %swap3A_3580] {strides = array<i32>} : memref<128x320xf32, #tpu.memory_space<vmem>>, vector<1x16xf32>,
      %swap3A_3582 = vector.shape_cast %swap3A_3581 : vector<1x16xf32> to vector<16xf32>
      %swap3A_3583 = vector.shape_cast %get3A_3577 : vector<16xf32> to vector<1x16xf32>
      tpu.vector_store %arg7[%swap3A_3579, %swap3A_3580], %swap3A_3583 {strides = array<i32>} : memref<128x320xf32, #tpu.memory_space<vmem>>, vector<1x16xf32>,
      %get3A_3584 = arith.constant 1 : i32
      %get3A_3585 = arith.constant 9 : i32
      %get3A_3586 = arith.index_cast %get3A_3584 : i32 to index
      %get3A_3587 = arith.index_cast %get3A_3585 : i32 to index
      %get3A_3588 = arith.constant 16 : index
      %get3A_3589 = tpu.vector_load %arg6[%get3A_3586, %get3A_3587, %get3A_3588] {strides = array<i32>} : memref<3x16x128xf32, #tpu.memory_space<vmem>>, vector<1x1x16xf32>,
      %get3A_3590 = vector.shape_cast %get3A_3589 : vector<1x1x16xf32> to vector<16xf32>
      %add3A_3591 = arith.constant 16 : i32
      %add3A_3592 = arith.addi %mul3A_3318, %add3A_3591 : i32
      %swap3A_3593 = arith.constant 121 : i32
      %swap3A_3594 = arith.index_cast %swap3A_3593 : i32 to index
      %swap3A_3595 = arith.index_cast %add3A_3592 : i32 to index
      %swap3A_3596 = tpu.vector_load %arg7[%swap3A_3594, %swap3A_3595] {strides = array<i32>} : memref<128x320xf32, #tpu.memory_space<vmem>>, vector<1x16xf32>,
      %swap3A_3597 = vector.shape_cast %swap3A_3596 : vector<1x16xf32> to vector<16xf32>
      %swap3A_3598 = vector.shape_cast %get3A_3590 : vector<16xf32> to vector<1x16xf32>
      tpu.vector_store %arg7[%swap3A_3594, %swap3A_3595], %swap3A_3598 {strides = array<i32>} : memref<128x320xf32, #tpu.memory_space<vmem>>, vector<1x16xf32>,
      %get3A_3599 = arith.constant 1 : i32
      %get3A_3600 = arith.constant 10 : i32
      %get3A_3601 = arith.index_cast %get3A_3599 : i32 to index
      %get3A_3602 = arith.index_cast %get3A_3600 : i32 to index
      %get3A_3603 = arith.constant 0 : index
      %get3A_3604 = tpu.vector_load %arg6[%get3A_3601, %get3A_3602, %get3A_3603] {strides = array<i32>} : memref<3x16x128xf32, #tpu.memory_space<vmem>>, vector<1x1x16xf32>,
      %get3A_3605 = vector.shape_cast %get3A_3604 : vector<1x1x16xf32> to vector<16xf32>
      %swap3A_3606 = arith.constant 122 : i32
      %swap3A_3607 = arith.index_cast %swap3A_3606 : i32 to index
      %swap3A_3608 = arith.index_cast %mul3A_3318 : i32 to index
      %swap3A_3609 = tpu.vector_load %arg7[%swap3A_3607, %swap3A_3608] {strides = array<i32>} : memref<128x320xf32, #tpu.memory_space<vmem>>, vector<1x16xf32>,
      %swap3A_3610 = vector.shape_cast %swap3A_3609 : vector<1x16xf32> to vector<16xf32>
      %swap3A_3611 = vector.shape_cast %get3A_3605 : vector<16xf32> to vector<1x16xf32>
      tpu.vector_store %arg7[%swap3A_3607, %swap3A_3608], %swap3A_3611 {strides = array<i32>} : memref<128x320xf32, #tpu.memory_space<vmem>>, vector<1x16xf32>,
      %get3A_3612 = arith.constant 1 : i32
      %get3A_3613 = arith.constant 10 : i32
      %get3A_3614 = arith.index_cast %get3A_3612 : i32 to index
      %get3A_3615 = arith.index_cast %get3A_3613 : i32 to index
      %get3A_3616 = arith.constant 16 : index
      %get3A_3617 = tpu.vector_load %arg6[%get3A_3614, %get3A_3615, %get3A_3616] {strides = array<i32>} : memref<3x16x128xf32, #tpu.memory_space<vmem>>, vector<1x1x16xf32>,
      %get3A_3618 = vector.shape_cast %get3A_3617 : vector<1x1x16xf32> to vector<16xf32>
      %add3A_3619 = arith.constant 16 : i32
      %add3A_3620 = arith.addi %mul3A_3318, %add3A_3619 : i32
      %swap3A_3621 = arith.constant 122 : i32
      %swap3A_3622 = arith.index_cast %swap3A_3621 : i32 to index
      %swap3A_3623 = arith.index_cast %add3A_3620 : i32 to index
      %swap3A_3624 = tpu.vector_load %arg7[%swap3A_3622, %swap3A_3623] {strides = array<i32>} : memref<128x320xf32, #tpu.memory_space<vmem>>, vector<1x16xf32>,
      %swap3A_3625 = vector.shape_cast %swap3A_3624 : vector<1x16xf32> to vector<16xf32>
      %swap3A_3626 = vector.shape_cast %get3A_3618 : vector<16xf32> to vector<1x16xf32>
      tpu.vector_store %arg7[%swap3A_3622, %swap3A_3623], %swap3A_3626 {strides = array<i32>} : memref<128x320xf32, #tpu.memory_space<vmem>>, vector<1x16xf32>,
      %get3A_3627 = arith.constant 1 : i32
      %get3A_3628 = arith.constant 11 : i32
      %get3A_3629 = arith.index_cast %get3A_3627 : i32 to index
      %get3A_3630 = arith.index_cast %get3A_3628 : i32 to index
      %get3A_3631 = arith.constant 0 : index
      %get3A_3632 = tpu.vector_load %arg6[%get3A_3629, %get3A_3630, %get3A_3631] {strides = array<i32>} : memref<3x16x128xf32, #tpu.memory_space<vmem>>, vector<1x1x16xf32>,
      %get3A_3633 = vector.shape_cast %get3A_3632 : vector<1x1x16xf32> to vector<16xf32>
      %swap3A_3634 = arith.constant 123 : i32
      %swap3A_3635 = arith.index_cast %swap3A_3634 : i32 to index
      %swap3A_3636 = arith.index_cast %mul3A_3318 : i32 to index
      %swap3A_3637 = tpu.vector_load %arg7[%swap3A_3635, %swap3A_3636] {strides = array<i32>} : memref<128x320xf32, #tpu.memory_space<vmem>>, vector<1x16xf32>,
      %swap3A_3638 = vector.shape_cast %swap3A_3637 : vector<1x16xf32> to vector<16xf32>
      %swap3A_3639 = vector.shape_cast %get3A_3633 : vector<16xf32> to vector<1x16xf32>
      tpu.vector_store %arg7[%swap3A_3635, %swap3A_3636], %swap3A_3639 {strides = array<i32>} : memref<128x320xf32, #tpu.memory_space<vmem>>, vector<1x16xf32>,
      %get3A_3640 = arith.constant 1 : i32
      %get3A_3641 = arith.constant 11 : i32
      %get3A_3642 = arith.index_cast %get3A_3640 : i32 to index
      %get3A_3643 = arith.index_cast %get3A_3641 : i32 to index
      %get3A_3644 = arith.constant 16 : index
      %get3A_3645 = tpu.vector_load %arg6[%get3A_3642, %get3A_3643, %get3A_3644] {strides = array<i32>} : memref<3x16x128xf32, #tpu.memory_space<vmem>>, vector<1x1x16xf32>,
      %get3A_3646 = vector.shape_cast %get3A_3645 : vector<1x1x16xf32> to vector<16xf32>
      %add3A_3647 = arith.constant 16 : i32
      %add3A_3648 = arith.addi %mul3A_3318, %add3A_3647 : i32
      %swap3A_3649 = arith.constant 123 : i32
      %swap3A_3650 = arith.index_cast %swap3A_3649 : i32 to index
      %swap3A_3651 = arith.index_cast %add3A_3648 : i32 to index
      %swap3A_3652 = tpu.vector_load %arg7[%swap3A_3650, %swap3A_3651] {strides = array<i32>} : memref<128x320xf32, #tpu.memory_space<vmem>>, vector<1x16xf32>,
      %swap3A_3653 = vector.shape_cast %swap3A_3652 : vector<1x16xf32> to vector<16xf32>
      %swap3A_3654 = vector.shape_cast %get3A_3646 : vector<16xf32> to vector<1x16xf32>
      tpu.vector_store %arg7[%swap3A_3650, %swap3A_3651], %swap3A_3654 {strides = array<i32>} : memref<128x320xf32, #tpu.memory_space<vmem>>, vector<1x16xf32>,
      %get3A_3655 = arith.constant 1 : i32
      %get3A_3656 = arith.constant 12 : i32
      %get3A_3657 = arith.index_cast %get3A_3655 : i32 to index
      %get3A_3658 = arith.index_cast %get3A_3656 : i32 to index
      %get3A_3659 = arith.constant 0 : index
      %get3A_3660 = tpu.vector_load %arg6[%get3A_3657, %get3A_3658, %get3A_3659] {strides = array<i32>} : memref<3x16x128xf32, #tpu.memory_space<vmem>>, vector<1x1x16xf32>,
      %get3A_3661 = vector.shape_cast %get3A_3660 : vector<1x1x16xf32> to vector<16xf32>
      %swap3A_3662 = arith.constant 124 : i32
      %swap3A_3663 = arith.index_cast %swap3A_3662 : i32 to index
      %swap3A_3664 = arith.index_cast %mul3A_3318 : i32 to index
      %swap3A_3665 = tpu.vector_load %arg7[%swap3A_3663, %swap3A_3664] {strides = array<i32>} : memref<128x320xf32, #tpu.memory_space<vmem>>, vector<1x16xf32>,
      %swap3A_3666 = vector.shape_cast %swap3A_3665 : vector<1x16xf32> to vector<16xf32>
      %swap3A_3667 = vector.shape_cast %get3A_3661 : vector<16xf32> to vector<1x16xf32>
      tpu.vector_store %arg7[%swap3A_3663, %swap3A_3664], %swap3A_3667 {strides = array<i32>} : memref<128x320xf32, #tpu.memory_space<vmem>>, vector<1x16xf32>,
      %get3A_3668 = arith.constant 1 : i32
      %get3A_3669 = arith.constant 12 : i32
      %get3A_3670 = arith.index_cast %get3A_3668 : i32 to index
      %get3A_3671 = arith.index_cast %get3A_3669 : i32 to index
      %get3A_3672 = arith.constant 16 : index
      %get3A_3673 = tpu.vector_load %arg6[%get3A_3670, %get3A_3671, %get3A_3672] {strides = array<i32>} : memref<3x16x128xf32, #tpu.memory_space<vmem>>, vector<1x1x16xf32>,
      %get3A_3674 = vector.shape_cast %get3A_3673 : vector<1x1x16xf32> to vector<16xf32>
      %add3A_3675 = arith.constant 16 : i32
      %add3A_3676 = arith.addi %mul3A_3318, %add3A_3675 : i32
      %swap3A_3677 = arith.constant 124 : i32
      %swap3A_3678 = arith.index_cast %swap3A_3677 : i32 to index
      %swap3A_3679 = arith.index_cast %add3A_3676 : i32 to index
      %swap3A_3680 = tpu.vector_load %arg7[%swap3A_3678, %swap3A_3679] {strides = array<i32>} : memref<128x320xf32, #tpu.memory_space<vmem>>, vector<1x16xf32>,
      %swap3A_3681 = vector.shape_cast %swap3A_3680 : vector<1x16xf32> to vector<16xf32>
      %swap3A_3682 = vector.shape_cast %get3A_3674 : vector<16xf32> to vector<1x16xf32>
      tpu.vector_store %arg7[%swap3A_3678, %swap3A_3679], %swap3A_3682 {strides = array<i32>} : memref<128x320xf32, #tpu.memory_space<vmem>>, vector<1x16xf32>,
      %get3A_3683 = arith.constant 1 : i32
      %get3A_3684 = arith.constant 13 : i32
      %get3A_3685 = arith.index_cast %get3A_3683 : i32 to index
      %get3A_3686 = arith.index_cast %get3A_3684 : i32 to index
      %get3A_3687 = arith.constant 0 : index
      %get3A_3688 = tpu.vector_load %arg6[%get3A_3685, %get3A_3686, %get3A_3687] {strides = array<i32>} : memref<3x16x128xf32, #tpu.memory_space<vmem>>, vector<1x1x16xf32>,
      %get3A_3689 = vector.shape_cast %get3A_3688 : vector<1x1x16xf32> to vector<16xf32>
      %swap3A_3690 = arith.constant 125 : i32
      %swap3A_3691 = arith.index_cast %swap3A_3690 : i32 to index
      %swap3A_3692 = arith.index_cast %mul3A_3318 : i32 to index
      %swap3A_3693 = tpu.vector_load %arg7[%swap3A_3691, %swap3A_3692] {strides = array<i32>} : memref<128x320xf32, #tpu.memory_space<vmem>>, vector<1x16xf32>,
      %swap3A_3694 = vector.shape_cast %swap3A_3693 : vector<1x16xf32> to vector<16xf32>
      %swap3A_3695 = vector.shape_cast %get3A_3689 : vector<16xf32> to vector<1x16xf32>
      tpu.vector_store %arg7[%swap3A_3691, %swap3A_3692], %swap3A_3695 {strides = array<i32>} : memref<128x320xf32, #tpu.memory_space<vmem>>, vector<1x16xf32>,
      %get3A_3696 = arith.constant 1 : i32
      %get3A_3697 = arith.constant 13 : i32
      %get3A_3698 = arith.index_cast %get3A_3696 : i32 to index
      %get3A_3699 = arith.index_cast %get3A_3697 : i32 to index
      %get3A_3700 = arith.constant 16 : index
      %get3A_3701 = tpu.vector_load %arg6[%get3A_3698, %get3A_3699, %get3A_3700] {strides = array<i32>} : memref<3x16x128xf32, #tpu.memory_space<vmem>>, vector<1x1x16xf32>,
      %get3A_3702 = vector.shape_cast %get3A_3701 : vector<1x1x16xf32> to vector<16xf32>
      %add3A_3703 = arith.constant 16 : i32
      %add3A_3704 = arith.addi %mul3A_3318, %add3A_3703 : i32
      %swap3A_3705 = arith.constant 125 : i32
      %swap3A_3706 = arith.index_cast %swap3A_3705 : i32 to index
      %swap3A_3707 = arith.index_cast %add3A_3704 : i32 to index
      %swap3A_3708 = tpu.vector_load %arg7[%swap3A_3706, %swap3A_3707] {strides = array<i32>} : memref<128x320xf32, #tpu.memory_space<vmem>>, vector<1x16xf32>,
      %swap3A_3709 = vector.shape_cast %swap3A_3708 : vector<1x16xf32> to vector<16xf32>
      %swap3A_3710 = vector.shape_cast %get3A_3702 : vector<16xf32> to vector<1x16xf32>
      tpu.vector_store %arg7[%swap3A_3706, %swap3A_3707], %swap3A_3710 {strides = array<i32>} : memref<128x320xf32, #tpu.memory_space<vmem>>, vector<1x16xf32>,
      %get3A_3711 = arith.constant 1 : i32
      %get3A_3712 = arith.constant 14 : i32
      %get3A_3713 = arith.index_cast %get3A_3711 : i32 to index
      %get3A_3714 = arith.index_cast %get3A_3712 : i32 to index
      %get3A_3715 = arith.constant 0 : index
      %get3A_3716 = tpu.vector_load %arg6[%get3A_3713, %get3A_3714, %get3A_3715] {strides = array<i32>} : memref<3x16x128xf32, #tpu.memory_space<vmem>>, vector<1x1x16xf32>,
      %get3A_3717 = vector.shape_cast %get3A_3716 : vector<1x1x16xf32> to vector<16xf32>
      %swap3A_3718 = arith.constant 126 : i32
      %swap3A_3719 = arith.index_cast %swap3A_3718 : i32 to index
      %swap3A_3720 = arith.index_cast %mul3A_3318 : i32 to index
      %swap3A_3721 = tpu.vector_load %arg7[%swap3A_3719, %swap3A_3720] {strides = array<i32>} : memref<128x320xf32, #tpu.memory_space<vmem>>, vector<1x16xf32>,
      %swap3A_3722 = vector.shape_cast %swap3A_3721 : vector<1x16xf32> to vector<16xf32>
      %swap3A_3723 = vector.shape_cast %get3A_3717 : vector<16xf32> to vector<1x16xf32>
      tpu.vector_store %arg7[%swap3A_3719, %swap3A_3720], %swap3A_3723 {strides = array<i32>} : memref<128x320xf32, #tpu.memory_space<vmem>>, vector<1x16xf32>,
      %get3A_3724 = arith.constant 1 : i32
      %get3A_3725 = arith.constant 14 : i32
      %get3A_3726 = arith.index_cast %get3A_3724 : i32 to index
      %get3A_3727 = arith.index_cast %get3A_3725 : i32 to index
      %get3A_3728 = arith.constant 16 : index
      %get3A_3729 = tpu.vector_load %arg6[%get3A_3726, %get3A_3727, %get3A_3728] {strides = array<i32>} : memref<3x16x128xf32, #tpu.memory_space<vmem>>, vector<1x1x16xf32>,
      %get3A_3730 = vector.shape_cast %get3A_3729 : vector<1x1x16xf32> to vector<16xf32>
      %add3A_3731 = arith.constant 16 : i32
      %add3A_3732 = arith.addi %mul3A_3318, %add3A_3731 : i32
      %swap3A_3733 = arith.constant 126 : i32
      %swap3A_3734 = arith.index_cast %swap3A_3733 : i32 to index
      %swap3A_3735 = arith.index_cast %add3A_3732 : i32 to index
      %swap3A_3736 = tpu.vector_load %arg7[%swap3A_3734, %swap3A_3735] {strides = array<i32>} : memref<128x320xf32, #tpu.memory_space<vmem>>, vector<1x16xf32>,
      %swap3A_3737 = vector.shape_cast %swap3A_3736 : vector<1x16xf32> to vector<16xf32>
      %swap3A_3738 = vector.shape_cast %get3A_3730 : vector<16xf32> to vector<1x16xf32>
      tpu.vector_store %arg7[%swap3A_3734, %swap3A_3735], %swap3A_3738 {strides = array<i32>} : memref<128x320xf32, #tpu.memory_space<vmem>>, vector<1x16xf32>,
      %get3A_3739 = arith.constant 1 : i32
      %get3A_3740 = arith.constant 15 : i32
      %get3A_3741 = arith.index_cast %get3A_3739 : i32 to index
      %get3A_3742 = arith.index_cast %get3A_3740 : i32 to index
      %get3A_3743 = arith.constant 0 : index
      %get3A_3744 = tpu.vector_load %arg6[%get3A_3741, %get3A_3742, %get3A_3743] {strides = array<i32>} : memref<3x16x128xf32, #tpu.memory_space<vmem>>, vector<1x1x16xf32>,
      %get3A_3745 = vector.shape_cast %get3A_3744 : vector<1x1x16xf32> to vector<16xf32>
      %swap3A_3746 = arith.constant 127 : i32
      %swap3A_3747 = arith.index_cast %swap3A_3746 : i32 to index
      %swap3A_3748 = arith.index_cast %mul3A_3318 : i32 to index
      %swap3A_3749 = tpu.vector_load %arg7[%swap3A_3747, %swap3A_3748] {strides = array<i32>} : memref<128x320xf32, #tpu.memory_space<vmem>>, vector<1x16xf32>,
      %swap3A_3750 = vector.shape_cast %swap3A_3749 : vector<1x16xf32> to vector<16xf32>
      %swap3A_3751 = vector.shape_cast %get3A_3745 : vector<16xf32> to vector<1x16xf32>
      tpu.vector_store %arg7[%swap3A_3747, %swap3A_3748], %swap3A_3751 {strides = array<i32>} : memref<128x320xf32, #tpu.memory_space<vmem>>, vector<1x16xf32>,
      %get3A_3752 = arith.constant 1 : i32
      %get3A_3753 = arith.constant 15 : i32
      %get3A_3754 = arith.index_cast %get3A_3752 : i32 to index
      %get3A_3755 = arith.index_cast %get3A_3753 : i32 to index
      %get3A_3756 = arith.constant 16 : index
      %get3A_3757 = tpu.vector_load %arg6[%get3A_3754, %get3A_3755, %get3A_3756] {strides = array<i32>} : memref<3x16x128xf32, #tpu.memory_space<vmem>>, vector<1x1x16xf32>,
      %get3A_3758 = vector.shape_cast %get3A_3757 : vector<1x1x16xf32> to vector<16xf32>
      %add3A_3759 = arith.constant 16 : i32
      %add3A_3760 = arith.addi %mul3A_3318, %add3A_3759 : i32
      %swap3A_3761 = arith.constant 127 : i32
      %swap3A_3762 = arith.index_cast %swap3A_3761 : i32 to index
      %swap3A_3763 = arith.index_cast %add3A_3760 : i32 to index
      %swap3A_3764 = tpu.vector_load %arg7[%swap3A_3762, %swap3A_3763] {strides = array<i32>} : memref<128x320xf32, #tpu.memory_space<vmem>>, vector<1x16xf32>,
      %swap3A_3765 = vector.shape_cast %swap3A_3764 : vector<1x16xf32> to vector<16xf32>
      %swap3A_3766 = vector.shape_cast %get3A_3758 : vector<16xf32> to vector<1x16xf32>
      tpu.vector_store %arg7[%swap3A_3762, %swap3A_3763], %swap3A_3766 {strides = array<i32>} : memref<128x320xf32, #tpu.memory_space<vmem>>, vector<1x16xf32>,
      %scan3A_3767 = arith.constant 0 : i32
      scf.yield %scan3A_3767 : i32
    }
    %scan3A_6 = arith.constant 10 : i32
    %mul3A_7 = arith.constant 128 : i32
    %mul3A_8 = arith.muli %add3A, %mul3A_7 : i32
    "tpu.region"() ({
      %run_scoped3A = tpu.sem_alloc : memref<!tpu.dma_semaphore, #tpu.memory_space<semaphore_mem>>
      %dma_start3A = arith.constant 0 : i32
      %dma_start3A_9 = tpu.memref_slice %arg4[%mul3A_8, %dma_start3A] : memref<4096x320xf32, #tpu.memory_space<hbm>> -> memref<128x320xf32, #tpu.memory_space<hbm>>
      %dma_start3A_10 = arith.constant 0 : i32
      %dma_start3A_11 = tpu.memref_slice %arg4[%mul3A_8, %dma_start3A_10] : memref<4096x320xf32, #tpu.memory_space<hbm>> -> memref<128x320xf32, #tpu.memory_space<hbm>>
      tpu.enqueue_dma source(%arg7 : memref<128x320xf32, #tpu.memory_space<vmem>>) target(%dma_start3A_11 : memref<128x320xf32, #tpu.memory_space<hbm>>) target_semaphore(%run_scoped3A : memref<!tpu.dma_semaphore, #tpu.memory_space<semaphore_mem>>)
      %dma_wait3A = arith.constant 0 : i32
      %dma_wait3A_12 = tpu.memref_slice %arg4[%mul3A_8, %dma_wait3A] : memref<4096x320xf32, #tpu.memory_space<hbm>> -> memref<128x320xf32, #tpu.memory_space<hbm>>
      %dma_wait3A_13 = arith.constant 0 : i32
      %dma_wait3A_14 = tpu.memref_slice %arg4[%mul3A_8, %dma_wait3A_13] : memref<4096x320xf32, #tpu.memory_space<hbm>> -> memref<128x320xf32, #tpu.memory_space<hbm>>
      tpu.wait_dma2 semaphore(%run_scoped3A : memref<!tpu.dma_semaphore, #tpu.memory_space<semaphore_mem>>) src(%arg7 : memref<128x320xf32, #tpu.memory_space<vmem>>) dst(%dma_wait3A_14 : memref<128x320xf32, #tpu.memory_space<hbm>>)
      tpu.yield
    }) : () -> ()
    return
  }
}

module attributes {stable_mosaic.version = 14 : i64} {
  func.func @_pad_body(%arg0: i32, %arg1: memref<8000x25xf32, #tpu.memory_space<vmem>>, %arg2: memref<8000x128xf32, #tpu.memory_space<vmem>>) attributes {dimension_semantics = [#tpu.dimension_semantics<arbitrary>], iteration_bounds = array<i64: 125>, scalar_prefetch = 0 : i64, scratch_operands = 0 : i64, tpu.core_type = #tpu.core_type<tc>, window_params = [{transform_indices = @transform_0, window_bounds = array<i64: 8000, 25>}, {transform_indices = @transform_1, window_bounds = array<i64: 8000, 128>}]} {
    %get3A = arith.constant 0 : index
    %get3A_0 = arith.constant 0 : index
    %get3A_1 = vector.load %arg1[%get3A, %get3A_0] : memref<8000x25xf32, #tpu.memory_space<vmem>>, vector<8000x25xf32>
    %jit3A = arith.constant 0 : i32
    %convert_element_type3A = arith.sitofp %jit3A : i32 to f32
    %pad3A = vector.broadcast %convert_element_type3A : f32 to vector<8000x103xf32>
    %pad3A_2 = tpu.concatenate %get3A_1, %pad3A in 1 : vector<8000x25xf32>, vector<8000x103xf32> -> vector<8000x128xf32>
    %swap3A = arith.constant 0 : index
    %swap3A_3 = arith.constant 0 : index
    %swap3A_4 = vector.load %arg2[%swap3A, %swap3A_3] : memref<8000x128xf32, #tpu.memory_space<vmem>>, vector<8000x128xf32>
    tpu.vector_store %arg2[%swap3A, %swap3A_3], %pad3A_2 {strides = array<i32>} : memref<8000x128xf32, #tpu.memory_space<vmem>>, vector<8000x128xf32>,
    return
  }
  func.func @transform_0(%arg0: i32) -> (i32, i32) {
    %c0_i32 = arith.constant 0 : i32
    %c0_i32_0 = arith.constant 0 : i32
    return %arg0, %c0_i32 : i32, i32
  }
  func.func @transform_1(%arg0: i32) -> (i32, i32) {
    %c0_i32 = arith.constant 0 : i32
    %c0_i32_0 = arith.constant 0 : i32
    return %arg0, %c0_i32 : i32, i32
  }
}

module attributes {stable_mosaic.version = 14 : i64} {
  func.func @_mlp_body(%arg0: i32, %arg1: memref<1024x320xf32, #tpu.memory_space<vmem>>, %arg2: memref<1024x13xf32, #tpu.memory_space<vmem>>, %arg3: memref<320x64xf32, #tpu.memory_space<vmem>>, %arg4: memref<13x64xf32, #tpu.memory_space<vmem>>, %arg5: memref<1x64xf32, #tpu.memory_space<vmem>>, %arg6: memref<1024x64xf32, #tpu.memory_space<vmem>>) attributes {dimension_semantics = [#tpu.dimension_semantics<arbitrary>], iteration_bounds = array<i64: 4>, scalar_prefetch = 0 : i64, scratch_operands = 0 : i64, tpu.core_type = #tpu.core_type<tc>, window_params = [{transform_indices = @transform_0, window_bounds = array<i64: 1024, 320>}, {transform_indices = @transform_1, window_bounds = array<i64: 1024, 13>}, {pipeline_mode = #tpu.pipeline_mode<synchronous>, transform_indices = @transform_2, window_bounds = array<i64: 320, 64>}, {pipeline_mode = #tpu.pipeline_mode<synchronous>, transform_indices = @transform_3, window_bounds = array<i64: 13, 64>}, {pipeline_mode = #tpu.pipeline_mode<synchronous>, transform_indices = @transform_4, window_bounds = array<i64: 1, 64>}, {transform_indices = @transform_5, window_bounds = array<i64: 1024, 64>}]} {
    %get3A = arith.constant 0 : index
    %get3A_0 = arith.constant 0 : index
    %get3A_1 = vector.load %arg1[%get3A, %get3A_0] : memref<1024x320xf32, #tpu.memory_space<vmem>>, vector<1024x320xf32>
    %get3A_2 = arith.constant 0 : index
    %get3A_3 = arith.constant 0 : index
    %get3A_4 = vector.load %arg3[%get3A_2, %get3A_3] : memref<320x64xf32, #tpu.memory_space<vmem>>, vector<320x64xf32>
    %dot_general3A = arith.constant dense<0.000000e+00> : vector<1024x64xf32>
    %dot_general3A_5 = tpu.matmul %get3A_1, %get3A_4, %dot_general3A {dimension_numbers = #tpu.dot_dimension_numbers<[1], [0], [0], [1], [0, 0, 1, 1], [], []>, transpose_lhs_hint = false} : vector<1024x320xf32>, vector<320x64xf32>, vector<1024x64xf32> -> vector<1024x64xf32>
    %get3A_6 = arith.constant 0 : index
    %get3A_7 = arith.constant 0 : index
    %get3A_8 = vector.load %arg2[%get3A_6, %get3A_7] : memref<1024x13xf32, #tpu.memory_space<vmem>>, vector<1024x13xf32>
    %get3A_9 = arith.constant 0 : index
    %get3A_10 = arith.constant 0 : index
    %get3A_11 = vector.load %arg4[%get3A_9, %get3A_10] : memref<13x64xf32, #tpu.memory_space<vmem>>, vector<13x64xf32>
    %dot_general3A_12 = arith.constant dense<0.000000e+00> : vector<1024x64xf32>
    %dot_general3A_13 = tpu.matmul %get3A_8, %get3A_11, %dot_general3A_12 {dimension_numbers = #tpu.dot_dimension_numbers<[1], [0], [0], [1], [0, 0, 1, 1], [], []>, transpose_lhs_hint = false} : vector<1024x13xf32>, vector<13x64xf32>, vector<1024x64xf32> -> vector<1024x64xf32>
    %add3A = arith.addf %dot_general3A_5, %dot_general3A_13 : vector<1024x64xf32>
    %get3A_14 = arith.constant 0 : index
    %get3A_15 = arith.constant 0 : index
    %get3A_16 = vector.load %arg5[%get3A_14, %get3A_15] : memref<1x64xf32, #tpu.memory_space<vmem>>, vector<1x64xf32>
    %add3A_17 = vector.broadcast %get3A_16 : vector<1x64xf32> to vector<1024x64xf32>
    %add3A_18 = arith.addf %add3A, %add3A_17 : vector<1024x64xf32>
    %max3A = arith.constant 0.000000e+00 : f32
    %max3A_19 = vector.broadcast %max3A : f32 to vector<1024x64xf32>
    %max3A_20 = arith.maximumf %add3A_18, %max3A_19 : vector<1024x64xf32>
    %swap3A = arith.constant 0 : index
    %swap3A_21 = arith.constant 0 : index
    %swap3A_22 = vector.load %arg6[%swap3A, %swap3A_21] : memref<1024x64xf32, #tpu.memory_space<vmem>>, vector<1024x64xf32>
    tpu.vector_store %arg6[%swap3A, %swap3A_21], %max3A_20 {strides = array<i32>} : memref<1024x64xf32, #tpu.memory_space<vmem>>, vector<1024x64xf32>,
    return
  }
  func.func @transform_0(%arg0: i32) -> (i32, i32) {
    %c0_i32 = arith.constant 0 : i32
    %c0_i32_0 = arith.constant 0 : i32
    return %arg0, %c0_i32 : i32, i32
  }
  func.func @transform_1(%arg0: i32) -> (i32, i32) {
    %c0_i32 = arith.constant 0 : i32
    %c0_i32_0 = arith.constant 0 : i32
    return %arg0, %c0_i32 : i32, i32
  }
  func.func @transform_2(%arg0: i32) -> (i32, i32) {
    %c0_i32 = arith.constant 0 : i32
    %c0_i32_0 = arith.constant 0 : i32
    %c0_i32_1 = arith.constant 0 : i32
    return %c0_i32, %c0_i32_0 : i32, i32
  }
  func.func @transform_3(%arg0: i32) -> (i32, i32) {
    %c0_i32 = arith.constant 0 : i32
    %c0_i32_0 = arith.constant 0 : i32
    %c0_i32_1 = arith.constant 0 : i32
    return %c0_i32, %c0_i32_0 : i32, i32
  }
  func.func @transform_4(%arg0: i32) -> (i32, i32) {
    %c0_i32 = arith.constant 0 : i32
    %c0_i32_0 = arith.constant 0 : i32
    %c0_i32_1 = arith.constant 0 : i32
    return %c0_i32, %c0_i32_0 : i32, i32
  }
  func.func @transform_5(%arg0: i32) -> (i32, i32) {
    %c0_i32 = arith.constant 0 : i32
    %c0_i32_0 = arith.constant 0 : i32
    return %arg0, %c0_i32 : i32, i32
  }
}

</mosaic_0001>

<sc_bundles>
// kernel: kernel.5.cloned.1.call-start
scs
__scs_entry_jumppad:
0x0: {  	(pc) =	sbr.rel $0x88, $3  }
0x1: {  	(tag) =	ssettag $0x0;
	lr =	simm.s32 $0x1  }
0x2: {  	[smem:$0x3F9C] =	sst lr;
	_ =	strace $0xD0000000  }
0x3: {  	_ = 	snop  }
0x4: {  	_ = 	snop  }
0x5: {  	_ = 	snop  }
0x6: {  	_ = 	snop  }
0x7: {  	_ = 	snop  }
__scs_overlays_trampoline_lowered:
0x8: {  	[smem:$0x3FAB] =	sst s0  }
0x9: {  	[smem:$0x3FAC] =	sst s1  }
0xa: {  	[smem:$0x3FAD] =	sst s2  }
0xb: {  	[smem:$0x3FAE] =	sst s3  }
0xc: {  	[smem:$0x3FAF] =	sst s4  }
0xd: {  	[smem:$0x3FB0] =	sst s5  }
0xe: {  	[smem:$0x3FB1] =	sst s6  }
0xf: {  	[smem:$0x3FB2] =	sst s7  }
0x10: {  	[smem:$0x3FB3] =	sst s8  }
0x11: {  	[smem:$0x3FB4] =	sst s9;
	s0 =	simm.s32 @!p0 $0x0  }
0x12: {  	s1 =	sld [smem:$0x3F9A];
	s0 =	simm.s32 @p0 $0x1  }
0x13: {  	[smem:$0x3FB5] =	sst s0;
	s0 =	simm.s32 @!p1 $0x0  }
0x14: {  	s2 =	sld [smem:$0x3F99];
	s0 =	simm.s32 @p1 $0x1  }
0x15: {  	[smem:$0x3FB6] =	sst s0;
	s0 =	simm.s32 @!p2 $0x0  }
0x16: {  	s3 =	sld [smem:$0x3FDB];
	s0 =	simm.s32 @p2 $0x1  }
0x17: {  	s4 =	simm.s32 $0x1BF5;
	[smem:$0x3FB8] =	sst s0  }
0x18: {  	s0 =	sld [smem:$0x3F9B];
	_ =	swait.ge [sflag:s4], $0x0  }
0x19: {  	s7 =	sld [smem:$0x3F9C]  }
0x1a: {  	s8 =	sadd.s32 $0xFFFFE003, lr  }
0x1b: {  	s9 =	sadd.s32 $0xFFFFFEF7, lr;
	s5 =	simm.s32 $0xFFFFFFFF;
	p2 =	slt.u32 s8, $0xFFFFF086  }
0x1c: {  	p1 =	slt.u32 s9, $0xF7A;
	s5 =	simm.s32 @!p2 $0x0  }
0x1d: {  	s5 =	simm.s32 @p1 $0x1;
	p0 =	seq.s32 s7, s2  }
0x1e: {  	s7 =	smul.u32 @!p0 $0xF7A, s2;
	p2 =	seq.s32 @!p0 s5, $0x0  }
0x1f: {  	s9 =	smul.u32 $0xF7A, s1;
	s8 =	simm.s32 @!p0 $0x1BF5;
	p2 =	por !p2, p0  }
0x20: {  	[sflag:s8] =	ssyncset.s32 @!p0 $0xFFFFF086;
	s6 =	sadd.s32 @!p0 s3, s7;
	s7 =	simm.s32 @!p0 $0x108  }
0x21: {  	s3 =	sadd.s32 s3, s9;
	s6 =	sadd.s32 @!p0 $0x88, s6;
	s7 =	simm.s32 @p2 $0x1082  }
0x22: {  	[simem:s7], [sflag:s8] =	dma.local @!p0 [hbm:s6], $0xF7A  }
0x23: {  	s9 =	sor.u32 $0xD0000000, s2;
	s6 =	simm.s32 $0x108;
	_ =	swait.ge @!p0 [sflag:s8], $0x0  }
0x24: {  	s3 =	sadd.s32 $0x88, s3;
	s6 =	simm.s32 @!p1 $0x1082;
	[sflag:s4] =	ssyncset.s32 $0xFFFFF086  }
0x25: {  	[simem:s6], [sflag:s4] =	dma.local [hbm:s3], $0xF7A  }
0x26: {  	[smem:$0x3F9C] =	sst s1;
	(tag) =	ssettag s2;
	_ =	strace s9  }
0x27: {  	s1 =	sld [smem:$0x3FAC]  }
0x28: {  	s2 =	sld [smem:$0x3FAD]  }
0x29: {  	s4 =	sld [smem:$0x3FAF]  }
0x2a: {  	p0 =	seq.s32 s5, $0x0;
	s5 =	sld [smem:$0x3FB0]  }
0x2b: {  	s6 =	sld [smem:$0x3FB1]  }
0x2c: {  	s7 =	sld [smem:$0x3FB2]  }
0x2d: {  	s3 =	simm.s32 $0x108;
	s8 =	sld [smem:$0x3FB3]  }
0x2e: {  	s3 =	simm.s32 @!p0 $0x1082;
	s9 =	sld [smem:$0x3FB4]  }
0x2f: {  	lr =	sadd.s32 s0, s3;
	s0 =	sld [smem:$0x3FAB]  }
0x30: {  	s3 =	sld [smem:$0x3FAE]  }
0x31: {  	[smem:$0x3FB7] =	sst s10  }
0x32: {  	s10 =	sld [smem:$0x3FB5];
	_ =	sdelay $0x3  }
0x33: {  	p0 =	seq.s32 s10, $0x1;
	s10 =	sld [smem:$0x3FB7];
	_ =	sdelay $0x3  }
0x34: {  	[smem:$0x3FB7] =	sst s10  }
0x35: {  	s10 =	sld [smem:$0x3FB6];
	_ =	sdelay $0x3  }
0x36: {  	p1 =	seq.s32 s10, $0x1;
	s10 =	sld [smem:$0x3FB7];
	_ =	sdelay $0x3  }
0x37: {  	[smem:$0x3FB7] =	sst s10  }
0x38: {  	s10 =	sld [smem:$0x3FB8]  }
0x39: {  	_ = 	snop;
	(pc) =	sbr.ind lr, $3  }
0x3a: {  	_ = 	snop  }
0x3b: {  	_ = 	snop  }
0x3c: {  	p2 =	seq.s32 s10, $0x1;
	s10 =	sld [smem:$0x3FB7]  }
0x3d: {  	_ =	shalt  }
0x3e: {  	_ =	shalt  }
0x3f: {  	_ =	shalt  }
0x40: {  	_ =	shalt  }
0x41: {  	_ =	shalt  }
0x42: {  	_ =	shalt  }
0x43: {  	_ =	shalt  }
0x44: {  	_ =	shalt  }
0x45: {  	_ =	shalt  }
0x46: {  	_ =	shalt  }
0x47: {  	_ =	shalt  }
0x48: {  	_ =	shalt  }
0x49: {  	_ =	shalt  }
0x4a: {  	_ =	shalt  }
0x4b: {  	_ =	shalt  }
0x4c: {  	_ =	shalt  }
0x4d: {  	_ =	shalt  }
0x4e: {  	_ =	shalt  }
0x4f: {  	_ =	shalt  }
0x50: {  	_ =	shalt  }
0x51: {  	_ =	shalt  }
0x52: {  	_ =	shalt  }
0x53: {  	_ =	shalt  }
0x54: {  	_ =	shalt  }
0x55: {  	_ =	shalt  }
0x56: {  	_ =	shalt  }
0x57: {  	_ =	shalt  }
0x58: {  	_ =	shalt  }
0x59: {  	_ =	shalt  }
0x5a: {  	_ =	shalt  }
0x5b: {  	_ =	shalt  }
0x5c: {  	_ =	shalt  }
0x5d: {  	_ =	shalt  }
0x5e: {  	_ =	shalt  }
0x5f: {  	_ =	shalt  }
0x60: {  	_ =	shalt  }
0x61: {  	_ =	shalt  }
0x62: {  	_ =	shalt  }
0x63: {  	_ =	shalt  }
0x64: {  	_ =	shalt  }
0x65: {  	_ =	shalt  }
0x66: {  	_ =	shalt  }
0x67: {  	_ =	shalt  }
0x68: {  	_ =	shalt  }
0x69: {  	_ =	shalt  }
0x6a: {  	_ =	shalt  }
0x6b: {  	_ =	shalt  }
0x6c: {  	_ =	shalt  }
0x6d: {  	_ =	shalt  }
0x6e: {  	_ =	shalt  }
0x6f: {  	_ =	shalt  }
0x70: {  	_ =	shalt  }
0x71: {  	_ =	shalt  }
0x72: {  	_ =	shalt  }
0x73: {  	_ =	shalt  }
0x74: {  	_ =	shalt  }
0x75: {  	_ =	shalt  }
0x76: {  	_ =	shalt  }
0x77: {  	_ =	shalt  }
0x78: {  	_ =	shalt  }
0x79: {  	_ =	shalt  }
0x7a: {  	_ =	shalt  }
0x7b: {  	_ =	shalt  }
0x7c: {  	_ =	shalt  }
0x7d: {  	_ =	shalt  }
0x7e: {  	_ =	shalt  }
0x7f: {  	_ =	shalt  }
0x80: {  	_ =	shalt  }
0x81: {  	_ =	shalt  }
0x82: {  	_ =	shalt  }
0x83: {  	_ =	shalt  }
0x84: {  	_ =	shalt  }
0x85: {  	_ =	shalt  }
0x86: {  	_ =	shalt  }
0x87: {  	_ =	shalt  }
.Lfunc_end0:
.L_simem_size_0:
called_computation_lowered:
.L_overlay_start_0:
0x88: {  	s2 =	sld [smem:$0x3FD9]  }
0x89: {  	s3 =	sld [smem:$0x3FFE];
	_ =	sdelay $0x1  }
0x8a: {  	s1 =	srdreg.scid  }
0x8b: {  	s0 =	sand.u32 $0x1, s1  }
0x8c: {  	s17 =	sshll.u32 s0, $0xA;
	s2 =	sadd.s32 s3, s2  }
0x8d: {  	s2 =	sadd.s32 s2, s17  }
0x8e: {  	[smem:$0x3FC3] =	sst s2  }
0x8f: {  	_ = 	snop  }
0x90: {  	s2 =	sld [smem:$0x3FD0];
	(tm) =	ssettm $0x1  }
0x91: {  	s18 =	sld [smem:$0x3FFB];
	_ =	sdelay $0x3  }
0x92: {  	_ =	strace s18  }
0x93: {  	s3 =	sld [smem:$0x3FFC];
	_ =	sdelay $0x3  }
0x94: {  	_ =	strace s3  }
0x95: {  	s3 =	sld [smem:$0x3FFD];
	_ =	sdelay $0x3  }
0x96: {  	_ =	strace s3  }
0x97: {  	_ =	strace $0x8FFFFFFF  }
0x98: {  	s19 =	sld [smem:$0x3FDB];
	_ =	sdelay $0x1  }
0x99: {  	s4 =	simm.s32 $_scs_section_size  }
0x9a: {  	s5 =	simm.s32 $_size__tile_overlayer_lowered;
	s6 =	simm.s32 $_tile_overlayer_lowered  }
0x9b: {  	s22 =	simm.s32 $0x1BFF;
	s21 =	sshll.u32 s6, $0x1;
	s3 =	sadd.s32 s4, s19  }
0x9c: {  	s7 =	simm.s32 $0x0;
	s20 =	sshll.u32 s5, $0x1;
	s5 =	sadd.s32 s21, s3  }
0x9d: {  	[timem:s7], [sflag:s22] =	dma.local [hbm:s5], s20  }
0x9e: {  	_ =	swait.ge [sflag:s22], s20  }
0x9f: {  	s4 =	ssub.s32 $0x0, s20;
	[sflag:s22] =	ssyncset.done $0x0  }
0xa0: {  	[sflag:s22] =	ssyncadd.s32 s4;
	_ =	sdelay $0x1  }
0xa1: {  	s23 =	simm.s32 $0x1B8B  }
0xa2: {  	_ =	swait.ge [sflag:s23], $0x1  }
0xa3: {  	[sflag:s23] =	ssyncset.done $0x0  }
0xa4: {  	s25 =	simm.s32 $0x1B8E;
	s24 =	sld [smem:$0x3FFE];
	[sflag:s23] =	ssyncadd.s32 $0xFFFFFFFF  }
0xa5: {  	s26 =	simm.s32 $execute0_lowered;
	[smem:$0x3FD2] =	sst s25  }
0xa6: {  	s5 =	sshll.u32 s26, $0x1;
	_ =	strace $0x80000046;
	[dreg:$0x1] =	wrdreg $0xFFFFFFFF  }
0xa7: {  	s28 =	simm.s32 $_size_execute0_lowered;
	s3 =	sadd.s32 s3, s5;
	[dreg:$0x0] =	wrdreg $0x0  }
0xa8: {  	s5 =	sshll.u32 s28, $0x1;
	[dreg:$0x2] =	wrdreg s3  }
0xa9: {  	[dreg:$0x3] =	wrdreg s5  }
0xaa: {  	[dreg:$0x4] =	wrdreg $0xC0  }
0xab: {  	_ =	task [dreg:s7], $0x5FFFF  }
0xac: {  	[dreg:$0x1] =	wrdreg $0xFFFFFFFF  }
0xad: {  	[dreg:$0x0] =	wrdreg $0x60  }
0xae: {  	[dreg:$0x2] =	wrdreg s24  }
0xaf: {  	[dreg:$0x3] =	wrdreg s2  }
0xb0: {  	[dreg:$0x4] =	wrdreg $0x9  }
0xb1: {  	_ =	task.clear_ibuf [dreg:s7], $0x5FFFF;
	_ =	strace $0x90000046  }
0xb2: {  	s29 =	simm.s32 $0x9;
	_ =	strace $0x80000048  }
0xb3: {  	_ =	swait.ge [sflag:s29], $0x1  }
0xb4: {  	[sflag:s29] =	ssyncadd.s32 $0xFFFFFFFF  }
0xb5: {  	_ =	strace $0x90000048  }
0xb6: {  	_ =	sfence  }
0xb7: {  	s30 =	sld [smem:$0x0];
	_ =	sdelay $0x2  }
0xb8: {  	s31 =	sshll.u32 s1, $0xD;
	s1 =	sshrl.u32 s1, $0x2  }
0xb9: {  	s3 =	sand.u32 $0x4000, s31;
	s1 =	sadd.s32 s1, s30  }
0xba: {  	s0 =	sor.u32 s3, s0;
	s1 =	sshll.u32 s1, $0x11  }
0xbb: {  	s0 =	sor.u32 s1, s0  }
0xbc: {  	s0 =	sadd.s32 $0x8F2B, s0  }
0xbd: {  	[sflag:s0] =	ssyncadd.remote.s32 $0x1  }
0xbe: {  	_ =	sfence.sel $0xFFFF  }
0xbf: {  	[dreg:$0x0] =	wrdreg $0xFFFFFFFF;
	(pc) =	sbr.abs _section_cstart, $3  }
0xc0: {  	[dreg:$0x1] =	wrdreg $0xFFFFFFFF  }
0xc1: {  	_ =	task.clear_ibuf [dreg:s7], $0x2FFFF;
	_ =	strace $0x9FFFFFFF  }
0xc2: {  	(tm) =	ssettm $0x7FFFFFFF  }
0xc3: {  	_ =	shalt  }
tec
execute0_lowered:
.L_overlay_start_1:
0x0: {  	(tag) =	ssettag $0x1  }
0x1: {  	s4 =	rddreg [dreg:$0x0]  }
0x2: {  	s1 =	srdreg.scid;
	s0 =	stileid.u32  }
0x3: {  	s5 =	rddreg [dreg:$0x1];
	s2 =	simm.s32 $0x0;
	s10 =	simm.s32 $0x1800  }
0x4: {  	s11 =	simm.s32 $0x1;
	s12 =	simm.s32 $0x2;
	s13 =	simm.s32 $0x3  }
0x5: {  	s14 =	simm.s32 $0x2000;
	s3 =	sand.u32 $0x1, s1;
	s1 =	rddreg [dreg:$0x2]  }
0x6: {  	s15 =	simm.s32 $0x0;
	s6 =	sshll.u32 s0, $0x1;
	[smem:$0x7FF] =	sst s2  }
0x7: {  	s6 =	sor.u32 s3, s6;
	s8 =	ssub.s32 $0x2, s3;
	_ =	strace $0x80000047  }
0x8: {  	s3 =	sadd.s32 $0xF43800, s4;
	s7 =	smul.u32 $0x1800, s6;
	s9 =	sshrl.u32 s8, $0x1  }
0x9: {  	s31 =	sshll.u32 s6, $0x8;
	s8 =	ssub.s32 s8, s9;
	s9 =	simm.s32 $0x1000  }
0xa: {  	s7 =	sadd.s32 s7, s4;
	s4 =	sadd.s32 s5, s31;
	s6 =	smax.u32 s8, $0x1  }
0xb: {  	vm0 =	vmmov $0xffff;
	s8 =	simm.s32 $0x800;
	s5 =	sadd.s32 $0x1400, s7;
	s7 =	simm.s32 $0x4  }
.LBB2_1:
0xc: {  	[tilespmem:s2], [sflag:$0x4] =	stream.linear.gather [hbm4b:s4+s2], $0x500, $0x38;
	[tilespmem:$0xE000] =	vst v63  }
0xd: {  	_ =	swait.ge [sflag:s7], $0x500  }
0xe: {  	s16 =	simm.s32 $0x40;
	s17 =	simm.s32 $0x0;
	[sflag:s7] =	ssyncset.done $0x0  }
0xf: {  	s18 =	simm.s32 $0x0;
	s19 =	simm.s32 $0x0;
	[sflag:s7] =	ssyncadd.s32 $0xFFFFFB00  }
.LBB2_2:
0x10: {  	v0 =	vld [tilespmem:s16+$0xFFFFFFC0];
	_ =	sdelay $0x7  }
0x11: {  	[tilespmem:s8], [sflag:$0x1] =	stream.indirect_vreg.gather [hbm4b:s3+s2], $0x80, v0, vm0, $0xb8;
	[tilespmem:$0xE000] =	vst v63  }
0x12: {  	v0 =	vld [tilespmem:s16+$0xFFFFFFD0];
	_ =	sdelay $0x7  }
0x13: {  	[tilespmem:s9], [sflag:$0x2] =	stream.indirect_vreg.gather [hbm4b:s3+s2], $0x80, v0, vm0, $0xb8;
	[tilespmem:$0xE000] =	vst v63  }
0x14: {  	v0 =	vld [tilespmem:s16+$0xFFFFFFE0];
	_ =	sdelay $0x7  }
0x15: {  	[tilespmem:s10], [sflag:$0x3] =	stream.indirect_vreg.gather [hbm4b:s3+s2], $0x80, v0, vm0, $0xb8;
	[tilespmem:$0xE000] =	vst v63  }
0x16: {  	_ =	swait.ge [sflag:s11], $0x800  }
0x17: {  	[sflag:s11] =	ssyncset.done $0x0  }
0x18: {  	[sflag:s11] =	ssyncadd.s32 $0xFFFFF800  }
0x19: {  	v56 =	vld [tilespmem:$0x800];
	_ =	sdelay $0x1  }
0x1a: {  	s21 =	sand.u32 $0xC00, s18  }
0x1b: {  	s20 =	sand.u32 $0x60, s19;
	s23 =	sor.u32 $0x2000, s21  }
0x1c: {  	s24 =	sor.u32 s20, s23  }
0x1d: {  	[tilespmem:s24+$0x0] =	vst v56  }
0x1e: {  	v0 =	vld [tilespmem:$0x810];
	_ =	sdelay $0x2  }
0x1f: {  	s22 =	sor.u32 $0x10, s20  }
0x20: {  	s23 =	sor.u32 s22, s23  }
0x21: {  	[tilespmem:s23+$0x0] =	vst v0  }
0x22: {  	v0 =	vld [tilespmem:$0x880];
	_ =	sdelay $0x4  }
0x23: {  	[tilespmem:s24+$0x80] =	vst v0  }
0x24: {  	v0 =	vld [tilespmem:$0x890];
	_ =	sdelay $0x4  }
0x25: {  	[tilespmem:s23+$0x80] =	vst v0  }
0x26: {  	v0 =	vld [tilespmem:$0x900];
	_ =	sdelay $0x4  }
0x27: {  	[tilespmem:s24+$0x100] =	vst v0  }
0x28: {  	v0 =	vld [tilespmem:$0x910];
	_ =	sdelay $0x4  }
0x29: {  	[tilespmem:s23+$0x100] =	vst v0  }
0x2a: {  	v0 =	vld [tilespmem:$0x980];
	_ =	sdelay $0x4  }
0x2b: {  	[tilespmem:s24+$0x180] =	vst v0  }
0x2c: {  	v0 =	vld [tilespmem:$0x990];
	_ =	sdelay $0x4  }
0x2d: {  	[tilespmem:s23+$0x180] =	vst v0  }
0x2e: {  	v0 =	vld [tilespmem:$0xA00];
	_ =	sdelay $0x4  }
0x2f: {  	[tilespmem:s24+$0x200] =	vst v0  }
0x30: {  	v0 =	vld [tilespmem:$0xA10];
	_ =	sdelay $0x4  }
0x31: {  	[tilespmem:s23+$0x200] =	vst v0  }
0x32: {  	v0 =	vld [tilespmem:$0xA80];
	_ =	sdelay $0x4  }
0x33: {  	[tilespmem:s24+$0x280] =	vst v0  }
0x34: {  	v0 =	vld [tilespmem:$0xA90];
	_ =	sdelay $0x4  }
0x35: {  	[tilespmem:s23+$0x280] =	vst v0  }
0x36: {  	v0 =	vld [tilespmem:$0xB00]  }
0x37: {  	s29 =	sand.u32 $0x3, s17  }
0x38: {  	s23 =	sshll.u32 s29, $0x5  }
0x39: {  	s23 =	sadd.s32 s23, s18  }
0x3a: {  	s30 =	sor.u32 $0x300, s23  }
0x3b: {  	[tilespmem:s30+$0x2000] =	vst v0  }
0x3c: {  	v0 =	vld [tilespmem:$0xB10];
	_ =	sdelay $0x2  }
0x3d: {  	s23 =	sadd.s32 $0x10, s23  }
0x3e: {  	s31 =	sor.u32 $0x300, s23  }
0x3f: {  	[tilespmem:s31+$0x2000] =	vst v0  }
0x40: {  	v0 =	vld [tilespmem:$0xB80];
	_ =	sdelay $0x2  }
0x41: {  	s25 =	sor.u32 s18, s19  }
0x42: {  	s24 =	sor.u32 $0x380, s25  }
0x43: {  	[tilespmem:s24+$0x2000] =	vst v0  }
0x44: {  	v0 =	vld [tilespmem:$0xB90];
	_ =	sdelay $0x3  }
0x45: {  	s23 =	sor.u32 $0x380, s23  }
0x46: {  	[tilespmem:s23+$0x2000] =	vst v0  }
0x47: {  	v0 =	vld [tilespmem:$0xC00];
	_ =	sdelay $0x2  }
0x48: {  	s26 =	sadd.s32 $0x2C00, s21  }
0x49: {  	s28 =	sor.u32 s20, s26  }
0x4a: {  	[tilespmem:s28+$0x0] =	vst v0  }
0x4b: {  	v0 =	vld [tilespmem:$0xC10];
	_ =	sdelay $0x3  }
0x4c: {  	s23 =	sor.u32 s22, s26  }
0x4d: {  	[tilespmem:s23+$0x0] =	vst v0  }
0x4e: {  	v0 =	vld [tilespmem:$0xC80];
	_ =	sdelay $0x2  }
0x4f: {  	s29 =	sadd.s32 $0x2C80, s21  }
0x50: {  	s30 =	sor.u32 s20, s29  }
0x51: {  	[tilespmem:s30+$0x0] =	vst v0  }
0x52: {  	v0 =	vld [tilespmem:$0xC90];
	_ =	sdelay $0x3  }
0x53: {  	s23 =	sor.u32 s22, s29  }
0x54: {  	[tilespmem:s23+$0x0] =	vst v0  }
0x55: {  	v0 =	vld [tilespmem:$0xD00];
	_ =	sdelay $0x2  }
0x56: {  	s31 =	sadd.s32 $0x2D00, s21  }
0x57: {  	s25 =	sor.u32 s20, s31  }
0x58: {  	[tilespmem:s25+$0x0] =	vst v0  }
0x59: {  	v0 =	vld [tilespmem:$0xD10];
	_ =	sdelay $0x3  }
0x5a: {  	s23 =	sor.u32 s22, s31  }
0x5b: {  	[tilespmem:s23+$0x0] =	vst v0  }
0x5c: {  	v0 =	vld [tilespmem:$0xD80];
	_ =	sdelay $0x2  }
0x5d: {  	s26 =	sadd.s32 $0x2D80, s21  }
0x5e: {  	s28 =	sor.u32 s20, s26  }
0x5f: {  	[tilespmem:s28+$0x0] =	vst v0  }
0x60: {  	v0 =	vld [tilespmem:$0xD90];
	_ =	sdelay $0x3  }
0x61: {  	s23 =	sor.u32 s22, s26  }
0x62: {  	[tilespmem:s23+$0x0] =	vst v0  }
0x63: {  	v0 =	vld [tilespmem:$0xE00];
	_ =	sdelay $0x2  }
0x64: {  	s29 =	sadd.s32 $0x2E00, s21  }
0x65: {  	s30 =	sor.u32 s20, s29  }
0x66: {  	[tilespmem:s30+$0x0] =	vst v0  }
0x67: {  	v0 =	vld [tilespmem:$0xE10];
	_ =	sdelay $0x3  }
0x68: {  	s23 =	sor.u32 s22, s29  }
0x69: {  	[tilespmem:s23+$0x0] =	vst v0  }
0x6a: {  	v0 =	vld [tilespmem:$0xE80];
	_ =	sdelay $0x2  }
0x6b: {  	s31 =	sadd.s32 $0x2E80, s21  }
0x6c: {  	s25 =	sor.u32 s20, s31  }
0x6d: {  	[tilespmem:s25+$0x0] =	vst v0  }
0x6e: {  	v0 =	vld [tilespmem:$0xE90];
	_ =	sdelay $0x3  }
0x6f: {  	s23 =	sor.u32 s22, s31  }
0x70: {  	[tilespmem:s23+$0x0] =	vst v0  }
0x71: {  	v0 =	vld [tilespmem:$0xF00];
	_ =	sdelay $0x2  }
0x72: {  	s26 =	sadd.s32 $0x2F00, s21  }
0x73: {  	s28 =	sor.u32 s20, s26  }
0x74: {  	[tilespmem:s28+$0x0] =	vst v0  }
0x75: {  	v0 =	vld [tilespmem:$0xF10];
	_ =	sdelay $0x3  }
0x76: {  	s23 =	sor.u32 s22, s26  }
0x77: {  	[tilespmem:s23+$0x0] =	vst v0  }
0x78: {  	v0 =	vld [tilespmem:$0xF80];
	_ =	sdelay $0x2  }
0x79: {  	s29 =	sadd.s32 $0x2F80, s21  }
0x7a: {  	s30 =	sor.u32 s20, s29  }
0x7b: {  	[tilespmem:s30+$0x0] =	vst v0  }
0x7c: {  	v0 =	vld [tilespmem:$0xF90];
	_ =	sdelay $0x3  }
0x7d: {  	s23 =	sor.u32 s22, s29  }
0x7e: {  	[tilespmem:s23+$0x0] =	vst v0  }
0x7f: {  	v0 =	vld [tilespmem:s16+$0xFFFFFFF0];
	_ =	sdelay $0x7  }
0x80: {  	[tilespmem:s8], [sflag:$0x1] =	stream.indirect_vreg.gather [hbm4b:s3+s2], $0x80, v0, vm0, $0xb8;
	[tilespmem:$0xE000] =	vst v63  }
0x81: {  	_ =	swait.ge [sflag:s12], $0x800  }
0x82: {  	[sflag:s12] =	ssyncset.done $0x0  }
0x83: {  	[sflag:s12] =	ssyncadd.s32 $0xFFFFF800  }
0x84: {  	v57 =	vld [tilespmem:$0x1000];
	_ =	sdelay $0x2  }
0x85: {  	s31 =	sadd.s32 $0x3800, s21  }
0x86: {  	s25 =	sor.u32 s20, s31  }
0x87: {  	[tilespmem:s25+$0x0] =	vst v57  }
0x88: {  	v0 =	vld [tilespmem:$0x1010];
	_ =	sdelay $0x3  }
0x89: {  	s23 =	sor.u32 s22, s31  }
0x8a: {  	[tilespmem:s23+$0x0] =	vst v0  }
0x8b: {  	v0 =	vld [tilespmem:$0x1080];
	_ =	sdelay $0x2  }
0x8c: {  	s26 =	sadd.s32 $0x3880, s21  }
0x8d: {  	s28 =	sor.u32 s20, s26  }
0x8e: {  	[tilespmem:s28+$0x0] =	vst v0  }
0x8f: {  	v0 =	vld [tilespmem:$0x1090];
	_ =	sdelay $0x3  }
0x90: {  	s23 =	sor.u32 s22, s26  }
0x91: {  	[tilespmem:s23+$0x0] =	vst v0  }
0x92: {  	v0 =	vld [tilespmem:$0x1100];
	_ =	sdelay $0x2  }
0x93: {  	s29 =	sadd.s32 $0x3900, s21  }
0x94: {  	s30 =	sor.u32 s20, s29  }
0x95: {  	[tilespmem:s30+$0x0] =	vst v0  }
0x96: {  	v0 =	vld [tilespmem:$0x1110];
	_ =	sdelay $0x3  }
0x97: {  	s23 =	sor.u32 s22, s29  }
0x98: {  	[tilespmem:s23+$0x0] =	vst v0  }
0x99: {  	v0 =	vld [tilespmem:$0x1180];
	_ =	sdelay $0x2  }
0x9a: {  	s31 =	sadd.s32 $0x3980, s21  }
0x9b: {  	s25 =	sor.u32 s20, s31  }
0x9c: {  	[tilespmem:s25+$0x0] =	vst v0  }
0x9d: {  	v0 =	vld [tilespmem:$0x1190];
	_ =	sdelay $0x3  }
0x9e: {  	s23 =	sor.u32 s22, s31  }
0x9f: {  	[tilespmem:s23+$0x0] =	vst v0  }
0xa0: {  	v0 =	vld [tilespmem:$0x1200];
	_ =	sdelay $0x2  }
0xa1: {  	s26 =	sadd.s32 $0x3A00, s21  }
0xa2: {  	s28 =	sor.u32 s20, s26  }
0xa3: {  	[tilespmem:s28+$0x0] =	vst v0  }
0xa4: {  	v0 =	vld [tilespmem:$0x1210];
	_ =	sdelay $0x3  }
0xa5: {  	s23 =	sor.u32 s22, s26  }
0xa6: {  	[tilespmem:s23+$0x0] =	vst v0  }
0xa7: {  	v0 =	vld [tilespmem:$0x1280];
	_ =	sdelay $0x2  }
0xa8: {  	s29 =	sadd.s32 $0x3A80, s21  }
0xa9: {  	s30 =	sor.u32 s20, s29  }
0xaa: {  	[tilespmem:s30+$0x0] =	vst v0  }
0xab: {  	v0 =	vld [tilespmem:$0x1290];
	_ =	sdelay $0x3  }
0xac: {  	s23 =	sor.u32 s22, s29  }
0xad: {  	[tilespmem:s23+$0x0] =	vst v0  }
0xae: {  	v0 =	vld [tilespmem:$0x1300];
	_ =	sdelay $0x2  }
0xaf: {  	s31 =	sadd.s32 $0x3B00, s21  }
0xb0: {  	s25 =	sor.u32 s20, s31  }
0xb1: {  	[tilespmem:s25+$0x0] =	vst v0  }
0xb2: {  	v0 =	vld [tilespmem:$0x1310];
	_ =	sdelay $0x3  }
0xb3: {  	s23 =	sor.u32 s22, s31  }
0xb4: {  	[tilespmem:s23+$0x0] =	vst v0  }
0xb5: {  	v0 =	vld [tilespmem:$0x1380];
	_ =	sdelay $0x2  }
0xb6: {  	s26 =	sadd.s32 $0x3B80, s21  }
0xb7: {  	s28 =	sor.u32 s20, s26  }
0xb8: {  	[tilespmem:s28+$0x0] =	vst v0  }
0xb9: {  	v0 =	vld [tilespmem:$0x1390];
	_ =	sdelay $0x3  }
0xba: {  	s23 =	sor.u32 s22, s26  }
0xbb: {  	[tilespmem:s23+$0x0] =	vst v0  }
0xbc: {  	v0 =	vld [tilespmem:$0x1400];
	_ =	sdelay $0x2  }
0xbd: {  	s29 =	sadd.s32 $0x4400, s21  }
0xbe: {  	s30 =	sor.u32 s20, s29  }
0xbf: {  	[tilespmem:s30+$0x0] =	vst v0  }
0xc0: {  	v0 =	vld [tilespmem:$0x1410];
	_ =	sdelay $0x3  }
0xc1: {  	s23 =	sor.u32 s22, s29  }
0xc2: {  	[tilespmem:s23+$0x0] =	vst v0  }
0xc3: {  	v0 =	vld [tilespmem:$0x1480];
	_ =	sdelay $0x2  }
0xc4: {  	s31 =	sadd.s32 $0x4480, s21  }
0xc5: {  	s25 =	sor.u32 s20, s31  }
0xc6: {  	[tilespmem:s25+$0x0] =	vst v0  }
0xc7: {  	v0 =	vld [tilespmem:$0x1490];
	_ =	sdelay $0x3  }
0xc8: {  	s23 =	sor.u32 s22, s31  }
0xc9: {  	[tilespmem:s23+$0x0] =	vst v0  }
0xca: {  	v0 =	vld [tilespmem:$0x1500];
	_ =	sdelay $0x2  }
0xcb: {  	s26 =	sadd.s32 $0x4500, s21  }
0xcc: {  	s28 =	sor.u32 s20, s26  }
0xcd: {  	[tilespmem:s28+$0x0] =	vst v0  }
0xce: {  	v0 =	vld [tilespmem:$0x1510];
	_ =	sdelay $0x3  }
0xcf: {  	s23 =	sor.u32 s22, s26  }
0xd0: {  	[tilespmem:s23+$0x0] =	vst v0  }
0xd1: {  	v0 =	vld [tilespmem:$0x1580];
	_ =	sdelay $0x2  }
0xd2: {  	s29 =	sadd.s32 $0x4580, s21  }
0xd3: {  	s30 =	sor.u32 s20, s29  }
0xd4: {  	[tilespmem:s30+$0x0] =	vst v0  }
0xd5: {  	v0 =	vld [tilespmem:$0x1590];
	_ =	sdelay $0x3  }
0xd6: {  	s23 =	sor.u32 s22, s29  }
0xd7: {  	[tilespmem:s23+$0x0] =	vst v0  }
0xd8: {  	v0 =	vld [tilespmem:$0x1600];
	_ =	sdelay $0x2  }
0xd9: {  	s31 =	sadd.s32 $0x4600, s21  }
0xda: {  	s25 =	sor.u32 s20, s31  }
0xdb: {  	[tilespmem:s25+$0x0] =	vst v0  }
0xdc: {  	v0 =	vld [tilespmem:$0x1610];
	_ =	sdelay $0x3  }
0xdd: {  	s23 =	sor.u32 s22, s31  }
0xde: {  	[tilespmem:s23+$0x0] =	vst v0  }
0xdf: {  	v0 =	vld [tilespmem:$0x1680];
	_ =	sdelay $0x2  }
0xe0: {  	s26 =	sadd.s32 $0x4680, s21  }
0xe1: {  	s28 =	sor.u32 s20, s26  }
0xe2: {  	[tilespmem:s28+$0x0] =	vst v0  }
0xe3: {  	v0 =	vld [tilespmem:$0x1690];
	_ =	sdelay $0x3  }
0xe4: {  	s23 =	sor.u32 s22, s26  }
0xe5: {  	[tilespmem:s23+$0x0] =	vst v0  }
0xe6: {  	v0 =	vld [tilespmem:$0x1700];
	_ =	sdelay $0x2  }
0xe7: {  	s29 =	sadd.s32 $0x4700, s21  }
0xe8: {  	s30 =	sor.u32 s20, s29  }
0xe9: {  	[tilespmem:s30+$0x0] =	vst v0  }
0xea: {  	v0 =	vld [tilespmem:$0x1710];
	_ =	sdelay $0x3  }
0xeb: {  	s23 =	sor.u32 s22, s29  }
0xec: {  	[tilespmem:s23+$0x0] =	vst v0  }
0xed: {  	v0 =	vld [tilespmem:$0x1780];
	_ =	sdelay $0x2  }
0xee: {  	s31 =	sadd.s32 $0x4780, s21  }
0xef: {  	s25 =	sor.u32 s20, s31  }
0xf0: {  	[tilespmem:s25+$0x0] =	vst v0  }
0xf1: {  	v0 =	vld [tilespmem:$0x1790];
	_ =	sdelay $0x3  }
0xf2: {  	s23 =	sor.u32 s22, s31  }
0xf3: {  	[tilespmem:s23+$0x0] =	vst v0  }
0xf4: {  	v0 =	vld [tilespmem:s16+$0x0];
	_ =	sdelay $0x7  }
0xf5: {  	[tilespmem:s9], [sflag:$0x2] =	stream.indirect_vreg.gather [hbm4b:s3+s2], $0x80, v0, vm0, $0xb8;
	[tilespmem:$0xE000] =	vst v63  }
0xf6: {  	_ =	swait.ge [sflag:s13], $0x800  }
0xf7: {  	[sflag:s13] =	ssyncset.done $0x0  }
0xf8: {  	[sflag:s13] =	ssyncadd.s32 $0xFFFFF800  }
0xf9: {  	v58 =	vld [tilespmem:$0x1800];
	_ =	sdelay $0x2  }
0xfa: {  	s26 =	sor.u32 $0x5000, s21  }
0xfb: {  	s28 =	sor.u32 s20, s26  }
0xfc: {  	[tilespmem:s28+$0x0] =	vst v58  }
0xfd: {  	v0 =	vld [tilespmem:$0x1810];
	_ =	sdelay $0x3  }
0xfe: {  	s23 =	sor.u32 s22, s26  }
0xff: {  	[tilespmem:s23+$0x0] =	vst v0  }
0x100: {  	v0 =	vld [tilespmem:$0x1880];
	_ =	sdelay $0x2  }
0x101: {  	s29 =	sor.u32 $0x5080, s21  }
0x102: {  	s30 =	sor.u32 s20, s29  }
0x103: {  	[tilespmem:s30+$0x0] =	vst v0  }
0x104: {  	v0 =	vld [tilespmem:$0x1890];
	_ =	sdelay $0x3  }
0x105: {  	s23 =	sor.u32 s22, s29  }
0x106: {  	[tilespmem:s23+$0x0] =	vst v0  }
0x107: {  	v0 =	vld [tilespmem:$0x1900];
	_ =	sdelay $0x2  }
0x108: {  	s31 =	sor.u32 $0x5100, s21  }
0x109: {  	s25 =	sor.u32 s20, s31  }
0x10a: {  	[tilespmem:s25+$0x0] =	vst v0  }
0x10b: {  	v0 =	vld [tilespmem:$0x1910];
	_ =	sdelay $0x3  }
0x10c: {  	s23 =	sor.u32 s22, s31  }
0x10d: {  	[tilespmem:s23+$0x0] =	vst v0  }
0x10e: {  	v0 =	vld [tilespmem:$0x1980];
	_ =	sdelay $0x2  }
0x10f: {  	s26 =	sor.u32 $0x5180, s21  }
0x110: {  	s28 =	sor.u32 s20, s26  }
0x111: {  	[tilespmem:s28+$0x0] =	vst v0  }
0x112: {  	v0 =	vld [tilespmem:$0x1990];
	_ =	sdelay $0x3  }
0x113: {  	s23 =	sor.u32 s22, s26  }
0x114: {  	[tilespmem:s23+$0x0] =	vst v0  }
0x115: {  	v0 =	vld [tilespmem:$0x1A00];
	_ =	sdelay $0x2  }
0x116: {  	s29 =	sor.u32 $0x5200, s21  }
0x117: {  	s30 =	sor.u32 s20, s29  }
0x118: {  	[tilespmem:s30+$0x0] =	vst v0  }
0x119: {  	v0 =	vld [tilespmem:$0x1A10];
	_ =	sdelay $0x3  }
0x11a: {  	s23 =	sor.u32 s22, s29  }
0x11b: {  	[tilespmem:s23+$0x0] =	vst v0  }
0x11c: {  	v0 =	vld [tilespmem:$0x1A80];
	_ =	sdelay $0x2  }
0x11d: {  	s31 =	sor.u32 $0x5280, s21  }
0x11e: {  	s25 =	sor.u32 s20, s31  }
0x11f: {  	[tilespmem:s25+$0x0] =	vst v0  }
0x120: {  	v0 =	vld [tilespmem:$0x1A90];
	_ =	sdelay $0x3  }
0x121: {  	s23 =	sor.u32 s22, s31  }
0x122: {  	[tilespmem:s23+$0x0] =	vst v0  }
0x123: {  	v0 =	vld [tilespmem:$0x1B00];
	_ =	sdelay $0x2  }
0x124: {  	s26 =	sor.u32 $0x5300, s21  }
0x125: {  	s28 =	sor.u32 s20, s26  }
0x126: {  	[tilespmem:s28+$0x0] =	vst v0  }
0x127: {  	v0 =	vld [tilespmem:$0x1B10];
	_ =	sdelay $0x3  }
0x128: {  	s23 =	sor.u32 s22, s26  }
0x129: {  	[tilespmem:s23+$0x0] =	vst v0  }
0x12a: {  	v0 =	vld [tilespmem:$0x1B80];
	_ =	sdelay $0x2  }
0x12b: {  	s29 =	sor.u32 $0x5380, s21  }
0x12c: {  	s30 =	sor.u32 s20, s29  }
0x12d: {  	[tilespmem:s30+$0x0] =	vst v0  }
0x12e: {  	v0 =	vld [tilespmem:$0x1B90];
	_ =	sdelay $0x3  }
0x12f: {  	s23 =	sor.u32 s22, s29  }
0x130: {  	[tilespmem:s23+$0x0] =	vst v0  }
0x131: {  	v0 =	vld [tilespmem:$0x1C00];
	_ =	sdelay $0x2  }
0x132: {  	s31 =	sadd.s32 $0x5C00, s21  }
0x133: {  	s25 =	sor.u32 s20, s31  }
0x134: {  	[tilespmem:s25+$0x0] =	vst v0  }
0x135: {  	v0 =	vld [tilespmem:$0x1C10];
	_ =	sdelay $0x3  }
0x136: {  	s23 =	sor.u32 s22, s31  }
0x137: {  	[tilespmem:s23+$0x0] =	vst v0  }
0x138: {  	v0 =	vld [tilespmem:$0x1C80];
	_ =	sdelay $0x2  }
0x139: {  	s26 =	sadd.s32 $0x5C80, s21  }
0x13a: {  	s28 =	sor.u32 s20, s26  }
0x13b: {  	[tilespmem:s28+$0x0] =	vst v0  }
0x13c: {  	v0 =	vld [tilespmem:$0x1C90];
	_ =	sdelay $0x3  }
0x13d: {  	s23 =	sor.u32 s22, s26  }
0x13e: {  	[tilespmem:s23+$0x0] =	vst v0  }
0x13f: {  	v0 =	vld [tilespmem:$0x1D00];
	_ =	sdelay $0x2  }
0x140: {  	s29 =	sadd.s32 $0x5D00, s21  }
0x141: {  	s30 =	sor.u32 s20, s29  }
0x142: {  	[tilespmem:s30+$0x0] =	vst v0  }
0x143: {  	v0 =	vld [tilespmem:$0x1D10];
	_ =	sdelay $0x3  }
0x144: {  	s23 =	sor.u32 s22, s29  }
0x145: {  	[tilespmem:s23+$0x0] =	vst v0  }
0x146: {  	v0 =	vld [tilespmem:$0x1D80];
	_ =	sdelay $0x2  }
0x147: {  	s31 =	sadd.s32 $0x5D80, s21  }
0x148: {  	s25 =	sor.u32 s20, s31  }
0x149: {  	[tilespmem:s25+$0x0] =	vst v0  }
0x14a: {  	v0 =	vld [tilespmem:$0x1D90];
	_ =	sdelay $0x3  }
0x14b: {  	s23 =	sor.u32 s22, s31  }
0x14c: {  	[tilespmem:s23+$0x0] =	vst v0  }
0x14d: {  	v0 =	vld [tilespmem:$0x1E00];
	_ =	sdelay $0x2  }
0x14e: {  	s26 =	sadd.s32 $0x5E00, s21  }
0x14f: {  	s28 =	sor.u32 s20, s26  }
0x150: {  	[tilespmem:s28+$0x0] =	vst v0  }
0x151: {  	v0 =	vld [tilespmem:$0x1E10];
	_ =	sdelay $0x3  }
0x152: {  	s23 =	sor.u32 s22, s26  }
0x153: {  	[tilespmem:s23+$0x0] =	vst v0  }
0x154: {  	v0 =	vld [tilespmem:$0x1E80];
	_ =	sdelay $0x2  }
0x155: {  	s29 =	sadd.s32 $0x5E80, s21  }
0x156: {  	s30 =	sor.u32 s20, s29  }
0x157: {  	[tilespmem:s30+$0x0] =	vst v0  }
0x158: {  	v0 =	vld [tilespmem:$0x1E90];
	_ =	sdelay $0x3  }
0x159: {  	s23 =	sor.u32 s22, s29  }
0x15a: {  	[tilespmem:s23+$0x0] =	vst v0  }
0x15b: {  	v0 =	vld [tilespmem:$0x1F00];
	_ =	sdelay $0x2  }
0x15c: {  	s31 =	sadd.s32 $0x5F00, s21  }
0x15d: {  	s25 =	sor.u32 s20, s31  }
0x15e: {  	[tilespmem:s25+$0x0] =	vst v0  }
0x15f: {  	v0 =	vld [tilespmem:$0x1F10];
	_ =	sdelay $0x3  }
0x160: {  	s23 =	sor.u32 s22, s31  }
0x161: {  	[tilespmem:s23+$0x0] =	vst v0  }
0x162: {  	v0 =	vld [tilespmem:$0x1F80];
	_ =	sdelay $0x2  }
0x163: {  	s26 =	sadd.s32 $0x5F80, s21  }
0x164: {  	s28 =	sor.u32 s20, s26  }
0x165: {  	[tilespmem:s28+$0x0] =	vst v0  }
0x166: {  	v0 =	vld [tilespmem:$0x1F90];
	_ =	sdelay $0x3  }
0x167: {  	s23 =	sor.u32 s22, s26  }
0x168: {  	[tilespmem:s23+$0x0] =	vst v0  }
0x169: {  	v0 =	vld [tilespmem:s16+$0x10];
	_ =	sdelay $0x7  }
0x16a: {  	[tilespmem:s10], [sflag:$0x3] =	stream.indirect_vreg.gather [hbm4b:s3+s2], $0x80, v0, vm0, $0xb8;
	[tilespmem:$0xE000] =	vst v63  }
0x16b: {  	_ =	swait.ge [sflag:s11], $0x800  }
0x16c: {  	[sflag:s11] =	ssyncset.done $0x0  }
0x16d: {  	[sflag:s11] =	ssyncadd.s32 $0xFFFFF800  }
0x16e: {  	v59 =	vld [tilespmem:$0x800];
	_ =	sdelay $0x2  }
0x16f: {  	s29 =	sadd.s32 $0x6800, s21  }
0x170: {  	s30 =	sor.u32 s20, s29  }
0x171: {  	[tilespmem:s30+$0x0] =	vst v59  }
0x172: {  	v0 =	vld [tilespmem:$0x810];
	_ =	sdelay $0x3  }
0x173: {  	s23 =	sor.u32 s22, s29  }
0x174: {  	[tilespmem:s23+$0x0] =	vst v0  }
0x175: {  	v0 =	vld [tilespmem:$0x880];
	_ =	sdelay $0x2  }
0x176: {  	s31 =	sadd.s32 $0x6880, s21  }
0x177: {  	s25 =	sor.u32 s20, s31  }
0x178: {  	[tilespmem:s25+$0x0] =	vst v0  }
0x179: {  	v0 =	vld [tilespmem:$0x890];
	_ =	sdelay $0x3  }
0x17a: {  	s23 =	sor.u32 s22, s31  }
0x17b: {  	[tilespmem:s23+$0x0] =	vst v0  }
0x17c: {  	v0 =	vld [tilespmem:$0x900];
	_ =	sdelay $0x2  }
0x17d: {  	s26 =	sadd.s32 $0x6900, s21  }
0x17e: {  	s28 =	sor.u32 s20, s26  }
0x17f: {  	[tilespmem:s28+$0x0] =	vst v0  }
0x180: {  	v0 =	vld [tilespmem:$0x910];
	_ =	sdelay $0x3  }
0x181: {  	s23 =	sor.u32 s22, s26  }
0x182: {  	[tilespmem:s23+$0x0] =	vst v0  }
0x183: {  	v0 =	vld [tilespmem:$0x980];
	_ =	sdelay $0x2  }
0x184: {  	s29 =	sadd.s32 $0x6980, s21  }
0x185: {  	s30 =	sor.u32 s20, s29  }
0x186: {  	[tilespmem:s30+$0x0] =	vst v0  }
0x187: {  	v0 =	vld [tilespmem:$0x990];
	_ =	sdelay $0x3  }
0x188: {  	s23 =	sor.u32 s22, s29  }
0x189: {  	[tilespmem:s23+$0x0] =	vst v0  }
0x18a: {  	v0 =	vld [tilespmem:$0xA00];
	_ =	sdelay $0x2  }
0x18b: {  	s31 =	sadd.s32 $0x6A00, s21  }
0x18c: {  	s25 =	sor.u32 s20, s31  }
0x18d: {  	[tilespmem:s25+$0x0] =	vst v0  }
0x18e: {  	v0 =	vld [tilespmem:$0xA10];
	_ =	sdelay $0x3  }
0x18f: {  	s23 =	sor.u32 s22, s31  }
0x190: {  	[tilespmem:s23+$0x0] =	vst v0  }
0x191: {  	v0 =	vld [tilespmem:$0xA80];
	_ =	sdelay $0x2  }
0x192: {  	s26 =	sadd.s32 $0x6A80, s21  }
0x193: {  	s28 =	sor.u32 s20, s26  }
0x194: {  	[tilespmem:s28+$0x0] =	vst v0  }
0x195: {  	v0 =	vld [tilespmem:$0xA90];
	_ =	sdelay $0x3  }
0x196: {  	s23 =	sor.u32 s22, s26  }
0x197: {  	[tilespmem:s23+$0x0] =	vst v0  }
0x198: {  	v0 =	vld [tilespmem:$0xB00];
	_ =	sdelay $0x2  }
0x199: {  	s29 =	sadd.s32 $0x6B00, s21  }
0x19a: {  	s30 =	sor.u32 s20, s29  }
0x19b: {  	[tilespmem:s30+$0x0] =	vst v0  }
0x19c: {  	v0 =	vld [tilespmem:$0xB10];
	_ =	sdelay $0x3  }
0x19d: {  	s23 =	sor.u32 s22, s29  }
0x19e: {  	[tilespmem:s23+$0x0] =	vst v0  }
0x19f: {  	v0 =	vld [tilespmem:$0xB80];
	_ =	sdelay $0x2  }
0x1a0: {  	s31 =	sadd.s32 $0x6B80, s21  }
0x1a1: {  	s25 =	sor.u32 s20, s31  }
0x1a2: {  	[tilespmem:s25+$0x0] =	vst v0  }
0x1a3: {  	v0 =	vld [tilespmem:$0xB90];
	_ =	sdelay $0x3  }
0x1a4: {  	s23 =	sor.u32 s22, s31  }
0x1a5: {  	[tilespmem:s23+$0x0] =	vst v0  }
0x1a6: {  	v0 =	vld [tilespmem:$0xC00];
	_ =	sdelay $0x2  }
0x1a7: {  	s26 =	sadd.s32 $0x7400, s21  }
0x1a8: {  	s28 =	sor.u32 s20, s26  }
0x1a9: {  	[tilespmem:s28+$0x0] =	vst v0  }
0x1aa: {  	v0 =	vld [tilespmem:$0xC10];
	_ =	sdelay $0x3  }
0x1ab: {  	s23 =	sor.u32 s22, s26  }
0x1ac: {  	[tilespmem:s23+$0x0] =	vst v0  }
0x1ad: {  	v0 =	vld [tilespmem:$0xC80];
	_ =	sdelay $0x2  }
0x1ae: {  	s29 =	sadd.s32 $0x7480, s21  }
0x1af: {  	s30 =	sor.u32 s20, s29  }
0x1b0: {  	[tilespmem:s30+$0x0] =	vst v0  }
0x1b1: {  	v0 =	vld [tilespmem:$0xC90];
	_ =	sdelay $0x3  }
0x1b2: {  	s23 =	sor.u32 s22, s29  }
0x1b3: {  	[tilespmem:s23+$0x0] =	vst v0  }
0x1b4: {  	v0 =	vld [tilespmem:$0xD00];
	_ =	sdelay $0x2  }
0x1b5: {  	s31 =	sadd.s32 $0x7500, s21  }
0x1b6: {  	s25 =	sor.u32 s20, s31  }
0x1b7: {  	[tilespmem:s25+$0x0] =	vst v0  }
0x1b8: {  	v0 =	vld [tilespmem:$0xD10];
	_ =	sdelay $0x3  }
0x1b9: {  	s23 =	sor.u32 s22, s31  }
0x1ba: {  	[tilespmem:s23+$0x0] =	vst v0  }
0x1bb: {  	v0 =	vld [tilespmem:$0xD80];
	_ =	sdelay $0x2  }
0x1bc: {  	s26 =	sadd.s32 $0x7580, s21  }
0x1bd: {  	s28 =	sor.u32 s20, s26  }
0x1be: {  	[tilespmem:s28+$0x0] =	vst v0  }
0x1bf: {  	v0 =	vld [tilespmem:$0xD90];
	_ =	sdelay $0x3  }
0x1c0: {  	s23 =	sor.u32 s22, s26  }
0x1c1: {  	[tilespmem:s23+$0x0] =	vst v0  }
0x1c2: {  	v0 =	vld [tilespmem:$0xE00];
	_ =	sdelay $0x2  }
0x1c3: {  	s29 =	sadd.s32 $0x7600, s21  }
0x1c4: {  	s30 =	sor.u32 s20, s29  }
0x1c5: {  	[tilespmem:s30+$0x0] =	vst v0  }
0x1c6: {  	v0 =	vld [tilespmem:$0xE10];
	_ =	sdelay $0x3  }
0x1c7: {  	s23 =	sor.u32 s22, s29  }
0x1c8: {  	[tilespmem:s23+$0x0] =	vst v0  }
0x1c9: {  	v0 =	vld [tilespmem:$0xE80];
	_ =	sdelay $0x2  }
0x1ca: {  	s31 =	sadd.s32 $0x7680, s21  }
0x1cb: {  	s25 =	sor.u32 s20, s31  }
0x1cc: {  	[tilespmem:s25+$0x0] =	vst v0  }
0x1cd: {  	v0 =	vld [tilespmem:$0xE90];
	_ =	sdelay $0x3  }
0x1ce: {  	s23 =	sor.u32 s22, s31  }
0x1cf: {  	[tilespmem:s23+$0x0] =	vst v0  }
0x1d0: {  	v0 =	vld [tilespmem:$0xF00];
	_ =	sdelay $0x2  }
0x1d1: {  	s26 =	sadd.s32 $0x7700, s21  }
0x1d2: {  	s28 =	sor.u32 s20, s26  }
0x1d3: {  	[tilespmem:s28+$0x0] =	vst v0  }
0x1d4: {  	v0 =	vld [tilespmem:$0xF10];
	_ =	sdelay $0x3  }
0x1d5: {  	s23 =	sor.u32 s22, s26  }
0x1d6: {  	[tilespmem:s23+$0x0] =	vst v0  }
0x1d7: {  	v0 =	vld [tilespmem:$0xF80];
	_ =	sdelay $0x2  }
0x1d8: {  	s29 =	sadd.s32 $0x7780, s21  }
0x1d9: {  	s30 =	sor.u32 s20, s29  }
0x1da: {  	[tilespmem:s30+$0x0] =	vst v0  }
0x1db: {  	v0 =	vld [tilespmem:$0xF90];
	_ =	sdelay $0x3  }
0x1dc: {  	s23 =	sor.u32 s22, s29  }
0x1dd: {  	[tilespmem:s23+$0x0] =	vst v0  }
0x1de: {  	v0 =	vld [tilespmem:s16+$0x20];
	_ =	sdelay $0x7  }
0x1df: {  	[tilespmem:s8], [sflag:$0x1] =	stream.indirect_vreg.gather [hbm4b:s3+s2], $0x80, v0, vm0, $0xb8;
	[tilespmem:$0xE000] =	vst v63  }
0x1e0: {  	_ =	swait.ge [sflag:s12], $0x800  }
0x1e1: {  	[sflag:s12] =	ssyncset.done $0x0  }
0x1e2: {  	[sflag:s12] =	ssyncadd.s32 $0xFFFFF800  }
0x1e3: {  	v60 =	vld [tilespmem:$0x1000];
	_ =	sdelay $0x2  }
0x1e4: {  	s31 =	sor.u32 $0x8000, s21  }
0x1e5: {  	s25 =	sor.u32 s20, s31  }
0x1e6: {  	[tilespmem:s25+$0x0] =	vst v60  }
0x1e7: {  	v0 =	vld [tilespmem:$0x1010];
	_ =	sdelay $0x3  }
0x1e8: {  	s23 =	sor.u32 s22, s31  }
0x1e9: {  	[tilespmem:s23+$0x0] =	vst v0  }
0x1ea: {  	v0 =	vld [tilespmem:$0x1080];
	_ =	sdelay $0x2  }
0x1eb: {  	s26 =	sor.u32 $0x8080, s21  }
0x1ec: {  	s28 =	sor.u32 s20, s26  }
0x1ed: {  	[tilespmem:s28+$0x0] =	vst v0  }
0x1ee: {  	v0 =	vld [tilespmem:$0x1090];
	_ =	sdelay $0x3  }
0x1ef: {  	s23 =	sor.u32 s22, s26  }
0x1f0: {  	[tilespmem:s23+$0x0] =	vst v0  }
0x1f1: {  	v0 =	vld [tilespmem:$0x1100];
	_ =	sdelay $0x2  }
0x1f2: {  	s29 =	sor.u32 $0x8100, s21  }
0x1f3: {  	s30 =	sor.u32 s20, s29  }
0x1f4: {  	[tilespmem:s30+$0x0] =	vst v0  }
0x1f5: {  	v0 =	vld [tilespmem:$0x1110];
	_ =	sdelay $0x3  }
0x1f6: {  	s23 =	sor.u32 s22, s29  }
0x1f7: {  	[tilespmem:s23+$0x0] =	vst v0  }
0x1f8: {  	v0 =	vld [tilespmem:$0x1180];
	_ =	sdelay $0x2  }
0x1f9: {  	s31 =	sor.u32 $0x8180, s21  }
0x1fa: {  	s25 =	sor.u32 s20, s31  }
0x1fb: {  	[tilespmem:s25+$0x0] =	vst v0  }
0x1fc: {  	v0 =	vld [tilespmem:$0x1190];
	_ =	sdelay $0x3  }
0x1fd: {  	s23 =	sor.u32 s22, s31  }
0x1fe: {  	[tilespmem:s23+$0x0] =	vst v0  }
0x1ff: {  	v0 =	vld [tilespmem:$0x1200];
	_ =	sdelay $0x2  }
0x200: {  	s26 =	sor.u32 $0x8200, s21  }
0x201: {  	s28 =	sor.u32 s20, s26  }
0x202: {  	[tilespmem:s28+$0x0] =	vst v0  }
0x203: {  	v0 =	vld [tilespmem:$0x1210];
	_ =	sdelay $0x3  }
0x204: {  	s23 =	sor.u32 s22, s26  }
0x205: {  	[tilespmem:s23+$0x0] =	vst v0  }
0x206: {  	v0 =	vld [tilespmem:$0x1280];
	_ =	sdelay $0x2  }
0x207: {  	s29 =	sor.u32 $0x8280, s21  }
0x208: {  	s30 =	sor.u32 s20, s29  }
0x209: {  	[tilespmem:s30+$0x0] =	vst v0  }
0x20a: {  	v0 =	vld [tilespmem:$0x1290];
	_ =	sdelay $0x3  }
0x20b: {  	s23 =	sor.u32 s22, s29  }
0x20c: {  	[tilespmem:s23+$0x0] =	vst v0  }
0x20d: {  	v0 =	vld [tilespmem:$0x1300];
	_ =	sdelay $0x2  }
0x20e: {  	s31 =	sor.u32 $0x8300, s21  }
0x20f: {  	s25 =	sor.u32 s20, s31  }
0x210: {  	[tilespmem:s25+$0x0] =	vst v0  }
0x211: {  	v0 =	vld [tilespmem:$0x1310];
	_ =	sdelay $0x3  }
0x212: {  	s23 =	sor.u32 s22, s31  }
0x213: {  	[tilespmem:s23+$0x0] =	vst v0  }
0x214: {  	v0 =	vld [tilespmem:$0x1380];
	_ =	sdelay $0x2  }
0x215: {  	s26 =	sor.u32 $0x8380, s21  }
0x216: {  	s28 =	sor.u32 s20, s26  }
0x217: {  	[tilespmem:s28+$0x0] =	vst v0  }
0x218: {  	v0 =	vld [tilespmem:$0x1390];
	_ =	sdelay $0x3  }
0x219: {  	s23 =	sor.u32 s22, s26  }
0x21a: {  	[tilespmem:s23+$0x0] =	vst v0  }
0x21b: {  	v0 =	vld [tilespmem:$0x1400];
	_ =	sdelay $0x2  }
0x21c: {  	s29 =	sadd.s32 $0x8C00, s21  }
0x21d: {  	s30 =	sor.u32 s20, s29  }
0x21e: {  	[tilespmem:s30+$0x0] =	vst v0  }
0x21f: {  	v0 =	vld [tilespmem:$0x1410];
	_ =	sdelay $0x3  }
0x220: {  	s23 =	sor.u32 s22, s29  }
0x221: {  	[tilespmem:s23+$0x0] =	vst v0  }
0x222: {  	v0 =	vld [tilespmem:$0x1480];
	_ =	sdelay $0x2  }
0x223: {  	s31 =	sadd.s32 $0x8C80, s21  }
0x224: {  	s25 =	sor.u32 s20, s31  }
0x225: {  	[tilespmem:s25+$0x0] =	vst v0  }
0x226: {  	v0 =	vld [tilespmem:$0x1490];
	_ =	sdelay $0x3  }
0x227: {  	s23 =	sor.u32 s22, s31  }
0x228: {  	[tilespmem:s23+$0x0] =	vst v0  }
0x229: {  	v0 =	vld [tilespmem:$0x1500];
	_ =	sdelay $0x2  }
0x22a: {  	s26 =	sadd.s32 $0x8D00, s21  }
0x22b: {  	s28 =	sor.u32 s20, s26  }
0x22c: {  	[tilespmem:s28+$0x0] =	vst v0  }
0x22d: {  	v0 =	vld [tilespmem:$0x1510];
	_ =	sdelay $0x3  }
0x22e: {  	s23 =	sor.u32 s22, s26  }
0x22f: {  	[tilespmem:s23+$0x0] =	vst v0  }
0x230: {  	v0 =	vld [tilespmem:$0x1580];
	_ =	sdelay $0x2  }
0x231: {  	s29 =	sadd.s32 $0x8D80, s21  }
0x232: {  	s30 =	sor.u32 s20, s29  }
0x233: {  	[tilespmem:s30+$0x0] =	vst v0  }
0x234: {  	v0 =	vld [tilespmem:$0x1590];
	_ =	sdelay $0x3  }
0x235: {  	s23 =	sor.u32 s22, s29  }
0x236: {  	[tilespmem:s23+$0x0] =	vst v0  }
0x237: {  	v0 =	vld [tilespmem:$0x1600];
	_ =	sdelay $0x2  }
0x238: {  	s31 =	sadd.s32 $0x8E00, s21  }
0x239: {  	s25 =	sor.u32 s20, s31  }
0x23a: {  	[tilespmem:s25+$0x0] =	vst v0  }
0x23b: {  	v0 =	vld [tilespmem:$0x1610];
	_ =	sdelay $0x3  }
0x23c: {  	s23 =	sor.u32 s22, s31  }
0x23d: {  	[tilespmem:s23+$0x0] =	vst v0  }
0x23e: {  	v0 =	vld [tilespmem:$0x1680];
	_ =	sdelay $0x2  }
0x23f: {  	s26 =	sadd.s32 $0x8E80, s21  }
0x240: {  	s28 =	sor.u32 s20, s26  }
0x241: {  	[tilespmem:s28+$0x0] =	vst v0  }
0x242: {  	v0 =	vld [tilespmem:$0x1690];
	_ =	sdelay $0x3  }
0x243: {  	s23 =	sor.u32 s22, s26  }
0x244: {  	[tilespmem:s23+$0x0] =	vst v0  }
0x245: {  	v0 =	vld [tilespmem:$0x1700];
	_ =	sdelay $0x2  }
0x246: {  	s29 =	sadd.s32 $0x8F00, s21  }
0x247: {  	s30 =	sor.u32 s20, s29  }
0x248: {  	[tilespmem:s30+$0x0] =	vst v0  }
0x249: {  	v0 =	vld [tilespmem:$0x1710];
	_ =	sdelay $0x3  }
0x24a: {  	s23 =	sor.u32 s22, s29  }
0x24b: {  	[tilespmem:s23+$0x0] =	vst v0  }
0x24c: {  	v0 =	vld [tilespmem:$0x1780];
	_ =	sdelay $0x2  }
0x24d: {  	s31 =	sadd.s32 $0x8F80, s21  }
0x24e: {  	s25 =	sor.u32 s20, s31  }
0x24f: {  	[tilespmem:s25+$0x0] =	vst v0  }
0x250: {  	v0 =	vld [tilespmem:$0x1790];
	_ =	sdelay $0x3  }
0x251: {  	s23 =	sor.u32 s22, s31  }
0x252: {  	[tilespmem:s23+$0x0] =	vst v0  }
0x253: {  	v0 =	vld [tilespmem:s16+$0x30];
	_ =	sdelay $0x7  }
0x254: {  	[tilespmem:s9], [sflag:$0x2] =	stream.indirect_vreg.gather [hbm4b:s3+s2], $0x80, v0, vm0, $0xb8;
	[tilespmem:$0xE000] =	vst v63  }
0x255: {  	_ =	swait.ge [sflag:s13], $0x800  }
0x256: {  	[sflag:s13] =	ssyncset.done $0x0  }
0x257: {  	[sflag:s13] =	ssyncadd.s32 $0xFFFFF800  }
0x258: {  	v61 =	vld [tilespmem:$0x1800];
	_ =	sdelay $0x2  }
0x259: {  	s26 =	sadd.s32 $0x9800, s21  }
0x25a: {  	s28 =	sor.u32 s20, s26  }
0x25b: {  	[tilespmem:s28+$0x0] =	vst v61  }
0x25c: {  	v0 =	vld [tilespmem:$0x1810];
	_ =	sdelay $0x3  }
0x25d: {  	s23 =	sor.u32 s22, s26  }
0x25e: {  	[tilespmem:s23+$0x0] =	vst v0  }
0x25f: {  	v0 =	vld [tilespmem:$0x1880];
	_ =	sdelay $0x2  }
0x260: {  	s29 =	sadd.s32 $0x9880, s21  }
0x261: {  	s30 =	sor.u32 s20, s29  }
0x262: {  	[tilespmem:s30+$0x0] =	vst v0  }
0x263: {  	v0 =	vld [tilespmem:$0x1890];
	_ =	sdelay $0x3  }
0x264: {  	s23 =	sor.u32 s22, s29  }
0x265: {  	[tilespmem:s23+$0x0] =	vst v0  }
0x266: {  	v0 =	vld [tilespmem:$0x1900];
	_ =	sdelay $0x2  }
0x267: {  	s31 =	sadd.s32 $0x9900, s21  }
0x268: {  	s25 =	sor.u32 s20, s31  }
0x269: {  	[tilespmem:s25+$0x0] =	vst v0  }
0x26a: {  	v0 =	vld [tilespmem:$0x1910];
	_ =	sdelay $0x3  }
0x26b: {  	s23 =	sor.u32 s22, s31  }
0x26c: {  	[tilespmem:s23+$0x0] =	vst v0  }
0x26d: {  	v0 =	vld [tilespmem:$0x1980];
	_ =	sdelay $0x2  }
0x26e: {  	s26 =	sadd.s32 $0x9980, s21  }
0x26f: {  	s28 =	sor.u32 s20, s26  }
0x270: {  	[tilespmem:s28+$0x0] =	vst v0  }
0x271: {  	v0 =	vld [tilespmem:$0x1990];
	_ =	sdelay $0x3  }
0x272: {  	s23 =	sor.u32 s22, s26  }
0x273: {  	[tilespmem:s23+$0x0] =	vst v0  }
0x274: {  	v0 =	vld [tilespmem:$0x1A00];
	_ =	sdelay $0x2  }
0x275: {  	s29 =	sadd.s32 $0x9A00, s21  }
0x276: {  	s30 =	sor.u32 s20, s29  }
0x277: {  	[tilespmem:s30+$0x0] =	vst v0  }
0x278: {  	v0 =	vld [tilespmem:$0x1A10];
	_ =	sdelay $0x3  }
0x279: {  	s23 =	sor.u32 s22, s29  }
0x27a: {  	[tilespmem:s23+$0x0] =	vst v0  }
0x27b: {  	v0 =	vld [tilespmem:$0x1A80];
	_ =	sdelay $0x2  }
0x27c: {  	s31 =	sadd.s32 $0x9A80, s21  }
0x27d: {  	s25 =	sor.u32 s20, s31  }
0x27e: {  	[tilespmem:s25+$0x0] =	vst v0  }
0x27f: {  	v0 =	vld [tilespmem:$0x1A90];
	_ =	sdelay $0x3  }
0x280: {  	s23 =	sor.u32 s22, s31  }
0x281: {  	[tilespmem:s23+$0x0] =	vst v0  }
0x282: {  	v0 =	vld [tilespmem:$0x1B00];
	_ =	sdelay $0x2  }
0x283: {  	s26 =	sadd.s32 $0x9B00, s21  }
0x284: {  	s28 =	sor.u32 s20, s26  }
0x285: {  	[tilespmem:s28+$0x0] =	vst v0  }
0x286: {  	v0 =	vld [tilespmem:$0x1B10];
	_ =	sdelay $0x3  }
0x287: {  	s23 =	sor.u32 s22, s26  }
0x288: {  	[tilespmem:s23+$0x0] =	vst v0  }
0x289: {  	v0 =	vld [tilespmem:$0x1B80];
	_ =	sdelay $0x2  }
0x28a: {  	s29 =	sadd.s32 $0x9B80, s21  }
0x28b: {  	s30 =	sor.u32 s20, s29  }
0x28c: {  	[tilespmem:s30+$0x0] =	vst v0  }
0x28d: {  	v0 =	vld [tilespmem:$0x1B90];
	_ =	sdelay $0x3  }
0x28e: {  	s23 =	sor.u32 s22, s29  }
0x28f: {  	[tilespmem:s23+$0x0] =	vst v0  }
0x290: {  	v0 =	vld [tilespmem:$0x1C00];
	_ =	sdelay $0x2  }
0x291: {  	s31 =	sadd.s32 $0xA400, s21  }
0x292: {  	s25 =	sor.u32 s20, s31  }
0x293: {  	[tilespmem:s25+$0x0] =	vst v0  }
0x294: {  	v0 =	vld [tilespmem:$0x1C10];
	_ =	sdelay $0x3  }
0x295: {  	s23 =	sor.u32 s22, s31  }
0x296: {  	[tilespmem:s23+$0x0] =	vst v0  }
0x297: {  	v0 =	vld [tilespmem:$0x1C80];
	_ =	sdelay $0x2  }
0x298: {  	s26 =	sadd.s32 $0xA480, s21  }
0x299: {  	s28 =	sor.u32 s20, s26  }
0x29a: {  	[tilespmem:s28+$0x0] =	vst v0  }
0x29b: {  	v0 =	vld [tilespmem:$0x1C90];
	_ =	sdelay $0x3  }
0x29c: {  	s23 =	sor.u32 s22, s26  }
0x29d: {  	[tilespmem:s23+$0x0] =	vst v0  }
0x29e: {  	v0 =	vld [tilespmem:$0x1D00];
	_ =	sdelay $0x2  }
0x29f: {  	s29 =	sadd.s32 $0xA500, s21  }
0x2a0: {  	s30 =	sor.u32 s20, s29  }
0x2a1: {  	[tilespmem:s30+$0x0] =	vst v0  }
0x2a2: {  	v0 =	vld [tilespmem:$0x1D10];
	_ =	sdelay $0x3  }
0x2a3: {  	s23 =	sor.u32 s22, s29  }
0x2a4: {  	[tilespmem:s23+$0x0] =	vst v0  }
0x2a5: {  	v0 =	vld [tilespmem:$0x1D80];
	_ =	sdelay $0x2  }
0x2a6: {  	s31 =	sadd.s32 $0xA580, s21  }
0x2a7: {  	s25 =	sor.u32 s20, s31  }
0x2a8: {  	[tilespmem:s25+$0x0] =	vst v0  }
0x2a9: {  	v0 =	vld [tilespmem:$0x1D90];
	_ =	sdelay $0x3  }
0x2aa: {  	s23 =	sor.u32 s22, s31  }
0x2ab: {  	[tilespmem:s23+$0x0] =	vst v0  }
0x2ac: {  	v0 =	vld [tilespmem:$0x1E00];
	_ =	sdelay $0x2  }
0x2ad: {  	s26 =	sadd.s32 $0xA600, s21  }
0x2ae: {  	s28 =	sor.u32 s20, s26  }
0x2af: {  	[tilespmem:s28+$0x0] =	vst v0  }
0x2b0: {  	v0 =	vld [tilespmem:$0x1E10];
	_ =	sdelay $0x3  }
0x2b1: {  	s23 =	sor.u32 s22, s26  }
0x2b2: {  	[tilespmem:s23+$0x0] =	vst v0  }
0x2b3: {  	v0 =	vld [tilespmem:$0x1E80];
	_ =	sdelay $0x2  }
0x2b4: {  	s29 =	sadd.s32 $0xA680, s21  }
0x2b5: {  	s30 =	sor.u32 s20, s29  }
0x2b6: {  	[tilespmem:s30+$0x0] =	vst v0  }
0x2b7: {  	v0 =	vld [tilespmem:$0x1E90];
	_ =	sdelay $0x3  }
0x2b8: {  	s23 =	sor.u32 s22, s29  }
0x2b9: {  	[tilespmem:s23+$0x0] =	vst v0  }
0x2ba: {  	v0 =	vld [tilespmem:$0x1F00];
	_ =	sdelay $0x2  }
0x2bb: {  	s31 =	sadd.s32 $0xA700, s21  }
0x2bc: {  	s25 =	sor.u32 s20, s31  }
0x2bd: {  	[tilespmem:s25+$0x0] =	vst v0  }
0x2be: {  	v0 =	vld [tilespmem:$0x1F10];
	_ =	sdelay $0x3  }
0x2bf: {  	s23 =	sor.u32 s22, s31  }
0x2c0: {  	[tilespmem:s23+$0x0] =	vst v0  }
0x2c1: {  	v0 =	vld [tilespmem:$0x1F80];
	_ =	sdelay $0x2  }
0x2c2: {  	s26 =	sadd.s32 $0xA780, s21  }
0x2c3: {  	s28 =	sor.u32 s20, s26  }
0x2c4: {  	[tilespmem:s28+$0x0] =	vst v0  }
0x2c5: {  	v0 =	vld [tilespmem:$0x1F90];
	_ =	sdelay $0x3  }
0x2c6: {  	s23 =	sor.u32 s22, s26  }
0x2c7: {  	[tilespmem:s23+$0x0] =	vst v0  }
0x2c8: {  	_ =	swait.ge [sflag:s11], $0x800  }
0x2c9: {  	[sflag:s11] =	ssyncset.done $0x0  }
0x2ca: {  	[sflag:s11] =	ssyncadd.s32 $0xFFFFF800  }
0x2cb: {  	v62 =	vld [tilespmem:$0x800];
	_ =	sdelay $0x2  }
0x2cc: {  	s29 =	sor.u32 $0xB000, s21  }
0x2cd: {  	s30 =	sor.u32 s20, s29  }
0x2ce: {  	[tilespmem:s30+$0x0] =	vst v62  }
0x2cf: {  	v0 =	vld [tilespmem:$0x810];
	_ =	sdelay $0x3  }
0x2d0: {  	s23 =	sor.u32 s22, s29  }
0x2d1: {  	[tilespmem:s23+$0x0] =	vst v0  }
0x2d2: {  	v0 =	vld [tilespmem:$0x880];
	_ =	sdelay $0x2  }
0x2d3: {  	s31 =	sor.u32 $0xB080, s21  }
0x2d4: {  	s25 =	sor.u32 s20, s31  }
0x2d5: {  	[tilespmem:s25+$0x0] =	vst v0  }
0x2d6: {  	v0 =	vld [tilespmem:$0x890];
	_ =	sdelay $0x3  }
0x2d7: {  	s23 =	sor.u32 s22, s31  }
0x2d8: {  	[tilespmem:s23+$0x0] =	vst v0  }
0x2d9: {  	v0 =	vld [tilespmem:$0x900];
	_ =	sdelay $0x2  }
0x2da: {  	s26 =	sor.u32 $0xB100, s21  }
0x2db: {  	s28 =	sor.u32 s20, s26  }
0x2dc: {  	[tilespmem:s28+$0x0] =	vst v0  }
0x2dd: {  	v0 =	vld [tilespmem:$0x910];
	_ =	sdelay $0x3  }
0x2de: {  	s23 =	sor.u32 s22, s26  }
0x2df: {  	[tilespmem:s23+$0x0] =	vst v0  }
0x2e0: {  	v0 =	vld [tilespmem:$0x980];
	_ =	sdelay $0x2  }
0x2e1: {  	s29 =	sor.u32 $0xB180, s21  }
0x2e2: {  	s30 =	sor.u32 s20, s29  }
0x2e3: {  	[tilespmem:s30+$0x0] =	vst v0  }
0x2e4: {  	v0 =	vld [tilespmem:$0x990];
	_ =	sdelay $0x3  }
0x2e5: {  	s23 =	sor.u32 s22, s29  }
0x2e6: {  	[tilespmem:s23+$0x0] =	vst v0  }
0x2e7: {  	v0 =	vld [tilespmem:$0xA00];
	_ =	sdelay $0x2  }
0x2e8: {  	s31 =	sor.u32 $0xB200, s21  }
0x2e9: {  	s25 =	sor.u32 s20, s31  }
0x2ea: {  	[tilespmem:s25+$0x0] =	vst v0  }
0x2eb: {  	v0 =	vld [tilespmem:$0xA10];
	_ =	sdelay $0x3  }
0x2ec: {  	s23 =	sor.u32 s22, s31  }
0x2ed: {  	[tilespmem:s23+$0x0] =	vst v0  }
0x2ee: {  	v0 =	vld [tilespmem:$0xA80];
	_ =	sdelay $0x2  }
0x2ef: {  	s26 =	sor.u32 $0xB280, s21  }
0x2f0: {  	s28 =	sor.u32 s20, s26  }
0x2f1: {  	[tilespmem:s28+$0x0] =	vst v0  }
0x2f2: {  	v0 =	vld [tilespmem:$0xA90];
	_ =	sdelay $0x3  }
0x2f3: {  	s23 =	sor.u32 s22, s26  }
0x2f4: {  	[tilespmem:s23+$0x0] =	vst v0  }
0x2f5: {  	v0 =	vld [tilespmem:$0xB00];
	_ =	sdelay $0x2  }
0x2f6: {  	s29 =	sor.u32 $0xB300, s21  }
0x2f7: {  	s30 =	sor.u32 s20, s29  }
0x2f8: {  	[tilespmem:s30+$0x0] =	vst v0  }
0x2f9: {  	v0 =	vld [tilespmem:$0xB10];
	_ =	sdelay $0x3  }
0x2fa: {  	s23 =	sor.u32 s22, s29  }
0x2fb: {  	[tilespmem:s23+$0x0] =	vst v0  }
0x2fc: {  	v0 =	vld [tilespmem:$0xB80];
	_ =	sdelay $0x2  }
0x2fd: {  	s31 =	sor.u32 $0xB380, s21  }
0x2fe: {  	s25 =	sor.u32 s20, s31  }
0x2ff: {  	[tilespmem:s25+$0x0] =	vst v0  }
0x300: {  	v0 =	vld [tilespmem:$0xB90];
	_ =	sdelay $0x3  }
0x301: {  	s23 =	sor.u32 s22, s31  }
0x302: {  	[tilespmem:s23+$0x0] =	vst v0  }
0x303: {  	v0 =	vld [tilespmem:$0xC00];
	_ =	sdelay $0x2  }
0x304: {  	s26 =	sadd.s32 $0xBC00, s21  }
0x305: {  	s28 =	sor.u32 s20, s26  }
0x306: {  	[tilespmem:s28+$0x0] =	vst v0  }
0x307: {  	v0 =	vld [tilespmem:$0xC10];
	_ =	sdelay $0x3  }
0x308: {  	s23 =	sor.u32 s22, s26  }
0x309: {  	[tilespmem:s23+$0x0] =	vst v0  }
0x30a: {  	v0 =	vld [tilespmem:$0xC80];
	_ =	sdelay $0x2  }
0x30b: {  	s29 =	sadd.s32 $0xBC80, s21  }
0x30c: {  	s30 =	sor.u32 s20, s29  }
0x30d: {  	[tilespmem:s30+$0x0] =	vst v0  }
0x30e: {  	v0 =	vld [tilespmem:$0xC90];
	_ =	sdelay $0x3  }
0x30f: {  	s23 =	sor.u32 s22, s29  }
0x310: {  	[tilespmem:s23+$0x0] =	vst v0  }
0x311: {  	v0 =	vld [tilespmem:$0xD00];
	_ =	sdelay $0x2  }
0x312: {  	s31 =	sadd.s32 $0xBD00, s21  }
0x313: {  	s25 =	sor.u32 s20, s31  }
0x314: {  	[tilespmem:s25+$0x0] =	vst v0  }
0x315: {  	v0 =	vld [tilespmem:$0xD10];
	_ =	sdelay $0x3  }
0x316: {  	s23 =	sor.u32 s22, s31  }
0x317: {  	[tilespmem:s23+$0x0] =	vst v0  }
0x318: {  	v0 =	vld [tilespmem:$0xD80];
	_ =	sdelay $0x2  }
0x319: {  	s26 =	sadd.s32 $0xBD80, s21  }
0x31a: {  	s28 =	sor.u32 s20, s26  }
0x31b: {  	[tilespmem:s28+$0x0] =	vst v0  }
0x31c: {  	v0 =	vld [tilespmem:$0xD90];
	_ =	sdelay $0x3  }
0x31d: {  	s23 =	sor.u32 s22, s26  }
0x31e: {  	[tilespmem:s23+$0x0] =	vst v0  }
0x31f: {  	v0 =	vld [tilespmem:$0xE00];
	_ =	sdelay $0x2  }
0x320: {  	s29 =	sadd.s32 $0xBE00, s21  }
0x321: {  	s30 =	sor.u32 s20, s29  }
0x322: {  	[tilespmem:s30+$0x0] =	vst v0  }
0x323: {  	v0 =	vld [tilespmem:$0xE10];
	_ =	sdelay $0x3  }
0x324: {  	s23 =	sor.u32 s22, s29  }
0x325: {  	[tilespmem:s23+$0x0] =	vst v0  }
0x326: {  	v0 =	vld [tilespmem:$0xE80];
	_ =	sdelay $0x2  }
0x327: {  	s31 =	sadd.s32 $0xBE80, s21  }
0x328: {  	s25 =	sor.u32 s20, s31  }
0x329: {  	[tilespmem:s25+$0x0] =	vst v0  }
0x32a: {  	v0 =	vld [tilespmem:$0xE90];
	_ =	sdelay $0x3  }
0x32b: {  	s23 =	sor.u32 s22, s31  }
0x32c: {  	[tilespmem:s23+$0x0] =	vst v0  }
0x32d: {  	v0 =	vld [tilespmem:$0xF00];
	_ =	sdelay $0x2  }
0x32e: {  	s26 =	sadd.s32 $0xBF00, s21  }
0x32f: {  	s28 =	sor.u32 s20, s26  }
0x330: {  	[tilespmem:s28+$0x0] =	vst v0  }
0x331: {  	v0 =	vld [tilespmem:$0xF10];
	_ =	sdelay $0x3  }
0x332: {  	s23 =	sor.u32 s22, s26  }
0x333: {  	[tilespmem:s23+$0x0] =	vst v0  }
0x334: {  	v0 =	vld [tilespmem:$0xF80];
	_ =	sdelay $0x2  }
0x335: {  	s29 =	sadd.s32 $0xBF80, s21  }
0x336: {  	s30 =	sor.u32 s20, s29  }
0x337: {  	[tilespmem:s30+$0x0] =	vst v0  }
0x338: {  	v0 =	vld [tilespmem:$0xF90];
	_ =	sdelay $0x3  }
0x339: {  	s23 =	sor.u32 s22, s29  }
0x33a: {  	[tilespmem:s23+$0x0] =	vst v0  }
0x33b: {  	_ =	swait.ge [sflag:s12], $0x800  }
0x33c: {  	[sflag:s12] =	ssyncset.done $0x0  }
0x33d: {  	[sflag:s12] =	ssyncadd.s32 $0xFFFFF800  }
0x33e: {  	v63 =	vld [tilespmem:$0x1000];
	_ =	sdelay $0x2  }
0x33f: {  	s31 =	sadd.s32 $0xC800, s21  }
0x340: {  	s25 =	sor.u32 s20, s31  }
0x341: {  	[tilespmem:s25+$0x0] =	vst v63  }
0x342: {  	v0 =	vld [tilespmem:$0x1010];
	_ =	sdelay $0x3  }
0x343: {  	s23 =	sor.u32 s22, s31  }
0x344: {  	[tilespmem:s23+$0x0] =	vst v0  }
0x345: {  	v0 =	vld [tilespmem:$0x1080];
	_ =	sdelay $0x2  }
0x346: {  	s26 =	sadd.s32 $0xC880, s21  }
0x347: {  	s28 =	sor.u32 s20, s26  }
0x348: {  	[tilespmem:s28+$0x0] =	vst v0  }
0x349: {  	v0 =	vld [tilespmem:$0x1090];
	_ =	sdelay $0x3  }
0x34a: {  	s23 =	sor.u32 s22, s26  }
0x34b: {  	[tilespmem:s23+$0x0] =	vst v0  }
0x34c: {  	v0 =	vld [tilespmem:$0x1100];
	_ =	sdelay $0x2  }
0x34d: {  	s29 =	sadd.s32 $0xC900, s21  }
0x34e: {  	s30 =	sor.u32 s20, s29  }
0x34f: {  	[tilespmem:s30+$0x0] =	vst v0  }
0x350: {  	v0 =	vld [tilespmem:$0x1110];
	_ =	sdelay $0x3  }
0x351: {  	s23 =	sor.u32 s22, s29  }
0x352: {  	[tilespmem:s23+$0x0] =	vst v0  }
0x353: {  	v0 =	vld [tilespmem:$0x1180];
	_ =	sdelay $0x2  }
0x354: {  	s31 =	sadd.s32 $0xC980, s21  }
0x355: {  	s25 =	sor.u32 s20, s31  }
0x356: {  	[tilespmem:s25+$0x0] =	vst v0  }
0x357: {  	v0 =	vld [tilespmem:$0x1190];
	_ =	sdelay $0x3  }
0x358: {  	s23 =	sor.u32 s22, s31  }
0x359: {  	[tilespmem:s23+$0x0] =	vst v0  }
0x35a: {  	v0 =	vld [tilespmem:$0x1200];
	_ =	sdelay $0x2  }
0x35b: {  	s26 =	sadd.s32 $0xCA00, s21  }
0x35c: {  	s28 =	sor.u32 s20, s26  }
0x35d: {  	[tilespmem:s28+$0x0] =	vst v0  }
0x35e: {  	v0 =	vld [tilespmem:$0x1210];
	_ =	sdelay $0x3  }
0x35f: {  	s23 =	sor.u32 s22, s26  }
0x360: {  	[tilespmem:s23+$0x0] =	vst v0  }
0x361: {  	v0 =	vld [tilespmem:$0x1280];
	_ =	sdelay $0x2  }
0x362: {  	s29 =	sadd.s32 $0xCA80, s21  }
0x363: {  	s30 =	sor.u32 s20, s29  }
0x364: {  	[tilespmem:s30+$0x0] =	vst v0  }
0x365: {  	v0 =	vld [tilespmem:$0x1290];
	_ =	sdelay $0x3  }
0x366: {  	s23 =	sor.u32 s22, s29  }
0x367: {  	[tilespmem:s23+$0x0] =	vst v0  }
0x368: {  	v0 =	vld [tilespmem:$0x1300];
	_ =	sdelay $0x2  }
0x369: {  	s31 =	sadd.s32 $0xCB00, s21  }
0x36a: {  	s25 =	sor.u32 s20, s31  }
0x36b: {  	[tilespmem:s25+$0x0] =	vst v0  }
0x36c: {  	v0 =	vld [tilespmem:$0x1310];
	_ =	sdelay $0x3  }
0x36d: {  	s23 =	sor.u32 s22, s31  }
0x36e: {  	[tilespmem:s23+$0x0] =	vst v0  }
0x36f: {  	v0 =	vld [tilespmem:$0x1380];
	_ =	sdelay $0x2  }
0x370: {  	s26 =	sadd.s32 $0xCB80, s21  }
0x371: {  	s28 =	sor.u32 s20, s26  }
0x372: {  	[tilespmem:s28+$0x0] =	vst v0  }
0x373: {  	v0 =	vld [tilespmem:$0x1390];
	_ =	sdelay $0x3  }
0x374: {  	s23 =	sor.u32 s22, s26  }
0x375: {  	[tilespmem:s23+$0x0] =	vst v0  }
0x376: {  	v0 =	vld [tilespmem:$0x1400];
	_ =	sdelay $0x2  }
0x377: {  	s29 =	sadd.s32 $0xD400, s21  }
0x378: {  	s30 =	sor.u32 s20, s29  }
0x379: {  	[tilespmem:s30+$0x0] =	vst v0  }
0x37a: {  	v0 =	vld [tilespmem:$0x1410];
	_ =	sdelay $0x3  }
0x37b: {  	s23 =	sor.u32 s22, s29  }
0x37c: {  	[tilespmem:s23+$0x0] =	vst v0  }
0x37d: {  	v0 =	vld [tilespmem:$0x1480];
	_ =	sdelay $0x2  }
0x37e: {  	s31 =	sadd.s32 $0xD480, s21  }
0x37f: {  	s25 =	sor.u32 s20, s31  }
0x380: {  	[tilespmem:s25+$0x0] =	vst v0  }
0x381: {  	v0 =	vld [tilespmem:$0x1490];
	_ =	sdelay $0x3  }
0x382: {  	s23 =	sor.u32 s22, s31  }
0x383: {  	[tilespmem:s23+$0x0] =	vst v0  }
0x384: {  	v0 =	vld [tilespmem:$0x1500];
	_ =	sdelay $0x2  }
0x385: {  	s26 =	sadd.s32 $0xD500, s21  }
0x386: {  	s28 =	sor.u32 s20, s26  }
0x387: {  	[tilespmem:s28+$0x0] =	vst v0  }
0x388: {  	v0 =	vld [tilespmem:$0x1510];
	_ =	sdelay $0x3  }
0x389: {  	s23 =	sor.u32 s22, s26  }
0x38a: {  	[tilespmem:s23+$0x0] =	vst v0  }
0x38b: {  	v0 =	vld [tilespmem:$0x1580];
	_ =	sdelay $0x2  }
0x38c: {  	s29 =	sadd.s32 $0xD580, s21  }
0x38d: {  	s30 =	sor.u32 s20, s29  }
0x38e: {  	[tilespmem:s30+$0x0] =	vst v0  }
0x38f: {  	v0 =	vld [tilespmem:$0x1590];
	_ =	sdelay $0x3  }
0x390: {  	s23 =	sor.u32 s22, s29  }
0x391: {  	[tilespmem:s23+$0x0] =	vst v0  }
0x392: {  	v0 =	vld [tilespmem:$0x1600];
	_ =	sdelay $0x2  }
0x393: {  	s31 =	sadd.s32 $0xD600, s21  }
0x394: {  	s25 =	sor.u32 s20, s31  }
0x395: {  	[tilespmem:s25+$0x0] =	vst v0  }
0x396: {  	v0 =	vld [tilespmem:$0x1610];
	_ =	sdelay $0x3  }
0x397: {  	s23 =	sor.u32 s22, s31  }
0x398: {  	[tilespmem:s23+$0x0] =	vst v0  }
0x399: {  	v0 =	vld [tilespmem:$0x1680];
	_ =	sdelay $0x2  }
0x39a: {  	s26 =	sadd.s32 $0xD680, s21  }
0x39b: {  	s28 =	sor.u32 s20, s26  }
0x39c: {  	[tilespmem:s28+$0x0] =	vst v0  }
0x39d: {  	v0 =	vld [tilespmem:$0x1690];
	_ =	sdelay $0x3  }
0x39e: {  	s23 =	sor.u32 s22, s26  }
0x39f: {  	[tilespmem:s23+$0x0] =	vst v0  }
0x3a0: {  	v0 =	vld [tilespmem:$0x1700];
	_ =	sdelay $0x2  }
0x3a1: {  	s29 =	sadd.s32 $0xD700, s21  }
0x3a2: {  	s30 =	sor.u32 s20, s29  }
0x3a3: {  	[tilespmem:s30+$0x0] =	vst v0  }
0x3a4: {  	v0 =	vld [tilespmem:$0x1710];
	_ =	sdelay $0x3  }
0x3a5: {  	s23 =	sor.u32 s22, s29  }
0x3a6: {  	[tilespmem:s23+$0x0] =	vst v0  }
0x3a7: {  	v0 =	vld [tilespmem:$0x1780];
	_ =	sdelay $0x2  }
0x3a8: {  	s21 =	sadd.s32 $0xD780, s21  }
0x3a9: {  	s20 =	sor.u32 s20, s21  }
0x3aa: {  	[tilespmem:s20+$0x0] =	vst v0  }
0x3ab: {  	p0 =	sne.s32 s19, $0x120;
	v0 =	vld [tilespmem:$0x1790]  }
.Ltmp0:
0x3ac: {  	_ = 	snop;
	(pc) =	sbr.rel @p0 .LBB2_2-.Ltmp0, $3  }
0x3ad: {  	_ =	sdelay $0x1  }
0x3ae: {  	s17 =	sadd.s32 $0x1, s17;
	s31 =	sor.u32 s22, s21  }
0x3af: {  	s19 =	sadd.s32 $0x20, s19;
	s18 =	sadd.s32 $0x100, s18;
	s16 =	sadd.s32 $0x80, s16;
	[tilespmem:s31+$0x0] =	vst v0  }
0x3b0: {  	s15 =	sadd.s32 $0x1, s15  }
0x3b1: {  	p0 =	sne.s32 s15, s6  }
.Ltmp1:
0x3b2: {  	_ = 	snop;
	(pc) =	sbr.rel @p0 .LBB2_1-.Ltmp1, $4  }
0x3b3: {  	[hbm4b:s5+s2] =	stream.linear.scatter [tilespmem:s14], [sflag:$0x4], $0xC000, $0x38;
	[tilespmem:$0xE000] =	vst v63  }
0x3b4: {  	_ =	swait.ge [sflag:s7], $0xC000  }
0x3b5: {  	[sflag:s7] =	ssyncset.done $0x0  }
0x3b6: {  	[sflag:s7] =	ssyncadd.s32 $0xFFFF4000  }
0x3b7: {  	_ =	sfence.sel $0x180000  }
0x3b8: {  	[bflag:$0x0] =	sbarrier.arrive $0xFFFF  }
0x3b9: {  	p0 =	sne.s32 s0, $0x0;
	_ =	strace $0x90000047  }
0x3ba: {  	s0 =	sadd.s32 @!p0 $0x100000, s1;
	[bflag:$0x2] =	sbarrier.arrive $0xFFFF  }
0x3bb: {  	[sflag:s0] =	ssyncadd.tile.s32 @!p0 $0x1;
	_ =	shalt  }
.Lfunc_end2:
_tile_overlayer_lowered:
.L_overlay_start_2:
0x3bc: {  	(tag) =	ssettag $0x2  }
0x3bd: {  	s0 =	rddreg [dreg:$0x0];
	s2 =	stileid.u32  }
0x3be: {  	s1 =	rddreg [dreg:$0x1];
	p0 =	sne.s32 s2, $0x0  }
0x3bf: {  	s3 =	rddreg [dreg:$0x2];
	[bflag:$0x3] =	sbarrier.arrive $0xFFFF;
	s2 =	simm.s32 @!p0 $0x1C04  }
0x3c0: {  	[timem:s3], [sflag:s2] =	dma.local @!p0 [hbm:s0], s1  }
0x3c1: {  	s0 =	simm.s32 @!p0 $0x4  }
0x3c2: {  	_ =	swait.ge @!p0 [sflag:s0], s1  }
0x3c3: {  	s1 =	ssub.s32 @!p0 $0x0, s1;
	[sflag:s0] =	ssyncset.done @!p0 $0x0  }
0x3c4: {  	[sflag:s0] =	ssyncadd.s32 @!p0 s1  }
0x3c5: {  	[bflag:$0x3] =	sbarrier.arrive $0xFFFF  }
0x3c6: {  	_ =	shalt  }

</sc_bundles>
